<compile_context>
chip_gen: v7x
topology: tpu7x:2x2x1
jax: 0.10.2.dev20260603
libtpu: 0.0.44.dev20260713+nightly
codegen_flags: <defaults>
</compile_context>

<pallas_src>
import functools

import jax
import jax.numpy as jnp
from jax import lax
from jax.experimental import pallas as pl
from jax.experimental.pallas import tpu as pltpu
from jax.experimental.pallas import tpu_sc as plsc

B = 16384
D = 24
NT = 5
NC = 2
NS = 16
NW = NC * NS
BPW = B // NW
CH = 16


def _winery_body(iw, tw, ow, idx_v, tiles0, tiles1, rows, sem0, sem1):
    c = lax.axis_index("c")
    s = lax.axis_index("s")
    wid = s * NC + c
    base = wid * BPW
    pltpu.sync_copy(iw.at[pl.ds(base, BPW)], idx_v)
    iota = lax.iota(jnp.int32, 16)
    NCH = BPW // CH

    def issue(g, tiles, sem):
        v = idx_v[pl.ds(g * CH, CH)]
        for m in range(CH):
            off = pl.multiple_of(v[m] & -128, 128)
            pltpu.async_copy(tw.at[:, pl.ds(off, 128)],
                             tiles.at[pl.ds(m * D, D), :], sem)

    def drain(tiles, sem):
        for m in range(CH):
            pltpu.make_async_copy(tw.at[:, pl.ds(0, 128)],
                                  tiles.at[pl.ds(m * D, D), :], sem).wait()

    def extract(g, tiles):
        for nn in range(CH * D // 16):
            rem = (16 * nn) % D
            q = (16 * nn) // D
            incr = 1 + ((iota + rem - D) >> 31)
            row = g * CH + q + incr
            rvec = plsc.load_gather(idx_v, [row])
            lane = jnp.bitwise_and(rvec, 127)
            val = plsc.load_gather(tiles, [nn * 16 + iota, lane])
            rows[pl.ds(g * (CH * D) + nn * 16, 16)] = val

    issue(0, tiles0, sem0)

    def pair(p, _):
        issue(2 * p + 1, tiles1, sem1)
        drain(tiles0, sem0)
        extract(2 * p, tiles0)
        issue((2 * p + 2) % NCH, tiles0, sem0)
        drain(tiles1, sem1)
        extract(2 * p + 1, tiles1)
        return 0

    lax.fori_loop(0, NCH // 2, pair, 0)
    drain(tiles0, sem0)
    pltpu.sync_copy(rows, ow.at[pl.ds(base * D, BPW * D)])


@jax.jit
def _sc_gather_winery(iw, tw):
    mesh = plsc.VectorSubcoreMesh(core_axis_name="c", subcore_axis_name="s")
    f = functools.partial(
        pl.kernel,
        mesh=mesh,
        out_type=jax.ShapeDtypeStruct((B * D,), jnp.float32),
        scratch_types=[
            pltpu.VMEM((BPW,), jnp.int32),
            pltpu.VMEM((CH * D, 128), jnp.float32),
            pltpu.VMEM((CH * D, 128), jnp.float32),
            pltpu.VMEM((BPW * D,), jnp.float32),
            pltpu.SemaphoreType.DMA,
            pltpu.SemaphoreType.DMA,
        ],
        compiler_params=pltpu.CompilerParams(needs_layout_passes=False),
    )(_winery_body)
    return f(iw, tw)


def _gather_body(i0, i1, i2, i3, t0, t1, t2, t3,
                 o0, o1, o2, o3, idx_v, rows_v, sem):
    c = lax.axis_index("c")
    s = lax.axis_index("s")
    wid = s * NC + c
    base = wid * BPW
    for ih, th, oh in ((i0, t0, o0), (i1, t1, o1), (i2, t2, o2),
                       (i3, t3, o3)):
        pltpu.sync_copy(ih.at[pl.ds(base, BPW)], idx_v)

        def issue(k, _):
            v = idx_v[pl.ds(k * 16, 16)]
            for l in range(16):
                pltpu.async_copy(th.at[pl.ds(v[l], 1)],
                                 rows_v.at[pl.ds(k * 16 + l, 1)], sem)
            return 0

        lax.fori_loop(0, BPW // 16, issue, 0)
        pltpu.make_async_copy(th.at[pl.ds(0, BPW)], rows_v, sem).wait()
        pltpu.sync_copy(rows_v, oh.at[pl.ds(base, BPW)])


@jax.jit
def _sc_gather4(i0, i1, i2, i3, t0, t1, t2, t3):
    mesh = plsc.VectorSubcoreMesh(core_axis_name="c", subcore_axis_name="s")
    f = functools.partial(
        pl.kernel,
        mesh=mesh,
        out_type=[jax.ShapeDtypeStruct((B, D), jnp.float32)] * 4,
        scratch_types=[
            pltpu.VMEM((BPW,), jnp.int32),
            pltpu.VMEM((BPW, D), jnp.float32),
            pltpu.SemaphoreType.DMA,
        ],
    )(_gather_body)
    return f(i0, i1, i2, i3, t0, t1, t2, t3)


BB = 4096
GRID = B // BB


def _mlp_body(g0, g1, g2, g3, g4, pts,
              we0, we1, we2, we3, we4, bemb,
              wnum, bnum, w1n, w1c, b1, w2, b2, out):
    dt = (((1,), (1,)), ((), ()))
    d10 = (((1,), (0,)), ((), ()))
    cst = lax.dot_general(bemb[...], w1c[...], dt,
                          preferred_element_type=jnp.float32)
    cst += lax.dot_general(bnum[...], w1n[...], dt,
                           preferred_element_type=jnp.float32)
    cst += b1[...]
    u = jnp.sum(w1n[...] * wnum[...], axis=1, keepdims=True)
    acc = lax.dot_general(pts[...], u, dt,
                          preferred_element_type=jnp.float32)
    for g, we in ((g0, we0), (g1, we1), (g2, we2), (g3, we3), (g4, we4)):
        m = lax.dot_general(w1c[...], we[...], d10,
                            preferred_element_type=jnp.float32)
        acc += lax.dot_general(g[...], m, dt,
                               preferred_element_type=jnp.float32)
    h = jnp.maximum(acc + cst, 0.0)
    out[...] = jnp.sum(h * w2[...], axis=1, keepdims=True) + b2[0, 0]


def _tc_mlp(gs, pts, wembs, bemb, wnum, bnum, w1n, w1c, b1, b2_w, b2):
    in_specs = (
        [pl.BlockSpec((BB, D), lambda i: (i, 0)) for _ in range(NT)]
        + [pl.BlockSpec((BB, 1), lambda i: (i, 0))]
        + [pl.BlockSpec((384, D), lambda i: (0, 0)) for _ in range(NT)]
        + [
            pl.BlockSpec((1, 384), lambda i: (0, 0)),
            pl.BlockSpec((1, 128), lambda i: (0, 0)),
            pl.BlockSpec((1, 128), lambda i: (0, 0)),
            pl.BlockSpec((256, 128), lambda i: (0, 0)),
            pl.BlockSpec((256, 384), lambda i: (0, 0)),
            pl.BlockSpec((1, 256), lambda i: (0, 0)),
            pl.BlockSpec((1, 256), lambda i: (0, 0)),
            pl.BlockSpec((1, 1), lambda i: (0, 0)),
        ]
    )
    return pl.pallas_call(
        _mlp_body,
        grid=(GRID,),
        in_specs=in_specs,
        out_specs=pl.BlockSpec((BB, 1), lambda i: (i, 0)),
        out_shape=jax.ShapeDtypeStruct((B, 1), jnp.float32),
    )(*gs, pts, *wembs, bemb, wnum, bnum, w1n, w1c, b1, b2_w, b2)


def kernel(country, province, region_1, variety, winery, points,
           emb_country, emb_province, emb_region_1, emb_variety, emb_winery,
           W_num, b_num, W_emb, b_emb, W_fc1, b_fc1, W_fc2, b_fc2):
    g4 = _sc_gather_winery(winery, emb_winery.T).reshape(B, D)
    gs = _sc_gather4(country, province, region_1, variety,
                     emb_country, emb_province, emb_region_1, emb_variety)
    wembs = [W_emb[:, t * D:(t + 1) * D] for t in range(NT)]
    w1n = W_fc1[:, :128]
    w1c = W_fc1[:, 128:]
    out = _tc_mlp(
        list(gs) + [g4], points.reshape(B, 1), wembs, b_emb.reshape(1, 384),
        W_num.reshape(1, 128), b_num.reshape(1, 128), w1n, w1c,
        b_fc1.reshape(1, 256), W_fc2, b_fc2.reshape(1, 1),
    )
    return out

# --- scband reference (transcript-rebuilt; emitter-appended) ---
"""Pipeline reference for scband-embedding-model-75788992905735 (READ-ONLY COPY).

The authoritative reference and input builder live on the scoring server;
editing this copy changes nothing except your own understanding.
"""

import jax, jax.numpy as jnp
import numpy as np

B = 16384
CAT_NAMES = ["country", "province", "region_1", "variety", "winery"]
CAT_VOCABS = [1000, 100000, 100000, 100000, 1000000]
EMB_DIM = 24
N_EMB = EMB_DIM * len(CAT_NAMES)  # 120


def setup_inputs(seed: int = 0) -> dict:
    key = jax.random.key(seed)
    ks = jax.random.split(key, 32)
    inp = {}
    for i, (name, v) in enumerate(zip(CAT_NAMES, CAT_VOCABS)):
        inp[name] = jax.random.randint(ks[i], (B,), 0, v, dtype=jnp.int32)
    inp["points"] = jax.random.normal(ks[5], (B,), dtype=jnp.float32)
    # embedding tables: nn.Embedding(vocab + 2, 24)
    for i, (name, v) in enumerate(zip(CAT_NAMES, CAT_VOCABS)):
        inp["emb_" + name] = jax.random.normal(ks[6 + i], (v + 2, EMB_DIM), dtype=jnp.float32) * 0.05
    # num branch: Linear(1, 128)
    inp["W_num"] = jax.random.normal(ks[12], (128, 1), dtype=jnp.float32) * 0.05
    inp["b_num"] = jnp.zeros((128,), dtype=jnp.float32)
    # embedding branch: Linear(n_emb=120, 384)
    inp["W_emb"] = jax.random.normal(ks[13], (384, N_EMB), dtype=jnp.float32) * 0.05
    inp["b_emb"] = jnp.zeros((384,), dtype=jnp.float32)
    # fc: Linear(512, 256) -> ReLU -> Linear(256, 1)
    inp["W_fc1"] = jax.random.normal(ks[14], (256, 512), dtype=jnp.float32) * 0.05
    inp["b_fc1"] = jnp.zeros((256,), dtype=jnp.float32)
    inp["W_fc2"] = jax.random.normal(ks[15], (1, 256), dtype=jnp.float32) * 0.05
    inp["b_fc2"] = jnp.zeros((1,), dtype=jnp.float32)
    return inp


def reference(country, province, region_1, variety, winery, points,
              emb_country, emb_province, emb_region_1, emb_variety, emb_winery,
              W_num, b_num, W_emb, b_emb, W_fc1, b_fc1, W_fc2, b_fc2):
    # gather embeddings for each categorical feature (nn.Embedding lookup)
    outs = [
        jnp.take(emb_country, country, axis=0),
        jnp.take(emb_province, province, axis=0),
        jnp.take(emb_region_1, region_1, axis=0),
        jnp.take(emb_variety, variety, axis=0),
        jnp.take(emb_winery, winery, axis=0),
    ]
    x_cat = jnp.concatenate(outs, axis=1)  # [B, 120]
    # self.embedding = Linear(120, 384) + Dropout (identity at inference)
    x_cat = x_cat @ W_emb.T + b_emb  # [B, 384]
    # self.num = Linear(1, 128) + Dropout (identity at inference)
    x_num = points.reshape(-1, 1) @ W_num.T + b_num  # [B, 128]
    x_all = jnp.concatenate([x_num, x_cat], axis=1)  # [B, 512]
    # fc: Linear(512,256) -> Dropout(identity) -> ReLU -> Linear(256,1)
    h = jnp.maximum(x_all @ W_fc1.T + b_fc1, 0.0)
    x_final = h @ W_fc2.T + b_fc2  # [B, 1]
    return x_final

if __name__ == "__main__":
    import jax
    _d = setup_inputs()
    print(jax.jit(kernel)(*tuple(_d.values())))

</pallas_src>

<mosaic_0001>
#map = affine_map<(d0, d1) -> (0)>
#map1 = affine_map<(d0, d1) -> (0, 0)>
module attributes {stable_mosaic.version = 14 : i64} {
  func.func @_winery_body(%arg0: i32, %arg1: i32, %arg2: memref<16384xi32, #tpu.memory_space<hbm>>, %arg3: memref<24x1000002xf32, #tpu.memory_space<hbm>>, %arg4: memref<393216xf32, #tpu.memory_space<hbm>>, %arg5: memref<512xi32, #tpu.memory_space<vmem>>, %arg6: memref<384x128xf32, #tpu.memory_space<vmem>>, %arg7: memref<384x128xf32, #tpu.memory_space<vmem>>, %arg8: memref<12288xf32, #tpu.memory_space<vmem>>, %arg9: memref<!tpu.dma_semaphore, #tpu.memory_space<semaphore_mem>>, %arg10: memref<!tpu.dma_semaphore, #tpu.memory_space<semaphore_mem>>) attributes {dimension_semantics = [#tpu.dimension_semantics<core_parallel>, #tpu.dimension_semantics<subcore_parallel>], iteration_bounds = array<i64: 2, 16>, scalar_prefetch = 0 : i64, scratch_operands = 6 : i64, tpu.core_type = #tpu.core_type<sc_vector_subcore>, window_params = [{transform_indices = #map}, {transform_indices = #map1}, {transform_indices = #map}]} {
    %mul3A = arith.constant 2 : i32
    %mul3A_0 = arith.muli %arg1, %mul3A : i32
    %add3A = arith.addi %mul3A_0, %arg0 : i32
    %mul3A_1 = arith.constant 512 : i32
    %mul3A_2 = arith.muli %add3A, %mul3A_1 : i32
    "tpu.region"() ({
      %run_scoped3A = tpu.sem_alloc : memref<!tpu.dma_semaphore, #tpu.memory_space<semaphore_mem>>
      %dma_start3A_438 = tpu.memref_slice %arg2[%mul3A_2] : memref<16384xi32, #tpu.memory_space<hbm>> -> memref<512xi32, #tpu.memory_space<hbm>>
      %dma_start3A_439 = tpu.memref_slice %arg2[%mul3A_2] : memref<16384xi32, #tpu.memory_space<hbm>> -> memref<512xi32, #tpu.memory_space<hbm>>
      tpu.enqueue_dma source(%dma_start3A_439 : memref<512xi32, #tpu.memory_space<hbm>>) target(%arg5 : memref<512xi32, #tpu.memory_space<vmem>>) target_semaphore(%run_scoped3A : memref<!tpu.dma_semaphore, #tpu.memory_space<semaphore_mem>>)
      %dma_wait3A_440 = tpu.memref_slice %arg2[%mul3A_2] : memref<16384xi32, #tpu.memory_space<hbm>> -> memref<512xi32, #tpu.memory_space<hbm>>
      %dma_wait3A_441 = tpu.memref_slice %arg2[%mul3A_2] : memref<16384xi32, #tpu.memory_space<hbm>> -> memref<512xi32, #tpu.memory_space<hbm>>
      tpu.wait_dma2 semaphore(%run_scoped3A : memref<!tpu.dma_semaphore, #tpu.memory_space<semaphore_mem>>) src(%dma_wait3A_441 : memref<512xi32, #tpu.memory_space<hbm>>) dst(%arg5 : memref<512xi32, #tpu.memory_space<vmem>>)
      tpu.yield
    }) : () -> ()
    %iota3A = tpu.iota {dimensions = array<i32: 0>} : vector<16xi32>
    %get3A = arith.constant 0 : index
    %get3A_3 = tpu.vector_load %arg5[%get3A] {strides = array<i32>} : memref<512xi32, #tpu.memory_space<vmem>>, vector<16xi32>,
    %slice3A = vector.extract_strided_slice %get3A_3 {offsets = [0], sizes = [1], strides = [1]} : vector<16xi32> to vector<1xi32>
    %squeeze3A = vector.extract %slice3A[0] : i32 from vector<1xi32>
    %and3A = arith.constant -128 : i32
    %and3A_4 = arith.andi %squeeze3A, %and3A : i32
    %multiple_of3A = tpu.assume_multiple %and3A_4, 128 : i32
    %dma_start3A = arith.constant 0 : i32
    %dma_start3A_5 = arith.constant 0 : i32
    %dma_start3A_6 = tpu.memref_slice %arg6[%dma_start3A, %dma_start3A_5] : memref<384x128xf32, #tpu.memory_space<vmem>> -> memref<24x128xf32, #tpu.memory_space<vmem>>
    %dma_start3A_7 = arith.constant 0 : i32
    %dma_start3A_8 = tpu.memref_slice %arg3[%dma_start3A_7, %multiple_of3A] : memref<24x1000002xf32, #tpu.memory_space<hbm>> -> memref<24x128xf32, #tpu.memory_space<hbm>>
    %dma_start3A_9 = arith.constant 0 : i32
    %dma_start3A_10 = arith.constant 0 : i32
    %dma_start3A_11 = tpu.memref_slice %arg6[%dma_start3A_9, %dma_start3A_10] : memref<384x128xf32, #tpu.memory_space<vmem>> -> memref<24x128xf32, #tpu.memory_space<vmem>>
    %dma_start3A_12 = arith.constant 0 : i32
    %dma_start3A_13 = tpu.memref_slice %arg3[%dma_start3A_12, %multiple_of3A] : memref<24x1000002xf32, #tpu.memory_space<hbm>> -> memref<24x128xf32, #tpu.memory_space<hbm>>
    tpu.enqueue_dma source(%dma_start3A_13 : memref<24x128xf32, #tpu.memory_space<hbm>>) target(%dma_start3A_11 : memref<24x128xf32, #tpu.memory_space<vmem>>) target_semaphore(%arg9 : memref<!tpu.dma_semaphore, #tpu.memory_space<semaphore_mem>>)
    %slice3A_14 = vector.extract_strided_slice %get3A_3 {offsets = [1], sizes = [1], strides = [1]} : vector<16xi32> to vector<1xi32>
    %squeeze3A_15 = vector.extract %slice3A_14[0] : i32 from vector<1xi32>
    %and3A_16 = arith.constant -128 : i32
    %and3A_17 = arith.andi %squeeze3A_15, %and3A_16 : i32
    %multiple_of3A_18 = tpu.assume_multiple %and3A_17, 128 : i32
    %dma_start3A_19 = arith.constant 24 : i32
    %dma_start3A_20 = arith.constant 0 : i32
    %dma_start3A_21 = tpu.memref_slice %arg6[%dma_start3A_19, %dma_start3A_20] : memref<384x128xf32, #tpu.memory_space<vmem>> -> memref<24x128xf32, #tpu.memory_space<vmem>>
    %dma_start3A_22 = arith.constant 0 : i32
    %dma_start3A_23 = tpu.memref_slice %arg3[%dma_start3A_22, %multiple_of3A_18] : memref<24x1000002xf32, #tpu.memory_space<hbm>> -> memref<24x128xf32, #tpu.memory_space<hbm>>
    %dma_start3A_24 = arith.constant 24 : i32
    %dma_start3A_25 = arith.constant 0 : i32
    %dma_start3A_26 = tpu.memref_slice %arg6[%dma_start3A_24, %dma_start3A_25] : memref<384x128xf32, #tpu.memory_space<vmem>> -> memref<24x128xf32, #tpu.memory_space<vmem>>
    %dma_start3A_27 = arith.constant 0 : i32
    %dma_start3A_28 = tpu.memref_slice %arg3[%dma_start3A_27, %multiple_of3A_18] : memref<24x1000002xf32, #tpu.memory_space<hbm>> -> memref<24x128xf32, #tpu.memory_space<hbm>>
    tpu.enqueue_dma source(%dma_start3A_28 : memref<24x128xf32, #tpu.memory_space<hbm>>) target(%dma_start3A_26 : memref<24x128xf32, #tpu.memory_space<vmem>>) target_semaphore(%arg9 : memref<!tpu.dma_semaphore, #tpu.memory_space<semaphore_mem>>)
    %slice3A_29 = vector.extract_strided_slice %get3A_3 {offsets = [2], sizes = [1], strides = [1]} : vector<16xi32> to vector<1xi32>
    %squeeze3A_30 = vector.extract %slice3A_29[0] : i32 from vector<1xi32>
    %and3A_31 = arith.constant -128 : i32
    %and3A_32 = arith.andi %squeeze3A_30, %and3A_31 : i32
    %multiple_of3A_33 = tpu.assume_multiple %and3A_32, 128 : i32
    %dma_start3A_34 = arith.constant 48 : i32
    %dma_start3A_35 = arith.constant 0 : i32
    %dma_start3A_36 = tpu.memref_slice %arg6[%dma_start3A_34, %dma_start3A_35] : memref<384x128xf32, #tpu.memory_space<vmem>> -> memref<24x128xf32, #tpu.memory_space<vmem>>
    %dma_start3A_37 = arith.constant 0 : i32
    %dma_start3A_38 = tpu.memref_slice %arg3[%dma_start3A_37, %multiple_of3A_33] : memref<24x1000002xf32, #tpu.memory_space<hbm>> -> memref<24x128xf32, #tpu.memory_space<hbm>>
    %dma_start3A_39 = arith.constant 48 : i32
    %dma_start3A_40 = arith.constant 0 : i32
    %dma_start3A_41 = tpu.memref_slice %arg6[%dma_start3A_39, %dma_start3A_40] : memref<384x128xf32, #tpu.memory_space<vmem>> -> memref<24x128xf32, #tpu.memory_space<vmem>>
    %dma_start3A_42 = arith.constant 0 : i32
    %dma_start3A_43 = tpu.memref_slice %arg3[%dma_start3A_42, %multiple_of3A_33] : memref<24x1000002xf32, #tpu.memory_space<hbm>> -> memref<24x128xf32, #tpu.memory_space<hbm>>
    tpu.enqueue_dma source(%dma_start3A_43 : memref<24x128xf32, #tpu.memory_space<hbm>>) target(%dma_start3A_41 : memref<24x128xf32, #tpu.memory_space<vmem>>) target_semaphore(%arg9 : memref<!tpu.dma_semaphore, #tpu.memory_space<semaphore_mem>>)
    %slice3A_44 = vector.extract_strided_slice %get3A_3 {offsets = [3], sizes = [1], strides = [1]} : vector<16xi32> to vector<1xi32>
    %squeeze3A_45 = vector.extract %slice3A_44[0] : i32 from vector<1xi32>
    %and3A_46 = arith.constant -128 : i32
    %and3A_47 = arith.andi %squeeze3A_45, %and3A_46 : i32
    %multiple_of3A_48 = tpu.assume_multiple %and3A_47, 128 : i32
    %dma_start3A_49 = arith.constant 72 : i32
    %dma_start3A_50 = arith.constant 0 : i32
    %dma_start3A_51 = tpu.memref_slice %arg6[%dma_start3A_49, %dma_start3A_50] : memref<384x128xf32, #tpu.memory_space<vmem>> -> memref<24x128xf32, #tpu.memory_space<vmem>>
    %dma_start3A_52 = arith.constant 0 : i32
    %dma_start3A_53 = tpu.memref_slice %arg3[%dma_start3A_52, %multiple_of3A_48] : memref<24x1000002xf32, #tpu.memory_space<hbm>> -> memref<24x128xf32, #tpu.memory_space<hbm>>
    %dma_start3A_54 = arith.constant 72 : i32
    %dma_start3A_55 = arith.constant 0 : i32
    %dma_start3A_56 = tpu.memref_slice %arg6[%dma_start3A_54, %dma_start3A_55] : memref<384x128xf32, #tpu.memory_space<vmem>> -> memref<24x128xf32, #tpu.memory_space<vmem>>
    %dma_start3A_57 = arith.constant 0 : i32
    %dma_start3A_58 = tpu.memref_slice %arg3[%dma_start3A_57, %multiple_of3A_48] : memref<24x1000002xf32, #tpu.memory_space<hbm>> -> memref<24x128xf32, #tpu.memory_space<hbm>>
    tpu.enqueue_dma source(%dma_start3A_58 : memref<24x128xf32, #tpu.memory_space<hbm>>) target(%dma_start3A_56 : memref<24x128xf32, #tpu.memory_space<vmem>>) target_semaphore(%arg9 : memref<!tpu.dma_semaphore, #tpu.memory_space<semaphore_mem>>)
    %slice3A_59 = vector.extract_strided_slice %get3A_3 {offsets = [4], sizes = [1], strides = [1]} : vector<16xi32> to vector<1xi32>
    %squeeze3A_60 = vector.extract %slice3A_59[0] : i32 from vector<1xi32>
    %and3A_61 = arith.constant -128 : i32
    %and3A_62 = arith.andi %squeeze3A_60, %and3A_61 : i32
    %multiple_of3A_63 = tpu.assume_multiple %and3A_62, 128 : i32
    %dma_start3A_64 = arith.constant 96 : i32
    %dma_start3A_65 = arith.constant 0 : i32
    %dma_start3A_66 = tpu.memref_slice %arg6[%dma_start3A_64, %dma_start3A_65] : memref<384x128xf32, #tpu.memory_space<vmem>> -> memref<24x128xf32, #tpu.memory_space<vmem>>
    %dma_start3A_67 = arith.constant 0 : i32
    %dma_start3A_68 = tpu.memref_slice %arg3[%dma_start3A_67, %multiple_of3A_63] : memref<24x1000002xf32, #tpu.memory_space<hbm>> -> memref<24x128xf32, #tpu.memory_space<hbm>>
    %dma_start3A_69 = arith.constant 96 : i32
    %dma_start3A_70 = arith.constant 0 : i32
    %dma_start3A_71 = tpu.memref_slice %arg6[%dma_start3A_69, %dma_start3A_70] : memref<384x128xf32, #tpu.memory_space<vmem>> -> memref<24x128xf32, #tpu.memory_space<vmem>>
    %dma_start3A_72 = arith.constant 0 : i32
    %dma_start3A_73 = tpu.memref_slice %arg3[%dma_start3A_72, %multiple_of3A_63] : memref<24x1000002xf32, #tpu.memory_space<hbm>> -> memref<24x128xf32, #tpu.memory_space<hbm>>
    tpu.enqueue_dma source(%dma_start3A_73 : memref<24x128xf32, #tpu.memory_space<hbm>>) target(%dma_start3A_71 : memref<24x128xf32, #tpu.memory_space<vmem>>) target_semaphore(%arg9 : memref<!tpu.dma_semaphore, #tpu.memory_space<semaphore_mem>>)
    %slice3A_74 = vector.extract_strided_slice %get3A_3 {offsets = [5], sizes = [1], strides = [1]} : vector<16xi32> to vector<1xi32>
    %squeeze3A_75 = vector.extract %slice3A_74[0] : i32 from vector<1xi32>
    %and3A_76 = arith.constant -128 : i32
    %and3A_77 = arith.andi %squeeze3A_75, %and3A_76 : i32
    %multiple_of3A_78 = tpu.assume_multiple %and3A_77, 128 : i32
    %dma_start3A_79 = arith.constant 120 : i32
    %dma_start3A_80 = arith.constant 0 : i32
    %dma_start3A_81 = tpu.memref_slice %arg6[%dma_start3A_79, %dma_start3A_80] : memref<384x128xf32, #tpu.memory_space<vmem>> -> memref<24x128xf32, #tpu.memory_space<vmem>>
    %dma_start3A_82 = arith.constant 0 : i32
    %dma_start3A_83 = tpu.memref_slice %arg3[%dma_start3A_82, %multiple_of3A_78] : memref<24x1000002xf32, #tpu.memory_space<hbm>> -> memref<24x128xf32, #tpu.memory_space<hbm>>
    %dma_start3A_84 = arith.constant 120 : i32
    %dma_start3A_85 = arith.constant 0 : i32
    %dma_start3A_86 = tpu.memref_slice %arg6[%dma_start3A_84, %dma_start3A_85] : memref<384x128xf32, #tpu.memory_space<vmem>> -> memref<24x128xf32, #tpu.memory_space<vmem>>
    %dma_start3A_87 = arith.constant 0 : i32
    %dma_start3A_88 = tpu.memref_slice %arg3[%dma_start3A_87, %multiple_of3A_78] : memref<24x1000002xf32, #tpu.memory_space<hbm>> -> memref<24x128xf32, #tpu.memory_space<hbm>>
    tpu.enqueue_dma source(%dma_start3A_88 : memref<24x128xf32, #tpu.memory_space<hbm>>) target(%dma_start3A_86 : memref<24x128xf32, #tpu.memory_space<vmem>>) target_semaphore(%arg9 : memref<!tpu.dma_semaphore, #tpu.memory_space<semaphore_mem>>)
    %slice3A_89 = vector.extract_strided_slice %get3A_3 {offsets = [6], sizes = [1], strides = [1]} : vector<16xi32> to vector<1xi32>
    %squeeze3A_90 = vector.extract %slice3A_89[0] : i32 from vector<1xi32>
    %and3A_91 = arith.constant -128 : i32
    %and3A_92 = arith.andi %squeeze3A_90, %and3A_91 : i32
    %multiple_of3A_93 = tpu.assume_multiple %and3A_92, 128 : i32
    %dma_start3A_94 = arith.constant 144 : i32
    %dma_start3A_95 = arith.constant 0 : i32
    %dma_start3A_96 = tpu.memref_slice %arg6[%dma_start3A_94, %dma_start3A_95] : memref<384x128xf32, #tpu.memory_space<vmem>> -> memref<24x128xf32, #tpu.memory_space<vmem>>
    %dma_start3A_97 = arith.constant 0 : i32
    %dma_start3A_98 = tpu.memref_slice %arg3[%dma_start3A_97, %multiple_of3A_93] : memref<24x1000002xf32, #tpu.memory_space<hbm>> -> memref<24x128xf32, #tpu.memory_space<hbm>>
    %dma_start3A_99 = arith.constant 144 : i32
    %dma_start3A_100 = arith.constant 0 : i32
    %dma_start3A_101 = tpu.memref_slice %arg6[%dma_start3A_99, %dma_start3A_100] : memref<384x128xf32, #tpu.memory_space<vmem>> -> memref<24x128xf32, #tpu.memory_space<vmem>>
    %dma_start3A_102 = arith.constant 0 : i32
    %dma_start3A_103 = tpu.memref_slice %arg3[%dma_start3A_102, %multiple_of3A_93] : memref<24x1000002xf32, #tpu.memory_space<hbm>> -> memref<24x128xf32, #tpu.memory_space<hbm>>
    tpu.enqueue_dma source(%dma_start3A_103 : memref<24x128xf32, #tpu.memory_space<hbm>>) target(%dma_start3A_101 : memref<24x128xf32, #tpu.memory_space<vmem>>) target_semaphore(%arg9 : memref<!tpu.dma_semaphore, #tpu.memory_space<semaphore_mem>>)
    %slice3A_104 = vector.extract_strided_slice %get3A_3 {offsets = [7], sizes = [1], strides = [1]} : vector<16xi32> to vector<1xi32>
    %squeeze3A_105 = vector.extract %slice3A_104[0] : i32 from vector<1xi32>
    %and3A_106 = arith.constant -128 : i32
    %and3A_107 = arith.andi %squeeze3A_105, %and3A_106 : i32
    %multiple_of3A_108 = tpu.assume_multiple %and3A_107, 128 : i32
    %dma_start3A_109 = arith.constant 168 : i32
    %dma_start3A_110 = arith.constant 0 : i32
    %dma_start3A_111 = tpu.memref_slice %arg6[%dma_start3A_109, %dma_start3A_110] : memref<384x128xf32, #tpu.memory_space<vmem>> -> memref<24x128xf32, #tpu.memory_space<vmem>>
    %dma_start3A_112 = arith.constant 0 : i32
    %dma_start3A_113 = tpu.memref_slice %arg3[%dma_start3A_112, %multiple_of3A_108] : memref<24x1000002xf32, #tpu.memory_space<hbm>> -> memref<24x128xf32, #tpu.memory_space<hbm>>
    %dma_start3A_114 = arith.constant 168 : i32
    %dma_start3A_115 = arith.constant 0 : i32
    %dma_start3A_116 = tpu.memref_slice %arg6[%dma_start3A_114, %dma_start3A_115] : memref<384x128xf32, #tpu.memory_space<vmem>> -> memref<24x128xf32, #tpu.memory_space<vmem>>
    %dma_start3A_117 = arith.constant 0 : i32
    %dma_start3A_118 = tpu.memref_slice %arg3[%dma_start3A_117, %multiple_of3A_108] : memref<24x1000002xf32, #tpu.memory_space<hbm>> -> memref<24x128xf32, #tpu.memory_space<hbm>>
    tpu.enqueue_dma source(%dma_start3A_118 : memref<24x128xf32, #tpu.memory_space<hbm>>) target(%dma_start3A_116 : memref<24x128xf32, #tpu.memory_space<vmem>>) target_semaphore(%arg9 : memref<!tpu.dma_semaphore, #tpu.memory_space<semaphore_mem>>)
    %slice3A_119 = vector.extract_strided_slice %get3A_3 {offsets = [8], sizes = [1], strides = [1]} : vector<16xi32> to vector<1xi32>
    %squeeze3A_120 = vector.extract %slice3A_119[0] : i32 from vector<1xi32>
    %and3A_121 = arith.constant -128 : i32
    %and3A_122 = arith.andi %squeeze3A_120, %and3A_121 : i32
    %multiple_of3A_123 = tpu.assume_multiple %and3A_122, 128 : i32
    %dma_start3A_124 = arith.constant 192 : i32
    %dma_start3A_125 = arith.constant 0 : i32
    %dma_start3A_126 = tpu.memref_slice %arg6[%dma_start3A_124, %dma_start3A_125] : memref<384x128xf32, #tpu.memory_space<vmem>> -> memref<24x128xf32, #tpu.memory_space<vmem>>
    %dma_start3A_127 = arith.constant 0 : i32
    %dma_start3A_128 = tpu.memref_slice %arg3[%dma_start3A_127, %multiple_of3A_123] : memref<24x1000002xf32, #tpu.memory_space<hbm>> -> memref<24x128xf32, #tpu.memory_space<hbm>>
    %dma_start3A_129 = arith.constant 192 : i32
    %dma_start3A_130 = arith.constant 0 : i32
    %dma_start3A_131 = tpu.memref_slice %arg6[%dma_start3A_129, %dma_start3A_130] : memref<384x128xf32, #tpu.memory_space<vmem>> -> memref<24x128xf32, #tpu.memory_space<vmem>>
    %dma_start3A_132 = arith.constant 0 : i32
    %dma_start3A_133 = tpu.memref_slice %arg3[%dma_start3A_132, %multiple_of3A_123] : memref<24x1000002xf32, #tpu.memory_space<hbm>> -> memref<24x128xf32, #tpu.memory_space<hbm>>
    tpu.enqueue_dma source(%dma_start3A_133 : memref<24x128xf32, #tpu.memory_space<hbm>>) target(%dma_start3A_131 : memref<24x128xf32, #tpu.memory_space<vmem>>) target_semaphore(%arg9 : memref<!tpu.dma_semaphore, #tpu.memory_space<semaphore_mem>>)
    %slice3A_134 = vector.extract_strided_slice %get3A_3 {offsets = [9], sizes = [1], strides = [1]} : vector<16xi32> to vector<1xi32>
    %squeeze3A_135 = vector.extract %slice3A_134[0] : i32 from vector<1xi32>
    %and3A_136 = arith.constant -128 : i32
    %and3A_137 = arith.andi %squeeze3A_135, %and3A_136 : i32
    %multiple_of3A_138 = tpu.assume_multiple %and3A_137, 128 : i32
    %dma_start3A_139 = arith.constant 216 : i32
    %dma_start3A_140 = arith.constant 0 : i32
    %dma_start3A_141 = tpu.memref_slice %arg6[%dma_start3A_139, %dma_start3A_140] : memref<384x128xf32, #tpu.memory_space<vmem>> -> memref<24x128xf32, #tpu.memory_space<vmem>>
    %dma_start3A_142 = arith.constant 0 : i32
    %dma_start3A_143 = tpu.memref_slice %arg3[%dma_start3A_142, %multiple_of3A_138] : memref<24x1000002xf32, #tpu.memory_space<hbm>> -> memref<24x128xf32, #tpu.memory_space<hbm>>
    %dma_start3A_144 = arith.constant 216 : i32
    %dma_start3A_145 = arith.constant 0 : i32
    %dma_start3A_146 = tpu.memref_slice %arg6[%dma_start3A_144, %dma_start3A_145] : memref<384x128xf32, #tpu.memory_space<vmem>> -> memref<24x128xf32, #tpu.memory_space<vmem>>
    %dma_start3A_147 = arith.constant 0 : i32
    %dma_start3A_148 = tpu.memref_slice %arg3[%dma_start3A_147, %multiple_of3A_138] : memref<24x1000002xf32, #tpu.memory_space<hbm>> -> memref<24x128xf32, #tpu.memory_space<hbm>>
    tpu.enqueue_dma source(%dma_start3A_148 : memref<24x128xf32, #tpu.memory_space<hbm>>) target(%dma_start3A_146 : memref<24x128xf32, #tpu.memory_space<vmem>>) target_semaphore(%arg9 : memref<!tpu.dma_semaphore, #tpu.memory_space<semaphore_mem>>)
    %slice3A_149 = vector.extract_strided_slice %get3A_3 {offsets = [10], sizes = [1], strides = [1]} : vector<16xi32> to vector<1xi32>
    %squeeze3A_150 = vector.extract %slice3A_149[0] : i32 from vector<1xi32>
    %and3A_151 = arith.constant -128 : i32
    %and3A_152 = arith.andi %squeeze3A_150, %and3A_151 : i32
    %multiple_of3A_153 = tpu.assume_multiple %and3A_152, 128 : i32
    %dma_start3A_154 = arith.constant 240 : i32
    %dma_start3A_155 = arith.constant 0 : i32
    %dma_start3A_156 = tpu.memref_slice %arg6[%dma_start3A_154, %dma_start3A_155] : memref<384x128xf32, #tpu.memory_space<vmem>> -> memref<24x128xf32, #tpu.memory_space<vmem>>
    %dma_start3A_157 = arith.constant 0 : i32
    %dma_start3A_158 = tpu.memref_slice %arg3[%dma_start3A_157, %multiple_of3A_153] : memref<24x1000002xf32, #tpu.memory_space<hbm>> -> memref<24x128xf32, #tpu.memory_space<hbm>>
    %dma_start3A_159 = arith.constant 240 : i32
    %dma_start3A_160 = arith.constant 0 : i32
    %dma_start3A_161 = tpu.memref_slice %arg6[%dma_start3A_159, %dma_start3A_160] : memref<384x128xf32, #tpu.memory_space<vmem>> -> memref<24x128xf32, #tpu.memory_space<vmem>>
    %dma_start3A_162 = arith.constant 0 : i32
    %dma_start3A_163 = tpu.memref_slice %arg3[%dma_start3A_162, %multiple_of3A_153] : memref<24x1000002xf32, #tpu.memory_space<hbm>> -> memref<24x128xf32, #tpu.memory_space<hbm>>
    tpu.enqueue_dma source(%dma_start3A_163 : memref<24x128xf32, #tpu.memory_space<hbm>>) target(%dma_start3A_161 : memref<24x128xf32, #tpu.memory_space<vmem>>) target_semaphore(%arg9 : memref<!tpu.dma_semaphore, #tpu.memory_space<semaphore_mem>>)
    %slice3A_164 = vector.extract_strided_slice %get3A_3 {offsets = [11], sizes = [1], strides = [1]} : vector<16xi32> to vector<1xi32>
    %squeeze3A_165 = vector.extract %slice3A_164[0] : i32 from vector<1xi32>
    %and3A_166 = arith.constant -128 : i32
    %and3A_167 = arith.andi %squeeze3A_165, %and3A_166 : i32
    %multiple_of3A_168 = tpu.assume_multiple %and3A_167, 128 : i32
    %dma_start3A_169 = arith.constant 264 : i32
    %dma_start3A_170 = arith.constant 0 : i32
    %dma_start3A_171 = tpu.memref_slice %arg6[%dma_start3A_169, %dma_start3A_170] : memref<384x128xf32, #tpu.memory_space<vmem>> -> memref<24x128xf32, #tpu.memory_space<vmem>>
    %dma_start3A_172 = arith.constant 0 : i32
    %dma_start3A_173 = tpu.memref_slice %arg3[%dma_start3A_172, %multiple_of3A_168] : memref<24x1000002xf32, #tpu.memory_space<hbm>> -> memref<24x128xf32, #tpu.memory_space<hbm>>
    %dma_start3A_174 = arith.constant 264 : i32
    %dma_start3A_175 = arith.constant 0 : i32
    %dma_start3A_176 = tpu.memref_slice %arg6[%dma_start3A_174, %dma_start3A_175] : memref<384x128xf32, #tpu.memory_space<vmem>> -> memref<24x128xf32, #tpu.memory_space<vmem>>
    %dma_start3A_177 = arith.constant 0 : i32
    %dma_start3A_178 = tpu.memref_slice %arg3[%dma_start3A_177, %multiple_of3A_168] : memref<24x1000002xf32, #tpu.memory_space<hbm>> -> memref<24x128xf32, #tpu.memory_space<hbm>>
    tpu.enqueue_dma source(%dma_start3A_178 : memref<24x128xf32, #tpu.memory_space<hbm>>) target(%dma_start3A_176 : memref<24x128xf32, #tpu.memory_space<vmem>>) target_semaphore(%arg9 : memref<!tpu.dma_semaphore, #tpu.memory_space<semaphore_mem>>)
    %slice3A_179 = vector.extract_strided_slice %get3A_3 {offsets = [12], sizes = [1], strides = [1]} : vector<16xi32> to vector<1xi32>
    %squeeze3A_180 = vector.extract %slice3A_179[0] : i32 from vector<1xi32>
    %and3A_181 = arith.constant -128 : i32
    %and3A_182 = arith.andi %squeeze3A_180, %and3A_181 : i32
    %multiple_of3A_183 = tpu.assume_multiple %and3A_182, 128 : i32
    %dma_start3A_184 = arith.constant 288 : i32
    %dma_start3A_185 = arith.constant 0 : i32
    %dma_start3A_186 = tpu.memref_slice %arg6[%dma_start3A_184, %dma_start3A_185] : memref<384x128xf32, #tpu.memory_space<vmem>> -> memref<24x128xf32, #tpu.memory_space<vmem>>
    %dma_start3A_187 = arith.constant 0 : i32
    %dma_start3A_188 = tpu.memref_slice %arg3[%dma_start3A_187, %multiple_of3A_183] : memref<24x1000002xf32, #tpu.memory_space<hbm>> -> memref<24x128xf32, #tpu.memory_space<hbm>>
    %dma_start3A_189 = arith.constant 288 : i32
    %dma_start3A_190 = arith.constant 0 : i32
    %dma_start3A_191 = tpu.memref_slice %arg6[%dma_start3A_189, %dma_start3A_190] : memref<384x128xf32, #tpu.memory_space<vmem>> -> memref<24x128xf32, #tpu.memory_space<vmem>>
    %dma_start3A_192 = arith.constant 0 : i32
    %dma_start3A_193 = tpu.memref_slice %arg3[%dma_start3A_192, %multiple_of3A_183] : memref<24x1000002xf32, #tpu.memory_space<hbm>> -> memref<24x128xf32, #tpu.memory_space<hbm>>
    tpu.enqueue_dma source(%dma_start3A_193 : memref<24x128xf32, #tpu.memory_space<hbm>>) target(%dma_start3A_191 : memref<24x128xf32, #tpu.memory_space<vmem>>) target_semaphore(%arg9 : memref<!tpu.dma_semaphore, #tpu.memory_space<semaphore_mem>>)
    %slice3A_194 = vector.extract_strided_slice %get3A_3 {offsets = [13], sizes = [1], strides = [1]} : vector<16xi32> to vector<1xi32>
    %squeeze3A_195 = vector.extract %slice3A_194[0] : i32 from vector<1xi32>
    %and3A_196 = arith.constant -128 : i32
    %and3A_197 = arith.andi %squeeze3A_195, %and3A_196 : i32
    %multiple_of3A_198 = tpu.assume_multiple %and3A_197, 128 : i32
    %dma_start3A_199 = arith.constant 312 : i32
    %dma_start3A_200 = arith.constant 0 : i32
    %dma_start3A_201 = tpu.memref_slice %arg6[%dma_start3A_199, %dma_start3A_200] : memref<384x128xf32, #tpu.memory_space<vmem>> -> memref<24x128xf32, #tpu.memory_space<vmem>>
    %dma_start3A_202 = arith.constant 0 : i32
    %dma_start3A_203 = tpu.memref_slice %arg3[%dma_start3A_202, %multiple_of3A_198] : memref<24x1000002xf32, #tpu.memory_space<hbm>> -> memref<24x128xf32, #tpu.memory_space<hbm>>
    %dma_start3A_204 = arith.constant 312 : i32
    %dma_start3A_205 = arith.constant 0 : i32
    %dma_start3A_206 = tpu.memref_slice %arg6[%dma_start3A_204, %dma_start3A_205] : memref<384x128xf32, #tpu.memory_space<vmem>> -> memref<24x128xf32, #tpu.memory_space<vmem>>
    %dma_start3A_207 = arith.constant 0 : i32
    %dma_start3A_208 = tpu.memref_slice %arg3[%dma_start3A_207, %multiple_of3A_198] : memref<24x1000002xf32, #tpu.memory_space<hbm>> -> memref<24x128xf32, #tpu.memory_space<hbm>>
    tpu.enqueue_dma source(%dma_start3A_208 : memref<24x128xf32, #tpu.memory_space<hbm>>) target(%dma_start3A_206 : memref<24x128xf32, #tpu.memory_space<vmem>>) target_semaphore(%arg9 : memref<!tpu.dma_semaphore, #tpu.memory_space<semaphore_mem>>)
    %slice3A_209 = vector.extract_strided_slice %get3A_3 {offsets = [14], sizes = [1], strides = [1]} : vector<16xi32> to vector<1xi32>
    %squeeze3A_210 = vector.extract %slice3A_209[0] : i32 from vector<1xi32>
    %and3A_211 = arith.constant -128 : i32
    %and3A_212 = arith.andi %squeeze3A_210, %and3A_211 : i32
    %multiple_of3A_213 = tpu.assume_multiple %and3A_212, 128 : i32
    %dma_start3A_214 = arith.constant 336 : i32
    %dma_start3A_215 = arith.constant 0 : i32
    %dma_start3A_216 = tpu.memref_slice %arg6[%dma_start3A_214, %dma_start3A_215] : memref<384x128xf32, #tpu.memory_space<vmem>> -> memref<24x128xf32, #tpu.memory_space<vmem>>
    %dma_start3A_217 = arith.constant 0 : i32
    %dma_start3A_218 = tpu.memref_slice %arg3[%dma_start3A_217, %multiple_of3A_213] : memref<24x1000002xf32, #tpu.memory_space<hbm>> -> memref<24x128xf32, #tpu.memory_space<hbm>>
    %dma_start3A_219 = arith.constant 336 : i32
    %dma_start3A_220 = arith.constant 0 : i32
    %dma_start3A_221 = tpu.memref_slice %arg6[%dma_start3A_219, %dma_start3A_220] : memref<384x128xf32, #tpu.memory_space<vmem>> -> memref<24x128xf32, #tpu.memory_space<vmem>>
    %dma_start3A_222 = arith.constant 0 : i32
    %dma_start3A_223 = tpu.memref_slice %arg3[%dma_start3A_222, %multiple_of3A_213] : memref<24x1000002xf32, #tpu.memory_space<hbm>> -> memref<24x128xf32, #tpu.memory_space<hbm>>
    tpu.enqueue_dma source(%dma_start3A_223 : memref<24x128xf32, #tpu.memory_space<hbm>>) target(%dma_start3A_221 : memref<24x128xf32, #tpu.memory_space<vmem>>) target_semaphore(%arg9 : memref<!tpu.dma_semaphore, #tpu.memory_space<semaphore_mem>>)
    %slice3A_224 = vector.extract_strided_slice %get3A_3 {offsets = [15], sizes = [1], strides = [1]} : vector<16xi32> to vector<1xi32>
    %squeeze3A_225 = vector.extract %slice3A_224[0] : i32 from vector<1xi32>
    %and3A_226 = arith.constant -128 : i32
    %and3A_227 = arith.andi %squeeze3A_225, %and3A_226 : i32
    %multiple_of3A_228 = tpu.assume_multiple %and3A_227, 128 : i32
    %dma_start3A_229 = arith.constant 360 : i32
    %dma_start3A_230 = arith.constant 0 : i32
    %dma_start3A_231 = tpu.memref_slice %arg6[%dma_start3A_229, %dma_start3A_230] : memref<384x128xf32, #tpu.memory_space<vmem>> -> memref<24x128xf32, #tpu.memory_space<vmem>>
    %dma_start3A_232 = arith.constant 0 : i32
    %dma_start3A_233 = tpu.memref_slice %arg3[%dma_start3A_232, %multiple_of3A_228] : memref<24x1000002xf32, #tpu.memory_space<hbm>> -> memref<24x128xf32, #tpu.memory_space<hbm>>
    %dma_start3A_234 = arith.constant 360 : i32
    %dma_start3A_235 = arith.constant 0 : i32
    %dma_start3A_236 = tpu.memref_slice %arg6[%dma_start3A_234, %dma_start3A_235] : memref<384x128xf32, #tpu.memory_space<vmem>> -> memref<24x128xf32, #tpu.memory_space<vmem>>
    %dma_start3A_237 = arith.constant 0 : i32
    %dma_start3A_238 = tpu.memref_slice %arg3[%dma_start3A_237, %multiple_of3A_228] : memref<24x1000002xf32, #tpu.memory_space<hbm>> -> memref<24x128xf32, #tpu.memory_space<hbm>>
    tpu.enqueue_dma source(%dma_start3A_238 : memref<24x128xf32, #tpu.memory_space<hbm>>) target(%dma_start3A_236 : memref<24x128xf32, #tpu.memory_space<vmem>>) target_semaphore(%arg9 : memref<!tpu.dma_semaphore, #tpu.memory_space<semaphore_mem>>)
    %scan3A = arith.constant 0 : i32
    %scan3A_239 = arith.constant 0 : i32
    %scan3A_240 = arith.constant 16 : i32
    %scan3A_241 = arith.addi %scan3A_239, %scan3A_240 : i32
    %scan3A_242 = arith.constant 1 : i32
    %scan3A_243 = scf.for %scan3A_438 = %scan3A_239 to %scan3A_241 step %scan3A_242 iter_args(%scan3A_439 = %scan3A) -> (i32)  : i32 {
      %mul3A_440 = arith.constant 2 : i32
      %mul3A_441 = arith.muli %mul3A_440, %scan3A_438 : i32
      %add3A_442 = arith.constant 1 : i32
      %add3A_443 = arith.addi %mul3A_441, %add3A_442 : i32
      %mul3A_444 = arith.constant 16 : i32
      %mul3A_445 = arith.muli %add3A_443, %mul3A_444 : i32
      %get3A_446 = arith.index_cast %mul3A_445 : i32 to index
      %get3A_447 = tpu.vector_load %arg5[%get3A_446] {strides = array<i32>} : memref<512xi32, #tpu.memory_space<vmem>>, vector<16xi32>,
      %slice3A_448 = vector.extract_strided_slice %get3A_447 {offsets = [0], sizes = [1], strides = [1]} : vector<16xi32> to vector<1xi32>
      %squeeze3A_449 = vector.extract %slice3A_448[0] : i32 from vector<1xi32>
      %and3A_450 = arith.constant -128 : i32
      %and3A_451 = arith.andi %squeeze3A_449, %and3A_450 : i32
      %multiple_of3A_452 = tpu.assume_multiple %and3A_451, 128 : i32
      %dma_start3A_453 = arith.constant 0 : i32
      %dma_start3A_454 = arith.constant 0 : i32
      %dma_start3A_455 = tpu.memref_slice %arg7[%dma_start3A_453, %dma_start3A_454] : memref<384x128xf32, #tpu.memory_space<vmem>> -> memref<24x128xf32, #tpu.memory_space<vmem>>
      %dma_start3A_456 = arith.constant 0 : i32
      %dma_start3A_457 = tpu.memref_slice %arg3[%dma_start3A_456, %multiple_of3A_452] : memref<24x1000002xf32, #tpu.memory_space<hbm>> -> memref<24x128xf32, #tpu.memory_space<hbm>>
      %dma_start3A_458 = arith.constant 0 : i32
      %dma_start3A_459 = arith.constant 0 : i32
      %dma_start3A_460 = tpu.memref_slice %arg7[%dma_start3A_458, %dma_start3A_459] : memref<384x128xf32, #tpu.memory_space<vmem>> -> memref<24x128xf32, #tpu.memory_space<vmem>>
      %dma_start3A_461 = arith.constant 0 : i32
      %dma_start3A_462 = tpu.memref_slice %arg3[%dma_start3A_461, %multiple_of3A_452] : memref<24x1000002xf32, #tpu.memory_space<hbm>> -> memref<24x128xf32, #tpu.memory_space<hbm>>
      tpu.enqueue_dma source(%dma_start3A_462 : memref<24x128xf32, #tpu.memory_space<hbm>>) target(%dma_start3A_460 : memref<24x128xf32, #tpu.memory_space<vmem>>) target_semaphore(%arg10 : memref<!tpu.dma_semaphore, #tpu.memory_space<semaphore_mem>>)
      %slice3A_463 = vector.extract_strided_slice %get3A_447 {offsets = [1], sizes = [1], strides = [1]} : vector<16xi32> to vector<1xi32>
      %squeeze3A_464 = vector.extract %slice3A_463[0] : i32 from vector<1xi32>
      %and3A_465 = arith.constant -128 : i32
      %and3A_466 = arith.andi %squeeze3A_464, %and3A_465 : i32
      %multiple_of3A_467 = tpu.assume_multiple %and3A_466, 128 : i32
      %dma_start3A_468 = arith.constant 24 : i32
      %dma_start3A_469 = arith.constant 0 : i32
      %dma_start3A_470 = tpu.memref_slice %arg7[%dma_start3A_468, %dma_start3A_469] : memref<384x128xf32, #tpu.memory_space<vmem>> -> memref<24x128xf32, #tpu.memory_space<vmem>>
      %dma_start3A_471 = arith.constant 0 : i32
      %dma_start3A_472 = tpu.memref_slice %arg3[%dma_start3A_471, %multiple_of3A_467] : memref<24x1000002xf32, #tpu.memory_space<hbm>> -> memref<24x128xf32, #tpu.memory_space<hbm>>
      %dma_start3A_473 = arith.constant 24 : i32
      %dma_start3A_474 = arith.constant 0 : i32
      %dma_start3A_475 = tpu.memref_slice %arg7[%dma_start3A_473, %dma_start3A_474] : memref<384x128xf32, #tpu.memory_space<vmem>> -> memref<24x128xf32, #tpu.memory_space<vmem>>
      %dma_start3A_476 = arith.constant 0 : i32
      %dma_start3A_477 = tpu.memref_slice %arg3[%dma_start3A_476, %multiple_of3A_467] : memref<24x1000002xf32, #tpu.memory_space<hbm>> -> memref<24x128xf32, #tpu.memory_space<hbm>>
      tpu.enqueue_dma source(%dma_start3A_477 : memref<24x128xf32, #tpu.memory_space<hbm>>) target(%dma_start3A_475 : memref<24x128xf32, #tpu.memory_space<vmem>>) target_semaphore(%arg10 : memref<!tpu.dma_semaphore, #tpu.memory_space<semaphore_mem>>)
      %slice3A_478 = vector.extract_strided_slice %get3A_447 {offsets = [2], sizes = [1], strides = [1]} : vector<16xi32> to vector<1xi32>
      %squeeze3A_479 = vector.extract %slice3A_478[0] : i32 from vector<1xi32>
      %and3A_480 = arith.constant -128 : i32
      %and3A_481 = arith.andi %squeeze3A_479, %and3A_480 : i32
      %multiple_of3A_482 = tpu.assume_multiple %and3A_481, 128 : i32
      %dma_start3A_483 = arith.constant 48 : i32
      %dma_start3A_484 = arith.constant 0 : i32
      %dma_start3A_485 = tpu.memref_slice %arg7[%dma_start3A_483, %dma_start3A_484] : memref<384x128xf32, #tpu.memory_space<vmem>> -> memref<24x128xf32, #tpu.memory_space<vmem>>
      %dma_start3A_486 = arith.constant 0 : i32
      %dma_start3A_487 = tpu.memref_slice %arg3[%dma_start3A_486, %multiple_of3A_482] : memref<24x1000002xf32, #tpu.memory_space<hbm>> -> memref<24x128xf32, #tpu.memory_space<hbm>>
      %dma_start3A_488 = arith.constant 48 : i32
      %dma_start3A_489 = arith.constant 0 : i32
      %dma_start3A_490 = tpu.memref_slice %arg7[%dma_start3A_488, %dma_start3A_489] : memref<384x128xf32, #tpu.memory_space<vmem>> -> memref<24x128xf32, #tpu.memory_space<vmem>>
      %dma_start3A_491 = arith.constant 0 : i32
      %dma_start3A_492 = tpu.memref_slice %arg3[%dma_start3A_491, %multiple_of3A_482] : memref<24x1000002xf32, #tpu.memory_space<hbm>> -> memref<24x128xf32, #tpu.memory_space<hbm>>
      tpu.enqueue_dma source(%dma_start3A_492 : memref<24x128xf32, #tpu.memory_space<hbm>>) target(%dma_start3A_490 : memref<24x128xf32, #tpu.memory_space<vmem>>) target_semaphore(%arg10 : memref<!tpu.dma_semaphore, #tpu.memory_space<semaphore_mem>>)
      %slice3A_493 = vector.extract_strided_slice %get3A_447 {offsets = [3], sizes = [1], strides = [1]} : vector<16xi32> to vector<1xi32>
      %squeeze3A_494 = vector.extract %slice3A_493[0] : i32 from vector<1xi32>
      %and3A_495 = arith.constant -128 : i32
      %and3A_496 = arith.andi %squeeze3A_494, %and3A_495 : i32
      %multiple_of3A_497 = tpu.assume_multiple %and3A_496, 128 : i32
      %dma_start3A_498 = arith.constant 72 : i32
      %dma_start3A_499 = arith.constant 0 : i32
      %dma_start3A_500 = tpu.memref_slice %arg7[%dma_start3A_498, %dma_start3A_499] : memref<384x128xf32, #tpu.memory_space<vmem>> -> memref<24x128xf32, #tpu.memory_space<vmem>>
      %dma_start3A_501 = arith.constant 0 : i32
      %dma_start3A_502 = tpu.memref_slice %arg3[%dma_start3A_501, %multiple_of3A_497] : memref<24x1000002xf32, #tpu.memory_space<hbm>> -> memref<24x128xf32, #tpu.memory_space<hbm>>
      %dma_start3A_503 = arith.constant 72 : i32
      %dma_start3A_504 = arith.constant 0 : i32
      %dma_start3A_505 = tpu.memref_slice %arg7[%dma_start3A_503, %dma_start3A_504] : memref<384x128xf32, #tpu.memory_space<vmem>> -> memref<24x128xf32, #tpu.memory_space<vmem>>
      %dma_start3A_506 = arith.constant 0 : i32
      %dma_start3A_507 = tpu.memref_slice %arg3[%dma_start3A_506, %multiple_of3A_497] : memref<24x1000002xf32, #tpu.memory_space<hbm>> -> memref<24x128xf32, #tpu.memory_space<hbm>>
      tpu.enqueue_dma source(%dma_start3A_507 : memref<24x128xf32, #tpu.memory_space<hbm>>) target(%dma_start3A_505 : memref<24x128xf32, #tpu.memory_space<vmem>>) target_semaphore(%arg10 : memref<!tpu.dma_semaphore, #tpu.memory_space<semaphore_mem>>)
      %slice3A_508 = vector.extract_strided_slice %get3A_447 {offsets = [4], sizes = [1], strides = [1]} : vector<16xi32> to vector<1xi32>
      %squeeze3A_509 = vector.extract %slice3A_508[0] : i32 from vector<1xi32>
      %and3A_510 = arith.constant -128 : i32
      %and3A_511 = arith.andi %squeeze3A_509, %and3A_510 : i32
      %multiple_of3A_512 = tpu.assume_multiple %and3A_511, 128 : i32
      %dma_start3A_513 = arith.constant 96 : i32
      %dma_start3A_514 = arith.constant 0 : i32
      %dma_start3A_515 = tpu.memref_slice %arg7[%dma_start3A_513, %dma_start3A_514] : memref<384x128xf32, #tpu.memory_space<vmem>> -> memref<24x128xf32, #tpu.memory_space<vmem>>
      %dma_start3A_516 = arith.constant 0 : i32
      %dma_start3A_517 = tpu.memref_slice %arg3[%dma_start3A_516, %multiple_of3A_512] : memref<24x1000002xf32, #tpu.memory_space<hbm>> -> memref<24x128xf32, #tpu.memory_space<hbm>>
      %dma_start3A_518 = arith.constant 96 : i32
      %dma_start3A_519 = arith.constant 0 : i32
      %dma_start3A_520 = tpu.memref_slice %arg7[%dma_start3A_518, %dma_start3A_519] : memref<384x128xf32, #tpu.memory_space<vmem>> -> memref<24x128xf32, #tpu.memory_space<vmem>>
      %dma_start3A_521 = arith.constant 0 : i32
      %dma_start3A_522 = tpu.memref_slice %arg3[%dma_start3A_521, %multiple_of3A_512] : memref<24x1000002xf32, #tpu.memory_space<hbm>> -> memref<24x128xf32, #tpu.memory_space<hbm>>
      tpu.enqueue_dma source(%dma_start3A_522 : memref<24x128xf32, #tpu.memory_space<hbm>>) target(%dma_start3A_520 : memref<24x128xf32, #tpu.memory_space<vmem>>) target_semaphore(%arg10 : memref<!tpu.dma_semaphore, #tpu.memory_space<semaphore_mem>>)
      %slice3A_523 = vector.extract_strided_slice %get3A_447 {offsets = [5], sizes = [1], strides = [1]} : vector<16xi32> to vector<1xi32>
      %squeeze3A_524 = vector.extract %slice3A_523[0] : i32 from vector<1xi32>
      %and3A_525 = arith.constant -128 : i32
      %and3A_526 = arith.andi %squeeze3A_524, %and3A_525 : i32
      %multiple_of3A_527 = tpu.assume_multiple %and3A_526, 128 : i32
      %dma_start3A_528 = arith.constant 120 : i32
      %dma_start3A_529 = arith.constant 0 : i32
      %dma_start3A_530 = tpu.memref_slice %arg7[%dma_start3A_528, %dma_start3A_529] : memref<384x128xf32, #tpu.memory_space<vmem>> -> memref<24x128xf32, #tpu.memory_space<vmem>>
      %dma_start3A_531 = arith.constant 0 : i32
      %dma_start3A_532 = tpu.memref_slice %arg3[%dma_start3A_531, %multiple_of3A_527] : memref<24x1000002xf32, #tpu.memory_space<hbm>> -> memref<24x128xf32, #tpu.memory_space<hbm>>
      %dma_start3A_533 = arith.constant 120 : i32
      %dma_start3A_534 = arith.constant 0 : i32
      %dma_start3A_535 = tpu.memref_slice %arg7[%dma_start3A_533, %dma_start3A_534] : memref<384x128xf32, #tpu.memory_space<vmem>> -> memref<24x128xf32, #tpu.memory_space<vmem>>
      %dma_start3A_536 = arith.constant 0 : i32
      %dma_start3A_537 = tpu.memref_slice %arg3[%dma_start3A_536, %multiple_of3A_527] : memref<24x1000002xf32, #tpu.memory_space<hbm>> -> memref<24x128xf32, #tpu.memory_space<hbm>>
      tpu.enqueue_dma source(%dma_start3A_537 : memref<24x128xf32, #tpu.memory_space<hbm>>) target(%dma_start3A_535 : memref<24x128xf32, #tpu.memory_space<vmem>>) target_semaphore(%arg10 : memref<!tpu.dma_semaphore, #tpu.memory_space<semaphore_mem>>)
      %slice3A_538 = vector.extract_strided_slice %get3A_447 {offsets = [6], sizes = [1], strides = [1]} : vector<16xi32> to vector<1xi32>
      %squeeze3A_539 = vector.extract %slice3A_538[0] : i32 from vector<1xi32>
      %and3A_540 = arith.constant -128 : i32
      %and3A_541 = arith.andi %squeeze3A_539, %and3A_540 : i32
      %multiple_of3A_542 = tpu.assume_multiple %and3A_541, 128 : i32
      %dma_start3A_543 = arith.constant 144 : i32
      %dma_start3A_544 = arith.constant 0 : i32
      %dma_start3A_545 = tpu.memref_slice %arg7[%dma_start3A_543, %dma_start3A_544] : memref<384x128xf32, #tpu.memory_space<vmem>> -> memref<24x128xf32, #tpu.memory_space<vmem>>
      %dma_start3A_546 = arith.constant 0 : i32
      %dma_start3A_547 = tpu.memref_slice %arg3[%dma_start3A_546, %multiple_of3A_542] : memref<24x1000002xf32, #tpu.memory_space<hbm>> -> memref<24x128xf32, #tpu.memory_space<hbm>>
      %dma_start3A_548 = arith.constant 144 : i32
      %dma_start3A_549 = arith.constant 0 : i32
      %dma_start3A_550 = tpu.memref_slice %arg7[%dma_start3A_548, %dma_start3A_549] : memref<384x128xf32, #tpu.memory_space<vmem>> -> memref<24x128xf32, #tpu.memory_space<vmem>>
      %dma_start3A_551 = arith.constant 0 : i32
      %dma_start3A_552 = tpu.memref_slice %arg3[%dma_start3A_551, %multiple_of3A_542] : memref<24x1000002xf32, #tpu.memory_space<hbm>> -> memref<24x128xf32, #tpu.memory_space<hbm>>
      tpu.enqueue_dma source(%dma_start3A_552 : memref<24x128xf32, #tpu.memory_space<hbm>>) target(%dma_start3A_550 : memref<24x128xf32, #tpu.memory_space<vmem>>) target_semaphore(%arg10 : memref<!tpu.dma_semaphore, #tpu.memory_space<semaphore_mem>>)
      %slice3A_553 = vector.extract_strided_slice %get3A_447 {offsets = [7], sizes = [1], strides = [1]} : vector<16xi32> to vector<1xi32>
      %squeeze3A_554 = vector.extract %slice3A_553[0] : i32 from vector<1xi32>
      %and3A_555 = arith.constant -128 : i32
      %and3A_556 = arith.andi %squeeze3A_554, %and3A_555 : i32
      %multiple_of3A_557 = tpu.assume_multiple %and3A_556, 128 : i32
      %dma_start3A_558 = arith.constant 168 : i32
      %dma_start3A_559 = arith.constant 0 : i32
      %dma_start3A_560 = tpu.memref_slice %arg7[%dma_start3A_558, %dma_start3A_559] : memref<384x128xf32, #tpu.memory_space<vmem>> -> memref<24x128xf32, #tpu.memory_space<vmem>>
      %dma_start3A_561 = arith.constant 0 : i32
      %dma_start3A_562 = tpu.memref_slice %arg3[%dma_start3A_561, %multiple_of3A_557] : memref<24x1000002xf32, #tpu.memory_space<hbm>> -> memref<24x128xf32, #tpu.memory_space<hbm>>
      %dma_start3A_563 = arith.constant 168 : i32
      %dma_start3A_564 = arith.constant 0 : i32
      %dma_start3A_565 = tpu.memref_slice %arg7[%dma_start3A_563, %dma_start3A_564] : memref<384x128xf32, #tpu.memory_space<vmem>> -> memref<24x128xf32, #tpu.memory_space<vmem>>
      %dma_start3A_566 = arith.constant 0 : i32
      %dma_start3A_567 = tpu.memref_slice %arg3[%dma_start3A_566, %multiple_of3A_557] : memref<24x1000002xf32, #tpu.memory_space<hbm>> -> memref<24x128xf32, #tpu.memory_space<hbm>>
      tpu.enqueue_dma source(%dma_start3A_567 : memref<24x128xf32, #tpu.memory_space<hbm>>) target(%dma_start3A_565 : memref<24x128xf32, #tpu.memory_space<vmem>>) target_semaphore(%arg10 : memref<!tpu.dma_semaphore, #tpu.memory_space<semaphore_mem>>)
      %slice3A_568 = vector.extract_strided_slice %get3A_447 {offsets = [8], sizes = [1], strides = [1]} : vector<16xi32> to vector<1xi32>
      %squeeze3A_569 = vector.extract %slice3A_568[0] : i32 from vector<1xi32>
      %and3A_570 = arith.constant -128 : i32
      %and3A_571 = arith.andi %squeeze3A_569, %and3A_570 : i32
      %multiple_of3A_572 = tpu.assume_multiple %and3A_571, 128 : i32
      %dma_start3A_573 = arith.constant 192 : i32
      %dma_start3A_574 = arith.constant 0 : i32
      %dma_start3A_575 = tpu.memref_slice %arg7[%dma_start3A_573, %dma_start3A_574] : memref<384x128xf32, #tpu.memory_space<vmem>> -> memref<24x128xf32, #tpu.memory_space<vmem>>
      %dma_start3A_576 = arith.constant 0 : i32
      %dma_start3A_577 = tpu.memref_slice %arg3[%dma_start3A_576, %multiple_of3A_572] : memref<24x1000002xf32, #tpu.memory_space<hbm>> -> memref<24x128xf32, #tpu.memory_space<hbm>>
      %dma_start3A_578 = arith.constant 192 : i32
      %dma_start3A_579 = arith.constant 0 : i32
      %dma_start3A_580 = tpu.memref_slice %arg7[%dma_start3A_578, %dma_start3A_579] : memref<384x128xf32, #tpu.memory_space<vmem>> -> memref<24x128xf32, #tpu.memory_space<vmem>>
      %dma_start3A_581 = arith.constant 0 : i32
      %dma_start3A_582 = tpu.memref_slice %arg3[%dma_start3A_581, %multiple_of3A_572] : memref<24x1000002xf32, #tpu.memory_space<hbm>> -> memref<24x128xf32, #tpu.memory_space<hbm>>
      tpu.enqueue_dma source(%dma_start3A_582 : memref<24x128xf32, #tpu.memory_space<hbm>>) target(%dma_start3A_580 : memref<24x128xf32, #tpu.memory_space<vmem>>) target_semaphore(%arg10 : memref<!tpu.dma_semaphore, #tpu.memory_space<semaphore_mem>>)
      %slice3A_583 = vector.extract_strided_slice %get3A_447 {offsets = [9], sizes = [1], strides = [1]} : vector<16xi32> to vector<1xi32>
      %squeeze3A_584 = vector.extract %slice3A_583[0] : i32 from vector<1xi32>
      %and3A_585 = arith.constant -128 : i32
      %and3A_586 = arith.andi %squeeze3A_584, %and3A_585 : i32
      %multiple_of3A_587 = tpu.assume_multiple %and3A_586, 128 : i32
      %dma_start3A_588 = arith.constant 216 : i32
      %dma_start3A_589 = arith.constant 0 : i32
      %dma_start3A_590 = tpu.memref_slice %arg7[%dma_start3A_588, %dma_start3A_589] : memref<384x128xf32, #tpu.memory_space<vmem>> -> memref<24x128xf32, #tpu.memory_space<vmem>>
      %dma_start3A_591 = arith.constant 0 : i32
      %dma_start3A_592 = tpu.memref_slice %arg3[%dma_start3A_591, %multiple_of3A_587] : memref<24x1000002xf32, #tpu.memory_space<hbm>> -> memref<24x128xf32, #tpu.memory_space<hbm>>
      %dma_start3A_593 = arith.constant 216 : i32
      %dma_start3A_594 = arith.constant 0 : i32
      %dma_start3A_595 = tpu.memref_slice %arg7[%dma_start3A_593, %dma_start3A_594] : memref<384x128xf32, #tpu.memory_space<vmem>> -> memref<24x128xf32, #tpu.memory_space<vmem>>
      %dma_start3A_596 = arith.constant 0 : i32
      %dma_start3A_597 = tpu.memref_slice %arg3[%dma_start3A_596, %multiple_of3A_587] : memref<24x1000002xf32, #tpu.memory_space<hbm>> -> memref<24x128xf32, #tpu.memory_space<hbm>>
      tpu.enqueue_dma source(%dma_start3A_597 : memref<24x128xf32, #tpu.memory_space<hbm>>) target(%dma_start3A_595 : memref<24x128xf32, #tpu.memory_space<vmem>>) target_semaphore(%arg10 : memref<!tpu.dma_semaphore, #tpu.memory_space<semaphore_mem>>)
      %slice3A_598 = vector.extract_strided_slice %get3A_447 {offsets = [10], sizes = [1], strides = [1]} : vector<16xi32> to vector<1xi32>
      %squeeze3A_599 = vector.extract %slice3A_598[0] : i32 from vector<1xi32>
      %and3A_600 = arith.constant -128 : i32
      %and3A_601 = arith.andi %squeeze3A_599, %and3A_600 : i32
      %multiple_of3A_602 = tpu.assume_multiple %and3A_601, 128 : i32
      %dma_start3A_603 = arith.constant 240 : i32
      %dma_start3A_604 = arith.constant 0 : i32
      %dma_start3A_605 = tpu.memref_slice %arg7[%dma_start3A_603, %dma_start3A_604] : memref<384x128xf32, #tpu.memory_space<vmem>> -> memref<24x128xf32, #tpu.memory_space<vmem>>
      %dma_start3A_606 = arith.constant 0 : i32
      %dma_start3A_607 = tpu.memref_slice %arg3[%dma_start3A_606, %multiple_of3A_602] : memref<24x1000002xf32, #tpu.memory_space<hbm>> -> memref<24x128xf32, #tpu.memory_space<hbm>>
      %dma_start3A_608 = arith.constant 240 : i32
      %dma_start3A_609 = arith.constant 0 : i32
      %dma_start3A_610 = tpu.memref_slice %arg7[%dma_start3A_608, %dma_start3A_609] : memref<384x128xf32, #tpu.memory_space<vmem>> -> memref<24x128xf32, #tpu.memory_space<vmem>>
      %dma_start3A_611 = arith.constant 0 : i32
      %dma_start3A_612 = tpu.memref_slice %arg3[%dma_start3A_611, %multiple_of3A_602] : memref<24x1000002xf32, #tpu.memory_space<hbm>> -> memref<24x128xf32, #tpu.memory_space<hbm>>
      tpu.enqueue_dma source(%dma_start3A_612 : memref<24x128xf32, #tpu.memory_space<hbm>>) target(%dma_start3A_610 : memref<24x128xf32, #tpu.memory_space<vmem>>) target_semaphore(%arg10 : memref<!tpu.dma_semaphore, #tpu.memory_space<semaphore_mem>>)
      %slice3A_613 = vector.extract_strided_slice %get3A_447 {offsets = [11], sizes = [1], strides = [1]} : vector<16xi32> to vector<1xi32>
      %squeeze3A_614 = vector.extract %slice3A_613[0] : i32 from vector<1xi32>
      %and3A_615 = arith.constant -128 : i32
      %and3A_616 = arith.andi %squeeze3A_614, %and3A_615 : i32
      %multiple_of3A_617 = tpu.assume_multiple %and3A_616, 128 : i32
      %dma_start3A_618 = arith.constant 264 : i32
      %dma_start3A_619 = arith.constant 0 : i32
      %dma_start3A_620 = tpu.memref_slice %arg7[%dma_start3A_618, %dma_start3A_619] : memref<384x128xf32, #tpu.memory_space<vmem>> -> memref<24x128xf32, #tpu.memory_space<vmem>>
      %dma_start3A_621 = arith.constant 0 : i32
      %dma_start3A_622 = tpu.memref_slice %arg3[%dma_start3A_621, %multiple_of3A_617] : memref<24x1000002xf32, #tpu.memory_space<hbm>> -> memref<24x128xf32, #tpu.memory_space<hbm>>
      %dma_start3A_623 = arith.constant 264 : i32
      %dma_start3A_624 = arith.constant 0 : i32
      %dma_start3A_625 = tpu.memref_slice %arg7[%dma_start3A_623, %dma_start3A_624] : memref<384x128xf32, #tpu.memory_space<vmem>> -> memref<24x128xf32, #tpu.memory_space<vmem>>
      %dma_start3A_626 = arith.constant 0 : i32
      %dma_start3A_627 = tpu.memref_slice %arg3[%dma_start3A_626, %multiple_of3A_617] : memref<24x1000002xf32, #tpu.memory_space<hbm>> -> memref<24x128xf32, #tpu.memory_space<hbm>>
      tpu.enqueue_dma source(%dma_start3A_627 : memref<24x128xf32, #tpu.memory_space<hbm>>) target(%dma_start3A_625 : memref<24x128xf32, #tpu.memory_space<vmem>>) target_semaphore(%arg10 : memref<!tpu.dma_semaphore, #tpu.memory_space<semaphore_mem>>)
      %slice3A_628 = vector.extract_strided_slice %get3A_447 {offsets = [12], sizes = [1], strides = [1]} : vector<16xi32> to vector<1xi32>
      %squeeze3A_629 = vector.extract %slice3A_628[0] : i32 from vector<1xi32>
      %and3A_630 = arith.constant -128 : i32
      %and3A_631 = arith.andi %squeeze3A_629, %and3A_630 : i32
      %multiple_of3A_632 = tpu.assume_multiple %and3A_631, 128 : i32
      %dma_start3A_633 = arith.constant 288 : i32
      %dma_start3A_634 = arith.constant 0 : i32
      %dma_start3A_635 = tpu.memref_slice %arg7[%dma_start3A_633, %dma_start3A_634] : memref<384x128xf32, #tpu.memory_space<vmem>> -> memref<24x128xf32, #tpu.memory_space<vmem>>
      %dma_start3A_636 = arith.constant 0 : i32
      %dma_start3A_637 = tpu.memref_slice %arg3[%dma_start3A_636, %multiple_of3A_632] : memref<24x1000002xf32, #tpu.memory_space<hbm>> -> memref<24x128xf32, #tpu.memory_space<hbm>>
      %dma_start3A_638 = arith.constant 288 : i32
      %dma_start3A_639 = arith.constant 0 : i32
      %dma_start3A_640 = tpu.memref_slice %arg7[%dma_start3A_638, %dma_start3A_639] : memref<384x128xf32, #tpu.memory_space<vmem>> -> memref<24x128xf32, #tpu.memory_space<vmem>>
      %dma_start3A_641 = arith.constant 0 : i32
      %dma_start3A_642 = tpu.memref_slice %arg3[%dma_start3A_641, %multiple_of3A_632] : memref<24x1000002xf32, #tpu.memory_space<hbm>> -> memref<24x128xf32, #tpu.memory_space<hbm>>
      tpu.enqueue_dma source(%dma_start3A_642 : memref<24x128xf32, #tpu.memory_space<hbm>>) target(%dma_start3A_640 : memref<24x128xf32, #tpu.memory_space<vmem>>) target_semaphore(%arg10 : memref<!tpu.dma_semaphore, #tpu.memory_space<semaphore_mem>>)
      %slice3A_643 = vector.extract_strided_slice %get3A_447 {offsets = [13], sizes = [1], strides = [1]} : vector<16xi32> to vector<1xi32>
      %squeeze3A_644 = vector.extract %slice3A_643[0] : i32 from vector<1xi32>
      %and3A_645 = arith.constant -128 : i32
      %and3A_646 = arith.andi %squeeze3A_644, %and3A_645 : i32
      %multiple_of3A_647 = tpu.assume_multiple %and3A_646, 128 : i32
      %dma_start3A_648 = arith.constant 312 : i32
      %dma_start3A_649 = arith.constant 0 : i32
      %dma_start3A_650 = tpu.memref_slice %arg7[%dma_start3A_648, %dma_start3A_649] : memref<384x128xf32, #tpu.memory_space<vmem>> -> memref<24x128xf32, #tpu.memory_space<vmem>>
      %dma_start3A_651 = arith.constant 0 : i32
      %dma_start3A_652 = tpu.memref_slice %arg3[%dma_start3A_651, %multiple_of3A_647] : memref<24x1000002xf32, #tpu.memory_space<hbm>> -> memref<24x128xf32, #tpu.memory_space<hbm>>
      %dma_start3A_653 = arith.constant 312 : i32
      %dma_start3A_654 = arith.constant 0 : i32
      %dma_start3A_655 = tpu.memref_slice %arg7[%dma_start3A_653, %dma_start3A_654] : memref<384x128xf32, #tpu.memory_space<vmem>> -> memref<24x128xf32, #tpu.memory_space<vmem>>
      %dma_start3A_656 = arith.constant 0 : i32
      %dma_start3A_657 = tpu.memref_slice %arg3[%dma_start3A_656, %multiple_of3A_647] : memref<24x1000002xf32, #tpu.memory_space<hbm>> -> memref<24x128xf32, #tpu.memory_space<hbm>>
      tpu.enqueue_dma source(%dma_start3A_657 : memref<24x128xf32, #tpu.memory_space<hbm>>) target(%dma_start3A_655 : memref<24x128xf32, #tpu.memory_space<vmem>>) target_semaphore(%arg10 : memref<!tpu.dma_semaphore, #tpu.memory_space<semaphore_mem>>)
      %slice3A_658 = vector.extract_strided_slice %get3A_447 {offsets = [14], sizes = [1], strides = [1]} : vector<16xi32> to vector<1xi32>
      %squeeze3A_659 = vector.extract %slice3A_658[0] : i32 from vector<1xi32>
      %and3A_660 = arith.constant -128 : i32
      %and3A_661 = arith.andi %squeeze3A_659, %and3A_660 : i32
      %multiple_of3A_662 = tpu.assume_multiple %and3A_661, 128 : i32
      %dma_start3A_663 = arith.constant 336 : i32
      %dma_start3A_664 = arith.constant 0 : i32
      %dma_start3A_665 = tpu.memref_slice %arg7[%dma_start3A_663, %dma_start3A_664] : memref<384x128xf32, #tpu.memory_space<vmem>> -> memref<24x128xf32, #tpu.memory_space<vmem>>
      %dma_start3A_666 = arith.constant 0 : i32
      %dma_start3A_667 = tpu.memref_slice %arg3[%dma_start3A_666, %multiple_of3A_662] : memref<24x1000002xf32, #tpu.memory_space<hbm>> -> memref<24x128xf32, #tpu.memory_space<hbm>>
      %dma_start3A_668 = arith.constant 336 : i32
      %dma_start3A_669 = arith.constant 0 : i32
      %dma_start3A_670 = tpu.memref_slice %arg7[%dma_start3A_668, %dma_start3A_669] : memref<384x128xf32, #tpu.memory_space<vmem>> -> memref<24x128xf32, #tpu.memory_space<vmem>>
      %dma_start3A_671 = arith.constant 0 : i32
      %dma_start3A_672 = tpu.memref_slice %arg3[%dma_start3A_671, %multiple_of3A_662] : memref<24x1000002xf32, #tpu.memory_space<hbm>> -> memref<24x128xf32, #tpu.memory_space<hbm>>
      tpu.enqueue_dma source(%dma_start3A_672 : memref<24x128xf32, #tpu.memory_space<hbm>>) target(%dma_start3A_670 : memref<24x128xf32, #tpu.memory_space<vmem>>) target_semaphore(%arg10 : memref<!tpu.dma_semaphore, #tpu.memory_space<semaphore_mem>>)
      %slice3A_673 = vector.extract_strided_slice %get3A_447 {offsets = [15], sizes = [1], strides = [1]} : vector<16xi32> to vector<1xi32>
      %squeeze3A_674 = vector.extract %slice3A_673[0] : i32 from vector<1xi32>
      %and3A_675 = arith.constant -128 : i32
      %and3A_676 = arith.andi %squeeze3A_674, %and3A_675 : i32
      %multiple_of3A_677 = tpu.assume_multiple %and3A_676, 128 : i32
      %dma_start3A_678 = arith.constant 360 : i32
      %dma_start3A_679 = arith.constant 0 : i32
      %dma_start3A_680 = tpu.memref_slice %arg7[%dma_start3A_678, %dma_start3A_679] : memref<384x128xf32, #tpu.memory_space<vmem>> -> memref<24x128xf32, #tpu.memory_space<vmem>>
      %dma_start3A_681 = arith.constant 0 : i32
      %dma_start3A_682 = tpu.memref_slice %arg3[%dma_start3A_681, %multiple_of3A_677] : memref<24x1000002xf32, #tpu.memory_space<hbm>> -> memref<24x128xf32, #tpu.memory_space<hbm>>
      %dma_start3A_683 = arith.constant 360 : i32
      %dma_start3A_684 = arith.constant 0 : i32
      %dma_start3A_685 = tpu.memref_slice %arg7[%dma_start3A_683, %dma_start3A_684] : memref<384x128xf32, #tpu.memory_space<vmem>> -> memref<24x128xf32, #tpu.memory_space<vmem>>
      %dma_start3A_686 = arith.constant 0 : i32
      %dma_start3A_687 = tpu.memref_slice %arg3[%dma_start3A_686, %multiple_of3A_677] : memref<24x1000002xf32, #tpu.memory_space<hbm>> -> memref<24x128xf32, #tpu.memory_space<hbm>>
      tpu.enqueue_dma source(%dma_start3A_687 : memref<24x128xf32, #tpu.memory_space<hbm>>) target(%dma_start3A_685 : memref<24x128xf32, #tpu.memory_space<vmem>>) target_semaphore(%arg10 : memref<!tpu.dma_semaphore, #tpu.memory_space<semaphore_mem>>)
      %dma_wait3A_688 = arith.constant 0 : i32
      %dma_wait3A_689 = arith.constant 0 : i32
      %dma_wait3A_690 = tpu.memref_slice %arg6[%dma_wait3A_688, %dma_wait3A_689] : memref<384x128xf32, #tpu.memory_space<vmem>> -> memref<24x128xf32, #tpu.memory_space<vmem>>
      %dma_wait3A_691 = arith.constant 0 : i32
      %dma_wait3A_692 = arith.constant 0 : i32
      %dma_wait3A_693 = tpu.memref_slice %arg3[%dma_wait3A_691, %dma_wait3A_692] : memref<24x1000002xf32, #tpu.memory_space<hbm>> -> memref<24x128xf32, #tpu.memory_space<hbm>>
      %dma_wait3A_694 = arith.constant 0 : i32
      %dma_wait3A_695 = arith.constant 0 : i32
      %dma_wait3A_696 = tpu.memref_slice %arg6[%dma_wait3A_694, %dma_wait3A_695] : memref<384x128xf32, #tpu.memory_space<vmem>> -> memref<24x128xf32, #tpu.memory_space<vmem>>
      %dma_wait3A_697 = arith.constant 0 : i32
      %dma_wait3A_698 = arith.constant 0 : i32
      %dma_wait3A_699 = tpu.memref_slice %arg3[%dma_wait3A_697, %dma_wait3A_698] : memref<24x1000002xf32, #tpu.memory_space<hbm>> -> memref<24x128xf32, #tpu.memory_space<hbm>>
      tpu.wait_dma2 semaphore(%arg9 : memref<!tpu.dma_semaphore, #tpu.memory_space<semaphore_mem>>) src(%dma_wait3A_699 : memref<24x128xf32, #tpu.memory_space<hbm>>) dst(%dma_wait3A_696 : memref<24x128xf32, #tpu.memory_space<vmem>>)
      %dma_wait3A_700 = arith.constant 24 : i32
      %dma_wait3A_701 = arith.constant 0 : i32
      %dma_wait3A_702 = tpu.memref_slice %arg6[%dma_wait3A_700, %dma_wait3A_701] : memref<384x128xf32, #tpu.memory_space<vmem>> -> memref<24x128xf32, #tpu.memory_space<vmem>>
      %dma_wait3A_703 = arith.constant 0 : i32
      %dma_wait3A_704 = arith.constant 0 : i32
      %dma_wait3A_705 = tpu.memref_slice %arg3[%dma_wait3A_703, %dma_wait3A_704] : memref<24x1000002xf32, #tpu.memory_space<hbm>> -> memref<24x128xf32, #tpu.memory_space<hbm>>
      %dma_wait3A_706 = arith.constant 24 : i32
      %dma_wait3A_707 = arith.constant 0 : i32
      %dma_wait3A_708 = tpu.memref_slice %arg6[%dma_wait3A_706, %dma_wait3A_707] : memref<384x128xf32, #tpu.memory_space<vmem>> -> memref<24x128xf32, #tpu.memory_space<vmem>>
      %dma_wait3A_709 = arith.constant 0 : i32
      %dma_wait3A_710 = arith.constant 0 : i32
      %dma_wait3A_711 = tpu.memref_slice %arg3[%dma_wait3A_709, %dma_wait3A_710] : memref<24x1000002xf32, #tpu.memory_space<hbm>> -> memref<24x128xf32, #tpu.memory_space<hbm>>
      tpu.wait_dma2 semaphore(%arg9 : memref<!tpu.dma_semaphore, #tpu.memory_space<semaphore_mem>>) src(%dma_wait3A_711 : memref<24x128xf32, #tpu.memory_space<hbm>>) dst(%dma_wait3A_708 : memref<24x128xf32, #tpu.memory_space<vmem>>)
      %dma_wait3A_712 = arith.constant 48 : i32
      %dma_wait3A_713 = arith.constant 0 : i32
      %dma_wait3A_714 = tpu.memref_slice %arg6[%dma_wait3A_712, %dma_wait3A_713] : memref<384x128xf32, #tpu.memory_space<vmem>> -> memref<24x128xf32, #tpu.memory_space<vmem>>
      %dma_wait3A_715 = arith.constant 0 : i32
      %dma_wait3A_716 = arith.constant 0 : i32
      %dma_wait3A_717 = tpu.memref_slice %arg3[%dma_wait3A_715, %dma_wait3A_716] : memref<24x1000002xf32, #tpu.memory_space<hbm>> -> memref<24x128xf32, #tpu.memory_space<hbm>>
      %dma_wait3A_718 = arith.constant 48 : i32
      %dma_wait3A_719 = arith.constant 0 : i32
      %dma_wait3A_720 = tpu.memref_slice %arg6[%dma_wait3A_718, %dma_wait3A_719] : memref<384x128xf32, #tpu.memory_space<vmem>> -> memref<24x128xf32, #tpu.memory_space<vmem>>
      %dma_wait3A_721 = arith.constant 0 : i32
      %dma_wait3A_722 = arith.constant 0 : i32
      %dma_wait3A_723 = tpu.memref_slice %arg3[%dma_wait3A_721, %dma_wait3A_722] : memref<24x1000002xf32, #tpu.memory_space<hbm>> -> memref<24x128xf32, #tpu.memory_space<hbm>>
      tpu.wait_dma2 semaphore(%arg9 : memref<!tpu.dma_semaphore, #tpu.memory_space<semaphore_mem>>) src(%dma_wait3A_723 : memref<24x128xf32, #tpu.memory_space<hbm>>) dst(%dma_wait3A_720 : memref<24x128xf32, #tpu.memory_space<vmem>>)
      %dma_wait3A_724 = arith.constant 72 : i32
      %dma_wait3A_725 = arith.constant 0 : i32
      %dma_wait3A_726 = tpu.memref_slice %arg6[%dma_wait3A_724, %dma_wait3A_725] : memref<384x128xf32, #tpu.memory_space<vmem>> -> memref<24x128xf32, #tpu.memory_space<vmem>>
      %dma_wait3A_727 = arith.constant 0 : i32
      %dma_wait3A_728 = arith.constant 0 : i32
      %dma_wait3A_729 = tpu.memref_slice %arg3[%dma_wait3A_727, %dma_wait3A_728] : memref<24x1000002xf32, #tpu.memory_space<hbm>> -> memref<24x128xf32, #tpu.memory_space<hbm>>
      %dma_wait3A_730 = arith.constant 72 : i32
      %dma_wait3A_731 = arith.constant 0 : i32
      %dma_wait3A_732 = tpu.memref_slice %arg6[%dma_wait3A_730, %dma_wait3A_731] : memref<384x128xf32, #tpu.memory_space<vmem>> -> memref<24x128xf32, #tpu.memory_space<vmem>>
      %dma_wait3A_733 = arith.constant 0 : i32
      %dma_wait3A_734 = arith.constant 0 : i32
      %dma_wait3A_735 = tpu.memref_slice %arg3[%dma_wait3A_733, %dma_wait3A_734] : memref<24x1000002xf32, #tpu.memory_space<hbm>> -> memref<24x128xf32, #tpu.memory_space<hbm>>
      tpu.wait_dma2 semaphore(%arg9 : memref<!tpu.dma_semaphore, #tpu.memory_space<semaphore_mem>>) src(%dma_wait3A_735 : memref<24x128xf32, #tpu.memory_space<hbm>>) dst(%dma_wait3A_732 : memref<24x128xf32, #tpu.memory_space<vmem>>)
      %dma_wait3A_736 = arith.constant 96 : i32
      %dma_wait3A_737 = arith.constant 0 : i32
      %dma_wait3A_738 = tpu.memref_slice %arg6[%dma_wait3A_736, %dma_wait3A_737] : memref<384x128xf32, #tpu.memory_space<vmem>> -> memref<24x128xf32, #tpu.memory_space<vmem>>
      %dma_wait3A_739 = arith.constant 0 : i32
      %dma_wait3A_740 = arith.constant 0 : i32
      %dma_wait3A_741 = tpu.memref_slice %arg3[%dma_wait3A_739, %dma_wait3A_740] : memref<24x1000002xf32, #tpu.memory_space<hbm>> -> memref<24x128xf32, #tpu.memory_space<hbm>>
      %dma_wait3A_742 = arith.constant 96 : i32
      %dma_wait3A_743 = arith.constant 0 : i32
      %dma_wait3A_744 = tpu.memref_slice %arg6[%dma_wait3A_742, %dma_wait3A_743] : memref<384x128xf32, #tpu.memory_space<vmem>> -> memref<24x128xf32, #tpu.memory_space<vmem>>
      %dma_wait3A_745 = arith.constant 0 : i32
      %dma_wait3A_746 = arith.constant 0 : i32
      %dma_wait3A_747 = tpu.memref_slice %arg3[%dma_wait3A_745, %dma_wait3A_746] : memref<24x1000002xf32, #tpu.memory_space<hbm>> -> memref<24x128xf32, #tpu.memory_space<hbm>>
      tpu.wait_dma2 semaphore(%arg9 : memref<!tpu.dma_semaphore, #tpu.memory_space<semaphore_mem>>) src(%dma_wait3A_747 : memref<24x128xf32, #tpu.memory_space<hbm>>) dst(%dma_wait3A_744 : memref<24x128xf32, #tpu.memory_space<vmem>>)
      %dma_wait3A_748 = arith.constant 120 : i32
      %dma_wait3A_749 = arith.constant 0 : i32
      %dma_wait3A_750 = tpu.memref_slice %arg6[%dma_wait3A_748, %dma_wait3A_749] : memref<384x128xf32, #tpu.memory_space<vmem>> -> memref<24x128xf32, #tpu.memory_space<vmem>>
      %dma_wait3A_751 = arith.constant 0 : i32
      %dma_wait3A_752 = arith.constant 0 : i32
      %dma_wait3A_753 = tpu.memref_slice %arg3[%dma_wait3A_751, %dma_wait3A_752] : memref<24x1000002xf32, #tpu.memory_space<hbm>> -> memref<24x128xf32, #tpu.memory_space<hbm>>
      %dma_wait3A_754 = arith.constant 120 : i32
      %dma_wait3A_755 = arith.constant 0 : i32
      %dma_wait3A_756 = tpu.memref_slice %arg6[%dma_wait3A_754, %dma_wait3A_755] : memref<384x128xf32, #tpu.memory_space<vmem>> -> memref<24x128xf32, #tpu.memory_space<vmem>>
      %dma_wait3A_757 = arith.constant 0 : i32
      %dma_wait3A_758 = arith.constant 0 : i32
      %dma_wait3A_759 = tpu.memref_slice %arg3[%dma_wait3A_757, %dma_wait3A_758] : memref<24x1000002xf32, #tpu.memory_space<hbm>> -> memref<24x128xf32, #tpu.memory_space<hbm>>
      tpu.wait_dma2 semaphore(%arg9 : memref<!tpu.dma_semaphore, #tpu.memory_space<semaphore_mem>>) src(%dma_wait3A_759 : memref<24x128xf32, #tpu.memory_space<hbm>>) dst(%dma_wait3A_756 : memref<24x128xf32, #tpu.memory_space<vmem>>)
      %dma_wait3A_760 = arith.constant 144 : i32
      %dma_wait3A_761 = arith.constant 0 : i32
      %dma_wait3A_762 = tpu.memref_slice %arg6[%dma_wait3A_760, %dma_wait3A_761] : memref<384x128xf32, #tpu.memory_space<vmem>> -> memref<24x128xf32, #tpu.memory_space<vmem>>
      %dma_wait3A_763 = arith.constant 0 : i32
      %dma_wait3A_764 = arith.constant 0 : i32
      %dma_wait3A_765 = tpu.memref_slice %arg3[%dma_wait3A_763, %dma_wait3A_764] : memref<24x1000002xf32, #tpu.memory_space<hbm>> -> memref<24x128xf32, #tpu.memory_space<hbm>>
      %dma_wait3A_766 = arith.constant 144 : i32
      %dma_wait3A_767 = arith.constant 0 : i32
      %dma_wait3A_768 = tpu.memref_slice %arg6[%dma_wait3A_766, %dma_wait3A_767] : memref<384x128xf32, #tpu.memory_space<vmem>> -> memref<24x128xf32, #tpu.memory_space<vmem>>
      %dma_wait3A_769 = arith.constant 0 : i32
      %dma_wait3A_770 = arith.constant 0 : i32
      %dma_wait3A_771 = tpu.memref_slice %arg3[%dma_wait3A_769, %dma_wait3A_770] : memref<24x1000002xf32, #tpu.memory_space<hbm>> -> memref<24x128xf32, #tpu.memory_space<hbm>>
      tpu.wait_dma2 semaphore(%arg9 : memref<!tpu.dma_semaphore, #tpu.memory_space<semaphore_mem>>) src(%dma_wait3A_771 : memref<24x128xf32, #tpu.memory_space<hbm>>) dst(%dma_wait3A_768 : memref<24x128xf32, #tpu.memory_space<vmem>>)
      %dma_wait3A_772 = arith.constant 168 : i32
      %dma_wait3A_773 = arith.constant 0 : i32
      %dma_wait3A_774 = tpu.memref_slice %arg6[%dma_wait3A_772, %dma_wait3A_773] : memref<384x128xf32, #tpu.memory_space<vmem>> -> memref<24x128xf32, #tpu.memory_space<vmem>>
      %dma_wait3A_775 = arith.constant 0 : i32
      %dma_wait3A_776 = arith.constant 0 : i32
      %dma_wait3A_777 = tpu.memref_slice %arg3[%dma_wait3A_775, %dma_wait3A_776] : memref<24x1000002xf32, #tpu.memory_space<hbm>> -> memref<24x128xf32, #tpu.memory_space<hbm>>
      %dma_wait3A_778 = arith.constant 168 : i32
      %dma_wait3A_779 = arith.constant 0 : i32
      %dma_wait3A_780 = tpu.memref_slice %arg6[%dma_wait3A_778, %dma_wait3A_779] : memref<384x128xf32, #tpu.memory_space<vmem>> -> memref<24x128xf32, #tpu.memory_space<vmem>>
      %dma_wait3A_781 = arith.constant 0 : i32
      %dma_wait3A_782 = arith.constant 0 : i32
      %dma_wait3A_783 = tpu.memref_slice %arg3[%dma_wait3A_781, %dma_wait3A_782] : memref<24x1000002xf32, #tpu.memory_space<hbm>> -> memref<24x128xf32, #tpu.memory_space<hbm>>
      tpu.wait_dma2 semaphore(%arg9 : memref<!tpu.dma_semaphore, #tpu.memory_space<semaphore_mem>>) src(%dma_wait3A_783 : memref<24x128xf32, #tpu.memory_space<hbm>>) dst(%dma_wait3A_780 : memref<24x128xf32, #tpu.memory_space<vmem>>)
      %dma_wait3A_784 = arith.constant 192 : i32
      %dma_wait3A_785 = arith.constant 0 : i32
      %dma_wait3A_786 = tpu.memref_slice %arg6[%dma_wait3A_784, %dma_wait3A_785] : memref<384x128xf32, #tpu.memory_space<vmem>> -> memref<24x128xf32, #tpu.memory_space<vmem>>
      %dma_wait3A_787 = arith.constant 0 : i32
      %dma_wait3A_788 = arith.constant 0 : i32
      %dma_wait3A_789 = tpu.memref_slice %arg3[%dma_wait3A_787, %dma_wait3A_788] : memref<24x1000002xf32, #tpu.memory_space<hbm>> -> memref<24x128xf32, #tpu.memory_space<hbm>>
      %dma_wait3A_790 = arith.constant 192 : i32
      %dma_wait3A_791 = arith.constant 0 : i32
      %dma_wait3A_792 = tpu.memref_slice %arg6[%dma_wait3A_790, %dma_wait3A_791] : memref<384x128xf32, #tpu.memory_space<vmem>> -> memref<24x128xf32, #tpu.memory_space<vmem>>
      %dma_wait3A_793 = arith.constant 0 : i32
      %dma_wait3A_794 = arith.constant 0 : i32
      %dma_wait3A_795 = tpu.memref_slice %arg3[%dma_wait3A_793, %dma_wait3A_794] : memref<24x1000002xf32, #tpu.memory_space<hbm>> -> memref<24x128xf32, #tpu.memory_space<hbm>>
      tpu.wait_dma2 semaphore(%arg9 : memref<!tpu.dma_semaphore, #tpu.memory_space<semaphore_mem>>) src(%dma_wait3A_795 : memref<24x128xf32, #tpu.memory_space<hbm>>) dst(%dma_wait3A_792 : memref<24x128xf32, #tpu.memory_space<vmem>>)
      %dma_wait3A_796 = arith.constant 216 : i32
      %dma_wait3A_797 = arith.constant 0 : i32
      %dma_wait3A_798 = tpu.memref_slice %arg6[%dma_wait3A_796, %dma_wait3A_797] : memref<384x128xf32, #tpu.memory_space<vmem>> -> memref<24x128xf32, #tpu.memory_space<vmem>>
      %dma_wait3A_799 = arith.constant 0 : i32
      %dma_wait3A_800 = arith.constant 0 : i32
      %dma_wait3A_801 = tpu.memref_slice %arg3[%dma_wait3A_799, %dma_wait3A_800] : memref<24x1000002xf32, #tpu.memory_space<hbm>> -> memref<24x128xf32, #tpu.memory_space<hbm>>
      %dma_wait3A_802 = arith.constant 216 : i32
      %dma_wait3A_803 = arith.constant 0 : i32
      %dma_wait3A_804 = tpu.memref_slice %arg6[%dma_wait3A_802, %dma_wait3A_803] : memref<384x128xf32, #tpu.memory_space<vmem>> -> memref<24x128xf32, #tpu.memory_space<vmem>>
      %dma_wait3A_805 = arith.constant 0 : i32
      %dma_wait3A_806 = arith.constant 0 : i32
      %dma_wait3A_807 = tpu.memref_slice %arg3[%dma_wait3A_805, %dma_wait3A_806] : memref<24x1000002xf32, #tpu.memory_space<hbm>> -> memref<24x128xf32, #tpu.memory_space<hbm>>
      tpu.wait_dma2 semaphore(%arg9 : memref<!tpu.dma_semaphore, #tpu.memory_space<semaphore_mem>>) src(%dma_wait3A_807 : memref<24x128xf32, #tpu.memory_space<hbm>>) dst(%dma_wait3A_804 : memref<24x128xf32, #tpu.memory_space<vmem>>)
      %dma_wait3A_808 = arith.constant 240 : i32
      %dma_wait3A_809 = arith.constant 0 : i32
      %dma_wait3A_810 = tpu.memref_slice %arg6[%dma_wait3A_808, %dma_wait3A_809] : memref<384x128xf32, #tpu.memory_space<vmem>> -> memref<24x128xf32, #tpu.memory_space<vmem>>
      %dma_wait3A_811 = arith.constant 0 : i32
      %dma_wait3A_812 = arith.constant 0 : i32
      %dma_wait3A_813 = tpu.memref_slice %arg3[%dma_wait3A_811, %dma_wait3A_812] : memref<24x1000002xf32, #tpu.memory_space<hbm>> -> memref<24x128xf32, #tpu.memory_space<hbm>>
      %dma_wait3A_814 = arith.constant 240 : i32
      %dma_wait3A_815 = arith.constant 0 : i32
      %dma_wait3A_816 = tpu.memref_slice %arg6[%dma_wait3A_814, %dma_wait3A_815] : memref<384x128xf32, #tpu.memory_space<vmem>> -> memref<24x128xf32, #tpu.memory_space<vmem>>
      %dma_wait3A_817 = arith.constant 0 : i32
      %dma_wait3A_818 = arith.constant 0 : i32
      %dma_wait3A_819 = tpu.memref_slice %arg3[%dma_wait3A_817, %dma_wait3A_818] : memref<24x1000002xf32, #tpu.memory_space<hbm>> -> memref<24x128xf32, #tpu.memory_space<hbm>>
      tpu.wait_dma2 semaphore(%arg9 : memref<!tpu.dma_semaphore, #tpu.memory_space<semaphore_mem>>) src(%dma_wait3A_819 : memref<24x128xf32, #tpu.memory_space<hbm>>) dst(%dma_wait3A_816 : memref<24x128xf32, #tpu.memory_space<vmem>>)
      %dma_wait3A_820 = arith.constant 264 : i32
      %dma_wait3A_821 = arith.constant 0 : i32
      %dma_wait3A_822 = tpu.memref_slice %arg6[%dma_wait3A_820, %dma_wait3A_821] : memref<384x128xf32, #tpu.memory_space<vmem>> -> memref<24x128xf32, #tpu.memory_space<vmem>>
      %dma_wait3A_823 = arith.constant 0 : i32
      %dma_wait3A_824 = arith.constant 0 : i32
      %dma_wait3A_825 = tpu.memref_slice %arg3[%dma_wait3A_823, %dma_wait3A_824] : memref<24x1000002xf32, #tpu.memory_space<hbm>> -> memref<24x128xf32, #tpu.memory_space<hbm>>
      %dma_wait3A_826 = arith.constant 264 : i32
      %dma_wait3A_827 = arith.constant 0 : i32
      %dma_wait3A_828 = tpu.memref_slice %arg6[%dma_wait3A_826, %dma_wait3A_827] : memref<384x128xf32, #tpu.memory_space<vmem>> -> memref<24x128xf32, #tpu.memory_space<vmem>>
      %dma_wait3A_829 = arith.constant 0 : i32
      %dma_wait3A_830 = arith.constant 0 : i32
      %dma_wait3A_831 = tpu.memref_slice %arg3[%dma_wait3A_829, %dma_wait3A_830] : memref<24x1000002xf32, #tpu.memory_space<hbm>> -> memref<24x128xf32, #tpu.memory_space<hbm>>
      tpu.wait_dma2 semaphore(%arg9 : memref<!tpu.dma_semaphore, #tpu.memory_space<semaphore_mem>>) src(%dma_wait3A_831 : memref<24x128xf32, #tpu.memory_space<hbm>>) dst(%dma_wait3A_828 : memref<24x128xf32, #tpu.memory_space<vmem>>)
      %dma_wait3A_832 = arith.constant 288 : i32
      %dma_wait3A_833 = arith.constant 0 : i32
      %dma_wait3A_834 = tpu.memref_slice %arg6[%dma_wait3A_832, %dma_wait3A_833] : memref<384x128xf32, #tpu.memory_space<vmem>> -> memref<24x128xf32, #tpu.memory_space<vmem>>
      %dma_wait3A_835 = arith.constant 0 : i32
      %dma_wait3A_836 = arith.constant 0 : i32
      %dma_wait3A_837 = tpu.memref_slice %arg3[%dma_wait3A_835, %dma_wait3A_836] : memref<24x1000002xf32, #tpu.memory_space<hbm>> -> memref<24x128xf32, #tpu.memory_space<hbm>>
      %dma_wait3A_838 = arith.constant 288 : i32
      %dma_wait3A_839 = arith.constant 0 : i32
      %dma_wait3A_840 = tpu.memref_slice %arg6[%dma_wait3A_838, %dma_wait3A_839] : memref<384x128xf32, #tpu.memory_space<vmem>> -> memref<24x128xf32, #tpu.memory_space<vmem>>
      %dma_wait3A_841 = arith.constant 0 : i32
      %dma_wait3A_842 = arith.constant 0 : i32
      %dma_wait3A_843 = tpu.memref_slice %arg3[%dma_wait3A_841, %dma_wait3A_842] : memref<24x1000002xf32, #tpu.memory_space<hbm>> -> memref<24x128xf32, #tpu.memory_space<hbm>>
      tpu.wait_dma2 semaphore(%arg9 : memref<!tpu.dma_semaphore, #tpu.memory_space<semaphore_mem>>) src(%dma_wait3A_843 : memref<24x128xf32, #tpu.memory_space<hbm>>) dst(%dma_wait3A_840 : memref<24x128xf32, #tpu.memory_space<vmem>>)
      %dma_wait3A_844 = arith.constant 312 : i32
      %dma_wait3A_845 = arith.constant 0 : i32
      %dma_wait3A_846 = tpu.memref_slice %arg6[%dma_wait3A_844, %dma_wait3A_845] : memref<384x128xf32, #tpu.memory_space<vmem>> -> memref<24x128xf32, #tpu.memory_space<vmem>>
      %dma_wait3A_847 = arith.constant 0 : i32
      %dma_wait3A_848 = arith.constant 0 : i32
      %dma_wait3A_849 = tpu.memref_slice %arg3[%dma_wait3A_847, %dma_wait3A_848] : memref<24x1000002xf32, #tpu.memory_space<hbm>> -> memref<24x128xf32, #tpu.memory_space<hbm>>
      %dma_wait3A_850 = arith.constant 312 : i32
      %dma_wait3A_851 = arith.constant 0 : i32
      %dma_wait3A_852 = tpu.memref_slice %arg6[%dma_wait3A_850, %dma_wait3A_851] : memref<384x128xf32, #tpu.memory_space<vmem>> -> memref<24x128xf32, #tpu.memory_space<vmem>>
      %dma_wait3A_853 = arith.constant 0 : i32
      %dma_wait3A_854 = arith.constant 0 : i32
      %dma_wait3A_855 = tpu.memref_slice %arg3[%dma_wait3A_853, %dma_wait3A_854] : memref<24x1000002xf32, #tpu.memory_space<hbm>> -> memref<24x128xf32, #tpu.memory_space<hbm>>
      tpu.wait_dma2 semaphore(%arg9 : memref<!tpu.dma_semaphore, #tpu.memory_space<semaphore_mem>>) src(%dma_wait3A_855 : memref<24x128xf32, #tpu.memory_space<hbm>>) dst(%dma_wait3A_852 : memref<24x128xf32, #tpu.memory_space<vmem>>)
      %dma_wait3A_856 = arith.constant 336 : i32
      %dma_wait3A_857 = arith.constant 0 : i32
      %dma_wait3A_858 = tpu.memref_slice %arg6[%dma_wait3A_856, %dma_wait3A_857] : memref<384x128xf32, #tpu.memory_space<vmem>> -> memref<24x128xf32, #tpu.memory_space<vmem>>
      %dma_wait3A_859 = arith.constant 0 : i32
      %dma_wait3A_860 = arith.constant 0 : i32
      %dma_wait3A_861 = tpu.memref_slice %arg3[%dma_wait3A_859, %dma_wait3A_860] : memref<24x1000002xf32, #tpu.memory_space<hbm>> -> memref<24x128xf32, #tpu.memory_space<hbm>>
      %dma_wait3A_862 = arith.constant 336 : i32
      %dma_wait3A_863 = arith.constant 0 : i32
      %dma_wait3A_864 = tpu.memref_slice %arg6[%dma_wait3A_862, %dma_wait3A_863] : memref<384x128xf32, #tpu.memory_space<vmem>> -> memref<24x128xf32, #tpu.memory_space<vmem>>
      %dma_wait3A_865 = arith.constant 0 : i32
      %dma_wait3A_866 = arith.constant 0 : i32
      %dma_wait3A_867 = tpu.memref_slice %arg3[%dma_wait3A_865, %dma_wait3A_866] : memref<24x1000002xf32, #tpu.memory_space<hbm>> -> memref<24x128xf32, #tpu.memory_space<hbm>>
      tpu.wait_dma2 semaphore(%arg9 : memref<!tpu.dma_semaphore, #tpu.memory_space<semaphore_mem>>) src(%dma_wait3A_867 : memref<24x128xf32, #tpu.memory_space<hbm>>) dst(%dma_wait3A_864 : memref<24x128xf32, #tpu.memory_space<vmem>>)
      %dma_wait3A_868 = arith.constant 360 : i32
      %dma_wait3A_869 = arith.constant 0 : i32
      %dma_wait3A_870 = tpu.memref_slice %arg6[%dma_wait3A_868, %dma_wait3A_869] : memref<384x128xf32, #tpu.memory_space<vmem>> -> memref<24x128xf32, #tpu.memory_space<vmem>>
      %dma_wait3A_871 = arith.constant 0 : i32
      %dma_wait3A_872 = arith.constant 0 : i32
      %dma_wait3A_873 = tpu.memref_slice %arg3[%dma_wait3A_871, %dma_wait3A_872] : memref<24x1000002xf32, #tpu.memory_space<hbm>> -> memref<24x128xf32, #tpu.memory_space<hbm>>
      %dma_wait3A_874 = arith.constant 360 : i32
      %dma_wait3A_875 = arith.constant 0 : i32
      %dma_wait3A_876 = tpu.memref_slice %arg6[%dma_wait3A_874, %dma_wait3A_875] : memref<384x128xf32, #tpu.memory_space<vmem>> -> memref<24x128xf32, #tpu.memory_space<vmem>>
      %dma_wait3A_877 = arith.constant 0 : i32
      %dma_wait3A_878 = arith.constant 0 : i32
      %dma_wait3A_879 = tpu.memref_slice %arg3[%dma_wait3A_877, %dma_wait3A_878] : memref<24x1000002xf32, #tpu.memory_space<hbm>> -> memref<24x128xf32, #tpu.memory_space<hbm>>
      tpu.wait_dma2 semaphore(%arg9 : memref<!tpu.dma_semaphore, #tpu.memory_space<semaphore_mem>>) src(%dma_wait3A_879 : memref<24x128xf32, #tpu.memory_space<hbm>>) dst(%dma_wait3A_876 : memref<24x128xf32, #tpu.memory_space<vmem>>)
      %mul3A_880 = arith.constant 2 : i32
      %mul3A_881 = arith.muli %mul3A_880, %scan3A_438 : i32
      %add3A_882 = arith.constant 0 : i32
      %add3A_883 = vector.broadcast %add3A_882 : i32 to vector<16xi32>
      %add3A_884 = arith.addi %iota3A, %add3A_883 : vector<16xi32>
      %sub3A = arith.constant 24 : i32
      %sub3A_885 = vector.broadcast %sub3A : i32 to vector<16xi32>
      %sub3A_886 = arith.subi %add3A_884, %sub3A_885 : vector<16xi32>
      %shift_right_arithmetic3A = arith.constant 31 : i32
      %shift_right_arithmetic3A_887 = vector.broadcast %shift_right_arithmetic3A : i32 to vector<16xi32>
      %shift_right_arithmetic3A_888 = arith.shrsi %sub3A_886, %shift_right_arithmetic3A_887 : vector<16xi32>
      %add3A_889 = arith.constant 1 : i32
      %add3A_890 = vector.broadcast %add3A_889 : i32 to vector<16xi32>
      %add3A_891 = arith.addi %add3A_890, %shift_right_arithmetic3A_888 : vector<16xi32>
      %mul3A_892 = arith.constant 16 : i32
      %mul3A_893 = arith.muli %mul3A_881, %mul3A_892 : i32
      %add3A_894 = arith.constant 0 : i32
      %add3A_895 = arith.addi %mul3A_893, %add3A_894 : i32
      %add3A_896 = vector.broadcast %add3A_895 : i32 to vector<16xi32>
      %add3A_897 = arith.addi %add3A_896, %add3A_891 : vector<16xi32>
      %gather3A = tpu.vector_load_idx %arg5[%add3A_897] : memref<512xi32, #tpu.memory_space<vmem>>[vector<16xi32>], vector<16xi32>,
      %and3A_898 = arith.constant 127 : i32
      %and3A_899 = vector.broadcast %and3A_898 : i32 to vector<16xi32>
      %and3A_900 = arith.andi %gather3A, %and3A_899 : vector<16xi32>
      %add3A_901 = arith.constant 0 : i32
      %add3A_902 = vector.broadcast %add3A_901 : i32 to vector<16xi32>
      %add3A_903 = arith.addi %add3A_902, %iota3A : vector<16xi32>
      %gather3A_904 = tpu.vector_load_idx %arg6[%add3A_903, %and3A_900] : memref<384x128xf32, #tpu.memory_space<vmem>>[vector<16xi32>, vector<16xi32>], vector<16xf32>,
      %mul3A_905 = arith.constant 384 : i32
      %mul3A_906 = arith.muli %mul3A_881, %mul3A_905 : i32
      %add3A_907 = arith.constant 0 : i32
      %add3A_908 = arith.addi %mul3A_906, %add3A_907 : i32
      %swap3A = arith.index_cast %add3A_908 : i32 to index
      %swap3A_909 = tpu.vector_load %arg8[%swap3A] {strides = array<i32>} : memref<12288xf32, #tpu.memory_space<vmem>>, vector<16xf32>,
      tpu.vector_store %arg8[%swap3A], %gather3A_904 {strides = array<i32>} : memref<12288xf32, #tpu.memory_space<vmem>>, vector<16xf32>,
      %add3A_910 = arith.constant 16 : i32
      %add3A_911 = vector.broadcast %add3A_910 : i32 to vector<16xi32>
      %add3A_912 = arith.addi %iota3A, %add3A_911 : vector<16xi32>
      %sub3A_913 = arith.constant 24 : i32
      %sub3A_914 = vector.broadcast %sub3A_913 : i32 to vector<16xi32>
      %sub3A_915 = arith.subi %add3A_912, %sub3A_914 : vector<16xi32>
      %shift_right_arithmetic3A_916 = arith.constant 31 : i32
      %shift_right_arithmetic3A_917 = vector.broadcast %shift_right_arithmetic3A_916 : i32 to vector<16xi32>
      %shift_right_arithmetic3A_918 = arith.shrsi %sub3A_915, %shift_right_arithmetic3A_917 : vector<16xi32>
      %add3A_919 = arith.constant 1 : i32
      %add3A_920 = vector.broadcast %add3A_919 : i32 to vector<16xi32>
      %add3A_921 = arith.addi %add3A_920, %shift_right_arithmetic3A_918 : vector<16xi32>
      %mul3A_922 = arith.constant 16 : i32
      %mul3A_923 = arith.muli %mul3A_881, %mul3A_922 : i32
      %add3A_924 = arith.constant 0 : i32
      %add3A_925 = arith.addi %mul3A_923, %add3A_924 : i32
      %add3A_926 = vector.broadcast %add3A_925 : i32 to vector<16xi32>
      %add3A_927 = arith.addi %add3A_926, %add3A_921 : vector<16xi32>
      %gather3A_928 = tpu.vector_load_idx %arg5[%add3A_927] : memref<512xi32, #tpu.memory_space<vmem>>[vector<16xi32>], vector<16xi32>,
      %and3A_929 = arith.constant 127 : i32
      %and3A_930 = vector.broadcast %and3A_929 : i32 to vector<16xi32>
      %and3A_931 = arith.andi %gather3A_928, %and3A_930 : vector<16xi32>
      %add3A_932 = arith.constant 16 : i32
      %add3A_933 = vector.broadcast %add3A_932 : i32 to vector<16xi32>
      %add3A_934 = arith.addi %add3A_933, %iota3A : vector<16xi32>
      %gather3A_935 = tpu.vector_load_idx %arg6[%add3A_934, %and3A_931] : memref<384x128xf32, #tpu.memory_space<vmem>>[vector<16xi32>, vector<16xi32>], vector<16xf32>,
      %mul3A_936 = arith.constant 384 : i32
      %mul3A_937 = arith.muli %mul3A_881, %mul3A_936 : i32
      %add3A_938 = arith.constant 16 : i32
      %add3A_939 = arith.addi %mul3A_937, %add3A_938 : i32
      %swap3A_940 = arith.index_cast %add3A_939 : i32 to index
      %swap3A_941 = tpu.vector_load %arg8[%swap3A_940] {strides = array<i32>} : memref<12288xf32, #tpu.memory_space<vmem>>, vector<16xf32>,
      tpu.vector_store %arg8[%swap3A_940], %gather3A_935 {strides = array<i32>} : memref<12288xf32, #tpu.memory_space<vmem>>, vector<16xf32>,
      %add3A_942 = arith.constant 8 : i32
      %add3A_943 = vector.broadcast %add3A_942 : i32 to vector<16xi32>
      %add3A_944 = arith.addi %iota3A, %add3A_943 : vector<16xi32>
      %sub3A_945 = arith.constant 24 : i32
      %sub3A_946 = vector.broadcast %sub3A_945 : i32 to vector<16xi32>
      %sub3A_947 = arith.subi %add3A_944, %sub3A_946 : vector<16xi32>
      %shift_right_arithmetic3A_948 = arith.constant 31 : i32
      %shift_right_arithmetic3A_949 = vector.broadcast %shift_right_arithmetic3A_948 : i32 to vector<16xi32>
      %shift_right_arithmetic3A_950 = arith.shrsi %sub3A_947, %shift_right_arithmetic3A_949 : vector<16xi32>
      %add3A_951 = arith.constant 1 : i32
      %add3A_952 = vector.broadcast %add3A_951 : i32 to vector<16xi32>
      %add3A_953 = arith.addi %add3A_952, %shift_right_arithmetic3A_950 : vector<16xi32>
      %mul3A_954 = arith.constant 16 : i32
      %mul3A_955 = arith.muli %mul3A_881, %mul3A_954 : i32
      %add3A_956 = arith.constant 1 : i32
      %add3A_957 = arith.addi %mul3A_955, %add3A_956 : i32
      %add3A_958 = vector.broadcast %add3A_957 : i32 to vector<16xi32>
      %add3A_959 = arith.addi %add3A_958, %add3A_953 : vector<16xi32>
      %gather3A_960 = tpu.vector_load_idx %arg5[%add3A_959] : memref<512xi32, #tpu.memory_space<vmem>>[vector<16xi32>], vector<16xi32>,
      %and3A_961 = arith.constant 127 : i32
      %and3A_962 = vector.broadcast %and3A_961 : i32 to vector<16xi32>
      %and3A_963 = arith.andi %gather3A_960, %and3A_962 : vector<16xi32>
      %add3A_964 = arith.constant 32 : i32
      %add3A_965 = vector.broadcast %add3A_964 : i32 to vector<16xi32>
      %add3A_966 = arith.addi %add3A_965, %iota3A : vector<16xi32>
      %gather3A_967 = tpu.vector_load_idx %arg6[%add3A_966, %and3A_963] : memref<384x128xf32, #tpu.memory_space<vmem>>[vector<16xi32>, vector<16xi32>], vector<16xf32>,
      %mul3A_968 = arith.constant 384 : i32
      %mul3A_969 = arith.muli %mul3A_881, %mul3A_968 : i32
      %add3A_970 = arith.constant 32 : i32
      %add3A_971 = arith.addi %mul3A_969, %add3A_970 : i32
      %swap3A_972 = arith.index_cast %add3A_971 : i32 to index
      %swap3A_973 = tpu.vector_load %arg8[%swap3A_972] {strides = array<i32>} : memref<12288xf32, #tpu.memory_space<vmem>>, vector<16xf32>,
      tpu.vector_store %arg8[%swap3A_972], %gather3A_967 {strides = array<i32>} : memref<12288xf32, #tpu.memory_space<vmem>>, vector<16xf32>,
      %add3A_974 = arith.constant 0 : i32
      %add3A_975 = vector.broadcast %add3A_974 : i32 to vector<16xi32>
      %add3A_976 = arith.addi %iota3A, %add3A_975 : vector<16xi32>
      %sub3A_977 = arith.constant 24 : i32
      %sub3A_978 = vector.broadcast %sub3A_977 : i32 to vector<16xi32>
      %sub3A_979 = arith.subi %add3A_976, %sub3A_978 : vector<16xi32>
      %shift_right_arithmetic3A_980 = arith.constant 31 : i32
      %shift_right_arithmetic3A_981 = vector.broadcast %shift_right_arithmetic3A_980 : i32 to vector<16xi32>
      %shift_right_arithmetic3A_982 = arith.shrsi %sub3A_979, %shift_right_arithmetic3A_981 : vector<16xi32>
      %add3A_983 = arith.constant 1 : i32
      %add3A_984 = vector.broadcast %add3A_983 : i32 to vector<16xi32>
      %add3A_985 = arith.addi %add3A_984, %shift_right_arithmetic3A_982 : vector<16xi32>
      %mul3A_986 = arith.constant 16 : i32
      %mul3A_987 = arith.muli %mul3A_881, %mul3A_986 : i32
      %add3A_988 = arith.constant 2 : i32
      %add3A_989 = arith.addi %mul3A_987, %add3A_988 : i32
      %add3A_990 = vector.broadcast %add3A_989 : i32 to vector<16xi32>
      %add3A_991 = arith.addi %add3A_990, %add3A_985 : vector<16xi32>
      %gather3A_992 = tpu.vector_load_idx %arg5[%add3A_991] : memref<512xi32, #tpu.memory_space<vmem>>[vector<16xi32>], vector<16xi32>,
      %and3A_993 = arith.constant 127 : i32
      %and3A_994 = vector.broadcast %and3A_993 : i32 to vector<16xi32>
      %and3A_995 = arith.andi %gather3A_992, %and3A_994 : vector<16xi32>
      %add3A_996 = arith.constant 48 : i32
      %add3A_997 = vector.broadcast %add3A_996 : i32 to vector<16xi32>
      %add3A_998 = arith.addi %add3A_997, %iota3A : vector<16xi32>
      %gather3A_999 = tpu.vector_load_idx %arg6[%add3A_998, %and3A_995] : memref<384x128xf32, #tpu.memory_space<vmem>>[vector<16xi32>, vector<16xi32>], vector<16xf32>,
      %mul3A_1000 = arith.constant 384 : i32
      %mul3A_1001 = arith.muli %mul3A_881, %mul3A_1000 : i32
      %add3A_1002 = arith.constant 48 : i32
      %add3A_1003 = arith.addi %mul3A_1001, %add3A_1002 : i32
      %swap3A_1004 = arith.index_cast %add3A_1003 : i32 to index
      %swap3A_1005 = tpu.vector_load %arg8[%swap3A_1004] {strides = array<i32>} : memref<12288xf32, #tpu.memory_space<vmem>>, vector<16xf32>,
      tpu.vector_store %arg8[%swap3A_1004], %gather3A_999 {strides = array<i32>} : memref<12288xf32, #tpu.memory_space<vmem>>, vector<16xf32>,
      %add3A_1006 = arith.constant 16 : i32
      %add3A_1007 = vector.broadcast %add3A_1006 : i32 to vector<16xi32>
      %add3A_1008 = arith.addi %iota3A, %add3A_1007 : vector<16xi32>
      %sub3A_1009 = arith.constant 24 : i32
      %sub3A_1010 = vector.broadcast %sub3A_1009 : i32 to vector<16xi32>
      %sub3A_1011 = arith.subi %add3A_1008, %sub3A_1010 : vector<16xi32>
      %shift_right_arithmetic3A_1012 = arith.constant 31 : i32
      %shift_right_arithmetic3A_1013 = vector.broadcast %shift_right_arithmetic3A_1012 : i32 to vector<16xi32>
      %shift_right_arithmetic3A_1014 = arith.shrsi %sub3A_1011, %shift_right_arithmetic3A_1013 : vector<16xi32>
      %add3A_1015 = arith.constant 1 : i32
      %add3A_1016 = vector.broadcast %add3A_1015 : i32 to vector<16xi32>
      %add3A_1017 = arith.addi %add3A_1016, %shift_right_arithmetic3A_1014 : vector<16xi32>
      %mul3A_1018 = arith.constant 16 : i32
      %mul3A_1019 = arith.muli %mul3A_881, %mul3A_1018 : i32
      %add3A_1020 = arith.constant 2 : i32
      %add3A_1021 = arith.addi %mul3A_1019, %add3A_1020 : i32
      %add3A_1022 = vector.broadcast %add3A_1021 : i32 to vector<16xi32>
      %add3A_1023 = arith.addi %add3A_1022, %add3A_1017 : vector<16xi32>
      %gather3A_1024 = tpu.vector_load_idx %arg5[%add3A_1023] : memref<512xi32, #tpu.memory_space<vmem>>[vector<16xi32>], vector<16xi32>,
      %and3A_1025 = arith.constant 127 : i32
      %and3A_1026 = vector.broadcast %and3A_1025 : i32 to vector<16xi32>
      %and3A_1027 = arith.andi %gather3A_1024, %and3A_1026 : vector<16xi32>
      %add3A_1028 = arith.constant 64 : i32
      %add3A_1029 = vector.broadcast %add3A_1028 : i32 to vector<16xi32>
      %add3A_1030 = arith.addi %add3A_1029, %iota3A : vector<16xi32>
      %gather3A_1031 = tpu.vector_load_idx %arg6[%add3A_1030, %and3A_1027] : memref<384x128xf32, #tpu.memory_space<vmem>>[vector<16xi32>, vector<16xi32>], vector<16xf32>,
      %mul3A_1032 = arith.constant 384 : i32
      %mul3A_1033 = arith.muli %mul3A_881, %mul3A_1032 : i32
      %add3A_1034 = arith.constant 64 : i32
      %add3A_1035 = arith.addi %mul3A_1033, %add3A_1034 : i32
      %swap3A_1036 = arith.index_cast %add3A_1035 : i32 to index
      %swap3A_1037 = tpu.vector_load %arg8[%swap3A_1036] {strides = array<i32>} : memref<12288xf32, #tpu.memory_space<vmem>>, vector<16xf32>,
      tpu.vector_store %arg8[%swap3A_1036], %gather3A_1031 {strides = array<i32>} : memref<12288xf32, #tpu.memory_space<vmem>>, vector<16xf32>,
      %add3A_1038 = arith.constant 8 : i32
      %add3A_1039 = vector.broadcast %add3A_1038 : i32 to vector<16xi32>
      %add3A_1040 = arith.addi %iota3A, %add3A_1039 : vector<16xi32>
      %sub3A_1041 = arith.constant 24 : i32
      %sub3A_1042 = vector.broadcast %sub3A_1041 : i32 to vector<16xi32>
      %sub3A_1043 = arith.subi %add3A_1040, %sub3A_1042 : vector<16xi32>
      %shift_right_arithmetic3A_1044 = arith.constant 31 : i32
      %shift_right_arithmetic3A_1045 = vector.broadcast %shift_right_arithmetic3A_1044 : i32 to vector<16xi32>
      %shift_right_arithmetic3A_1046 = arith.shrsi %sub3A_1043, %shift_right_arithmetic3A_1045 : vector<16xi32>
      %add3A_1047 = arith.constant 1 : i32
      %add3A_1048 = vector.broadcast %add3A_1047 : i32 to vector<16xi32>
      %add3A_1049 = arith.addi %add3A_1048, %shift_right_arithmetic3A_1046 : vector<16xi32>
      %mul3A_1050 = arith.constant 16 : i32
      %mul3A_1051 = arith.muli %mul3A_881, %mul3A_1050 : i32
      %add3A_1052 = arith.constant 3 : i32
      %add3A_1053 = arith.addi %mul3A_1051, %add3A_1052 : i32
      %add3A_1054 = vector.broadcast %add3A_1053 : i32 to vector<16xi32>
      %add3A_1055 = arith.addi %add3A_1054, %add3A_1049 : vector<16xi32>
      %gather3A_1056 = tpu.vector_load_idx %arg5[%add3A_1055] : memref<512xi32, #tpu.memory_space<vmem>>[vector<16xi32>], vector<16xi32>,
      %and3A_1057 = arith.constant 127 : i32
      %and3A_1058 = vector.broadcast %and3A_1057 : i32 to vector<16xi32>
      %and3A_1059 = arith.andi %gather3A_1056, %and3A_1058 : vector<16xi32>
      %add3A_1060 = arith.constant 80 : i32
      %add3A_1061 = vector.broadcast %add3A_1060 : i32 to vector<16xi32>
      %add3A_1062 = arith.addi %add3A_1061, %iota3A : vector<16xi32>
      %gather3A_1063 = tpu.vector_load_idx %arg6[%add3A_1062, %and3A_1059] : memref<384x128xf32, #tpu.memory_space<vmem>>[vector<16xi32>, vector<16xi32>], vector<16xf32>,
      %mul3A_1064 = arith.constant 384 : i32
      %mul3A_1065 = arith.muli %mul3A_881, %mul3A_1064 : i32
      %add3A_1066 = arith.constant 80 : i32
      %add3A_1067 = arith.addi %mul3A_1065, %add3A_1066 : i32
      %swap3A_1068 = arith.index_cast %add3A_1067 : i32 to index
      %swap3A_1069 = tpu.vector_load %arg8[%swap3A_1068] {strides = array<i32>} : memref<12288xf32, #tpu.memory_space<vmem>>, vector<16xf32>,
      tpu.vector_store %arg8[%swap3A_1068], %gather3A_1063 {strides = array<i32>} : memref<12288xf32, #tpu.memory_space<vmem>>, vector<16xf32>,
      %add3A_1070 = arith.constant 0 : i32
      %add3A_1071 = vector.broadcast %add3A_1070 : i32 to vector<16xi32>
      %add3A_1072 = arith.addi %iota3A, %add3A_1071 : vector<16xi32>
      %sub3A_1073 = arith.constant 24 : i32
      %sub3A_1074 = vector.broadcast %sub3A_1073 : i32 to vector<16xi32>
      %sub3A_1075 = arith.subi %add3A_1072, %sub3A_1074 : vector<16xi32>
      %shift_right_arithmetic3A_1076 = arith.constant 31 : i32
      %shift_right_arithmetic3A_1077 = vector.broadcast %shift_right_arithmetic3A_1076 : i32 to vector<16xi32>
      %shift_right_arithmetic3A_1078 = arith.shrsi %sub3A_1075, %shift_right_arithmetic3A_1077 : vector<16xi32>
      %add3A_1079 = arith.constant 1 : i32
      %add3A_1080 = vector.broadcast %add3A_1079 : i32 to vector<16xi32>
      %add3A_1081 = arith.addi %add3A_1080, %shift_right_arithmetic3A_1078 : vector<16xi32>
      %mul3A_1082 = arith.constant 16 : i32
      %mul3A_1083 = arith.muli %mul3A_881, %mul3A_1082 : i32
      %add3A_1084 = arith.constant 4 : i32
      %add3A_1085 = arith.addi %mul3A_1083, %add3A_1084 : i32
      %add3A_1086 = vector.broadcast %add3A_1085 : i32 to vector<16xi32>
      %add3A_1087 = arith.addi %add3A_1086, %add3A_1081 : vector<16xi32>
      %gather3A_1088 = tpu.vector_load_idx %arg5[%add3A_1087] : memref<512xi32, #tpu.memory_space<vmem>>[vector<16xi32>], vector<16xi32>,
      %and3A_1089 = arith.constant 127 : i32
      %and3A_1090 = vector.broadcast %and3A_1089 : i32 to vector<16xi32>
      %and3A_1091 = arith.andi %gather3A_1088, %and3A_1090 : vector<16xi32>
      %add3A_1092 = arith.constant 96 : i32
      %add3A_1093 = vector.broadcast %add3A_1092 : i32 to vector<16xi32>
      %add3A_1094 = arith.addi %add3A_1093, %iota3A : vector<16xi32>
      %gather3A_1095 = tpu.vector_load_idx %arg6[%add3A_1094, %and3A_1091] : memref<384x128xf32, #tpu.memory_space<vmem>>[vector<16xi32>, vector<16xi32>], vector<16xf32>,
      %mul3A_1096 = arith.constant 384 : i32
      %mul3A_1097 = arith.muli %mul3A_881, %mul3A_1096 : i32
      %add3A_1098 = arith.constant 96 : i32
      %add3A_1099 = arith.addi %mul3A_1097, %add3A_1098 : i32
      %swap3A_1100 = arith.index_cast %add3A_1099 : i32 to index
      %swap3A_1101 = tpu.vector_load %arg8[%swap3A_1100] {strides = array<i32>} : memref<12288xf32, #tpu.memory_space<vmem>>, vector<16xf32>,
      tpu.vector_store %arg8[%swap3A_1100], %gather3A_1095 {strides = array<i32>} : memref<12288xf32, #tpu.memory_space<vmem>>, vector<16xf32>,
      %add3A_1102 = arith.constant 16 : i32
      %add3A_1103 = vector.broadcast %add3A_1102 : i32 to vector<16xi32>
      %add3A_1104 = arith.addi %iota3A, %add3A_1103 : vector<16xi32>
      %sub3A_1105 = arith.constant 24 : i32
      %sub3A_1106 = vector.broadcast %sub3A_1105 : i32 to vector<16xi32>
      %sub3A_1107 = arith.subi %add3A_1104, %sub3A_1106 : vector<16xi32>
      %shift_right_arithmetic3A_1108 = arith.constant 31 : i32
      %shift_right_arithmetic3A_1109 = vector.broadcast %shift_right_arithmetic3A_1108 : i32 to vector<16xi32>
      %shift_right_arithmetic3A_1110 = arith.shrsi %sub3A_1107, %shift_right_arithmetic3A_1109 : vector<16xi32>
      %add3A_1111 = arith.constant 1 : i32
      %add3A_1112 = vector.broadcast %add3A_1111 : i32 to vector<16xi32>
      %add3A_1113 = arith.addi %add3A_1112, %shift_right_arithmetic3A_1110 : vector<16xi32>
      %mul3A_1114 = arith.constant 16 : i32
      %mul3A_1115 = arith.muli %mul3A_881, %mul3A_1114 : i32
      %add3A_1116 = arith.constant 4 : i32
      %add3A_1117 = arith.addi %mul3A_1115, %add3A_1116 : i32
      %add3A_1118 = vector.broadcast %add3A_1117 : i32 to vector<16xi32>
      %add3A_1119 = arith.addi %add3A_1118, %add3A_1113 : vector<16xi32>
      %gather3A_1120 = tpu.vector_load_idx %arg5[%add3A_1119] : memref<512xi32, #tpu.memory_space<vmem>>[vector<16xi32>], vector<16xi32>,
      %and3A_1121 = arith.constant 127 : i32
      %and3A_1122 = vector.broadcast %and3A_1121 : i32 to vector<16xi32>
      %and3A_1123 = arith.andi %gather3A_1120, %and3A_1122 : vector<16xi32>
      %add3A_1124 = arith.constant 112 : i32
      %add3A_1125 = vector.broadcast %add3A_1124 : i32 to vector<16xi32>
      %add3A_1126 = arith.addi %add3A_1125, %iota3A : vector<16xi32>
      %gather3A_1127 = tpu.vector_load_idx %arg6[%add3A_1126, %and3A_1123] : memref<384x128xf32, #tpu.memory_space<vmem>>[vector<16xi32>, vector<16xi32>], vector<16xf32>,
      %mul3A_1128 = arith.constant 384 : i32
      %mul3A_1129 = arith.muli %mul3A_881, %mul3A_1128 : i32
      %add3A_1130 = arith.constant 112 : i32
      %add3A_1131 = arith.addi %mul3A_1129, %add3A_1130 : i32
      %swap3A_1132 = arith.index_cast %add3A_1131 : i32 to index
      %swap3A_1133 = tpu.vector_load %arg8[%swap3A_1132] {strides = array<i32>} : memref<12288xf32, #tpu.memory_space<vmem>>, vector<16xf32>,
      tpu.vector_store %arg8[%swap3A_1132], %gather3A_1127 {strides = array<i32>} : memref<12288xf32, #tpu.memory_space<vmem>>, vector<16xf32>,
      %add3A_1134 = arith.constant 8 : i32
      %add3A_1135 = vector.broadcast %add3A_1134 : i32 to vector<16xi32>
      %add3A_1136 = arith.addi %iota3A, %add3A_1135 : vector<16xi32>
      %sub3A_1137 = arith.constant 24 : i32
      %sub3A_1138 = vector.broadcast %sub3A_1137 : i32 to vector<16xi32>
      %sub3A_1139 = arith.subi %add3A_1136, %sub3A_1138 : vector<16xi32>
      %shift_right_arithmetic3A_1140 = arith.constant 31 : i32
      %shift_right_arithmetic3A_1141 = vector.broadcast %shift_right_arithmetic3A_1140 : i32 to vector<16xi32>
      %shift_right_arithmetic3A_1142 = arith.shrsi %sub3A_1139, %shift_right_arithmetic3A_1141 : vector<16xi32>
      %add3A_1143 = arith.constant 1 : i32
      %add3A_1144 = vector.broadcast %add3A_1143 : i32 to vector<16xi32>
      %add3A_1145 = arith.addi %add3A_1144, %shift_right_arithmetic3A_1142 : vector<16xi32>
      %mul3A_1146 = arith.constant 16 : i32
      %mul3A_1147 = arith.muli %mul3A_881, %mul3A_1146 : i32
      %add3A_1148 = arith.constant 5 : i32
      %add3A_1149 = arith.addi %mul3A_1147, %add3A_1148 : i32
      %add3A_1150 = vector.broadcast %add3A_1149 : i32 to vector<16xi32>
      %add3A_1151 = arith.addi %add3A_1150, %add3A_1145 : vector<16xi32>
      %gather3A_1152 = tpu.vector_load_idx %arg5[%add3A_1151] : memref<512xi32, #tpu.memory_space<vmem>>[vector<16xi32>], vector<16xi32>,
      %and3A_1153 = arith.constant 127 : i32
      %and3A_1154 = vector.broadcast %and3A_1153 : i32 to vector<16xi32>
      %and3A_1155 = arith.andi %gather3A_1152, %and3A_1154 : vector<16xi32>
      %add3A_1156 = arith.constant 128 : i32
      %add3A_1157 = vector.broadcast %add3A_1156 : i32 to vector<16xi32>
      %add3A_1158 = arith.addi %add3A_1157, %iota3A : vector<16xi32>
      %gather3A_1159 = tpu.vector_load_idx %arg6[%add3A_1158, %and3A_1155] : memref<384x128xf32, #tpu.memory_space<vmem>>[vector<16xi32>, vector<16xi32>], vector<16xf32>,
      %mul3A_1160 = arith.constant 384 : i32
      %mul3A_1161 = arith.muli %mul3A_881, %mul3A_1160 : i32
      %add3A_1162 = arith.constant 128 : i32
      %add3A_1163 = arith.addi %mul3A_1161, %add3A_1162 : i32
      %swap3A_1164 = arith.index_cast %add3A_1163 : i32 to index
      %swap3A_1165 = tpu.vector_load %arg8[%swap3A_1164] {strides = array<i32>} : memref<12288xf32, #tpu.memory_space<vmem>>, vector<16xf32>,
      tpu.vector_store %arg8[%swap3A_1164], %gather3A_1159 {strides = array<i32>} : memref<12288xf32, #tpu.memory_space<vmem>>, vector<16xf32>,
      %add3A_1166 = arith.constant 0 : i32
      %add3A_1167 = vector.broadcast %add3A_1166 : i32 to vector<16xi32>
      %add3A_1168 = arith.addi %iota3A, %add3A_1167 : vector<16xi32>
      %sub3A_1169 = arith.constant 24 : i32
      %sub3A_1170 = vector.broadcast %sub3A_1169 : i32 to vector<16xi32>
      %sub3A_1171 = arith.subi %add3A_1168, %sub3A_1170 : vector<16xi32>
      %shift_right_arithmetic3A_1172 = arith.constant 31 : i32
      %shift_right_arithmetic3A_1173 = vector.broadcast %shift_right_arithmetic3A_1172 : i32 to vector<16xi32>
      %shift_right_arithmetic3A_1174 = arith.shrsi %sub3A_1171, %shift_right_arithmetic3A_1173 : vector<16xi32>
      %add3A_1175 = arith.constant 1 : i32
      %add3A_1176 = vector.broadcast %add3A_1175 : i32 to vector<16xi32>
      %add3A_1177 = arith.addi %add3A_1176, %shift_right_arithmetic3A_1174 : vector<16xi32>
      %mul3A_1178 = arith.constant 16 : i32
      %mul3A_1179 = arith.muli %mul3A_881, %mul3A_1178 : i32
      %add3A_1180 = arith.constant 6 : i32
      %add3A_1181 = arith.addi %mul3A_1179, %add3A_1180 : i32
      %add3A_1182 = vector.broadcast %add3A_1181 : i32 to vector<16xi32>
      %add3A_1183 = arith.addi %add3A_1182, %add3A_1177 : vector<16xi32>
      %gather3A_1184 = tpu.vector_load_idx %arg5[%add3A_1183] : memref<512xi32, #tpu.memory_space<vmem>>[vector<16xi32>], vector<16xi32>,
      %and3A_1185 = arith.constant 127 : i32
      %and3A_1186 = vector.broadcast %and3A_1185 : i32 to vector<16xi32>
      %and3A_1187 = arith.andi %gather3A_1184, %and3A_1186 : vector<16xi32>
      %add3A_1188 = arith.constant 144 : i32
      %add3A_1189 = vector.broadcast %add3A_1188 : i32 to vector<16xi32>
      %add3A_1190 = arith.addi %add3A_1189, %iota3A : vector<16xi32>
      %gather3A_1191 = tpu.vector_load_idx %arg6[%add3A_1190, %and3A_1187] : memref<384x128xf32, #tpu.memory_space<vmem>>[vector<16xi32>, vector<16xi32>], vector<16xf32>,
      %mul3A_1192 = arith.constant 384 : i32
      %mul3A_1193 = arith.muli %mul3A_881, %mul3A_1192 : i32
      %add3A_1194 = arith.constant 144 : i32
      %add3A_1195 = arith.addi %mul3A_1193, %add3A_1194 : i32
      %swap3A_1196 = arith.index_cast %add3A_1195 : i32 to index
      %swap3A_1197 = tpu.vector_load %arg8[%swap3A_1196] {strides = array<i32>} : memref<12288xf32, #tpu.memory_space<vmem>>, vector<16xf32>,
      tpu.vector_store %arg8[%swap3A_1196], %gather3A_1191 {strides = array<i32>} : memref<12288xf32, #tpu.memory_space<vmem>>, vector<16xf32>,
      %add3A_1198 = arith.constant 16 : i32
      %add3A_1199 = vector.broadcast %add3A_1198 : i32 to vector<16xi32>
      %add3A_1200 = arith.addi %iota3A, %add3A_1199 : vector<16xi32>
      %sub3A_1201 = arith.constant 24 : i32
      %sub3A_1202 = vector.broadcast %sub3A_1201 : i32 to vector<16xi32>
      %sub3A_1203 = arith.subi %add3A_1200, %sub3A_1202 : vector<16xi32>
      %shift_right_arithmetic3A_1204 = arith.constant 31 : i32
      %shift_right_arithmetic3A_1205 = vector.broadcast %shift_right_arithmetic3A_1204 : i32 to vector<16xi32>
      %shift_right_arithmetic3A_1206 = arith.shrsi %sub3A_1203, %shift_right_arithmetic3A_1205 : vector<16xi32>
      %add3A_1207 = arith.constant 1 : i32
      %add3A_1208 = vector.broadcast %add3A_1207 : i32 to vector<16xi32>
      %add3A_1209 = arith.addi %add3A_1208, %shift_right_arithmetic3A_1206 : vector<16xi32>
      %mul3A_1210 = arith.constant 16 : i32
      %mul3A_1211 = arith.muli %mul3A_881, %mul3A_1210 : i32
      %add3A_1212 = arith.constant 6 : i32
      %add3A_1213 = arith.addi %mul3A_1211, %add3A_1212 : i32
      %add3A_1214 = vector.broadcast %add3A_1213 : i32 to vector<16xi32>
      %add3A_1215 = arith.addi %add3A_1214, %add3A_1209 : vector<16xi32>
      %gather3A_1216 = tpu.vector_load_idx %arg5[%add3A_1215] : memref<512xi32, #tpu.memory_space<vmem>>[vector<16xi32>], vector<16xi32>,
      %and3A_1217 = arith.constant 127 : i32
      %and3A_1218 = vector.broadcast %and3A_1217 : i32 to vector<16xi32>
      %and3A_1219 = arith.andi %gather3A_1216, %and3A_1218 : vector<16xi32>
      %add3A_1220 = arith.constant 160 : i32
      %add3A_1221 = vector.broadcast %add3A_1220 : i32 to vector<16xi32>
      %add3A_1222 = arith.addi %add3A_1221, %iota3A : vector<16xi32>
      %gather3A_1223 = tpu.vector_load_idx %arg6[%add3A_1222, %and3A_1219] : memref<384x128xf32, #tpu.memory_space<vmem>>[vector<16xi32>, vector<16xi32>], vector<16xf32>,
      %mul3A_1224 = arith.constant 384 : i32
      %mul3A_1225 = arith.muli %mul3A_881, %mul3A_1224 : i32
      %add3A_1226 = arith.constant 160 : i32
      %add3A_1227 = arith.addi %mul3A_1225, %add3A_1226 : i32
      %swap3A_1228 = arith.index_cast %add3A_1227 : i32 to index
      %swap3A_1229 = tpu.vector_load %arg8[%swap3A_1228] {strides = array<i32>} : memref<12288xf32, #tpu.memory_space<vmem>>, vector<16xf32>,
      tpu.vector_store %arg8[%swap3A_1228], %gather3A_1223 {strides = array<i32>} : memref<12288xf32, #tpu.memory_space<vmem>>, vector<16xf32>,
      %add3A_1230 = arith.constant 8 : i32
      %add3A_1231 = vector.broadcast %add3A_1230 : i32 to vector<16xi32>
      %add3A_1232 = arith.addi %iota3A, %add3A_1231 : vector<16xi32>
      %sub3A_1233 = arith.constant 24 : i32
      %sub3A_1234 = vector.broadcast %sub3A_1233 : i32 to vector<16xi32>
      %sub3A_1235 = arith.subi %add3A_1232, %sub3A_1234 : vector<16xi32>
      %shift_right_arithmetic3A_1236 = arith.constant 31 : i32
      %shift_right_arithmetic3A_1237 = vector.broadcast %shift_right_arithmetic3A_1236 : i32 to vector<16xi32>
      %shift_right_arithmetic3A_1238 = arith.shrsi %sub3A_1235, %shift_right_arithmetic3A_1237 : vector<16xi32>
      %add3A_1239 = arith.constant 1 : i32
      %add3A_1240 = vector.broadcast %add3A_1239 : i32 to vector<16xi32>
      %add3A_1241 = arith.addi %add3A_1240, %shift_right_arithmetic3A_1238 : vector<16xi32>
      %mul3A_1242 = arith.constant 16 : i32
      %mul3A_1243 = arith.muli %mul3A_881, %mul3A_1242 : i32
      %add3A_1244 = arith.constant 7 : i32
      %add3A_1245 = arith.addi %mul3A_1243, %add3A_1244 : i32
      %add3A_1246 = vector.broadcast %add3A_1245 : i32 to vector<16xi32>
      %add3A_1247 = arith.addi %add3A_1246, %add3A_1241 : vector<16xi32>
      %gather3A_1248 = tpu.vector_load_idx %arg5[%add3A_1247] : memref<512xi32, #tpu.memory_space<vmem>>[vector<16xi32>], vector<16xi32>,
      %and3A_1249 = arith.constant 127 : i32
      %and3A_1250 = vector.broadcast %and3A_1249 : i32 to vector<16xi32>
      %and3A_1251 = arith.andi %gather3A_1248, %and3A_1250 : vector<16xi32>
      %add3A_1252 = arith.constant 176 : i32
      %add3A_1253 = vector.broadcast %add3A_1252 : i32 to vector<16xi32>
      %add3A_1254 = arith.addi %add3A_1253, %iota3A : vector<16xi32>
      %gather3A_1255 = tpu.vector_load_idx %arg6[%add3A_1254, %and3A_1251] : memref<384x128xf32, #tpu.memory_space<vmem>>[vector<16xi32>, vector<16xi32>], vector<16xf32>,
      %mul3A_1256 = arith.constant 384 : i32
      %mul3A_1257 = arith.muli %mul3A_881, %mul3A_1256 : i32
      %add3A_1258 = arith.constant 176 : i32
      %add3A_1259 = arith.addi %mul3A_1257, %add3A_1258 : i32
      %swap3A_1260 = arith.index_cast %add3A_1259 : i32 to index
      %swap3A_1261 = tpu.vector_load %arg8[%swap3A_1260] {strides = array<i32>} : memref<12288xf32, #tpu.memory_space<vmem>>, vector<16xf32>,
      tpu.vector_store %arg8[%swap3A_1260], %gather3A_1255 {strides = array<i32>} : memref<12288xf32, #tpu.memory_space<vmem>>, vector<16xf32>,
      %add3A_1262 = arith.constant 0 : i32
      %add3A_1263 = vector.broadcast %add3A_1262 : i32 to vector<16xi32>
      %add3A_1264 = arith.addi %iota3A, %add3A_1263 : vector<16xi32>
      %sub3A_1265 = arith.constant 24 : i32
      %sub3A_1266 = vector.broadcast %sub3A_1265 : i32 to vector<16xi32>
      %sub3A_1267 = arith.subi %add3A_1264, %sub3A_1266 : vector<16xi32>
      %shift_right_arithmetic3A_1268 = arith.constant 31 : i32
      %shift_right_arithmetic3A_1269 = vector.broadcast %shift_right_arithmetic3A_1268 : i32 to vector<16xi32>
      %shift_right_arithmetic3A_1270 = arith.shrsi %sub3A_1267, %shift_right_arithmetic3A_1269 : vector<16xi32>
      %add3A_1271 = arith.constant 1 : i32
      %add3A_1272 = vector.broadcast %add3A_1271 : i32 to vector<16xi32>
      %add3A_1273 = arith.addi %add3A_1272, %shift_right_arithmetic3A_1270 : vector<16xi32>
      %mul3A_1274 = arith.constant 16 : i32
      %mul3A_1275 = arith.muli %mul3A_881, %mul3A_1274 : i32
      %add3A_1276 = arith.constant 8 : i32
      %add3A_1277 = arith.addi %mul3A_1275, %add3A_1276 : i32
      %add3A_1278 = vector.broadcast %add3A_1277 : i32 to vector<16xi32>
      %add3A_1279 = arith.addi %add3A_1278, %add3A_1273 : vector<16xi32>
      %gather3A_1280 = tpu.vector_load_idx %arg5[%add3A_1279] : memref<512xi32, #tpu.memory_space<vmem>>[vector<16xi32>], vector<16xi32>,
      %and3A_1281 = arith.constant 127 : i32
      %and3A_1282 = vector.broadcast %and3A_1281 : i32 to vector<16xi32>
      %and3A_1283 = arith.andi %gather3A_1280, %and3A_1282 : vector<16xi32>
      %add3A_1284 = arith.constant 192 : i32
      %add3A_1285 = vector.broadcast %add3A_1284 : i32 to vector<16xi32>
      %add3A_1286 = arith.addi %add3A_1285, %iota3A : vector<16xi32>
      %gather3A_1287 = tpu.vector_load_idx %arg6[%add3A_1286, %and3A_1283] : memref<384x128xf32, #tpu.memory_space<vmem>>[vector<16xi32>, vector<16xi32>], vector<16xf32>,
      %mul3A_1288 = arith.constant 384 : i32
      %mul3A_1289 = arith.muli %mul3A_881, %mul3A_1288 : i32
      %add3A_1290 = arith.constant 192 : i32
      %add3A_1291 = arith.addi %mul3A_1289, %add3A_1290 : i32
      %swap3A_1292 = arith.index_cast %add3A_1291 : i32 to index
      %swap3A_1293 = tpu.vector_load %arg8[%swap3A_1292] {strides = array<i32>} : memref<12288xf32, #tpu.memory_space<vmem>>, vector<16xf32>,
      tpu.vector_store %arg8[%swap3A_1292], %gather3A_1287 {strides = array<i32>} : memref<12288xf32, #tpu.memory_space<vmem>>, vector<16xf32>,
      %add3A_1294 = arith.constant 16 : i32
      %add3A_1295 = vector.broadcast %add3A_1294 : i32 to vector<16xi32>
      %add3A_1296 = arith.addi %iota3A, %add3A_1295 : vector<16xi32>
      %sub3A_1297 = arith.constant 24 : i32
      %sub3A_1298 = vector.broadcast %sub3A_1297 : i32 to vector<16xi32>
      %sub3A_1299 = arith.subi %add3A_1296, %sub3A_1298 : vector<16xi32>
      %shift_right_arithmetic3A_1300 = arith.constant 31 : i32
      %shift_right_arithmetic3A_1301 = vector.broadcast %shift_right_arithmetic3A_1300 : i32 to vector<16xi32>
      %shift_right_arithmetic3A_1302 = arith.shrsi %sub3A_1299, %shift_right_arithmetic3A_1301 : vector<16xi32>
      %add3A_1303 = arith.constant 1 : i32
      %add3A_1304 = vector.broadcast %add3A_1303 : i32 to vector<16xi32>
      %add3A_1305 = arith.addi %add3A_1304, %shift_right_arithmetic3A_1302 : vector<16xi32>
      %mul3A_1306 = arith.constant 16 : i32
      %mul3A_1307 = arith.muli %mul3A_881, %mul3A_1306 : i32
      %add3A_1308 = arith.constant 8 : i32
      %add3A_1309 = arith.addi %mul3A_1307, %add3A_1308 : i32
      %add3A_1310 = vector.broadcast %add3A_1309 : i32 to vector<16xi32>
      %add3A_1311 = arith.addi %add3A_1310, %add3A_1305 : vector<16xi32>
      %gather3A_1312 = tpu.vector_load_idx %arg5[%add3A_1311] : memref<512xi32, #tpu.memory_space<vmem>>[vector<16xi32>], vector<16xi32>,
      %and3A_1313 = arith.constant 127 : i32
      %and3A_1314 = vector.broadcast %and3A_1313 : i32 to vector<16xi32>
      %and3A_1315 = arith.andi %gather3A_1312, %and3A_1314 : vector<16xi32>
      %add3A_1316 = arith.constant 208 : i32
      %add3A_1317 = vector.broadcast %add3A_1316 : i32 to vector<16xi32>
      %add3A_1318 = arith.addi %add3A_1317, %iota3A : vector<16xi32>
      %gather3A_1319 = tpu.vector_load_idx %arg6[%add3A_1318, %and3A_1315] : memref<384x128xf32, #tpu.memory_space<vmem>>[vector<16xi32>, vector<16xi32>], vector<16xf32>,
      %mul3A_1320 = arith.constant 384 : i32
      %mul3A_1321 = arith.muli %mul3A_881, %mul3A_1320 : i32
      %add3A_1322 = arith.constant 208 : i32
      %add3A_1323 = arith.addi %mul3A_1321, %add3A_1322 : i32
      %swap3A_1324 = arith.index_cast %add3A_1323 : i32 to index
      %swap3A_1325 = tpu.vector_load %arg8[%swap3A_1324] {strides = array<i32>} : memref<12288xf32, #tpu.memory_space<vmem>>, vector<16xf32>,
      tpu.vector_store %arg8[%swap3A_1324], %gather3A_1319 {strides = array<i32>} : memref<12288xf32, #tpu.memory_space<vmem>>, vector<16xf32>,
      %add3A_1326 = arith.constant 8 : i32
      %add3A_1327 = vector.broadcast %add3A_1326 : i32 to vector<16xi32>
      %add3A_1328 = arith.addi %iota3A, %add3A_1327 : vector<16xi32>
      %sub3A_1329 = arith.constant 24 : i32
      %sub3A_1330 = vector.broadcast %sub3A_1329 : i32 to vector<16xi32>
      %sub3A_1331 = arith.subi %add3A_1328, %sub3A_1330 : vector<16xi32>
      %shift_right_arithmetic3A_1332 = arith.constant 31 : i32
      %shift_right_arithmetic3A_1333 = vector.broadcast %shift_right_arithmetic3A_1332 : i32 to vector<16xi32>
      %shift_right_arithmetic3A_1334 = arith.shrsi %sub3A_1331, %shift_right_arithmetic3A_1333 : vector<16xi32>
      %add3A_1335 = arith.constant 1 : i32
      %add3A_1336 = vector.broadcast %add3A_1335 : i32 to vector<16xi32>
      %add3A_1337 = arith.addi %add3A_1336, %shift_right_arithmetic3A_1334 : vector<16xi32>
      %mul3A_1338 = arith.constant 16 : i32
      %mul3A_1339 = arith.muli %mul3A_881, %mul3A_1338 : i32
      %add3A_1340 = arith.constant 9 : i32
      %add3A_1341 = arith.addi %mul3A_1339, %add3A_1340 : i32
      %add3A_1342 = vector.broadcast %add3A_1341 : i32 to vector<16xi32>
      %add3A_1343 = arith.addi %add3A_1342, %add3A_1337 : vector<16xi32>
      %gather3A_1344 = tpu.vector_load_idx %arg5[%add3A_1343] : memref<512xi32, #tpu.memory_space<vmem>>[vector<16xi32>], vector<16xi32>,
      %and3A_1345 = arith.constant 127 : i32
      %and3A_1346 = vector.broadcast %and3A_1345 : i32 to vector<16xi32>
      %and3A_1347 = arith.andi %gather3A_1344, %and3A_1346 : vector<16xi32>
      %add3A_1348 = arith.constant 224 : i32
      %add3A_1349 = vector.broadcast %add3A_1348 : i32 to vector<16xi32>
      %add3A_1350 = arith.addi %add3A_1349, %iota3A : vector<16xi32>
      %gather3A_1351 = tpu.vector_load_idx %arg6[%add3A_1350, %and3A_1347] : memref<384x128xf32, #tpu.memory_space<vmem>>[vector<16xi32>, vector<16xi32>], vector<16xf32>,
      %mul3A_1352 = arith.constant 384 : i32
      %mul3A_1353 = arith.muli %mul3A_881, %mul3A_1352 : i32
      %add3A_1354 = arith.constant 224 : i32
      %add3A_1355 = arith.addi %mul3A_1353, %add3A_1354 : i32
      %swap3A_1356 = arith.index_cast %add3A_1355 : i32 to index
      %swap3A_1357 = tpu.vector_load %arg8[%swap3A_1356] {strides = array<i32>} : memref<12288xf32, #tpu.memory_space<vmem>>, vector<16xf32>,
      tpu.vector_store %arg8[%swap3A_1356], %gather3A_1351 {strides = array<i32>} : memref<12288xf32, #tpu.memory_space<vmem>>, vector<16xf32>,
      %add3A_1358 = arith.constant 0 : i32
      %add3A_1359 = vector.broadcast %add3A_1358 : i32 to vector<16xi32>
      %add3A_1360 = arith.addi %iota3A, %add3A_1359 : vector<16xi32>
      %sub3A_1361 = arith.constant 24 : i32
      %sub3A_1362 = vector.broadcast %sub3A_1361 : i32 to vector<16xi32>
      %sub3A_1363 = arith.subi %add3A_1360, %sub3A_1362 : vector<16xi32>
      %shift_right_arithmetic3A_1364 = arith.constant 31 : i32
      %shift_right_arithmetic3A_1365 = vector.broadcast %shift_right_arithmetic3A_1364 : i32 to vector<16xi32>
      %shift_right_arithmetic3A_1366 = arith.shrsi %sub3A_1363, %shift_right_arithmetic3A_1365 : vector<16xi32>
      %add3A_1367 = arith.constant 1 : i32
      %add3A_1368 = vector.broadcast %add3A_1367 : i32 to vector<16xi32>
      %add3A_1369 = arith.addi %add3A_1368, %shift_right_arithmetic3A_1366 : vector<16xi32>
      %mul3A_1370 = arith.constant 16 : i32
      %mul3A_1371 = arith.muli %mul3A_881, %mul3A_1370 : i32
      %add3A_1372 = arith.constant 10 : i32
      %add3A_1373 = arith.addi %mul3A_1371, %add3A_1372 : i32
      %add3A_1374 = vector.broadcast %add3A_1373 : i32 to vector<16xi32>
      %add3A_1375 = arith.addi %add3A_1374, %add3A_1369 : vector<16xi32>
      %gather3A_1376 = tpu.vector_load_idx %arg5[%add3A_1375] : memref<512xi32, #tpu.memory_space<vmem>>[vector<16xi32>], vector<16xi32>,
      %and3A_1377 = arith.constant 127 : i32
      %and3A_1378 = vector.broadcast %and3A_1377 : i32 to vector<16xi32>
      %and3A_1379 = arith.andi %gather3A_1376, %and3A_1378 : vector<16xi32>
      %add3A_1380 = arith.constant 240 : i32
      %add3A_1381 = vector.broadcast %add3A_1380 : i32 to vector<16xi32>
      %add3A_1382 = arith.addi %add3A_1381, %iota3A : vector<16xi32>
      %gather3A_1383 = tpu.vector_load_idx %arg6[%add3A_1382, %and3A_1379] : memref<384x128xf32, #tpu.memory_space<vmem>>[vector<16xi32>, vector<16xi32>], vector<16xf32>,
      %mul3A_1384 = arith.constant 384 : i32
      %mul3A_1385 = arith.muli %mul3A_881, %mul3A_1384 : i32
      %add3A_1386 = arith.constant 240 : i32
      %add3A_1387 = arith.addi %mul3A_1385, %add3A_1386 : i32
      %swap3A_1388 = arith.index_cast %add3A_1387 : i32 to index
      %swap3A_1389 = tpu.vector_load %arg8[%swap3A_1388] {strides = array<i32>} : memref<12288xf32, #tpu.memory_space<vmem>>, vector<16xf32>,
      tpu.vector_store %arg8[%swap3A_1388], %gather3A_1383 {strides = array<i32>} : memref<12288xf32, #tpu.memory_space<vmem>>, vector<16xf32>,
      %add3A_1390 = arith.constant 16 : i32
      %add3A_1391 = vector.broadcast %add3A_1390 : i32 to vector<16xi32>
      %add3A_1392 = arith.addi %iota3A, %add3A_1391 : vector<16xi32>
      %sub3A_1393 = arith.constant 24 : i32
      %sub3A_1394 = vector.broadcast %sub3A_1393 : i32 to vector<16xi32>
      %sub3A_1395 = arith.subi %add3A_1392, %sub3A_1394 : vector<16xi32>
      %shift_right_arithmetic3A_1396 = arith.constant 31 : i32
      %shift_right_arithmetic3A_1397 = vector.broadcast %shift_right_arithmetic3A_1396 : i32 to vector<16xi32>
      %shift_right_arithmetic3A_1398 = arith.shrsi %sub3A_1395, %shift_right_arithmetic3A_1397 : vector<16xi32>
      %add3A_1399 = arith.constant 1 : i32
      %add3A_1400 = vector.broadcast %add3A_1399 : i32 to vector<16xi32>
      %add3A_1401 = arith.addi %add3A_1400, %shift_right_arithmetic3A_1398 : vector<16xi32>
      %mul3A_1402 = arith.constant 16 : i32
      %mul3A_1403 = arith.muli %mul3A_881, %mul3A_1402 : i32
      %add3A_1404 = arith.constant 10 : i32
      %add3A_1405 = arith.addi %mul3A_1403, %add3A_1404 : i32
      %add3A_1406 = vector.broadcast %add3A_1405 : i32 to vector<16xi32>
      %add3A_1407 = arith.addi %add3A_1406, %add3A_1401 : vector<16xi32>
      %gather3A_1408 = tpu.vector_load_idx %arg5[%add3A_1407] : memref<512xi32, #tpu.memory_space<vmem>>[vector<16xi32>], vector<16xi32>,
      %and3A_1409 = arith.constant 127 : i32
      %and3A_1410 = vector.broadcast %and3A_1409 : i32 to vector<16xi32>
      %and3A_1411 = arith.andi %gather3A_1408, %and3A_1410 : vector<16xi32>
      %add3A_1412 = arith.constant 256 : i32
      %add3A_1413 = vector.broadcast %add3A_1412 : i32 to vector<16xi32>
      %add3A_1414 = arith.addi %add3A_1413, %iota3A : vector<16xi32>
      %gather3A_1415 = tpu.vector_load_idx %arg6[%add3A_1414, %and3A_1411] : memref<384x128xf32, #tpu.memory_space<vmem>>[vector<16xi32>, vector<16xi32>], vector<16xf32>,
      %mul3A_1416 = arith.constant 384 : i32
      %mul3A_1417 = arith.muli %mul3A_881, %mul3A_1416 : i32
      %add3A_1418 = arith.constant 256 : i32
      %add3A_1419 = arith.addi %mul3A_1417, %add3A_1418 : i32
      %swap3A_1420 = arith.index_cast %add3A_1419 : i32 to index
      %swap3A_1421 = tpu.vector_load %arg8[%swap3A_1420] {strides = array<i32>} : memref<12288xf32, #tpu.memory_space<vmem>>, vector<16xf32>,
      tpu.vector_store %arg8[%swap3A_1420], %gather3A_1415 {strides = array<i32>} : memref<12288xf32, #tpu.memory_space<vmem>>, vector<16xf32>,
      %add3A_1422 = arith.constant 8 : i32
      %add3A_1423 = vector.broadcast %add3A_1422 : i32 to vector<16xi32>
      %add3A_1424 = arith.addi %iota3A, %add3A_1423 : vector<16xi32>
      %sub3A_1425 = arith.constant 24 : i32
      %sub3A_1426 = vector.broadcast %sub3A_1425 : i32 to vector<16xi32>
      %sub3A_1427 = arith.subi %add3A_1424, %sub3A_1426 : vector<16xi32>
      %shift_right_arithmetic3A_1428 = arith.constant 31 : i32
      %shift_right_arithmetic3A_1429 = vector.broadcast %shift_right_arithmetic3A_1428 : i32 to vector<16xi32>
      %shift_right_arithmetic3A_1430 = arith.shrsi %sub3A_1427, %shift_right_arithmetic3A_1429 : vector<16xi32>
      %add3A_1431 = arith.constant 1 : i32
      %add3A_1432 = vector.broadcast %add3A_1431 : i32 to vector<16xi32>
      %add3A_1433 = arith.addi %add3A_1432, %shift_right_arithmetic3A_1430 : vector<16xi32>
      %mul3A_1434 = arith.constant 16 : i32
      %mul3A_1435 = arith.muli %mul3A_881, %mul3A_1434 : i32
      %add3A_1436 = arith.constant 11 : i32
      %add3A_1437 = arith.addi %mul3A_1435, %add3A_1436 : i32
      %add3A_1438 = vector.broadcast %add3A_1437 : i32 to vector<16xi32>
      %add3A_1439 = arith.addi %add3A_1438, %add3A_1433 : vector<16xi32>
      %gather3A_1440 = tpu.vector_load_idx %arg5[%add3A_1439] : memref<512xi32, #tpu.memory_space<vmem>>[vector<16xi32>], vector<16xi32>,
      %and3A_1441 = arith.constant 127 : i32
      %and3A_1442 = vector.broadcast %and3A_1441 : i32 to vector<16xi32>
      %and3A_1443 = arith.andi %gather3A_1440, %and3A_1442 : vector<16xi32>
      %add3A_1444 = arith.constant 272 : i32
      %add3A_1445 = vector.broadcast %add3A_1444 : i32 to vector<16xi32>
      %add3A_1446 = arith.addi %add3A_1445, %iota3A : vector<16xi32>
      %gather3A_1447 = tpu.vector_load_idx %arg6[%add3A_1446, %and3A_1443] : memref<384x128xf32, #tpu.memory_space<vmem>>[vector<16xi32>, vector<16xi32>], vector<16xf32>,
      %mul3A_1448 = arith.constant 384 : i32
      %mul3A_1449 = arith.muli %mul3A_881, %mul3A_1448 : i32
      %add3A_1450 = arith.constant 272 : i32
      %add3A_1451 = arith.addi %mul3A_1449, %add3A_1450 : i32
      %swap3A_1452 = arith.index_cast %add3A_1451 : i32 to index
      %swap3A_1453 = tpu.vector_load %arg8[%swap3A_1452] {strides = array<i32>} : memref<12288xf32, #tpu.memory_space<vmem>>, vector<16xf32>,
      tpu.vector_store %arg8[%swap3A_1452], %gather3A_1447 {strides = array<i32>} : memref<12288xf32, #tpu.memory_space<vmem>>, vector<16xf32>,
      %add3A_1454 = arith.constant 0 : i32
      %add3A_1455 = vector.broadcast %add3A_1454 : i32 to vector<16xi32>
      %add3A_1456 = arith.addi %iota3A, %add3A_1455 : vector<16xi32>
      %sub3A_1457 = arith.constant 24 : i32
      %sub3A_1458 = vector.broadcast %sub3A_1457 : i32 to vector<16xi32>
      %sub3A_1459 = arith.subi %add3A_1456, %sub3A_1458 : vector<16xi32>
      %shift_right_arithmetic3A_1460 = arith.constant 31 : i32
      %shift_right_arithmetic3A_1461 = vector.broadcast %shift_right_arithmetic3A_1460 : i32 to vector<16xi32>
      %shift_right_arithmetic3A_1462 = arith.shrsi %sub3A_1459, %shift_right_arithmetic3A_1461 : vector<16xi32>
      %add3A_1463 = arith.constant 1 : i32
      %add3A_1464 = vector.broadcast %add3A_1463 : i32 to vector<16xi32>
      %add3A_1465 = arith.addi %add3A_1464, %shift_right_arithmetic3A_1462 : vector<16xi32>
      %mul3A_1466 = arith.constant 16 : i32
      %mul3A_1467 = arith.muli %mul3A_881, %mul3A_1466 : i32
      %add3A_1468 = arith.constant 12 : i32
      %add3A_1469 = arith.addi %mul3A_1467, %add3A_1468 : i32
      %add3A_1470 = vector.broadcast %add3A_1469 : i32 to vector<16xi32>
      %add3A_1471 = arith.addi %add3A_1470, %add3A_1465 : vector<16xi32>
      %gather3A_1472 = tpu.vector_load_idx %arg5[%add3A_1471] : memref<512xi32, #tpu.memory_space<vmem>>[vector<16xi32>], vector<16xi32>,
      %and3A_1473 = arith.constant 127 : i32
      %and3A_1474 = vector.broadcast %and3A_1473 : i32 to vector<16xi32>
      %and3A_1475 = arith.andi %gather3A_1472, %and3A_1474 : vector<16xi32>
      %add3A_1476 = arith.constant 288 : i32
      %add3A_1477 = vector.broadcast %add3A_1476 : i32 to vector<16xi32>
      %add3A_1478 = arith.addi %add3A_1477, %iota3A : vector<16xi32>
      %gather3A_1479 = tpu.vector_load_idx %arg6[%add3A_1478, %and3A_1475] : memref<384x128xf32, #tpu.memory_space<vmem>>[vector<16xi32>, vector<16xi32>], vector<16xf32>,
      %mul3A_1480 = arith.constant 384 : i32
      %mul3A_1481 = arith.muli %mul3A_881, %mul3A_1480 : i32
      %add3A_1482 = arith.constant 288 : i32
      %add3A_1483 = arith.addi %mul3A_1481, %add3A_1482 : i32
      %swap3A_1484 = arith.index_cast %add3A_1483 : i32 to index
      %swap3A_1485 = tpu.vector_load %arg8[%swap3A_1484] {strides = array<i32>} : memref<12288xf32, #tpu.memory_space<vmem>>, vector<16xf32>,
      tpu.vector_store %arg8[%swap3A_1484], %gather3A_1479 {strides = array<i32>} : memref<12288xf32, #tpu.memory_space<vmem>>, vector<16xf32>,
      %add3A_1486 = arith.constant 16 : i32
      %add3A_1487 = vector.broadcast %add3A_1486 : i32 to vector<16xi32>
      %add3A_1488 = arith.addi %iota3A, %add3A_1487 : vector<16xi32>
      %sub3A_1489 = arith.constant 24 : i32
      %sub3A_1490 = vector.broadcast %sub3A_1489 : i32 to vector<16xi32>
      %sub3A_1491 = arith.subi %add3A_1488, %sub3A_1490 : vector<16xi32>
      %shift_right_arithmetic3A_1492 = arith.constant 31 : i32
      %shift_right_arithmetic3A_1493 = vector.broadcast %shift_right_arithmetic3A_1492 : i32 to vector<16xi32>
      %shift_right_arithmetic3A_1494 = arith.shrsi %sub3A_1491, %shift_right_arithmetic3A_1493 : vector<16xi32>
      %add3A_1495 = arith.constant 1 : i32
      %add3A_1496 = vector.broadcast %add3A_1495 : i32 to vector<16xi32>
      %add3A_1497 = arith.addi %add3A_1496, %shift_right_arithmetic3A_1494 : vector<16xi32>
      %mul3A_1498 = arith.constant 16 : i32
      %mul3A_1499 = arith.muli %mul3A_881, %mul3A_1498 : i32
      %add3A_1500 = arith.constant 12 : i32
      %add3A_1501 = arith.addi %mul3A_1499, %add3A_1500 : i32
      %add3A_1502 = vector.broadcast %add3A_1501 : i32 to vector<16xi32>
      %add3A_1503 = arith.addi %add3A_1502, %add3A_1497 : vector<16xi32>
      %gather3A_1504 = tpu.vector_load_idx %arg5[%add3A_1503] : memref<512xi32, #tpu.memory_space<vmem>>[vector<16xi32>], vector<16xi32>,
      %and3A_1505 = arith.constant 127 : i32
      %and3A_1506 = vector.broadcast %and3A_1505 : i32 to vector<16xi32>
      %and3A_1507 = arith.andi %gather3A_1504, %and3A_1506 : vector<16xi32>
      %add3A_1508 = arith.constant 304 : i32
      %add3A_1509 = vector.broadcast %add3A_1508 : i32 to vector<16xi32>
      %add3A_1510 = arith.addi %add3A_1509, %iota3A : vector<16xi32>
      %gather3A_1511 = tpu.vector_load_idx %arg6[%add3A_1510, %and3A_1507] : memref<384x128xf32, #tpu.memory_space<vmem>>[vector<16xi32>, vector<16xi32>], vector<16xf32>,
      %mul3A_1512 = arith.constant 384 : i32
      %mul3A_1513 = arith.muli %mul3A_881, %mul3A_1512 : i32
      %add3A_1514 = arith.constant 304 : i32
      %add3A_1515 = arith.addi %mul3A_1513, %add3A_1514 : i32
      %swap3A_1516 = arith.index_cast %add3A_1515 : i32 to index
      %swap3A_1517 = tpu.vector_load %arg8[%swap3A_1516] {strides = array<i32>} : memref<12288xf32, #tpu.memory_space<vmem>>, vector<16xf32>,
      tpu.vector_store %arg8[%swap3A_1516], %gather3A_1511 {strides = array<i32>} : memref<12288xf32, #tpu.memory_space<vmem>>, vector<16xf32>,
      %add3A_1518 = arith.constant 8 : i32
      %add3A_1519 = vector.broadcast %add3A_1518 : i32 to vector<16xi32>
      %add3A_1520 = arith.addi %iota3A, %add3A_1519 : vector<16xi32>
      %sub3A_1521 = arith.constant 24 : i32
      %sub3A_1522 = vector.broadcast %sub3A_1521 : i32 to vector<16xi32>
      %sub3A_1523 = arith.subi %add3A_1520, %sub3A_1522 : vector<16xi32>
      %shift_right_arithmetic3A_1524 = arith.constant 31 : i32
      %shift_right_arithmetic3A_1525 = vector.broadcast %shift_right_arithmetic3A_1524 : i32 to vector<16xi32>
      %shift_right_arithmetic3A_1526 = arith.shrsi %sub3A_1523, %shift_right_arithmetic3A_1525 : vector<16xi32>
      %add3A_1527 = arith.constant 1 : i32
      %add3A_1528 = vector.broadcast %add3A_1527 : i32 to vector<16xi32>
      %add3A_1529 = arith.addi %add3A_1528, %shift_right_arithmetic3A_1526 : vector<16xi32>
      %mul3A_1530 = arith.constant 16 : i32
      %mul3A_1531 = arith.muli %mul3A_881, %mul3A_1530 : i32
      %add3A_1532 = arith.constant 13 : i32
      %add3A_1533 = arith.addi %mul3A_1531, %add3A_1532 : i32
      %add3A_1534 = vector.broadcast %add3A_1533 : i32 to vector<16xi32>
      %add3A_1535 = arith.addi %add3A_1534, %add3A_1529 : vector<16xi32>
      %gather3A_1536 = tpu.vector_load_idx %arg5[%add3A_1535] : memref<512xi32, #tpu.memory_space<vmem>>[vector<16xi32>], vector<16xi32>,
      %and3A_1537 = arith.constant 127 : i32
      %and3A_1538 = vector.broadcast %and3A_1537 : i32 to vector<16xi32>
      %and3A_1539 = arith.andi %gather3A_1536, %and3A_1538 : vector<16xi32>
      %add3A_1540 = arith.constant 320 : i32
      %add3A_1541 = vector.broadcast %add3A_1540 : i32 to vector<16xi32>
      %add3A_1542 = arith.addi %add3A_1541, %iota3A : vector<16xi32>
      %gather3A_1543 = tpu.vector_load_idx %arg6[%add3A_1542, %and3A_1539] : memref<384x128xf32, #tpu.memory_space<vmem>>[vector<16xi32>, vector<16xi32>], vector<16xf32>,
      %mul3A_1544 = arith.constant 384 : i32
      %mul3A_1545 = arith.muli %mul3A_881, %mul3A_1544 : i32
      %add3A_1546 = arith.constant 320 : i32
      %add3A_1547 = arith.addi %mul3A_1545, %add3A_1546 : i32
      %swap3A_1548 = arith.index_cast %add3A_1547 : i32 to index
      %swap3A_1549 = tpu.vector_load %arg8[%swap3A_1548] {strides = array<i32>} : memref<12288xf32, #tpu.memory_space<vmem>>, vector<16xf32>,
      tpu.vector_store %arg8[%swap3A_1548], %gather3A_1543 {strides = array<i32>} : memref<12288xf32, #tpu.memory_space<vmem>>, vector<16xf32>,
      %add3A_1550 = arith.constant 0 : i32
      %add3A_1551 = vector.broadcast %add3A_1550 : i32 to vector<16xi32>
      %add3A_1552 = arith.addi %iota3A, %add3A_1551 : vector<16xi32>
      %sub3A_1553 = arith.constant 24 : i32
      %sub3A_1554 = vector.broadcast %sub3A_1553 : i32 to vector<16xi32>
      %sub3A_1555 = arith.subi %add3A_1552, %sub3A_1554 : vector<16xi32>
      %shift_right_arithmetic3A_1556 = arith.constant 31 : i32
      %shift_right_arithmetic3A_1557 = vector.broadcast %shift_right_arithmetic3A_1556 : i32 to vector<16xi32>
      %shift_right_arithmetic3A_1558 = arith.shrsi %sub3A_1555, %shift_right_arithmetic3A_1557 : vector<16xi32>
      %add3A_1559 = arith.constant 1 : i32
      %add3A_1560 = vector.broadcast %add3A_1559 : i32 to vector<16xi32>
      %add3A_1561 = arith.addi %add3A_1560, %shift_right_arithmetic3A_1558 : vector<16xi32>
      %mul3A_1562 = arith.constant 16 : i32
      %mul3A_1563 = arith.muli %mul3A_881, %mul3A_1562 : i32
      %add3A_1564 = arith.constant 14 : i32
      %add3A_1565 = arith.addi %mul3A_1563, %add3A_1564 : i32
      %add3A_1566 = vector.broadcast %add3A_1565 : i32 to vector<16xi32>
      %add3A_1567 = arith.addi %add3A_1566, %add3A_1561 : vector<16xi32>
      %gather3A_1568 = tpu.vector_load_idx %arg5[%add3A_1567] : memref<512xi32, #tpu.memory_space<vmem>>[vector<16xi32>], vector<16xi32>,
      %and3A_1569 = arith.constant 127 : i32
      %and3A_1570 = vector.broadcast %and3A_1569 : i32 to vector<16xi32>
      %and3A_1571 = arith.andi %gather3A_1568, %and3A_1570 : vector<16xi32>
      %add3A_1572 = arith.constant 336 : i32
      %add3A_1573 = vector.broadcast %add3A_1572 : i32 to vector<16xi32>
      %add3A_1574 = arith.addi %add3A_1573, %iota3A : vector<16xi32>
      %gather3A_1575 = tpu.vector_load_idx %arg6[%add3A_1574, %and3A_1571] : memref<384x128xf32, #tpu.memory_space<vmem>>[vector<16xi32>, vector<16xi32>], vector<16xf32>,
      %mul3A_1576 = arith.constant 384 : i32
      %mul3A_1577 = arith.muli %mul3A_881, %mul3A_1576 : i32
      %add3A_1578 = arith.constant 336 : i32
      %add3A_1579 = arith.addi %mul3A_1577, %add3A_1578 : i32
      %swap3A_1580 = arith.index_cast %add3A_1579 : i32 to index
      %swap3A_1581 = tpu.vector_load %arg8[%swap3A_1580] {strides = array<i32>} : memref<12288xf32, #tpu.memory_space<vmem>>, vector<16xf32>,
      tpu.vector_store %arg8[%swap3A_1580], %gather3A_1575 {strides = array<i32>} : memref<12288xf32, #tpu.memory_space<vmem>>, vector<16xf32>,
      %add3A_1582 = arith.constant 16 : i32
      %add3A_1583 = vector.broadcast %add3A_1582 : i32 to vector<16xi32>
      %add3A_1584 = arith.addi %iota3A, %add3A_1583 : vector<16xi32>
      %sub3A_1585 = arith.constant 24 : i32
      %sub3A_1586 = vector.broadcast %sub3A_1585 : i32 to vector<16xi32>
      %sub3A_1587 = arith.subi %add3A_1584, %sub3A_1586 : vector<16xi32>
      %shift_right_arithmetic3A_1588 = arith.constant 31 : i32
      %shift_right_arithmetic3A_1589 = vector.broadcast %shift_right_arithmetic3A_1588 : i32 to vector<16xi32>
      %shift_right_arithmetic3A_1590 = arith.shrsi %sub3A_1587, %shift_right_arithmetic3A_1589 : vector<16xi32>
      %add3A_1591 = arith.constant 1 : i32
      %add3A_1592 = vector.broadcast %add3A_1591 : i32 to vector<16xi32>
      %add3A_1593 = arith.addi %add3A_1592, %shift_right_arithmetic3A_1590 : vector<16xi32>
      %mul3A_1594 = arith.constant 16 : i32
      %mul3A_1595 = arith.muli %mul3A_881, %mul3A_1594 : i32
      %add3A_1596 = arith.constant 14 : i32
      %add3A_1597 = arith.addi %mul3A_1595, %add3A_1596 : i32
      %add3A_1598 = vector.broadcast %add3A_1597 : i32 to vector<16xi32>
      %add3A_1599 = arith.addi %add3A_1598, %add3A_1593 : vector<16xi32>
      %gather3A_1600 = tpu.vector_load_idx %arg5[%add3A_1599] : memref<512xi32, #tpu.memory_space<vmem>>[vector<16xi32>], vector<16xi32>,
      %and3A_1601 = arith.constant 127 : i32
      %and3A_1602 = vector.broadcast %and3A_1601 : i32 to vector<16xi32>
      %and3A_1603 = arith.andi %gather3A_1600, %and3A_1602 : vector<16xi32>
      %add3A_1604 = arith.constant 352 : i32
      %add3A_1605 = vector.broadcast %add3A_1604 : i32 to vector<16xi32>
      %add3A_1606 = arith.addi %add3A_1605, %iota3A : vector<16xi32>
      %gather3A_1607 = tpu.vector_load_idx %arg6[%add3A_1606, %and3A_1603] : memref<384x128xf32, #tpu.memory_space<vmem>>[vector<16xi32>, vector<16xi32>], vector<16xf32>,
      %mul3A_1608 = arith.constant 384 : i32
      %mul3A_1609 = arith.muli %mul3A_881, %mul3A_1608 : i32
      %add3A_1610 = arith.constant 352 : i32
      %add3A_1611 = arith.addi %mul3A_1609, %add3A_1610 : i32
      %swap3A_1612 = arith.index_cast %add3A_1611 : i32 to index
      %swap3A_1613 = tpu.vector_load %arg8[%swap3A_1612] {strides = array<i32>} : memref<12288xf32, #tpu.memory_space<vmem>>, vector<16xf32>,
      tpu.vector_store %arg8[%swap3A_1612], %gather3A_1607 {strides = array<i32>} : memref<12288xf32, #tpu.memory_space<vmem>>, vector<16xf32>,
      %add3A_1614 = arith.constant 8 : i32
      %add3A_1615 = vector.broadcast %add3A_1614 : i32 to vector<16xi32>
      %add3A_1616 = arith.addi %iota3A, %add3A_1615 : vector<16xi32>
      %sub3A_1617 = arith.constant 24 : i32
      %sub3A_1618 = vector.broadcast %sub3A_1617 : i32 to vector<16xi32>
      %sub3A_1619 = arith.subi %add3A_1616, %sub3A_1618 : vector<16xi32>
      %shift_right_arithmetic3A_1620 = arith.constant 31 : i32
      %shift_right_arithmetic3A_1621 = vector.broadcast %shift_right_arithmetic3A_1620 : i32 to vector<16xi32>
      %shift_right_arithmetic3A_1622 = arith.shrsi %sub3A_1619, %shift_right_arithmetic3A_1621 : vector<16xi32>
      %add3A_1623 = arith.constant 1 : i32
      %add3A_1624 = vector.broadcast %add3A_1623 : i32 to vector<16xi32>
      %add3A_1625 = arith.addi %add3A_1624, %shift_right_arithmetic3A_1622 : vector<16xi32>
      %mul3A_1626 = arith.constant 16 : i32
      %mul3A_1627 = arith.muli %mul3A_881, %mul3A_1626 : i32
      %add3A_1628 = arith.constant 15 : i32
      %add3A_1629 = arith.addi %mul3A_1627, %add3A_1628 : i32
      %add3A_1630 = vector.broadcast %add3A_1629 : i32 to vector<16xi32>
      %add3A_1631 = arith.addi %add3A_1630, %add3A_1625 : vector<16xi32>
      %gather3A_1632 = tpu.vector_load_idx %arg5[%add3A_1631] : memref<512xi32, #tpu.memory_space<vmem>>[vector<16xi32>], vector<16xi32>,
      %and3A_1633 = arith.constant 127 : i32
      %and3A_1634 = vector.broadcast %and3A_1633 : i32 to vector<16xi32>
      %and3A_1635 = arith.andi %gather3A_1632, %and3A_1634 : vector<16xi32>
      %add3A_1636 = arith.constant 368 : i32
      %add3A_1637 = vector.broadcast %add3A_1636 : i32 to vector<16xi32>
      %add3A_1638 = arith.addi %add3A_1637, %iota3A : vector<16xi32>
      %gather3A_1639 = tpu.vector_load_idx %arg6[%add3A_1638, %and3A_1635] : memref<384x128xf32, #tpu.memory_space<vmem>>[vector<16xi32>, vector<16xi32>], vector<16xf32>,
      %mul3A_1640 = arith.constant 384 : i32
      %mul3A_1641 = arith.muli %mul3A_881, %mul3A_1640 : i32
      %add3A_1642 = arith.constant 368 : i32
      %add3A_1643 = arith.addi %mul3A_1641, %add3A_1642 : i32
      %swap3A_1644 = arith.index_cast %add3A_1643 : i32 to index
      %swap3A_1645 = tpu.vector_load %arg8[%swap3A_1644] {strides = array<i32>} : memref<12288xf32, #tpu.memory_space<vmem>>, vector<16xf32>,
      tpu.vector_store %arg8[%swap3A_1644], %gather3A_1639 {strides = array<i32>} : memref<12288xf32, #tpu.memory_space<vmem>>, vector<16xf32>,
      %mul3A_1646 = arith.constant 2 : i32
      %mul3A_1647 = arith.muli %mul3A_1646, %scan3A_438 : i32
      %add3A_1648 = arith.constant 2 : i32
      %add3A_1649 = arith.addi %mul3A_1647, %add3A_1648 : i32
      %jit3A = arith.constant 32 : i32
      %eq3A = arith.constant 0 : i32
      %eq3A_1650 = arith.cmpi eq, %jit3A, %eq3A : i32
      %jit3A_1651 = arith.constant 1 : i32
      %select_n3A = arith.select %eq3A_1650, %jit3A_1651, %jit3A : i32
      %rem3A = arith.remsi %add3A_1649, %select_n3A : i32
      %ne3A = arith.constant 0 : i32
      %ne3A_1652 = arith.cmpi ne, %rem3A, %ne3A : i32
      %lt3A = arith.constant 0 : i32
      %lt3A_1653 = arith.cmpi slt, %rem3A, %lt3A : i32
      %lt3A_1654 = arith.constant 0 : i32
      %lt3A_1655 = arith.cmpi slt, %select_n3A, %lt3A_1654 : i32
      %ne3A_1656 = arith.xori %lt3A_1653, %lt3A_1655 : i1
      %and3A_1657 = arith.andi %ne3A_1656, %ne3A_1652 : i1
      %add3A_1658 = arith.addi %rem3A, %select_n3A : i32
      %select_n3A_1659 = arith.select %and3A_1657, %add3A_1658, %rem3A : i32
      %mul3A_1660 = arith.constant 16 : i32
      %mul3A_1661 = arith.muli %select_n3A_1659, %mul3A_1660 : i32
      %get3A_1662 = arith.index_cast %mul3A_1661 : i32 to index
      %get3A_1663 = tpu.vector_load %arg5[%get3A_1662] {strides = array<i32>} : memref<512xi32, #tpu.memory_space<vmem>>, vector<16xi32>,
      %slice3A_1664 = vector.extract_strided_slice %get3A_1663 {offsets = [0], sizes = [1], strides = [1]} : vector<16xi32> to vector<1xi32>
      %squeeze3A_1665 = vector.extract %slice3A_1664[0] : i32 from vector<1xi32>
      %and3A_1666 = arith.constant -128 : i32
      %and3A_1667 = arith.andi %squeeze3A_1665, %and3A_1666 : i32
      %multiple_of3A_1668 = tpu.assume_multiple %and3A_1667, 128 : i32
      %dma_start3A_1669 = arith.constant 0 : i32
      %dma_start3A_1670 = arith.constant 0 : i32
      %dma_start3A_1671 = tpu.memref_slice %arg6[%dma_start3A_1669, %dma_start3A_1670] : memref<384x128xf32, #tpu.memory_space<vmem>> -> memref<24x128xf32, #tpu.memory_space<vmem>>
      %dma_start3A_1672 = arith.constant 0 : i32
      %dma_start3A_1673 = tpu.memref_slice %arg3[%dma_start3A_1672, %multiple_of3A_1668] : memref<24x1000002xf32, #tpu.memory_space<hbm>> -> memref<24x128xf32, #tpu.memory_space<hbm>>
      %dma_start3A_1674 = arith.constant 0 : i32
      %dma_start3A_1675 = arith.constant 0 : i32
      %dma_start3A_1676 = tpu.memref_slice %arg6[%dma_start3A_1674, %dma_start3A_1675] : memref<384x128xf32, #tpu.memory_space<vmem>> -> memref<24x128xf32, #tpu.memory_space<vmem>>
      %dma_start3A_1677 = arith.constant 0 : i32
      %dma_start3A_1678 = tpu.memref_slice %arg3[%dma_start3A_1677, %multiple_of3A_1668] : memref<24x1000002xf32, #tpu.memory_space<hbm>> -> memref<24x128xf32, #tpu.memory_space<hbm>>
      tpu.enqueue_dma source(%dma_start3A_1678 : memref<24x128xf32, #tpu.memory_space<hbm>>) target(%dma_start3A_1676 : memref<24x128xf32, #tpu.memory_space<vmem>>) target_semaphore(%arg9 : memref<!tpu.dma_semaphore, #tpu.memory_space<semaphore_mem>>)
      %slice3A_1679 = vector.extract_strided_slice %get3A_1663 {offsets = [1], sizes = [1], strides = [1]} : vector<16xi32> to vector<1xi32>
      %squeeze3A_1680 = vector.extract %slice3A_1679[0] : i32 from vector<1xi32>
      %and3A_1681 = arith.constant -128 : i32
      %and3A_1682 = arith.andi %squeeze3A_1680, %and3A_1681 : i32
      %multiple_of3A_1683 = tpu.assume_multiple %and3A_1682, 128 : i32
      %dma_start3A_1684 = arith.constant 24 : i32
      %dma_start3A_1685 = arith.constant 0 : i32
      %dma_start3A_1686 = tpu.memref_slice %arg6[%dma_start3A_1684, %dma_start3A_1685] : memref<384x128xf32, #tpu.memory_space<vmem>> -> memref<24x128xf32, #tpu.memory_space<vmem>>
      %dma_start3A_1687 = arith.constant 0 : i32
      %dma_start3A_1688 = tpu.memref_slice %arg3[%dma_start3A_1687, %multiple_of3A_1683] : memref<24x1000002xf32, #tpu.memory_space<hbm>> -> memref<24x128xf32, #tpu.memory_space<hbm>>
      %dma_start3A_1689 = arith.constant 24 : i32
      %dma_start3A_1690 = arith.constant 0 : i32
      %dma_start3A_1691 = tpu.memref_slice %arg6[%dma_start3A_1689, %dma_start3A_1690] : memref<384x128xf32, #tpu.memory_space<vmem>> -> memref<24x128xf32, #tpu.memory_space<vmem>>
      %dma_start3A_1692 = arith.constant 0 : i32
      %dma_start3A_1693 = tpu.memref_slice %arg3[%dma_start3A_1692, %multiple_of3A_1683] : memref<24x1000002xf32, #tpu.memory_space<hbm>> -> memref<24x128xf32, #tpu.memory_space<hbm>>
      tpu.enqueue_dma source(%dma_start3A_1693 : memref<24x128xf32, #tpu.memory_space<hbm>>) target(%dma_start3A_1691 : memref<24x128xf32, #tpu.memory_space<vmem>>) target_semaphore(%arg9 : memref<!tpu.dma_semaphore, #tpu.memory_space<semaphore_mem>>)
      %slice3A_1694 = vector.extract_strided_slice %get3A_1663 {offsets = [2], sizes = [1], strides = [1]} : vector<16xi32> to vector<1xi32>
      %squeeze3A_1695 = vector.extract %slice3A_1694[0] : i32 from vector<1xi32>
      %and3A_1696 = arith.constant -128 : i32
      %and3A_1697 = arith.andi %squeeze3A_1695, %and3A_1696 : i32
      %multiple_of3A_1698 = tpu.assume_multiple %and3A_1697, 128 : i32
      %dma_start3A_1699 = arith.constant 48 : i32
      %dma_start3A_1700 = arith.constant 0 : i32
      %dma_start3A_1701 = tpu.memref_slice %arg6[%dma_start3A_1699, %dma_start3A_1700] : memref<384x128xf32, #tpu.memory_space<vmem>> -> memref<24x128xf32, #tpu.memory_space<vmem>>
      %dma_start3A_1702 = arith.constant 0 : i32
      %dma_start3A_1703 = tpu.memref_slice %arg3[%dma_start3A_1702, %multiple_of3A_1698] : memref<24x1000002xf32, #tpu.memory_space<hbm>> -> memref<24x128xf32, #tpu.memory_space<hbm>>
      %dma_start3A_1704 = arith.constant 48 : i32
      %dma_start3A_1705 = arith.constant 0 : i32
      %dma_start3A_1706 = tpu.memref_slice %arg6[%dma_start3A_1704, %dma_start3A_1705] : memref<384x128xf32, #tpu.memory_space<vmem>> -> memref<24x128xf32, #tpu.memory_space<vmem>>
      %dma_start3A_1707 = arith.constant 0 : i32
      %dma_start3A_1708 = tpu.memref_slice %arg3[%dma_start3A_1707, %multiple_of3A_1698] : memref<24x1000002xf32, #tpu.memory_space<hbm>> -> memref<24x128xf32, #tpu.memory_space<hbm>>
      tpu.enqueue_dma source(%dma_start3A_1708 : memref<24x128xf32, #tpu.memory_space<hbm>>) target(%dma_start3A_1706 : memref<24x128xf32, #tpu.memory_space<vmem>>) target_semaphore(%arg9 : memref<!tpu.dma_semaphore, #tpu.memory_space<semaphore_mem>>)
      %slice3A_1709 = vector.extract_strided_slice %get3A_1663 {offsets = [3], sizes = [1], strides = [1]} : vector<16xi32> to vector<1xi32>
      %squeeze3A_1710 = vector.extract %slice3A_1709[0] : i32 from vector<1xi32>
      %and3A_1711 = arith.constant -128 : i32
      %and3A_1712 = arith.andi %squeeze3A_1710, %and3A_1711 : i32
      %multiple_of3A_1713 = tpu.assume_multiple %and3A_1712, 128 : i32
      %dma_start3A_1714 = arith.constant 72 : i32
      %dma_start3A_1715 = arith.constant 0 : i32
      %dma_start3A_1716 = tpu.memref_slice %arg6[%dma_start3A_1714, %dma_start3A_1715] : memref<384x128xf32, #tpu.memory_space<vmem>> -> memref<24x128xf32, #tpu.memory_space<vmem>>
      %dma_start3A_1717 = arith.constant 0 : i32
      %dma_start3A_1718 = tpu.memref_slice %arg3[%dma_start3A_1717, %multiple_of3A_1713] : memref<24x1000002xf32, #tpu.memory_space<hbm>> -> memref<24x128xf32, #tpu.memory_space<hbm>>
      %dma_start3A_1719 = arith.constant 72 : i32
      %dma_start3A_1720 = arith.constant 0 : i32
      %dma_start3A_1721 = tpu.memref_slice %arg6[%dma_start3A_1719, %dma_start3A_1720] : memref<384x128xf32, #tpu.memory_space<vmem>> -> memref<24x128xf32, #tpu.memory_space<vmem>>
      %dma_start3A_1722 = arith.constant 0 : i32
      %dma_start3A_1723 = tpu.memref_slice %arg3[%dma_start3A_1722, %multiple_of3A_1713] : memref<24x1000002xf32, #tpu.memory_space<hbm>> -> memref<24x128xf32, #tpu.memory_space<hbm>>
      tpu.enqueue_dma source(%dma_start3A_1723 : memref<24x128xf32, #tpu.memory_space<hbm>>) target(%dma_start3A_1721 : memref<24x128xf32, #tpu.memory_space<vmem>>) target_semaphore(%arg9 : memref<!tpu.dma_semaphore, #tpu.memory_space<semaphore_mem>>)
      %slice3A_1724 = vector.extract_strided_slice %get3A_1663 {offsets = [4], sizes = [1], strides = [1]} : vector<16xi32> to vector<1xi32>
      %squeeze3A_1725 = vector.extract %slice3A_1724[0] : i32 from vector<1xi32>
      %and3A_1726 = arith.constant -128 : i32
      %and3A_1727 = arith.andi %squeeze3A_1725, %and3A_1726 : i32
      %multiple_of3A_1728 = tpu.assume_multiple %and3A_1727, 128 : i32
      %dma_start3A_1729 = arith.constant 96 : i32
      %dma_start3A_1730 = arith.constant 0 : i32
      %dma_start3A_1731 = tpu.memref_slice %arg6[%dma_start3A_1729, %dma_start3A_1730] : memref<384x128xf32, #tpu.memory_space<vmem>> -> memref<24x128xf32, #tpu.memory_space<vmem>>
      %dma_start3A_1732 = arith.constant 0 : i32
      %dma_start3A_1733 = tpu.memref_slice %arg3[%dma_start3A_1732, %multiple_of3A_1728] : memref<24x1000002xf32, #tpu.memory_space<hbm>> -> memref<24x128xf32, #tpu.memory_space<hbm>>
      %dma_start3A_1734 = arith.constant 96 : i32
      %dma_start3A_1735 = arith.constant 0 : i32
      %dma_start3A_1736 = tpu.memref_slice %arg6[%dma_start3A_1734, %dma_start3A_1735] : memref<384x128xf32, #tpu.memory_space<vmem>> -> memref<24x128xf32, #tpu.memory_space<vmem>>
      %dma_start3A_1737 = arith.constant 0 : i32
      %dma_start3A_1738 = tpu.memref_slice %arg3[%dma_start3A_1737, %multiple_of3A_1728] : memref<24x1000002xf32, #tpu.memory_space<hbm>> -> memref<24x128xf32, #tpu.memory_space<hbm>>
      tpu.enqueue_dma source(%dma_start3A_1738 : memref<24x128xf32, #tpu.memory_space<hbm>>) target(%dma_start3A_1736 : memref<24x128xf32, #tpu.memory_space<vmem>>) target_semaphore(%arg9 : memref<!tpu.dma_semaphore, #tpu.memory_space<semaphore_mem>>)
      %slice3A_1739 = vector.extract_strided_slice %get3A_1663 {offsets = [5], sizes = [1], strides = [1]} : vector<16xi32> to vector<1xi32>
      %squeeze3A_1740 = vector.extract %slice3A_1739[0] : i32 from vector<1xi32>
      %and3A_1741 = arith.constant -128 : i32
      %and3A_1742 = arith.andi %squeeze3A_1740, %and3A_1741 : i32
      %multiple_of3A_1743 = tpu.assume_multiple %and3A_1742, 128 : i32
      %dma_start3A_1744 = arith.constant 120 : i32
      %dma_start3A_1745 = arith.constant 0 : i32
      %dma_start3A_1746 = tpu.memref_slice %arg6[%dma_start3A_1744, %dma_start3A_1745] : memref<384x128xf32, #tpu.memory_space<vmem>> -> memref<24x128xf32, #tpu.memory_space<vmem>>
      %dma_start3A_1747 = arith.constant 0 : i32
      %dma_start3A_1748 = tpu.memref_slice %arg3[%dma_start3A_1747, %multiple_of3A_1743] : memref<24x1000002xf32, #tpu.memory_space<hbm>> -> memref<24x128xf32, #tpu.memory_space<hbm>>
      %dma_start3A_1749 = arith.constant 120 : i32
      %dma_start3A_1750 = arith.constant 0 : i32
      %dma_start3A_1751 = tpu.memref_slice %arg6[%dma_start3A_1749, %dma_start3A_1750] : memref<384x128xf32, #tpu.memory_space<vmem>> -> memref<24x128xf32, #tpu.memory_space<vmem>>
      %dma_start3A_1752 = arith.constant 0 : i32
      %dma_start3A_1753 = tpu.memref_slice %arg3[%dma_start3A_1752, %multiple_of3A_1743] : memref<24x1000002xf32, #tpu.memory_space<hbm>> -> memref<24x128xf32, #tpu.memory_space<hbm>>
      tpu.enqueue_dma source(%dma_start3A_1753 : memref<24x128xf32, #tpu.memory_space<hbm>>) target(%dma_start3A_1751 : memref<24x128xf32, #tpu.memory_space<vmem>>) target_semaphore(%arg9 : memref<!tpu.dma_semaphore, #tpu.memory_space<semaphore_mem>>)
      %slice3A_1754 = vector.extract_strided_slice %get3A_1663 {offsets = [6], sizes = [1], strides = [1]} : vector<16xi32> to vector<1xi32>
      %squeeze3A_1755 = vector.extract %slice3A_1754[0] : i32 from vector<1xi32>
      %and3A_1756 = arith.constant -128 : i32
      %and3A_1757 = arith.andi %squeeze3A_1755, %and3A_1756 : i32
      %multiple_of3A_1758 = tpu.assume_multiple %and3A_1757, 128 : i32
      %dma_start3A_1759 = arith.constant 144 : i32
      %dma_start3A_1760 = arith.constant 0 : i32
      %dma_start3A_1761 = tpu.memref_slice %arg6[%dma_start3A_1759, %dma_start3A_1760] : memref<384x128xf32, #tpu.memory_space<vmem>> -> memref<24x128xf32, #tpu.memory_space<vmem>>
      %dma_start3A_1762 = arith.constant 0 : i32
      %dma_start3A_1763 = tpu.memref_slice %arg3[%dma_start3A_1762, %multiple_of3A_1758] : memref<24x1000002xf32, #tpu.memory_space<hbm>> -> memref<24x128xf32, #tpu.memory_space<hbm>>
      %dma_start3A_1764 = arith.constant 144 : i32
      %dma_start3A_1765 = arith.constant 0 : i32
      %dma_start3A_1766 = tpu.memref_slice %arg6[%dma_start3A_1764, %dma_start3A_1765] : memref<384x128xf32, #tpu.memory_space<vmem>> -> memref<24x128xf32, #tpu.memory_space<vmem>>
      %dma_start3A_1767 = arith.constant 0 : i32
      %dma_start3A_1768 = tpu.memref_slice %arg3[%dma_start3A_1767, %multiple_of3A_1758] : memref<24x1000002xf32, #tpu.memory_space<hbm>> -> memref<24x128xf32, #tpu.memory_space<hbm>>
      tpu.enqueue_dma source(%dma_start3A_1768 : memref<24x128xf32, #tpu.memory_space<hbm>>) target(%dma_start3A_1766 : memref<24x128xf32, #tpu.memory_space<vmem>>) target_semaphore(%arg9 : memref<!tpu.dma_semaphore, #tpu.memory_space<semaphore_mem>>)
      %slice3A_1769 = vector.extract_strided_slice %get3A_1663 {offsets = [7], sizes = [1], strides = [1]} : vector<16xi32> to vector<1xi32>
      %squeeze3A_1770 = vector.extract %slice3A_1769[0] : i32 from vector<1xi32>
      %and3A_1771 = arith.constant -128 : i32
      %and3A_1772 = arith.andi %squeeze3A_1770, %and3A_1771 : i32
      %multiple_of3A_1773 = tpu.assume_multiple %and3A_1772, 128 : i32
      %dma_start3A_1774 = arith.constant 168 : i32
      %dma_start3A_1775 = arith.constant 0 : i32
      %dma_start3A_1776 = tpu.memref_slice %arg6[%dma_start3A_1774, %dma_start3A_1775] : memref<384x128xf32, #tpu.memory_space<vmem>> -> memref<24x128xf32, #tpu.memory_space<vmem>>
      %dma_start3A_1777 = arith.constant 0 : i32
      %dma_start3A_1778 = tpu.memref_slice %arg3[%dma_start3A_1777, %multiple_of3A_1773] : memref<24x1000002xf32, #tpu.memory_space<hbm>> -> memref<24x128xf32, #tpu.memory_space<hbm>>
      %dma_start3A_1779 = arith.constant 168 : i32
      %dma_start3A_1780 = arith.constant 0 : i32
      %dma_start3A_1781 = tpu.memref_slice %arg6[%dma_start3A_1779, %dma_start3A_1780] : memref<384x128xf32, #tpu.memory_space<vmem>> -> memref<24x128xf32, #tpu.memory_space<vmem>>
      %dma_start3A_1782 = arith.constant 0 : i32
      %dma_start3A_1783 = tpu.memref_slice %arg3[%dma_start3A_1782, %multiple_of3A_1773] : memref<24x1000002xf32, #tpu.memory_space<hbm>> -> memref<24x128xf32, #tpu.memory_space<hbm>>
      tpu.enqueue_dma source(%dma_start3A_1783 : memref<24x128xf32, #tpu.memory_space<hbm>>) target(%dma_start3A_1781 : memref<24x128xf32, #tpu.memory_space<vmem>>) target_semaphore(%arg9 : memref<!tpu.dma_semaphore, #tpu.memory_space<semaphore_mem>>)
      %slice3A_1784 = vector.extract_strided_slice %get3A_1663 {offsets = [8], sizes = [1], strides = [1]} : vector<16xi32> to vector<1xi32>
      %squeeze3A_1785 = vector.extract %slice3A_1784[0] : i32 from vector<1xi32>
      %and3A_1786 = arith.constant -128 : i32
      %and3A_1787 = arith.andi %squeeze3A_1785, %and3A_1786 : i32
      %multiple_of3A_1788 = tpu.assume_multiple %and3A_1787, 128 : i32
      %dma_start3A_1789 = arith.constant 192 : i32
      %dma_start3A_1790 = arith.constant 0 : i32
      %dma_start3A_1791 = tpu.memref_slice %arg6[%dma_start3A_1789, %dma_start3A_1790] : memref<384x128xf32, #tpu.memory_space<vmem>> -> memref<24x128xf32, #tpu.memory_space<vmem>>
      %dma_start3A_1792 = arith.constant 0 : i32
      %dma_start3A_1793 = tpu.memref_slice %arg3[%dma_start3A_1792, %multiple_of3A_1788] : memref<24x1000002xf32, #tpu.memory_space<hbm>> -> memref<24x128xf32, #tpu.memory_space<hbm>>
      %dma_start3A_1794 = arith.constant 192 : i32
      %dma_start3A_1795 = arith.constant 0 : i32
      %dma_start3A_1796 = tpu.memref_slice %arg6[%dma_start3A_1794, %dma_start3A_1795] : memref<384x128xf32, #tpu.memory_space<vmem>> -> memref<24x128xf32, #tpu.memory_space<vmem>>
      %dma_start3A_1797 = arith.constant 0 : i32
      %dma_start3A_1798 = tpu.memref_slice %arg3[%dma_start3A_1797, %multiple_of3A_1788] : memref<24x1000002xf32, #tpu.memory_space<hbm>> -> memref<24x128xf32, #tpu.memory_space<hbm>>
      tpu.enqueue_dma source(%dma_start3A_1798 : memref<24x128xf32, #tpu.memory_space<hbm>>) target(%dma_start3A_1796 : memref<24x128xf32, #tpu.memory_space<vmem>>) target_semaphore(%arg9 : memref<!tpu.dma_semaphore, #tpu.memory_space<semaphore_mem>>)
      %slice3A_1799 = vector.extract_strided_slice %get3A_1663 {offsets = [9], sizes = [1], strides = [1]} : vector<16xi32> to vector<1xi32>
      %squeeze3A_1800 = vector.extract %slice3A_1799[0] : i32 from vector<1xi32>
      %and3A_1801 = arith.constant -128 : i32
      %and3A_1802 = arith.andi %squeeze3A_1800, %and3A_1801 : i32
      %multiple_of3A_1803 = tpu.assume_multiple %and3A_1802, 128 : i32
      %dma_start3A_1804 = arith.constant 216 : i32
      %dma_start3A_1805 = arith.constant 0 : i32
      %dma_start3A_1806 = tpu.memref_slice %arg6[%dma_start3A_1804, %dma_start3A_1805] : memref<384x128xf32, #tpu.memory_space<vmem>> -> memref<24x128xf32, #tpu.memory_space<vmem>>
      %dma_start3A_1807 = arith.constant 0 : i32
      %dma_start3A_1808 = tpu.memref_slice %arg3[%dma_start3A_1807, %multiple_of3A_1803] : memref<24x1000002xf32, #tpu.memory_space<hbm>> -> memref<24x128xf32, #tpu.memory_space<hbm>>
      %dma_start3A_1809 = arith.constant 216 : i32
      %dma_start3A_1810 = arith.constant 0 : i32
      %dma_start3A_1811 = tpu.memref_slice %arg6[%dma_start3A_1809, %dma_start3A_1810] : memref<384x128xf32, #tpu.memory_space<vmem>> -> memref<24x128xf32, #tpu.memory_space<vmem>>
      %dma_start3A_1812 = arith.constant 0 : i32
      %dma_start3A_1813 = tpu.memref_slice %arg3[%dma_start3A_1812, %multiple_of3A_1803] : memref<24x1000002xf32, #tpu.memory_space<hbm>> -> memref<24x128xf32, #tpu.memory_space<hbm>>
      tpu.enqueue_dma source(%dma_start3A_1813 : memref<24x128xf32, #tpu.memory_space<hbm>>) target(%dma_start3A_1811 : memref<24x128xf32, #tpu.memory_space<vmem>>) target_semaphore(%arg9 : memref<!tpu.dma_semaphore, #tpu.memory_space<semaphore_mem>>)
      %slice3A_1814 = vector.extract_strided_slice %get3A_1663 {offsets = [10], sizes = [1], strides = [1]} : vector<16xi32> to vector<1xi32>
      %squeeze3A_1815 = vector.extract %slice3A_1814[0] : i32 from vector<1xi32>
      %and3A_1816 = arith.constant -128 : i32
      %and3A_1817 = arith.andi %squeeze3A_1815, %and3A_1816 : i32
      %multiple_of3A_1818 = tpu.assume_multiple %and3A_1817, 128 : i32
      %dma_start3A_1819 = arith.constant 240 : i32
      %dma_start3A_1820 = arith.constant 0 : i32
      %dma_start3A_1821 = tpu.memref_slice %arg6[%dma_start3A_1819, %dma_start3A_1820] : memref<384x128xf32, #tpu.memory_space<vmem>> -> memref<24x128xf32, #tpu.memory_space<vmem>>
      %dma_start3A_1822 = arith.constant 0 : i32
      %dma_start3A_1823 = tpu.memref_slice %arg3[%dma_start3A_1822, %multiple_of3A_1818] : memref<24x1000002xf32, #tpu.memory_space<hbm>> -> memref<24x128xf32, #tpu.memory_space<hbm>>
      %dma_start3A_1824 = arith.constant 240 : i32
      %dma_start3A_1825 = arith.constant 0 : i32
      %dma_start3A_1826 = tpu.memref_slice %arg6[%dma_start3A_1824, %dma_start3A_1825] : memref<384x128xf32, #tpu.memory_space<vmem>> -> memref<24x128xf32, #tpu.memory_space<vmem>>
      %dma_start3A_1827 = arith.constant 0 : i32
      %dma_start3A_1828 = tpu.memref_slice %arg3[%dma_start3A_1827, %multiple_of3A_1818] : memref<24x1000002xf32, #tpu.memory_space<hbm>> -> memref<24x128xf32, #tpu.memory_space<hbm>>
      tpu.enqueue_dma source(%dma_start3A_1828 : memref<24x128xf32, #tpu.memory_space<hbm>>) target(%dma_start3A_1826 : memref<24x128xf32, #tpu.memory_space<vmem>>) target_semaphore(%arg9 : memref<!tpu.dma_semaphore, #tpu.memory_space<semaphore_mem>>)
      %slice3A_1829 = vector.extract_strided_slice %get3A_1663 {offsets = [11], sizes = [1], strides = [1]} : vector<16xi32> to vector<1xi32>
      %squeeze3A_1830 = vector.extract %slice3A_1829[0] : i32 from vector<1xi32>
      %and3A_1831 = arith.constant -128 : i32
      %and3A_1832 = arith.andi %squeeze3A_1830, %and3A_1831 : i32
      %multiple_of3A_1833 = tpu.assume_multiple %and3A_1832, 128 : i32
      %dma_start3A_1834 = arith.constant 264 : i32
      %dma_start3A_1835 = arith.constant 0 : i32
      %dma_start3A_1836 = tpu.memref_slice %arg6[%dma_start3A_1834, %dma_start3A_1835] : memref<384x128xf32, #tpu.memory_space<vmem>> -> memref<24x128xf32, #tpu.memory_space<vmem>>
      %dma_start3A_1837 = arith.constant 0 : i32
      %dma_start3A_1838 = tpu.memref_slice %arg3[%dma_start3A_1837, %multiple_of3A_1833] : memref<24x1000002xf32, #tpu.memory_space<hbm>> -> memref<24x128xf32, #tpu.memory_space<hbm>>
      %dma_start3A_1839 = arith.constant 264 : i32
      %dma_start3A_1840 = arith.constant 0 : i32
      %dma_start3A_1841 = tpu.memref_slice %arg6[%dma_start3A_1839, %dma_start3A_1840] : memref<384x128xf32, #tpu.memory_space<vmem>> -> memref<24x128xf32, #tpu.memory_space<vmem>>
      %dma_start3A_1842 = arith.constant 0 : i32
      %dma_start3A_1843 = tpu.memref_slice %arg3[%dma_start3A_1842, %multiple_of3A_1833] : memref<24x1000002xf32, #tpu.memory_space<hbm>> -> memref<24x128xf32, #tpu.memory_space<hbm>>
      tpu.enqueue_dma source(%dma_start3A_1843 : memref<24x128xf32, #tpu.memory_space<hbm>>) target(%dma_start3A_1841 : memref<24x128xf32, #tpu.memory_space<vmem>>) target_semaphore(%arg9 : memref<!tpu.dma_semaphore, #tpu.memory_space<semaphore_mem>>)
      %slice3A_1844 = vector.extract_strided_slice %get3A_1663 {offsets = [12], sizes = [1], strides = [1]} : vector<16xi32> to vector<1xi32>
      %squeeze3A_1845 = vector.extract %slice3A_1844[0] : i32 from vector<1xi32>
      %and3A_1846 = arith.constant -128 : i32
      %and3A_1847 = arith.andi %squeeze3A_1845, %and3A_1846 : i32
      %multiple_of3A_1848 = tpu.assume_multiple %and3A_1847, 128 : i32
      %dma_start3A_1849 = arith.constant 288 : i32
      %dma_start3A_1850 = arith.constant 0 : i32
      %dma_start3A_1851 = tpu.memref_slice %arg6[%dma_start3A_1849, %dma_start3A_1850] : memref<384x128xf32, #tpu.memory_space<vmem>> -> memref<24x128xf32, #tpu.memory_space<vmem>>
      %dma_start3A_1852 = arith.constant 0 : i32
      %dma_start3A_1853 = tpu.memref_slice %arg3[%dma_start3A_1852, %multiple_of3A_1848] : memref<24x1000002xf32, #tpu.memory_space<hbm>> -> memref<24x128xf32, #tpu.memory_space<hbm>>
      %dma_start3A_1854 = arith.constant 288 : i32
      %dma_start3A_1855 = arith.constant 0 : i32
      %dma_start3A_1856 = tpu.memref_slice %arg6[%dma_start3A_1854, %dma_start3A_1855] : memref<384x128xf32, #tpu.memory_space<vmem>> -> memref<24x128xf32, #tpu.memory_space<vmem>>
      %dma_start3A_1857 = arith.constant 0 : i32
      %dma_start3A_1858 = tpu.memref_slice %arg3[%dma_start3A_1857, %multiple_of3A_1848] : memref<24x1000002xf32, #tpu.memory_space<hbm>> -> memref<24x128xf32, #tpu.memory_space<hbm>>
      tpu.enqueue_dma source(%dma_start3A_1858 : memref<24x128xf32, #tpu.memory_space<hbm>>) target(%dma_start3A_1856 : memref<24x128xf32, #tpu.memory_space<vmem>>) target_semaphore(%arg9 : memref<!tpu.dma_semaphore, #tpu.memory_space<semaphore_mem>>)
      %slice3A_1859 = vector.extract_strided_slice %get3A_1663 {offsets = [13], sizes = [1], strides = [1]} : vector<16xi32> to vector<1xi32>
      %squeeze3A_1860 = vector.extract %slice3A_1859[0] : i32 from vector<1xi32>
      %and3A_1861 = arith.constant -128 : i32
      %and3A_1862 = arith.andi %squeeze3A_1860, %and3A_1861 : i32
      %multiple_of3A_1863 = tpu.assume_multiple %and3A_1862, 128 : i32
      %dma_start3A_1864 = arith.constant 312 : i32
      %dma_start3A_1865 = arith.constant 0 : i32
      %dma_start3A_1866 = tpu.memref_slice %arg6[%dma_start3A_1864, %dma_start3A_1865] : memref<384x128xf32, #tpu.memory_space<vmem>> -> memref<24x128xf32, #tpu.memory_space<vmem>>
      %dma_start3A_1867 = arith.constant 0 : i32
      %dma_start3A_1868 = tpu.memref_slice %arg3[%dma_start3A_1867, %multiple_of3A_1863] : memref<24x1000002xf32, #tpu.memory_space<hbm>> -> memref<24x128xf32, #tpu.memory_space<hbm>>
      %dma_start3A_1869 = arith.constant 312 : i32
      %dma_start3A_1870 = arith.constant 0 : i32
      %dma_start3A_1871 = tpu.memref_slice %arg6[%dma_start3A_1869, %dma_start3A_1870] : memref<384x128xf32, #tpu.memory_space<vmem>> -> memref<24x128xf32, #tpu.memory_space<vmem>>
      %dma_start3A_1872 = arith.constant 0 : i32
      %dma_start3A_1873 = tpu.memref_slice %arg3[%dma_start3A_1872, %multiple_of3A_1863] : memref<24x1000002xf32, #tpu.memory_space<hbm>> -> memref<24x128xf32, #tpu.memory_space<hbm>>
      tpu.enqueue_dma source(%dma_start3A_1873 : memref<24x128xf32, #tpu.memory_space<hbm>>) target(%dma_start3A_1871 : memref<24x128xf32, #tpu.memory_space<vmem>>) target_semaphore(%arg9 : memref<!tpu.dma_semaphore, #tpu.memory_space<semaphore_mem>>)
      %slice3A_1874 = vector.extract_strided_slice %get3A_1663 {offsets = [14], sizes = [1], strides = [1]} : vector<16xi32> to vector<1xi32>
      %squeeze3A_1875 = vector.extract %slice3A_1874[0] : i32 from vector<1xi32>
      %and3A_1876 = arith.constant -128 : i32
      %and3A_1877 = arith.andi %squeeze3A_1875, %and3A_1876 : i32
      %multiple_of3A_1878 = tpu.assume_multiple %and3A_1877, 128 : i32
      %dma_start3A_1879 = arith.constant 336 : i32
      %dma_start3A_1880 = arith.constant 0 : i32
      %dma_start3A_1881 = tpu.memref_slice %arg6[%dma_start3A_1879, %dma_start3A_1880] : memref<384x128xf32, #tpu.memory_space<vmem>> -> memref<24x128xf32, #tpu.memory_space<vmem>>
      %dma_start3A_1882 = arith.constant 0 : i32
      %dma_start3A_1883 = tpu.memref_slice %arg3[%dma_start3A_1882, %multiple_of3A_1878] : memref<24x1000002xf32, #tpu.memory_space<hbm>> -> memref<24x128xf32, #tpu.memory_space<hbm>>
      %dma_start3A_1884 = arith.constant 336 : i32
      %dma_start3A_1885 = arith.constant 0 : i32
      %dma_start3A_1886 = tpu.memref_slice %arg6[%dma_start3A_1884, %dma_start3A_1885] : memref<384x128xf32, #tpu.memory_space<vmem>> -> memref<24x128xf32, #tpu.memory_space<vmem>>
      %dma_start3A_1887 = arith.constant 0 : i32
      %dma_start3A_1888 = tpu.memref_slice %arg3[%dma_start3A_1887, %multiple_of3A_1878] : memref<24x1000002xf32, #tpu.memory_space<hbm>> -> memref<24x128xf32, #tpu.memory_space<hbm>>
      tpu.enqueue_dma source(%dma_start3A_1888 : memref<24x128xf32, #tpu.memory_space<hbm>>) target(%dma_start3A_1886 : memref<24x128xf32, #tpu.memory_space<vmem>>) target_semaphore(%arg9 : memref<!tpu.dma_semaphore, #tpu.memory_space<semaphore_mem>>)
      %slice3A_1889 = vector.extract_strided_slice %get3A_1663 {offsets = [15], sizes = [1], strides = [1]} : vector<16xi32> to vector<1xi32>
      %squeeze3A_1890 = vector.extract %slice3A_1889[0] : i32 from vector<1xi32>
      %and3A_1891 = arith.constant -128 : i32
      %and3A_1892 = arith.andi %squeeze3A_1890, %and3A_1891 : i32
      %multiple_of3A_1893 = tpu.assume_multiple %and3A_1892, 128 : i32
      %dma_start3A_1894 = arith.constant 360 : i32
      %dma_start3A_1895 = arith.constant 0 : i32
      %dma_start3A_1896 = tpu.memref_slice %arg6[%dma_start3A_1894, %dma_start3A_1895] : memref<384x128xf32, #tpu.memory_space<vmem>> -> memref<24x128xf32, #tpu.memory_space<vmem>>
      %dma_start3A_1897 = arith.constant 0 : i32
      %dma_start3A_1898 = tpu.memref_slice %arg3[%dma_start3A_1897, %multiple_of3A_1893] : memref<24x1000002xf32, #tpu.memory_space<hbm>> -> memref<24x128xf32, #tpu.memory_space<hbm>>
      %dma_start3A_1899 = arith.constant 360 : i32
      %dma_start3A_1900 = arith.constant 0 : i32
      %dma_start3A_1901 = tpu.memref_slice %arg6[%dma_start3A_1899, %dma_start3A_1900] : memref<384x128xf32, #tpu.memory_space<vmem>> -> memref<24x128xf32, #tpu.memory_space<vmem>>
      %dma_start3A_1902 = arith.constant 0 : i32
      %dma_start3A_1903 = tpu.memref_slice %arg3[%dma_start3A_1902, %multiple_of3A_1893] : memref<24x1000002xf32, #tpu.memory_space<hbm>> -> memref<24x128xf32, #tpu.memory_space<hbm>>
      tpu.enqueue_dma source(%dma_start3A_1903 : memref<24x128xf32, #tpu.memory_space<hbm>>) target(%dma_start3A_1901 : memref<24x128xf32, #tpu.memory_space<vmem>>) target_semaphore(%arg9 : memref<!tpu.dma_semaphore, #tpu.memory_space<semaphore_mem>>)
      %dma_wait3A_1904 = arith.constant 0 : i32
      %dma_wait3A_1905 = arith.constant 0 : i32
      %dma_wait3A_1906 = tpu.memref_slice %arg7[%dma_wait3A_1904, %dma_wait3A_1905] : memref<384x128xf32, #tpu.memory_space<vmem>> -> memref<24x128xf32, #tpu.memory_space<vmem>>
      %dma_wait3A_1907 = arith.constant 0 : i32
      %dma_wait3A_1908 = arith.constant 0 : i32
      %dma_wait3A_1909 = tpu.memref_slice %arg3[%dma_wait3A_1907, %dma_wait3A_1908] : memref<24x1000002xf32, #tpu.memory_space<hbm>> -> memref<24x128xf32, #tpu.memory_space<hbm>>
      %dma_wait3A_1910 = arith.constant 0 : i32
      %dma_wait3A_1911 = arith.constant 0 : i32
      %dma_wait3A_1912 = tpu.memref_slice %arg7[%dma_wait3A_1910, %dma_wait3A_1911] : memref<384x128xf32, #tpu.memory_space<vmem>> -> memref<24x128xf32, #tpu.memory_space<vmem>>
      %dma_wait3A_1913 = arith.constant 0 : i32
      %dma_wait3A_1914 = arith.constant 0 : i32
      %dma_wait3A_1915 = tpu.memref_slice %arg3[%dma_wait3A_1913, %dma_wait3A_1914] : memref<24x1000002xf32, #tpu.memory_space<hbm>> -> memref<24x128xf32, #tpu.memory_space<hbm>>
      tpu.wait_dma2 semaphore(%arg10 : memref<!tpu.dma_semaphore, #tpu.memory_space<semaphore_mem>>) src(%dma_wait3A_1915 : memref<24x128xf32, #tpu.memory_space<hbm>>) dst(%dma_wait3A_1912 : memref<24x128xf32, #tpu.memory_space<vmem>>)
      %dma_wait3A_1916 = arith.constant 24 : i32
      %dma_wait3A_1917 = arith.constant 0 : i32
      %dma_wait3A_1918 = tpu.memref_slice %arg7[%dma_wait3A_1916, %dma_wait3A_1917] : memref<384x128xf32, #tpu.memory_space<vmem>> -> memref<24x128xf32, #tpu.memory_space<vmem>>
      %dma_wait3A_1919 = arith.constant 0 : i32
      %dma_wait3A_1920 = arith.constant 0 : i32
      %dma_wait3A_1921 = tpu.memref_slice %arg3[%dma_wait3A_1919, %dma_wait3A_1920] : memref<24x1000002xf32, #tpu.memory_space<hbm>> -> memref<24x128xf32, #tpu.memory_space<hbm>>
      %dma_wait3A_1922 = arith.constant 24 : i32
      %dma_wait3A_1923 = arith.constant 0 : i32
      %dma_wait3A_1924 = tpu.memref_slice %arg7[%dma_wait3A_1922, %dma_wait3A_1923] : memref<384x128xf32, #tpu.memory_space<vmem>> -> memref<24x128xf32, #tpu.memory_space<vmem>>
      %dma_wait3A_1925 = arith.constant 0 : i32
      %dma_wait3A_1926 = arith.constant 0 : i32
      %dma_wait3A_1927 = tpu.memref_slice %arg3[%dma_wait3A_1925, %dma_wait3A_1926] : memref<24x1000002xf32, #tpu.memory_space<hbm>> -> memref<24x128xf32, #tpu.memory_space<hbm>>
      tpu.wait_dma2 semaphore(%arg10 : memref<!tpu.dma_semaphore, #tpu.memory_space<semaphore_mem>>) src(%dma_wait3A_1927 : memref<24x128xf32, #tpu.memory_space<hbm>>) dst(%dma_wait3A_1924 : memref<24x128xf32, #tpu.memory_space<vmem>>)
      %dma_wait3A_1928 = arith.constant 48 : i32
      %dma_wait3A_1929 = arith.constant 0 : i32
      %dma_wait3A_1930 = tpu.memref_slice %arg7[%dma_wait3A_1928, %dma_wait3A_1929] : memref<384x128xf32, #tpu.memory_space<vmem>> -> memref<24x128xf32, #tpu.memory_space<vmem>>
      %dma_wait3A_1931 = arith.constant 0 : i32
      %dma_wait3A_1932 = arith.constant 0 : i32
      %dma_wait3A_1933 = tpu.memref_slice %arg3[%dma_wait3A_1931, %dma_wait3A_1932] : memref<24x1000002xf32, #tpu.memory_space<hbm>> -> memref<24x128xf32, #tpu.memory_space<hbm>>
      %dma_wait3A_1934 = arith.constant 48 : i32
      %dma_wait3A_1935 = arith.constant 0 : i32
      %dma_wait3A_1936 = tpu.memref_slice %arg7[%dma_wait3A_1934, %dma_wait3A_1935] : memref<384x128xf32, #tpu.memory_space<vmem>> -> memref<24x128xf32, #tpu.memory_space<vmem>>
      %dma_wait3A_1937 = arith.constant 0 : i32
      %dma_wait3A_1938 = arith.constant 0 : i32
      %dma_wait3A_1939 = tpu.memref_slice %arg3[%dma_wait3A_1937, %dma_wait3A_1938] : memref<24x1000002xf32, #tpu.memory_space<hbm>> -> memref<24x128xf32, #tpu.memory_space<hbm>>
      tpu.wait_dma2 semaphore(%arg10 : memref<!tpu.dma_semaphore, #tpu.memory_space<semaphore_mem>>) src(%dma_wait3A_1939 : memref<24x128xf32, #tpu.memory_space<hbm>>) dst(%dma_wait3A_1936 : memref<24x128xf32, #tpu.memory_space<vmem>>)
      %dma_wait3A_1940 = arith.constant 72 : i32
      %dma_wait3A_1941 = arith.constant 0 : i32
      %dma_wait3A_1942 = tpu.memref_slice %arg7[%dma_wait3A_1940, %dma_wait3A_1941] : memref<384x128xf32, #tpu.memory_space<vmem>> -> memref<24x128xf32, #tpu.memory_space<vmem>>
      %dma_wait3A_1943 = arith.constant 0 : i32
      %dma_wait3A_1944 = arith.constant 0 : i32
      %dma_wait3A_1945 = tpu.memref_slice %arg3[%dma_wait3A_1943, %dma_wait3A_1944] : memref<24x1000002xf32, #tpu.memory_space<hbm>> -> memref<24x128xf32, #tpu.memory_space<hbm>>
      %dma_wait3A_1946 = arith.constant 72 : i32
      %dma_wait3A_1947 = arith.constant 0 : i32
      %dma_wait3A_1948 = tpu.memref_slice %arg7[%dma_wait3A_1946, %dma_wait3A_1947] : memref<384x128xf32, #tpu.memory_space<vmem>> -> memref<24x128xf32, #tpu.memory_space<vmem>>
      %dma_wait3A_1949 = arith.constant 0 : i32
      %dma_wait3A_1950 = arith.constant 0 : i32
      %dma_wait3A_1951 = tpu.memref_slice %arg3[%dma_wait3A_1949, %dma_wait3A_1950] : memref<24x1000002xf32, #tpu.memory_space<hbm>> -> memref<24x128xf32, #tpu.memory_space<hbm>>
      tpu.wait_dma2 semaphore(%arg10 : memref<!tpu.dma_semaphore, #tpu.memory_space<semaphore_mem>>) src(%dma_wait3A_1951 : memref<24x128xf32, #tpu.memory_space<hbm>>) dst(%dma_wait3A_1948 : memref<24x128xf32, #tpu.memory_space<vmem>>)
      %dma_wait3A_1952 = arith.constant 96 : i32
      %dma_wait3A_1953 = arith.constant 0 : i32
      %dma_wait3A_1954 = tpu.memref_slice %arg7[%dma_wait3A_1952, %dma_wait3A_1953] : memref<384x128xf32, #tpu.memory_space<vmem>> -> memref<24x128xf32, #tpu.memory_space<vmem>>
      %dma_wait3A_1955 = arith.constant 0 : i32
      %dma_wait3A_1956 = arith.constant 0 : i32
      %dma_wait3A_1957 = tpu.memref_slice %arg3[%dma_wait3A_1955, %dma_wait3A_1956] : memref<24x1000002xf32, #tpu.memory_space<hbm>> -> memref<24x128xf32, #tpu.memory_space<hbm>>
      %dma_wait3A_1958 = arith.constant 96 : i32
      %dma_wait3A_1959 = arith.constant 0 : i32
      %dma_wait3A_1960 = tpu.memref_slice %arg7[%dma_wait3A_1958, %dma_wait3A_1959] : memref<384x128xf32, #tpu.memory_space<vmem>> -> memref<24x128xf32, #tpu.memory_space<vmem>>
      %dma_wait3A_1961 = arith.constant 0 : i32
      %dma_wait3A_1962 = arith.constant 0 : i32
      %dma_wait3A_1963 = tpu.memref_slice %arg3[%dma_wait3A_1961, %dma_wait3A_1962] : memref<24x1000002xf32, #tpu.memory_space<hbm>> -> memref<24x128xf32, #tpu.memory_space<hbm>>
      tpu.wait_dma2 semaphore(%arg10 : memref<!tpu.dma_semaphore, #tpu.memory_space<semaphore_mem>>) src(%dma_wait3A_1963 : memref<24x128xf32, #tpu.memory_space<hbm>>) dst(%dma_wait3A_1960 : memref<24x128xf32, #tpu.memory_space<vmem>>)
      %dma_wait3A_1964 = arith.constant 120 : i32
      %dma_wait3A_1965 = arith.constant 0 : i32
      %dma_wait3A_1966 = tpu.memref_slice %arg7[%dma_wait3A_1964, %dma_wait3A_1965] : memref<384x128xf32, #tpu.memory_space<vmem>> -> memref<24x128xf32, #tpu.memory_space<vmem>>
      %dma_wait3A_1967 = arith.constant 0 : i32
      %dma_wait3A_1968 = arith.constant 0 : i32
      %dma_wait3A_1969 = tpu.memref_slice %arg3[%dma_wait3A_1967, %dma_wait3A_1968] : memref<24x1000002xf32, #tpu.memory_space<hbm>> -> memref<24x128xf32, #tpu.memory_space<hbm>>
      %dma_wait3A_1970 = arith.constant 120 : i32
      %dma_wait3A_1971 = arith.constant 0 : i32
      %dma_wait3A_1972 = tpu.memref_slice %arg7[%dma_wait3A_1970, %dma_wait3A_1971] : memref<384x128xf32, #tpu.memory_space<vmem>> -> memref<24x128xf32, #tpu.memory_space<vmem>>
      %dma_wait3A_1973 = arith.constant 0 : i32
      %dma_wait3A_1974 = arith.constant 0 : i32
      %dma_wait3A_1975 = tpu.memref_slice %arg3[%dma_wait3A_1973, %dma_wait3A_1974] : memref<24x1000002xf32, #tpu.memory_space<hbm>> -> memref<24x128xf32, #tpu.memory_space<hbm>>
      tpu.wait_dma2 semaphore(%arg10 : memref<!tpu.dma_semaphore, #tpu.memory_space<semaphore_mem>>) src(%dma_wait3A_1975 : memref<24x128xf32, #tpu.memory_space<hbm>>) dst(%dma_wait3A_1972 : memref<24x128xf32, #tpu.memory_space<vmem>>)
      %dma_wait3A_1976 = arith.constant 144 : i32
      %dma_wait3A_1977 = arith.constant 0 : i32
      %dma_wait3A_1978 = tpu.memref_slice %arg7[%dma_wait3A_1976, %dma_wait3A_1977] : memref<384x128xf32, #tpu.memory_space<vmem>> -> memref<24x128xf32, #tpu.memory_space<vmem>>
      %dma_wait3A_1979 = arith.constant 0 : i32
      %dma_wait3A_1980 = arith.constant 0 : i32
      %dma_wait3A_1981 = tpu.memref_slice %arg3[%dma_wait3A_1979, %dma_wait3A_1980] : memref<24x1000002xf32, #tpu.memory_space<hbm>> -> memref<24x128xf32, #tpu.memory_space<hbm>>
      %dma_wait3A_1982 = arith.constant 144 : i32
      %dma_wait3A_1983 = arith.constant 0 : i32
      %dma_wait3A_1984 = tpu.memref_slice %arg7[%dma_wait3A_1982, %dma_wait3A_1983] : memref<384x128xf32, #tpu.memory_space<vmem>> -> memref<24x128xf32, #tpu.memory_space<vmem>>
      %dma_wait3A_1985 = arith.constant 0 : i32
      %dma_wait3A_1986 = arith.constant 0 : i32
      %dma_wait3A_1987 = tpu.memref_slice %arg3[%dma_wait3A_1985, %dma_wait3A_1986] : memref<24x1000002xf32, #tpu.memory_space<hbm>> -> memref<24x128xf32, #tpu.memory_space<hbm>>
      tpu.wait_dma2 semaphore(%arg10 : memref<!tpu.dma_semaphore, #tpu.memory_space<semaphore_mem>>) src(%dma_wait3A_1987 : memref<24x128xf32, #tpu.memory_space<hbm>>) dst(%dma_wait3A_1984 : memref<24x128xf32, #tpu.memory_space<vmem>>)
      %dma_wait3A_1988 = arith.constant 168 : i32
      %dma_wait3A_1989 = arith.constant 0 : i32
      %dma_wait3A_1990 = tpu.memref_slice %arg7[%dma_wait3A_1988, %dma_wait3A_1989] : memref<384x128xf32, #tpu.memory_space<vmem>> -> memref<24x128xf32, #tpu.memory_space<vmem>>
      %dma_wait3A_1991 = arith.constant 0 : i32
      %dma_wait3A_1992 = arith.constant 0 : i32
      %dma_wait3A_1993 = tpu.memref_slice %arg3[%dma_wait3A_1991, %dma_wait3A_1992] : memref<24x1000002xf32, #tpu.memory_space<hbm>> -> memref<24x128xf32, #tpu.memory_space<hbm>>
      %dma_wait3A_1994 = arith.constant 168 : i32
      %dma_wait3A_1995 = arith.constant 0 : i32
      %dma_wait3A_1996 = tpu.memref_slice %arg7[%dma_wait3A_1994, %dma_wait3A_1995] : memref<384x128xf32, #tpu.memory_space<vmem>> -> memref<24x128xf32, #tpu.memory_space<vmem>>
      %dma_wait3A_1997 = arith.constant 0 : i32
      %dma_wait3A_1998 = arith.constant 0 : i32
      %dma_wait3A_1999 = tpu.memref_slice %arg3[%dma_wait3A_1997, %dma_wait3A_1998] : memref<24x1000002xf32, #tpu.memory_space<hbm>> -> memref<24x128xf32, #tpu.memory_space<hbm>>
      tpu.wait_dma2 semaphore(%arg10 : memref<!tpu.dma_semaphore, #tpu.memory_space<semaphore_mem>>) src(%dma_wait3A_1999 : memref<24x128xf32, #tpu.memory_space<hbm>>) dst(%dma_wait3A_1996 : memref<24x128xf32, #tpu.memory_space<vmem>>)
      %dma_wait3A_2000 = arith.constant 192 : i32
      %dma_wait3A_2001 = arith.constant 0 : i32
      %dma_wait3A_2002 = tpu.memref_slice %arg7[%dma_wait3A_2000, %dma_wait3A_2001] : memref<384x128xf32, #tpu.memory_space<vmem>> -> memref<24x128xf32, #tpu.memory_space<vmem>>
      %dma_wait3A_2003 = arith.constant 0 : i32
      %dma_wait3A_2004 = arith.constant 0 : i32
      %dma_wait3A_2005 = tpu.memref_slice %arg3[%dma_wait3A_2003, %dma_wait3A_2004] : memref<24x1000002xf32, #tpu.memory_space<hbm>> -> memref<24x128xf32, #tpu.memory_space<hbm>>
      %dma_wait3A_2006 = arith.constant 192 : i32
      %dma_wait3A_2007 = arith.constant 0 : i32
      %dma_wait3A_2008 = tpu.memref_slice %arg7[%dma_wait3A_2006, %dma_wait3A_2007] : memref<384x128xf32, #tpu.memory_space<vmem>> -> memref<24x128xf32, #tpu.memory_space<vmem>>
      %dma_wait3A_2009 = arith.constant 0 : i32
      %dma_wait3A_2010 = arith.constant 0 : i32
      %dma_wait3A_2011 = tpu.memref_slice %arg3[%dma_wait3A_2009, %dma_wait3A_2010] : memref<24x1000002xf32, #tpu.memory_space<hbm>> -> memref<24x128xf32, #tpu.memory_space<hbm>>
      tpu.wait_dma2 semaphore(%arg10 : memref<!tpu.dma_semaphore, #tpu.memory_space<semaphore_mem>>) src(%dma_wait3A_2011 : memref<24x128xf32, #tpu.memory_space<hbm>>) dst(%dma_wait3A_2008 : memref<24x128xf32, #tpu.memory_space<vmem>>)
      %dma_wait3A_2012 = arith.constant 216 : i32
      %dma_wait3A_2013 = arith.constant 0 : i32
      %dma_wait3A_2014 = tpu.memref_slice %arg7[%dma_wait3A_2012, %dma_wait3A_2013] : memref<384x128xf32, #tpu.memory_space<vmem>> -> memref<24x128xf32, #tpu.memory_space<vmem>>
      %dma_wait3A_2015 = arith.constant 0 : i32
      %dma_wait3A_2016 = arith.constant 0 : i32
      %dma_wait3A_2017 = tpu.memref_slice %arg3[%dma_wait3A_2015, %dma_wait3A_2016] : memref<24x1000002xf32, #tpu.memory_space<hbm>> -> memref<24x128xf32, #tpu.memory_space<hbm>>
      %dma_wait3A_2018 = arith.constant 216 : i32
      %dma_wait3A_2019 = arith.constant 0 : i32
      %dma_wait3A_2020 = tpu.memref_slice %arg7[%dma_wait3A_2018, %dma_wait3A_2019] : memref<384x128xf32, #tpu.memory_space<vmem>> -> memref<24x128xf32, #tpu.memory_space<vmem>>
      %dma_wait3A_2021 = arith.constant 0 : i32
      %dma_wait3A_2022 = arith.constant 0 : i32
      %dma_wait3A_2023 = tpu.memref_slice %arg3[%dma_wait3A_2021, %dma_wait3A_2022] : memref<24x1000002xf32, #tpu.memory_space<hbm>> -> memref<24x128xf32, #tpu.memory_space<hbm>>
      tpu.wait_dma2 semaphore(%arg10 : memref<!tpu.dma_semaphore, #tpu.memory_space<semaphore_mem>>) src(%dma_wait3A_2023 : memref<24x128xf32, #tpu.memory_space<hbm>>) dst(%dma_wait3A_2020 : memref<24x128xf32, #tpu.memory_space<vmem>>)
      %dma_wait3A_2024 = arith.constant 240 : i32
      %dma_wait3A_2025 = arith.constant 0 : i32
      %dma_wait3A_2026 = tpu.memref_slice %arg7[%dma_wait3A_2024, %dma_wait3A_2025] : memref<384x128xf32, #tpu.memory_space<vmem>> -> memref<24x128xf32, #tpu.memory_space<vmem>>
      %dma_wait3A_2027 = arith.constant 0 : i32
      %dma_wait3A_2028 = arith.constant 0 : i32
      %dma_wait3A_2029 = tpu.memref_slice %arg3[%dma_wait3A_2027, %dma_wait3A_2028] : memref<24x1000002xf32, #tpu.memory_space<hbm>> -> memref<24x128xf32, #tpu.memory_space<hbm>>
      %dma_wait3A_2030 = arith.constant 240 : i32
      %dma_wait3A_2031 = arith.constant 0 : i32
      %dma_wait3A_2032 = tpu.memref_slice %arg7[%dma_wait3A_2030, %dma_wait3A_2031] : memref<384x128xf32, #tpu.memory_space<vmem>> -> memref<24x128xf32, #tpu.memory_space<vmem>>
      %dma_wait3A_2033 = arith.constant 0 : i32
      %dma_wait3A_2034 = arith.constant 0 : i32
      %dma_wait3A_2035 = tpu.memref_slice %arg3[%dma_wait3A_2033, %dma_wait3A_2034] : memref<24x1000002xf32, #tpu.memory_space<hbm>> -> memref<24x128xf32, #tpu.memory_space<hbm>>
      tpu.wait_dma2 semaphore(%arg10 : memref<!tpu.dma_semaphore, #tpu.memory_space<semaphore_mem>>) src(%dma_wait3A_2035 : memref<24x128xf32, #tpu.memory_space<hbm>>) dst(%dma_wait3A_2032 : memref<24x128xf32, #tpu.memory_space<vmem>>)
      %dma_wait3A_2036 = arith.constant 264 : i32
      %dma_wait3A_2037 = arith.constant 0 : i32
      %dma_wait3A_2038 = tpu.memref_slice %arg7[%dma_wait3A_2036, %dma_wait3A_2037] : memref<384x128xf32, #tpu.memory_space<vmem>> -> memref<24x128xf32, #tpu.memory_space<vmem>>
      %dma_wait3A_2039 = arith.constant 0 : i32
      %dma_wait3A_2040 = arith.constant 0 : i32
      %dma_wait3A_2041 = tpu.memref_slice %arg3[%dma_wait3A_2039, %dma_wait3A_2040] : memref<24x1000002xf32, #tpu.memory_space<hbm>> -> memref<24x128xf32, #tpu.memory_space<hbm>>
      %dma_wait3A_2042 = arith.constant 264 : i32
      %dma_wait3A_2043 = arith.constant 0 : i32
      %dma_wait3A_2044 = tpu.memref_slice %arg7[%dma_wait3A_2042, %dma_wait3A_2043] : memref<384x128xf32, #tpu.memory_space<vmem>> -> memref<24x128xf32, #tpu.memory_space<vmem>>
      %dma_wait3A_2045 = arith.constant 0 : i32
      %dma_wait3A_2046 = arith.constant 0 : i32
      %dma_wait3A_2047 = tpu.memref_slice %arg3[%dma_wait3A_2045, %dma_wait3A_2046] : memref<24x1000002xf32, #tpu.memory_space<hbm>> -> memref<24x128xf32, #tpu.memory_space<hbm>>
      tpu.wait_dma2 semaphore(%arg10 : memref<!tpu.dma_semaphore, #tpu.memory_space<semaphore_mem>>) src(%dma_wait3A_2047 : memref<24x128xf32, #tpu.memory_space<hbm>>) dst(%dma_wait3A_2044 : memref<24x128xf32, #tpu.memory_space<vmem>>)
      %dma_wait3A_2048 = arith.constant 288 : i32
      %dma_wait3A_2049 = arith.constant 0 : i32
      %dma_wait3A_2050 = tpu.memref_slice %arg7[%dma_wait3A_2048, %dma_wait3A_2049] : memref<384x128xf32, #tpu.memory_space<vmem>> -> memref<24x128xf32, #tpu.memory_space<vmem>>
      %dma_wait3A_2051 = arith.constant 0 : i32
      %dma_wait3A_2052 = arith.constant 0 : i32
      %dma_wait3A_2053 = tpu.memref_slice %arg3[%dma_wait3A_2051, %dma_wait3A_2052] : memref<24x1000002xf32, #tpu.memory_space<hbm>> -> memref<24x128xf32, #tpu.memory_space<hbm>>
      %dma_wait3A_2054 = arith.constant 288 : i32
      %dma_wait3A_2055 = arith.constant 0 : i32
      %dma_wait3A_2056 = tpu.memref_slice %arg7[%dma_wait3A_2054, %dma_wait3A_2055] : memref<384x128xf32, #tpu.memory_space<vmem>> -> memref<24x128xf32, #tpu.memory_space<vmem>>
      %dma_wait3A_2057 = arith.constant 0 : i32
      %dma_wait3A_2058 = arith.constant 0 : i32
      %dma_wait3A_2059 = tpu.memref_slice %arg3[%dma_wait3A_2057, %dma_wait3A_2058] : memref<24x1000002xf32, #tpu.memory_space<hbm>> -> memref<24x128xf32, #tpu.memory_space<hbm>>
      tpu.wait_dma2 semaphore(%arg10 : memref<!tpu.dma_semaphore, #tpu.memory_space<semaphore_mem>>) src(%dma_wait3A_2059 : memref<24x128xf32, #tpu.memory_space<hbm>>) dst(%dma_wait3A_2056 : memref<24x128xf32, #tpu.memory_space<vmem>>)
      %dma_wait3A_2060 = arith.constant 312 : i32
      %dma_wait3A_2061 = arith.constant 0 : i32
      %dma_wait3A_2062 = tpu.memref_slice %arg7[%dma_wait3A_2060, %dma_wait3A_2061] : memref<384x128xf32, #tpu.memory_space<vmem>> -> memref<24x128xf32, #tpu.memory_space<vmem>>
      %dma_wait3A_2063 = arith.constant 0 : i32
      %dma_wait3A_2064 = arith.constant 0 : i32
      %dma_wait3A_2065 = tpu.memref_slice %arg3[%dma_wait3A_2063, %dma_wait3A_2064] : memref<24x1000002xf32, #tpu.memory_space<hbm>> -> memref<24x128xf32, #tpu.memory_space<hbm>>
      %dma_wait3A_2066 = arith.constant 312 : i32
      %dma_wait3A_2067 = arith.constant 0 : i32
      %dma_wait3A_2068 = tpu.memref_slice %arg7[%dma_wait3A_2066, %dma_wait3A_2067] : memref<384x128xf32, #tpu.memory_space<vmem>> -> memref<24x128xf32, #tpu.memory_space<vmem>>
      %dma_wait3A_2069 = arith.constant 0 : i32
      %dma_wait3A_2070 = arith.constant 0 : i32
      %dma_wait3A_2071 = tpu.memref_slice %arg3[%dma_wait3A_2069, %dma_wait3A_2070] : memref<24x1000002xf32, #tpu.memory_space<hbm>> -> memref<24x128xf32, #tpu.memory_space<hbm>>
      tpu.wait_dma2 semaphore(%arg10 : memref<!tpu.dma_semaphore, #tpu.memory_space<semaphore_mem>>) src(%dma_wait3A_2071 : memref<24x128xf32, #tpu.memory_space<hbm>>) dst(%dma_wait3A_2068 : memref<24x128xf32, #tpu.memory_space<vmem>>)
      %dma_wait3A_2072 = arith.constant 336 : i32
      %dma_wait3A_2073 = arith.constant 0 : i32
      %dma_wait3A_2074 = tpu.memref_slice %arg7[%dma_wait3A_2072, %dma_wait3A_2073] : memref<384x128xf32, #tpu.memory_space<vmem>> -> memref<24x128xf32, #tpu.memory_space<vmem>>
      %dma_wait3A_2075 = arith.constant 0 : i32
      %dma_wait3A_2076 = arith.constant 0 : i32
      %dma_wait3A_2077 = tpu.memref_slice %arg3[%dma_wait3A_2075, %dma_wait3A_2076] : memref<24x1000002xf32, #tpu.memory_space<hbm>> -> memref<24x128xf32, #tpu.memory_space<hbm>>
      %dma_wait3A_2078 = arith.constant 336 : i32
      %dma_wait3A_2079 = arith.constant 0 : i32
      %dma_wait3A_2080 = tpu.memref_slice %arg7[%dma_wait3A_2078, %dma_wait3A_2079] : memref<384x128xf32, #tpu.memory_space<vmem>> -> memref<24x128xf32, #tpu.memory_space<vmem>>
      %dma_wait3A_2081 = arith.constant 0 : i32
      %dma_wait3A_2082 = arith.constant 0 : i32
      %dma_wait3A_2083 = tpu.memref_slice %arg3[%dma_wait3A_2081, %dma_wait3A_2082] : memref<24x1000002xf32, #tpu.memory_space<hbm>> -> memref<24x128xf32, #tpu.memory_space<hbm>>
      tpu.wait_dma2 semaphore(%arg10 : memref<!tpu.dma_semaphore, #tpu.memory_space<semaphore_mem>>) src(%dma_wait3A_2083 : memref<24x128xf32, #tpu.memory_space<hbm>>) dst(%dma_wait3A_2080 : memref<24x128xf32, #tpu.memory_space<vmem>>)
      %dma_wait3A_2084 = arith.constant 360 : i32
      %dma_wait3A_2085 = arith.constant 0 : i32
      %dma_wait3A_2086 = tpu.memref_slice %arg7[%dma_wait3A_2084, %dma_wait3A_2085] : memref<384x128xf32, #tpu.memory_space<vmem>> -> memref<24x128xf32, #tpu.memory_space<vmem>>
      %dma_wait3A_2087 = arith.constant 0 : i32
      %dma_wait3A_2088 = arith.constant 0 : i32
      %dma_wait3A_2089 = tpu.memref_slice %arg3[%dma_wait3A_2087, %dma_wait3A_2088] : memref<24x1000002xf32, #tpu.memory_space<hbm>> -> memref<24x128xf32, #tpu.memory_space<hbm>>
      %dma_wait3A_2090 = arith.constant 360 : i32
      %dma_wait3A_2091 = arith.constant 0 : i32
      %dma_wait3A_2092 = tpu.memref_slice %arg7[%dma_wait3A_2090, %dma_wait3A_2091] : memref<384x128xf32, #tpu.memory_space<vmem>> -> memref<24x128xf32, #tpu.memory_space<vmem>>
      %dma_wait3A_2093 = arith.constant 0 : i32
      %dma_wait3A_2094 = arith.constant 0 : i32
      %dma_wait3A_2095 = tpu.memref_slice %arg3[%dma_wait3A_2093, %dma_wait3A_2094] : memref<24x1000002xf32, #tpu.memory_space<hbm>> -> memref<24x128xf32, #tpu.memory_space<hbm>>
      tpu.wait_dma2 semaphore(%arg10 : memref<!tpu.dma_semaphore, #tpu.memory_space<semaphore_mem>>) src(%dma_wait3A_2095 : memref<24x128xf32, #tpu.memory_space<hbm>>) dst(%dma_wait3A_2092 : memref<24x128xf32, #tpu.memory_space<vmem>>)
      %mul3A_2096 = arith.constant 2 : i32
      %mul3A_2097 = arith.muli %mul3A_2096, %scan3A_438 : i32
      %add3A_2098 = arith.constant 1 : i32
      %add3A_2099 = arith.addi %mul3A_2097, %add3A_2098 : i32
      %add3A_2100 = arith.constant 0 : i32
      %add3A_2101 = vector.broadcast %add3A_2100 : i32 to vector<16xi32>
      %add3A_2102 = arith.addi %iota3A, %add3A_2101 : vector<16xi32>
      %sub3A_2103 = arith.constant 24 : i32
      %sub3A_2104 = vector.broadcast %sub3A_2103 : i32 to vector<16xi32>
      %sub3A_2105 = arith.subi %add3A_2102, %sub3A_2104 : vector<16xi32>
      %shift_right_arithmetic3A_2106 = arith.constant 31 : i32
      %shift_right_arithmetic3A_2107 = vector.broadcast %shift_right_arithmetic3A_2106 : i32 to vector<16xi32>
      %shift_right_arithmetic3A_2108 = arith.shrsi %sub3A_2105, %shift_right_arithmetic3A_2107 : vector<16xi32>
      %add3A_2109 = arith.constant 1 : i32
      %add3A_2110 = vector.broadcast %add3A_2109 : i32 to vector<16xi32>
      %add3A_2111 = arith.addi %add3A_2110, %shift_right_arithmetic3A_2108 : vector<16xi32>
      %mul3A_2112 = arith.constant 16 : i32
      %mul3A_2113 = arith.muli %add3A_2099, %mul3A_2112 : i32
      %add3A_2114 = arith.constant 0 : i32
      %add3A_2115 = arith.addi %mul3A_2113, %add3A_2114 : i32
      %add3A_2116 = vector.broadcast %add3A_2115 : i32 to vector<16xi32>
      %add3A_2117 = arith.addi %add3A_2116, %add3A_2111 : vector<16xi32>
      %gather3A_2118 = tpu.vector_load_idx %arg5[%add3A_2117] : memref<512xi32, #tpu.memory_space<vmem>>[vector<16xi32>], vector<16xi32>,
      %and3A_2119 = arith.constant 127 : i32
      %and3A_2120 = vector.broadcast %and3A_2119 : i32 to vector<16xi32>
      %and3A_2121 = arith.andi %gather3A_2118, %and3A_2120 : vector<16xi32>
      %add3A_2122 = arith.constant 0 : i32
      %add3A_2123 = vector.broadcast %add3A_2122 : i32 to vector<16xi32>
      %add3A_2124 = arith.addi %add3A_2123, %iota3A : vector<16xi32>
      %gather3A_2125 = tpu.vector_load_idx %arg7[%add3A_2124, %and3A_2121] : memref<384x128xf32, #tpu.memory_space<vmem>>[vector<16xi32>, vector<16xi32>], vector<16xf32>,
      %mul3A_2126 = arith.constant 384 : i32
      %mul3A_2127 = arith.muli %add3A_2099, %mul3A_2126 : i32
      %add3A_2128 = arith.constant 0 : i32
      %add3A_2129 = arith.addi %mul3A_2127, %add3A_2128 : i32
      %swap3A_2130 = arith.index_cast %add3A_2129 : i32 to index
      %swap3A_2131 = tpu.vector_load %arg8[%swap3A_2130] {strides = array<i32>} : memref<12288xf32, #tpu.memory_space<vmem>>, vector<16xf32>,
      tpu.vector_store %arg8[%swap3A_2130], %gather3A_2125 {strides = array<i32>} : memref<12288xf32, #tpu.memory_space<vmem>>, vector<16xf32>,
      %add3A_2132 = arith.constant 16 : i32
      %add3A_2133 = vector.broadcast %add3A_2132 : i32 to vector<16xi32>
      %add3A_2134 = arith.addi %iota3A, %add3A_2133 : vector<16xi32>
      %sub3A_2135 = arith.constant 24 : i32
      %sub3A_2136 = vector.broadcast %sub3A_2135 : i32 to vector<16xi32>
      %sub3A_2137 = arith.subi %add3A_2134, %sub3A_2136 : vector<16xi32>
      %shift_right_arithmetic3A_2138 = arith.constant 31 : i32
      %shift_right_arithmetic3A_2139 = vector.broadcast %shift_right_arithmetic3A_2138 : i32 to vector<16xi32>
      %shift_right_arithmetic3A_2140 = arith.shrsi %sub3A_2137, %shift_right_arithmetic3A_2139 : vector<16xi32>
      %add3A_2141 = arith.constant 1 : i32
      %add3A_2142 = vector.broadcast %add3A_2141 : i32 to vector<16xi32>
      %add3A_2143 = arith.addi %add3A_2142, %shift_right_arithmetic3A_2140 : vector<16xi32>
      %mul3A_2144 = arith.constant 16 : i32
      %mul3A_2145 = arith.muli %add3A_2099, %mul3A_2144 : i32
      %add3A_2146 = arith.constant 0 : i32
      %add3A_2147 = arith.addi %mul3A_2145, %add3A_2146 : i32
      %add3A_2148 = vector.broadcast %add3A_2147 : i32 to vector<16xi32>
      %add3A_2149 = arith.addi %add3A_2148, %add3A_2143 : vector<16xi32>
      %gather3A_2150 = tpu.vector_load_idx %arg5[%add3A_2149] : memref<512xi32, #tpu.memory_space<vmem>>[vector<16xi32>], vector<16xi32>,
      %and3A_2151 = arith.constant 127 : i32
      %and3A_2152 = vector.broadcast %and3A_2151 : i32 to vector<16xi32>
      %and3A_2153 = arith.andi %gather3A_2150, %and3A_2152 : vector<16xi32>
      %add3A_2154 = arith.constant 16 : i32
      %add3A_2155 = vector.broadcast %add3A_2154 : i32 to vector<16xi32>
      %add3A_2156 = arith.addi %add3A_2155, %iota3A : vector<16xi32>
      %gather3A_2157 = tpu.vector_load_idx %arg7[%add3A_2156, %and3A_2153] : memref<384x128xf32, #tpu.memory_space<vmem>>[vector<16xi32>, vector<16xi32>], vector<16xf32>,
      %mul3A_2158 = arith.constant 384 : i32
      %mul3A_2159 = arith.muli %add3A_2099, %mul3A_2158 : i32
      %add3A_2160 = arith.constant 16 : i32
      %add3A_2161 = arith.addi %mul3A_2159, %add3A_2160 : i32
      %swap3A_2162 = arith.index_cast %add3A_2161 : i32 to index
      %swap3A_2163 = tpu.vector_load %arg8[%swap3A_2162] {strides = array<i32>} : memref<12288xf32, #tpu.memory_space<vmem>>, vector<16xf32>,
      tpu.vector_store %arg8[%swap3A_2162], %gather3A_2157 {strides = array<i32>} : memref<12288xf32, #tpu.memory_space<vmem>>, vector<16xf32>,
      %add3A_2164 = arith.constant 8 : i32
      %add3A_2165 = vector.broadcast %add3A_2164 : i32 to vector<16xi32>
      %add3A_2166 = arith.addi %iota3A, %add3A_2165 : vector<16xi32>
      %sub3A_2167 = arith.constant 24 : i32
      %sub3A_2168 = vector.broadcast %sub3A_2167 : i32 to vector<16xi32>
      %sub3A_2169 = arith.subi %add3A_2166, %sub3A_2168 : vector<16xi32>
      %shift_right_arithmetic3A_2170 = arith.constant 31 : i32
      %shift_right_arithmetic3A_2171 = vector.broadcast %shift_right_arithmetic3A_2170 : i32 to vector<16xi32>
      %shift_right_arithmetic3A_2172 = arith.shrsi %sub3A_2169, %shift_right_arithmetic3A_2171 : vector<16xi32>
      %add3A_2173 = arith.constant 1 : i32
      %add3A_2174 = vector.broadcast %add3A_2173 : i32 to vector<16xi32>
      %add3A_2175 = arith.addi %add3A_2174, %shift_right_arithmetic3A_2172 : vector<16xi32>
      %mul3A_2176 = arith.constant 16 : i32
      %mul3A_2177 = arith.muli %add3A_2099, %mul3A_2176 : i32
      %add3A_2178 = arith.constant 1 : i32
      %add3A_2179 = arith.addi %mul3A_2177, %add3A_2178 : i32
      %add3A_2180 = vector.broadcast %add3A_2179 : i32 to vector<16xi32>
      %add3A_2181 = arith.addi %add3A_2180, %add3A_2175 : vector<16xi32>
      %gather3A_2182 = tpu.vector_load_idx %arg5[%add3A_2181] : memref<512xi32, #tpu.memory_space<vmem>>[vector<16xi32>], vector<16xi32>,
      %and3A_2183 = arith.constant 127 : i32
      %and3A_2184 = vector.broadcast %and3A_2183 : i32 to vector<16xi32>
      %and3A_2185 = arith.andi %gather3A_2182, %and3A_2184 : vector<16xi32>
      %add3A_2186 = arith.constant 32 : i32
      %add3A_2187 = vector.broadcast %add3A_2186 : i32 to vector<16xi32>
      %add3A_2188 = arith.addi %add3A_2187, %iota3A : vector<16xi32>
      %gather3A_2189 = tpu.vector_load_idx %arg7[%add3A_2188, %and3A_2185] : memref<384x128xf32, #tpu.memory_space<vmem>>[vector<16xi32>, vector<16xi32>], vector<16xf32>,
      %mul3A_2190 = arith.constant 384 : i32
      %mul3A_2191 = arith.muli %add3A_2099, %mul3A_2190 : i32
      %add3A_2192 = arith.constant 32 : i32
      %add3A_2193 = arith.addi %mul3A_2191, %add3A_2192 : i32
      %swap3A_2194 = arith.index_cast %add3A_2193 : i32 to index
      %swap3A_2195 = tpu.vector_load %arg8[%swap3A_2194] {strides = array<i32>} : memref<12288xf32, #tpu.memory_space<vmem>>, vector<16xf32>,
      tpu.vector_store %arg8[%swap3A_2194], %gather3A_2189 {strides = array<i32>} : memref<12288xf32, #tpu.memory_space<vmem>>, vector<16xf32>,
      %add3A_2196 = arith.constant 0 : i32
      %add3A_2197 = vector.broadcast %add3A_2196 : i32 to vector<16xi32>
      %add3A_2198 = arith.addi %iota3A, %add3A_2197 : vector<16xi32>
      %sub3A_2199 = arith.constant 24 : i32
      %sub3A_2200 = vector.broadcast %sub3A_2199 : i32 to vector<16xi32>
      %sub3A_2201 = arith.subi %add3A_2198, %sub3A_2200 : vector<16xi32>
      %shift_right_arithmetic3A_2202 = arith.constant 31 : i32
      %shift_right_arithmetic3A_2203 = vector.broadcast %shift_right_arithmetic3A_2202 : i32 to vector<16xi32>
      %shift_right_arithmetic3A_2204 = arith.shrsi %sub3A_2201, %shift_right_arithmetic3A_2203 : vector<16xi32>
      %add3A_2205 = arith.constant 1 : i32
      %add3A_2206 = vector.broadcast %add3A_2205 : i32 to vector<16xi32>
      %add3A_2207 = arith.addi %add3A_2206, %shift_right_arithmetic3A_2204 : vector<16xi32>
      %mul3A_2208 = arith.constant 16 : i32
      %mul3A_2209 = arith.muli %add3A_2099, %mul3A_2208 : i32
      %add3A_2210 = arith.constant 2 : i32
      %add3A_2211 = arith.addi %mul3A_2209, %add3A_2210 : i32
      %add3A_2212 = vector.broadcast %add3A_2211 : i32 to vector<16xi32>
      %add3A_2213 = arith.addi %add3A_2212, %add3A_2207 : vector<16xi32>
      %gather3A_2214 = tpu.vector_load_idx %arg5[%add3A_2213] : memref<512xi32, #tpu.memory_space<vmem>>[vector<16xi32>], vector<16xi32>,
      %and3A_2215 = arith.constant 127 : i32
      %and3A_2216 = vector.broadcast %and3A_2215 : i32 to vector<16xi32>
      %and3A_2217 = arith.andi %gather3A_2214, %and3A_2216 : vector<16xi32>
      %add3A_2218 = arith.constant 48 : i32
      %add3A_2219 = vector.broadcast %add3A_2218 : i32 to vector<16xi32>
      %add3A_2220 = arith.addi %add3A_2219, %iota3A : vector<16xi32>
      %gather3A_2221 = tpu.vector_load_idx %arg7[%add3A_2220, %and3A_2217] : memref<384x128xf32, #tpu.memory_space<vmem>>[vector<16xi32>, vector<16xi32>], vector<16xf32>,
      %mul3A_2222 = arith.constant 384 : i32
      %mul3A_2223 = arith.muli %add3A_2099, %mul3A_2222 : i32
      %add3A_2224 = arith.constant 48 : i32
      %add3A_2225 = arith.addi %mul3A_2223, %add3A_2224 : i32
      %swap3A_2226 = arith.index_cast %add3A_2225 : i32 to index
      %swap3A_2227 = tpu.vector_load %arg8[%swap3A_2226] {strides = array<i32>} : memref<12288xf32, #tpu.memory_space<vmem>>, vector<16xf32>,
      tpu.vector_store %arg8[%swap3A_2226], %gather3A_2221 {strides = array<i32>} : memref<12288xf32, #tpu.memory_space<vmem>>, vector<16xf32>,
      %add3A_2228 = arith.constant 16 : i32
      %add3A_2229 = vector.broadcast %add3A_2228 : i32 to vector<16xi32>
      %add3A_2230 = arith.addi %iota3A, %add3A_2229 : vector<16xi32>
      %sub3A_2231 = arith.constant 24 : i32
      %sub3A_2232 = vector.broadcast %sub3A_2231 : i32 to vector<16xi32>
      %sub3A_2233 = arith.subi %add3A_2230, %sub3A_2232 : vector<16xi32>
      %shift_right_arithmetic3A_2234 = arith.constant 31 : i32
      %shift_right_arithmetic3A_2235 = vector.broadcast %shift_right_arithmetic3A_2234 : i32 to vector<16xi32>
      %shift_right_arithmetic3A_2236 = arith.shrsi %sub3A_2233, %shift_right_arithmetic3A_2235 : vector<16xi32>
      %add3A_2237 = arith.constant 1 : i32
      %add3A_2238 = vector.broadcast %add3A_2237 : i32 to vector<16xi32>
      %add3A_2239 = arith.addi %add3A_2238, %shift_right_arithmetic3A_2236 : vector<16xi32>
      %mul3A_2240 = arith.constant 16 : i32
      %mul3A_2241 = arith.muli %add3A_2099, %mul3A_2240 : i32
      %add3A_2242 = arith.constant 2 : i32
      %add3A_2243 = arith.addi %mul3A_2241, %add3A_2242 : i32
      %add3A_2244 = vector.broadcast %add3A_2243 : i32 to vector<16xi32>
      %add3A_2245 = arith.addi %add3A_2244, %add3A_2239 : vector<16xi32>
      %gather3A_2246 = tpu.vector_load_idx %arg5[%add3A_2245] : memref<512xi32, #tpu.memory_space<vmem>>[vector<16xi32>], vector<16xi32>,
      %and3A_2247 = arith.constant 127 : i32
      %and3A_2248 = vector.broadcast %and3A_2247 : i32 to vector<16xi32>
      %and3A_2249 = arith.andi %gather3A_2246, %and3A_2248 : vector<16xi32>
      %add3A_2250 = arith.constant 64 : i32
      %add3A_2251 = vector.broadcast %add3A_2250 : i32 to vector<16xi32>
      %add3A_2252 = arith.addi %add3A_2251, %iota3A : vector<16xi32>
      %gather3A_2253 = tpu.vector_load_idx %arg7[%add3A_2252, %and3A_2249] : memref<384x128xf32, #tpu.memory_space<vmem>>[vector<16xi32>, vector<16xi32>], vector<16xf32>,
      %mul3A_2254 = arith.constant 384 : i32
      %mul3A_2255 = arith.muli %add3A_2099, %mul3A_2254 : i32
      %add3A_2256 = arith.constant 64 : i32
      %add3A_2257 = arith.addi %mul3A_2255, %add3A_2256 : i32
      %swap3A_2258 = arith.index_cast %add3A_2257 : i32 to index
      %swap3A_2259 = tpu.vector_load %arg8[%swap3A_2258] {strides = array<i32>} : memref<12288xf32, #tpu.memory_space<vmem>>, vector<16xf32>,
      tpu.vector_store %arg8[%swap3A_2258], %gather3A_2253 {strides = array<i32>} : memref<12288xf32, #tpu.memory_space<vmem>>, vector<16xf32>,
      %add3A_2260 = arith.constant 8 : i32
      %add3A_2261 = vector.broadcast %add3A_2260 : i32 to vector<16xi32>
      %add3A_2262 = arith.addi %iota3A, %add3A_2261 : vector<16xi32>
      %sub3A_2263 = arith.constant 24 : i32
      %sub3A_2264 = vector.broadcast %sub3A_2263 : i32 to vector<16xi32>
      %sub3A_2265 = arith.subi %add3A_2262, %sub3A_2264 : vector<16xi32>
      %shift_right_arithmetic3A_2266 = arith.constant 31 : i32
      %shift_right_arithmetic3A_2267 = vector.broadcast %shift_right_arithmetic3A_2266 : i32 to vector<16xi32>
      %shift_right_arithmetic3A_2268 = arith.shrsi %sub3A_2265, %shift_right_arithmetic3A_2267 : vector<16xi32>
      %add3A_2269 = arith.constant 1 : i32
      %add3A_2270 = vector.broadcast %add3A_2269 : i32 to vector<16xi32>
      %add3A_2271 = arith.addi %add3A_2270, %shift_right_arithmetic3A_2268 : vector<16xi32>
      %mul3A_2272 = arith.constant 16 : i32
      %mul3A_2273 = arith.muli %add3A_2099, %mul3A_2272 : i32
      %add3A_2274 = arith.constant 3 : i32
      %add3A_2275 = arith.addi %mul3A_2273, %add3A_2274 : i32
      %add3A_2276 = vector.broadcast %add3A_2275 : i32 to vector<16xi32>
      %add3A_2277 = arith.addi %add3A_2276, %add3A_2271 : vector<16xi32>
      %gather3A_2278 = tpu.vector_load_idx %arg5[%add3A_2277] : memref<512xi32, #tpu.memory_space<vmem>>[vector<16xi32>], vector<16xi32>,
      %and3A_2279 = arith.constant 127 : i32
      %and3A_2280 = vector.broadcast %and3A_2279 : i32 to vector<16xi32>
      %and3A_2281 = arith.andi %gather3A_2278, %and3A_2280 : vector<16xi32>
      %add3A_2282 = arith.constant 80 : i32
      %add3A_2283 = vector.broadcast %add3A_2282 : i32 to vector<16xi32>
      %add3A_2284 = arith.addi %add3A_2283, %iota3A : vector<16xi32>
      %gather3A_2285 = tpu.vector_load_idx %arg7[%add3A_2284, %and3A_2281] : memref<384x128xf32, #tpu.memory_space<vmem>>[vector<16xi32>, vector<16xi32>], vector<16xf32>,
      %mul3A_2286 = arith.constant 384 : i32
      %mul3A_2287 = arith.muli %add3A_2099, %mul3A_2286 : i32
      %add3A_2288 = arith.constant 80 : i32
      %add3A_2289 = arith.addi %mul3A_2287, %add3A_2288 : i32
      %swap3A_2290 = arith.index_cast %add3A_2289 : i32 to index
      %swap3A_2291 = tpu.vector_load %arg8[%swap3A_2290] {strides = array<i32>} : memref<12288xf32, #tpu.memory_space<vmem>>, vector<16xf32>,
      tpu.vector_store %arg8[%swap3A_2290], %gather3A_2285 {strides = array<i32>} : memref<12288xf32, #tpu.memory_space<vmem>>, vector<16xf32>,
      %add3A_2292 = arith.constant 0 : i32
      %add3A_2293 = vector.broadcast %add3A_2292 : i32 to vector<16xi32>
      %add3A_2294 = arith.addi %iota3A, %add3A_2293 : vector<16xi32>
      %sub3A_2295 = arith.constant 24 : i32
      %sub3A_2296 = vector.broadcast %sub3A_2295 : i32 to vector<16xi32>
      %sub3A_2297 = arith.subi %add3A_2294, %sub3A_2296 : vector<16xi32>
      %shift_right_arithmetic3A_2298 = arith.constant 31 : i32
      %shift_right_arithmetic3A_2299 = vector.broadcast %shift_right_arithmetic3A_2298 : i32 to vector<16xi32>
      %shift_right_arithmetic3A_2300 = arith.shrsi %sub3A_2297, %shift_right_arithmetic3A_2299 : vector<16xi32>
      %add3A_2301 = arith.constant 1 : i32
      %add3A_2302 = vector.broadcast %add3A_2301 : i32 to vector<16xi32>
      %add3A_2303 = arith.addi %add3A_2302, %shift_right_arithmetic3A_2300 : vector<16xi32>
      %mul3A_2304 = arith.constant 16 : i32
      %mul3A_2305 = arith.muli %add3A_2099, %mul3A_2304 : i32
      %add3A_2306 = arith.constant 4 : i32
      %add3A_2307 = arith.addi %mul3A_2305, %add3A_2306 : i32
      %add3A_2308 = vector.broadcast %add3A_2307 : i32 to vector<16xi32>
      %add3A_2309 = arith.addi %add3A_2308, %add3A_2303 : vector<16xi32>
      %gather3A_2310 = tpu.vector_load_idx %arg5[%add3A_2309] : memref<512xi32, #tpu.memory_space<vmem>>[vector<16xi32>], vector<16xi32>,
      %and3A_2311 = arith.constant 127 : i32
      %and3A_2312 = vector.broadcast %and3A_2311 : i32 to vector<16xi32>
      %and3A_2313 = arith.andi %gather3A_2310, %and3A_2312 : vector<16xi32>
      %add3A_2314 = arith.constant 96 : i32
      %add3A_2315 = vector.broadcast %add3A_2314 : i32 to vector<16xi32>
      %add3A_2316 = arith.addi %add3A_2315, %iota3A : vector<16xi32>
      %gather3A_2317 = tpu.vector_load_idx %arg7[%add3A_2316, %and3A_2313] : memref<384x128xf32, #tpu.memory_space<vmem>>[vector<16xi32>, vector<16xi32>], vector<16xf32>,
      %mul3A_2318 = arith.constant 384 : i32
      %mul3A_2319 = arith.muli %add3A_2099, %mul3A_2318 : i32
      %add3A_2320 = arith.constant 96 : i32
      %add3A_2321 = arith.addi %mul3A_2319, %add3A_2320 : i32
      %swap3A_2322 = arith.index_cast %add3A_2321 : i32 to index
      %swap3A_2323 = tpu.vector_load %arg8[%swap3A_2322] {strides = array<i32>} : memref<12288xf32, #tpu.memory_space<vmem>>, vector<16xf32>,
      tpu.vector_store %arg8[%swap3A_2322], %gather3A_2317 {strides = array<i32>} : memref<12288xf32, #tpu.memory_space<vmem>>, vector<16xf32>,
      %add3A_2324 = arith.constant 16 : i32
      %add3A_2325 = vector.broadcast %add3A_2324 : i32 to vector<16xi32>
      %add3A_2326 = arith.addi %iota3A, %add3A_2325 : vector<16xi32>
      %sub3A_2327 = arith.constant 24 : i32
      %sub3A_2328 = vector.broadcast %sub3A_2327 : i32 to vector<16xi32>
      %sub3A_2329 = arith.subi %add3A_2326, %sub3A_2328 : vector<16xi32>
      %shift_right_arithmetic3A_2330 = arith.constant 31 : i32
      %shift_right_arithmetic3A_2331 = vector.broadcast %shift_right_arithmetic3A_2330 : i32 to vector<16xi32>
      %shift_right_arithmetic3A_2332 = arith.shrsi %sub3A_2329, %shift_right_arithmetic3A_2331 : vector<16xi32>
      %add3A_2333 = arith.constant 1 : i32
      %add3A_2334 = vector.broadcast %add3A_2333 : i32 to vector<16xi32>
      %add3A_2335 = arith.addi %add3A_2334, %shift_right_arithmetic3A_2332 : vector<16xi32>
      %mul3A_2336 = arith.constant 16 : i32
      %mul3A_2337 = arith.muli %add3A_2099, %mul3A_2336 : i32
      %add3A_2338 = arith.constant 4 : i32
      %add3A_2339 = arith.addi %mul3A_2337, %add3A_2338 : i32
      %add3A_2340 = vector.broadcast %add3A_2339 : i32 to vector<16xi32>
      %add3A_2341 = arith.addi %add3A_2340, %add3A_2335 : vector<16xi32>
      %gather3A_2342 = tpu.vector_load_idx %arg5[%add3A_2341] : memref<512xi32, #tpu.memory_space<vmem>>[vector<16xi32>], vector<16xi32>,
      %and3A_2343 = arith.constant 127 : i32
      %and3A_2344 = vector.broadcast %and3A_2343 : i32 to vector<16xi32>
      %and3A_2345 = arith.andi %gather3A_2342, %and3A_2344 : vector<16xi32>
      %add3A_2346 = arith.constant 112 : i32
      %add3A_2347 = vector.broadcast %add3A_2346 : i32 to vector<16xi32>
      %add3A_2348 = arith.addi %add3A_2347, %iota3A : vector<16xi32>
      %gather3A_2349 = tpu.vector_load_idx %arg7[%add3A_2348, %and3A_2345] : memref<384x128xf32, #tpu.memory_space<vmem>>[vector<16xi32>, vector<16xi32>], vector<16xf32>,
      %mul3A_2350 = arith.constant 384 : i32
      %mul3A_2351 = arith.muli %add3A_2099, %mul3A_2350 : i32
      %add3A_2352 = arith.constant 112 : i32
      %add3A_2353 = arith.addi %mul3A_2351, %add3A_2352 : i32
      %swap3A_2354 = arith.index_cast %add3A_2353 : i32 to index
      %swap3A_2355 = tpu.vector_load %arg8[%swap3A_2354] {strides = array<i32>} : memref<12288xf32, #tpu.memory_space<vmem>>, vector<16xf32>,
      tpu.vector_store %arg8[%swap3A_2354], %gather3A_2349 {strides = array<i32>} : memref<12288xf32, #tpu.memory_space<vmem>>, vector<16xf32>,
      %add3A_2356 = arith.constant 8 : i32
      %add3A_2357 = vector.broadcast %add3A_2356 : i32 to vector<16xi32>
      %add3A_2358 = arith.addi %iota3A, %add3A_2357 : vector<16xi32>
      %sub3A_2359 = arith.constant 24 : i32
      %sub3A_2360 = vector.broadcast %sub3A_2359 : i32 to vector<16xi32>
      %sub3A_2361 = arith.subi %add3A_2358, %sub3A_2360 : vector<16xi32>
      %shift_right_arithmetic3A_2362 = arith.constant 31 : i32
      %shift_right_arithmetic3A_2363 = vector.broadcast %shift_right_arithmetic3A_2362 : i32 to vector<16xi32>
      %shift_right_arithmetic3A_2364 = arith.shrsi %sub3A_2361, %shift_right_arithmetic3A_2363 : vector<16xi32>
      %add3A_2365 = arith.constant 1 : i32
      %add3A_2366 = vector.broadcast %add3A_2365 : i32 to vector<16xi32>
      %add3A_2367 = arith.addi %add3A_2366, %shift_right_arithmetic3A_2364 : vector<16xi32>
      %mul3A_2368 = arith.constant 16 : i32
      %mul3A_2369 = arith.muli %add3A_2099, %mul3A_2368 : i32
      %add3A_2370 = arith.constant 5 : i32
      %add3A_2371 = arith.addi %mul3A_2369, %add3A_2370 : i32
      %add3A_2372 = vector.broadcast %add3A_2371 : i32 to vector<16xi32>
      %add3A_2373 = arith.addi %add3A_2372, %add3A_2367 : vector<16xi32>
      %gather3A_2374 = tpu.vector_load_idx %arg5[%add3A_2373] : memref<512xi32, #tpu.memory_space<vmem>>[vector<16xi32>], vector<16xi32>,
      %and3A_2375 = arith.constant 127 : i32
      %and3A_2376 = vector.broadcast %and3A_2375 : i32 to vector<16xi32>
      %and3A_2377 = arith.andi %gather3A_2374, %and3A_2376 : vector<16xi32>
      %add3A_2378 = arith.constant 128 : i32
      %add3A_2379 = vector.broadcast %add3A_2378 : i32 to vector<16xi32>
      %add3A_2380 = arith.addi %add3A_2379, %iota3A : vector<16xi32>
      %gather3A_2381 = tpu.vector_load_idx %arg7[%add3A_2380, %and3A_2377] : memref<384x128xf32, #tpu.memory_space<vmem>>[vector<16xi32>, vector<16xi32>], vector<16xf32>,
      %mul3A_2382 = arith.constant 384 : i32
      %mul3A_2383 = arith.muli %add3A_2099, %mul3A_2382 : i32
      %add3A_2384 = arith.constant 128 : i32
      %add3A_2385 = arith.addi %mul3A_2383, %add3A_2384 : i32
      %swap3A_2386 = arith.index_cast %add3A_2385 : i32 to index
      %swap3A_2387 = tpu.vector_load %arg8[%swap3A_2386] {strides = array<i32>} : memref<12288xf32, #tpu.memory_space<vmem>>, vector<16xf32>,
      tpu.vector_store %arg8[%swap3A_2386], %gather3A_2381 {strides = array<i32>} : memref<12288xf32, #tpu.memory_space<vmem>>, vector<16xf32>,
      %add3A_2388 = arith.constant 0 : i32
      %add3A_2389 = vector.broadcast %add3A_2388 : i32 to vector<16xi32>
      %add3A_2390 = arith.addi %iota3A, %add3A_2389 : vector<16xi32>
      %sub3A_2391 = arith.constant 24 : i32
      %sub3A_2392 = vector.broadcast %sub3A_2391 : i32 to vector<16xi32>
      %sub3A_2393 = arith.subi %add3A_2390, %sub3A_2392 : vector<16xi32>
      %shift_right_arithmetic3A_2394 = arith.constant 31 : i32
      %shift_right_arithmetic3A_2395 = vector.broadcast %shift_right_arithmetic3A_2394 : i32 to vector<16xi32>
      %shift_right_arithmetic3A_2396 = arith.shrsi %sub3A_2393, %shift_right_arithmetic3A_2395 : vector<16xi32>
      %add3A_2397 = arith.constant 1 : i32
      %add3A_2398 = vector.broadcast %add3A_2397 : i32 to vector<16xi32>
      %add3A_2399 = arith.addi %add3A_2398, %shift_right_arithmetic3A_2396 : vector<16xi32>
      %mul3A_2400 = arith.constant 16 : i32
      %mul3A_2401 = arith.muli %add3A_2099, %mul3A_2400 : i32
      %add3A_2402 = arith.constant 6 : i32
      %add3A_2403 = arith.addi %mul3A_2401, %add3A_2402 : i32
      %add3A_2404 = vector.broadcast %add3A_2403 : i32 to vector<16xi32>
      %add3A_2405 = arith.addi %add3A_2404, %add3A_2399 : vector<16xi32>
      %gather3A_2406 = tpu.vector_load_idx %arg5[%add3A_2405] : memref<512xi32, #tpu.memory_space<vmem>>[vector<16xi32>], vector<16xi32>,
      %and3A_2407 = arith.constant 127 : i32
      %and3A_2408 = vector.broadcast %and3A_2407 : i32 to vector<16xi32>
      %and3A_2409 = arith.andi %gather3A_2406, %and3A_2408 : vector<16xi32>
      %add3A_2410 = arith.constant 144 : i32
      %add3A_2411 = vector.broadcast %add3A_2410 : i32 to vector<16xi32>
      %add3A_2412 = arith.addi %add3A_2411, %iota3A : vector<16xi32>
      %gather3A_2413 = tpu.vector_load_idx %arg7[%add3A_2412, %and3A_2409] : memref<384x128xf32, #tpu.memory_space<vmem>>[vector<16xi32>, vector<16xi32>], vector<16xf32>,
      %mul3A_2414 = arith.constant 384 : i32
      %mul3A_2415 = arith.muli %add3A_2099, %mul3A_2414 : i32
      %add3A_2416 = arith.constant 144 : i32
      %add3A_2417 = arith.addi %mul3A_2415, %add3A_2416 : i32
      %swap3A_2418 = arith.index_cast %add3A_2417 : i32 to index
      %swap3A_2419 = tpu.vector_load %arg8[%swap3A_2418] {strides = array<i32>} : memref<12288xf32, #tpu.memory_space<vmem>>, vector<16xf32>,
      tpu.vector_store %arg8[%swap3A_2418], %gather3A_2413 {strides = array<i32>} : memref<12288xf32, #tpu.memory_space<vmem>>, vector<16xf32>,
      %add3A_2420 = arith.constant 16 : i32
      %add3A_2421 = vector.broadcast %add3A_2420 : i32 to vector<16xi32>
      %add3A_2422 = arith.addi %iota3A, %add3A_2421 : vector<16xi32>
      %sub3A_2423 = arith.constant 24 : i32
      %sub3A_2424 = vector.broadcast %sub3A_2423 : i32 to vector<16xi32>
      %sub3A_2425 = arith.subi %add3A_2422, %sub3A_2424 : vector<16xi32>
      %shift_right_arithmetic3A_2426 = arith.constant 31 : i32
      %shift_right_arithmetic3A_2427 = vector.broadcast %shift_right_arithmetic3A_2426 : i32 to vector<16xi32>
      %shift_right_arithmetic3A_2428 = arith.shrsi %sub3A_2425, %shift_right_arithmetic3A_2427 : vector<16xi32>
      %add3A_2429 = arith.constant 1 : i32
      %add3A_2430 = vector.broadcast %add3A_2429 : i32 to vector<16xi32>
      %add3A_2431 = arith.addi %add3A_2430, %shift_right_arithmetic3A_2428 : vector<16xi32>
      %mul3A_2432 = arith.constant 16 : i32
      %mul3A_2433 = arith.muli %add3A_2099, %mul3A_2432 : i32
      %add3A_2434 = arith.constant 6 : i32
      %add3A_2435 = arith.addi %mul3A_2433, %add3A_2434 : i32
      %add3A_2436 = vector.broadcast %add3A_2435 : i32 to vector<16xi32>
      %add3A_2437 = arith.addi %add3A_2436, %add3A_2431 : vector<16xi32>
      %gather3A_2438 = tpu.vector_load_idx %arg5[%add3A_2437] : memref<512xi32, #tpu.memory_space<vmem>>[vector<16xi32>], vector<16xi32>,
      %and3A_2439 = arith.constant 127 : i32
      %and3A_2440 = vector.broadcast %and3A_2439 : i32 to vector<16xi32>
      %and3A_2441 = arith.andi %gather3A_2438, %and3A_2440 : vector<16xi32>
      %add3A_2442 = arith.constant 160 : i32
      %add3A_2443 = vector.broadcast %add3A_2442 : i32 to vector<16xi32>
      %add3A_2444 = arith.addi %add3A_2443, %iota3A : vector<16xi32>
      %gather3A_2445 = tpu.vector_load_idx %arg7[%add3A_2444, %and3A_2441] : memref<384x128xf32, #tpu.memory_space<vmem>>[vector<16xi32>, vector<16xi32>], vector<16xf32>,
      %mul3A_2446 = arith.constant 384 : i32
      %mul3A_2447 = arith.muli %add3A_2099, %mul3A_2446 : i32
      %add3A_2448 = arith.constant 160 : i32
      %add3A_2449 = arith.addi %mul3A_2447, %add3A_2448 : i32
      %swap3A_2450 = arith.index_cast %add3A_2449 : i32 to index
      %swap3A_2451 = tpu.vector_load %arg8[%swap3A_2450] {strides = array<i32>} : memref<12288xf32, #tpu.memory_space<vmem>>, vector<16xf32>,
      tpu.vector_store %arg8[%swap3A_2450], %gather3A_2445 {strides = array<i32>} : memref<12288xf32, #tpu.memory_space<vmem>>, vector<16xf32>,
      %add3A_2452 = arith.constant 8 : i32
      %add3A_2453 = vector.broadcast %add3A_2452 : i32 to vector<16xi32>
      %add3A_2454 = arith.addi %iota3A, %add3A_2453 : vector<16xi32>
      %sub3A_2455 = arith.constant 24 : i32
      %sub3A_2456 = vector.broadcast %sub3A_2455 : i32 to vector<16xi32>
      %sub3A_2457 = arith.subi %add3A_2454, %sub3A_2456 : vector<16xi32>
      %shift_right_arithmetic3A_2458 = arith.constant 31 : i32
      %shift_right_arithmetic3A_2459 = vector.broadcast %shift_right_arithmetic3A_2458 : i32 to vector<16xi32>
      %shift_right_arithmetic3A_2460 = arith.shrsi %sub3A_2457, %shift_right_arithmetic3A_2459 : vector<16xi32>
      %add3A_2461 = arith.constant 1 : i32
      %add3A_2462 = vector.broadcast %add3A_2461 : i32 to vector<16xi32>
      %add3A_2463 = arith.addi %add3A_2462, %shift_right_arithmetic3A_2460 : vector<16xi32>
      %mul3A_2464 = arith.constant 16 : i32
      %mul3A_2465 = arith.muli %add3A_2099, %mul3A_2464 : i32
      %add3A_2466 = arith.constant 7 : i32
      %add3A_2467 = arith.addi %mul3A_2465, %add3A_2466 : i32
      %add3A_2468 = vector.broadcast %add3A_2467 : i32 to vector<16xi32>
      %add3A_2469 = arith.addi %add3A_2468, %add3A_2463 : vector<16xi32>
      %gather3A_2470 = tpu.vector_load_idx %arg5[%add3A_2469] : memref<512xi32, #tpu.memory_space<vmem>>[vector<16xi32>], vector<16xi32>,
      %and3A_2471 = arith.constant 127 : i32
      %and3A_2472 = vector.broadcast %and3A_2471 : i32 to vector<16xi32>
      %and3A_2473 = arith.andi %gather3A_2470, %and3A_2472 : vector<16xi32>
      %add3A_2474 = arith.constant 176 : i32
      %add3A_2475 = vector.broadcast %add3A_2474 : i32 to vector<16xi32>
      %add3A_2476 = arith.addi %add3A_2475, %iota3A : vector<16xi32>
      %gather3A_2477 = tpu.vector_load_idx %arg7[%add3A_2476, %and3A_2473] : memref<384x128xf32, #tpu.memory_space<vmem>>[vector<16xi32>, vector<16xi32>], vector<16xf32>,
      %mul3A_2478 = arith.constant 384 : i32
      %mul3A_2479 = arith.muli %add3A_2099, %mul3A_2478 : i32
      %add3A_2480 = arith.constant 176 : i32
      %add3A_2481 = arith.addi %mul3A_2479, %add3A_2480 : i32
      %swap3A_2482 = arith.index_cast %add3A_2481 : i32 to index
      %swap3A_2483 = tpu.vector_load %arg8[%swap3A_2482] {strides = array<i32>} : memref<12288xf32, #tpu.memory_space<vmem>>, vector<16xf32>,
      tpu.vector_store %arg8[%swap3A_2482], %gather3A_2477 {strides = array<i32>} : memref<12288xf32, #tpu.memory_space<vmem>>, vector<16xf32>,
      %add3A_2484 = arith.constant 0 : i32
      %add3A_2485 = vector.broadcast %add3A_2484 : i32 to vector<16xi32>
      %add3A_2486 = arith.addi %iota3A, %add3A_2485 : vector<16xi32>
      %sub3A_2487 = arith.constant 24 : i32
      %sub3A_2488 = vector.broadcast %sub3A_2487 : i32 to vector<16xi32>
      %sub3A_2489 = arith.subi %add3A_2486, %sub3A_2488 : vector<16xi32>
      %shift_right_arithmetic3A_2490 = arith.constant 31 : i32
      %shift_right_arithmetic3A_2491 = vector.broadcast %shift_right_arithmetic3A_2490 : i32 to vector<16xi32>
      %shift_right_arithmetic3A_2492 = arith.shrsi %sub3A_2489, %shift_right_arithmetic3A_2491 : vector<16xi32>
      %add3A_2493 = arith.constant 1 : i32
      %add3A_2494 = vector.broadcast %add3A_2493 : i32 to vector<16xi32>
      %add3A_2495 = arith.addi %add3A_2494, %shift_right_arithmetic3A_2492 : vector<16xi32>
      %mul3A_2496 = arith.constant 16 : i32
      %mul3A_2497 = arith.muli %add3A_2099, %mul3A_2496 : i32
      %add3A_2498 = arith.constant 8 : i32
      %add3A_2499 = arith.addi %mul3A_2497, %add3A_2498 : i32
      %add3A_2500 = vector.broadcast %add3A_2499 : i32 to vector<16xi32>
      %add3A_2501 = arith.addi %add3A_2500, %add3A_2495 : vector<16xi32>
      %gather3A_2502 = tpu.vector_load_idx %arg5[%add3A_2501] : memref<512xi32, #tpu.memory_space<vmem>>[vector<16xi32>], vector<16xi32>,
      %and3A_2503 = arith.constant 127 : i32
      %and3A_2504 = vector.broadcast %and3A_2503 : i32 to vector<16xi32>
      %and3A_2505 = arith.andi %gather3A_2502, %and3A_2504 : vector<16xi32>
      %add3A_2506 = arith.constant 192 : i32
      %add3A_2507 = vector.broadcast %add3A_2506 : i32 to vector<16xi32>
      %add3A_2508 = arith.addi %add3A_2507, %iota3A : vector<16xi32>
      %gather3A_2509 = tpu.vector_load_idx %arg7[%add3A_2508, %and3A_2505] : memref<384x128xf32, #tpu.memory_space<vmem>>[vector<16xi32>, vector<16xi32>], vector<16xf32>,
      %mul3A_2510 = arith.constant 384 : i32
      %mul3A_2511 = arith.muli %add3A_2099, %mul3A_2510 : i32
      %add3A_2512 = arith.constant 192 : i32
      %add3A_2513 = arith.addi %mul3A_2511, %add3A_2512 : i32
      %swap3A_2514 = arith.index_cast %add3A_2513 : i32 to index
      %swap3A_2515 = tpu.vector_load %arg8[%swap3A_2514] {strides = array<i32>} : memref<12288xf32, #tpu.memory_space<vmem>>, vector<16xf32>,
      tpu.vector_store %arg8[%swap3A_2514], %gather3A_2509 {strides = array<i32>} : memref<12288xf32, #tpu.memory_space<vmem>>, vector<16xf32>,
      %add3A_2516 = arith.constant 16 : i32
      %add3A_2517 = vector.broadcast %add3A_2516 : i32 to vector<16xi32>
      %add3A_2518 = arith.addi %iota3A, %add3A_2517 : vector<16xi32>
      %sub3A_2519 = arith.constant 24 : i32
      %sub3A_2520 = vector.broadcast %sub3A_2519 : i32 to vector<16xi32>
      %sub3A_2521 = arith.subi %add3A_2518, %sub3A_2520 : vector<16xi32>
      %shift_right_arithmetic3A_2522 = arith.constant 31 : i32
      %shift_right_arithmetic3A_2523 = vector.broadcast %shift_right_arithmetic3A_2522 : i32 to vector<16xi32>
      %shift_right_arithmetic3A_2524 = arith.shrsi %sub3A_2521, %shift_right_arithmetic3A_2523 : vector<16xi32>
      %add3A_2525 = arith.constant 1 : i32
      %add3A_2526 = vector.broadcast %add3A_2525 : i32 to vector<16xi32>
      %add3A_2527 = arith.addi %add3A_2526, %shift_right_arithmetic3A_2524 : vector<16xi32>
      %mul3A_2528 = arith.constant 16 : i32
      %mul3A_2529 = arith.muli %add3A_2099, %mul3A_2528 : i32
      %add3A_2530 = arith.constant 8 : i32
      %add3A_2531 = arith.addi %mul3A_2529, %add3A_2530 : i32
      %add3A_2532 = vector.broadcast %add3A_2531 : i32 to vector<16xi32>
      %add3A_2533 = arith.addi %add3A_2532, %add3A_2527 : vector<16xi32>
      %gather3A_2534 = tpu.vector_load_idx %arg5[%add3A_2533] : memref<512xi32, #tpu.memory_space<vmem>>[vector<16xi32>], vector<16xi32>,
      %and3A_2535 = arith.constant 127 : i32
      %and3A_2536 = vector.broadcast %and3A_2535 : i32 to vector<16xi32>
      %and3A_2537 = arith.andi %gather3A_2534, %and3A_2536 : vector<16xi32>
      %add3A_2538 = arith.constant 208 : i32
      %add3A_2539 = vector.broadcast %add3A_2538 : i32 to vector<16xi32>
      %add3A_2540 = arith.addi %add3A_2539, %iota3A : vector<16xi32>
      %gather3A_2541 = tpu.vector_load_idx %arg7[%add3A_2540, %and3A_2537] : memref<384x128xf32, #tpu.memory_space<vmem>>[vector<16xi32>, vector<16xi32>], vector<16xf32>,
      %mul3A_2542 = arith.constant 384 : i32
      %mul3A_2543 = arith.muli %add3A_2099, %mul3A_2542 : i32
      %add3A_2544 = arith.constant 208 : i32
      %add3A_2545 = arith.addi %mul3A_2543, %add3A_2544 : i32
      %swap3A_2546 = arith.index_cast %add3A_2545 : i32 to index
      %swap3A_2547 = tpu.vector_load %arg8[%swap3A_2546] {strides = array<i32>} : memref<12288xf32, #tpu.memory_space<vmem>>, vector<16xf32>,
      tpu.vector_store %arg8[%swap3A_2546], %gather3A_2541 {strides = array<i32>} : memref<12288xf32, #tpu.memory_space<vmem>>, vector<16xf32>,
      %add3A_2548 = arith.constant 8 : i32
      %add3A_2549 = vector.broadcast %add3A_2548 : i32 to vector<16xi32>
      %add3A_2550 = arith.addi %iota3A, %add3A_2549 : vector<16xi32>
      %sub3A_2551 = arith.constant 24 : i32
      %sub3A_2552 = vector.broadcast %sub3A_2551 : i32 to vector<16xi32>
      %sub3A_2553 = arith.subi %add3A_2550, %sub3A_2552 : vector<16xi32>
      %shift_right_arithmetic3A_2554 = arith.constant 31 : i32
      %shift_right_arithmetic3A_2555 = vector.broadcast %shift_right_arithmetic3A_2554 : i32 to vector<16xi32>
      %shift_right_arithmetic3A_2556 = arith.shrsi %sub3A_2553, %shift_right_arithmetic3A_2555 : vector<16xi32>
      %add3A_2557 = arith.constant 1 : i32
      %add3A_2558 = vector.broadcast %add3A_2557 : i32 to vector<16xi32>
      %add3A_2559 = arith.addi %add3A_2558, %shift_right_arithmetic3A_2556 : vector<16xi32>
      %mul3A_2560 = arith.constant 16 : i32
      %mul3A_2561 = arith.muli %add3A_2099, %mul3A_2560 : i32
      %add3A_2562 = arith.constant 9 : i32
      %add3A_2563 = arith.addi %mul3A_2561, %add3A_2562 : i32
      %add3A_2564 = vector.broadcast %add3A_2563 : i32 to vector<16xi32>
      %add3A_2565 = arith.addi %add3A_2564, %add3A_2559 : vector<16xi32>
      %gather3A_2566 = tpu.vector_load_idx %arg5[%add3A_2565] : memref<512xi32, #tpu.memory_space<vmem>>[vector<16xi32>], vector<16xi32>,
      %and3A_2567 = arith.constant 127 : i32
      %and3A_2568 = vector.broadcast %and3A_2567 : i32 to vector<16xi32>
      %and3A_2569 = arith.andi %gather3A_2566, %and3A_2568 : vector<16xi32>
      %add3A_2570 = arith.constant 224 : i32
      %add3A_2571 = vector.broadcast %add3A_2570 : i32 to vector<16xi32>
      %add3A_2572 = arith.addi %add3A_2571, %iota3A : vector<16xi32>
      %gather3A_2573 = tpu.vector_load_idx %arg7[%add3A_2572, %and3A_2569] : memref<384x128xf32, #tpu.memory_space<vmem>>[vector<16xi32>, vector<16xi32>], vector<16xf32>,
      %mul3A_2574 = arith.constant 384 : i32
      %mul3A_2575 = arith.muli %add3A_2099, %mul3A_2574 : i32
      %add3A_2576 = arith.constant 224 : i32
      %add3A_2577 = arith.addi %mul3A_2575, %add3A_2576 : i32
      %swap3A_2578 = arith.index_cast %add3A_2577 : i32 to index
      %swap3A_2579 = tpu.vector_load %arg8[%swap3A_2578] {strides = array<i32>} : memref<12288xf32, #tpu.memory_space<vmem>>, vector<16xf32>,
      tpu.vector_store %arg8[%swap3A_2578], %gather3A_2573 {strides = array<i32>} : memref<12288xf32, #tpu.memory_space<vmem>>, vector<16xf32>,
      %add3A_2580 = arith.constant 0 : i32
      %add3A_2581 = vector.broadcast %add3A_2580 : i32 to vector<16xi32>
      %add3A_2582 = arith.addi %iota3A, %add3A_2581 : vector<16xi32>
      %sub3A_2583 = arith.constant 24 : i32
      %sub3A_2584 = vector.broadcast %sub3A_2583 : i32 to vector<16xi32>
      %sub3A_2585 = arith.subi %add3A_2582, %sub3A_2584 : vector<16xi32>
      %shift_right_arithmetic3A_2586 = arith.constant 31 : i32
      %shift_right_arithmetic3A_2587 = vector.broadcast %shift_right_arithmetic3A_2586 : i32 to vector<16xi32>
      %shift_right_arithmetic3A_2588 = arith.shrsi %sub3A_2585, %shift_right_arithmetic3A_2587 : vector<16xi32>
      %add3A_2589 = arith.constant 1 : i32
      %add3A_2590 = vector.broadcast %add3A_2589 : i32 to vector<16xi32>
      %add3A_2591 = arith.addi %add3A_2590, %shift_right_arithmetic3A_2588 : vector<16xi32>
      %mul3A_2592 = arith.constant 16 : i32
      %mul3A_2593 = arith.muli %add3A_2099, %mul3A_2592 : i32
      %add3A_2594 = arith.constant 10 : i32
      %add3A_2595 = arith.addi %mul3A_2593, %add3A_2594 : i32
      %add3A_2596 = vector.broadcast %add3A_2595 : i32 to vector<16xi32>
      %add3A_2597 = arith.addi %add3A_2596, %add3A_2591 : vector<16xi32>
      %gather3A_2598 = tpu.vector_load_idx %arg5[%add3A_2597] : memref<512xi32, #tpu.memory_space<vmem>>[vector<16xi32>], vector<16xi32>,
      %and3A_2599 = arith.constant 127 : i32
      %and3A_2600 = vector.broadcast %and3A_2599 : i32 to vector<16xi32>
      %and3A_2601 = arith.andi %gather3A_2598, %and3A_2600 : vector<16xi32>
      %add3A_2602 = arith.constant 240 : i32
      %add3A_2603 = vector.broadcast %add3A_2602 : i32 to vector<16xi32>
      %add3A_2604 = arith.addi %add3A_2603, %iota3A : vector<16xi32>
      %gather3A_2605 = tpu.vector_load_idx %arg7[%add3A_2604, %and3A_2601] : memref<384x128xf32, #tpu.memory_space<vmem>>[vector<16xi32>, vector<16xi32>], vector<16xf32>,
      %mul3A_2606 = arith.constant 384 : i32
      %mul3A_2607 = arith.muli %add3A_2099, %mul3A_2606 : i32
      %add3A_2608 = arith.constant 240 : i32
      %add3A_2609 = arith.addi %mul3A_2607, %add3A_2608 : i32
      %swap3A_2610 = arith.index_cast %add3A_2609 : i32 to index
      %swap3A_2611 = tpu.vector_load %arg8[%swap3A_2610] {strides = array<i32>} : memref<12288xf32, #tpu.memory_space<vmem>>, vector<16xf32>,
      tpu.vector_store %arg8[%swap3A_2610], %gather3A_2605 {strides = array<i32>} : memref<12288xf32, #tpu.memory_space<vmem>>, vector<16xf32>,
      %add3A_2612 = arith.constant 16 : i32
      %add3A_2613 = vector.broadcast %add3A_2612 : i32 to vector<16xi32>
      %add3A_2614 = arith.addi %iota3A, %add3A_2613 : vector<16xi32>
      %sub3A_2615 = arith.constant 24 : i32
      %sub3A_2616 = vector.broadcast %sub3A_2615 : i32 to vector<16xi32>
      %sub3A_2617 = arith.subi %add3A_2614, %sub3A_2616 : vector<16xi32>
      %shift_right_arithmetic3A_2618 = arith.constant 31 : i32
      %shift_right_arithmetic3A_2619 = vector.broadcast %shift_right_arithmetic3A_2618 : i32 to vector<16xi32>
      %shift_right_arithmetic3A_2620 = arith.shrsi %sub3A_2617, %shift_right_arithmetic3A_2619 : vector<16xi32>
      %add3A_2621 = arith.constant 1 : i32
      %add3A_2622 = vector.broadcast %add3A_2621 : i32 to vector<16xi32>
      %add3A_2623 = arith.addi %add3A_2622, %shift_right_arithmetic3A_2620 : vector<16xi32>
      %mul3A_2624 = arith.constant 16 : i32
      %mul3A_2625 = arith.muli %add3A_2099, %mul3A_2624 : i32
      %add3A_2626 = arith.constant 10 : i32
      %add3A_2627 = arith.addi %mul3A_2625, %add3A_2626 : i32
      %add3A_2628 = vector.broadcast %add3A_2627 : i32 to vector<16xi32>
      %add3A_2629 = arith.addi %add3A_2628, %add3A_2623 : vector<16xi32>
      %gather3A_2630 = tpu.vector_load_idx %arg5[%add3A_2629] : memref<512xi32, #tpu.memory_space<vmem>>[vector<16xi32>], vector<16xi32>,
      %and3A_2631 = arith.constant 127 : i32
      %and3A_2632 = vector.broadcast %and3A_2631 : i32 to vector<16xi32>
      %and3A_2633 = arith.andi %gather3A_2630, %and3A_2632 : vector<16xi32>
      %add3A_2634 = arith.constant 256 : i32
      %add3A_2635 = vector.broadcast %add3A_2634 : i32 to vector<16xi32>
      %add3A_2636 = arith.addi %add3A_2635, %iota3A : vector<16xi32>
      %gather3A_2637 = tpu.vector_load_idx %arg7[%add3A_2636, %and3A_2633] : memref<384x128xf32, #tpu.memory_space<vmem>>[vector<16xi32>, vector<16xi32>], vector<16xf32>,
      %mul3A_2638 = arith.constant 384 : i32
      %mul3A_2639 = arith.muli %add3A_2099, %mul3A_2638 : i32
      %add3A_2640 = arith.constant 256 : i32
      %add3A_2641 = arith.addi %mul3A_2639, %add3A_2640 : i32
      %swap3A_2642 = arith.index_cast %add3A_2641 : i32 to index
      %swap3A_2643 = tpu.vector_load %arg8[%swap3A_2642] {strides = array<i32>} : memref<12288xf32, #tpu.memory_space<vmem>>, vector<16xf32>,
      tpu.vector_store %arg8[%swap3A_2642], %gather3A_2637 {strides = array<i32>} : memref<12288xf32, #tpu.memory_space<vmem>>, vector<16xf32>,
      %add3A_2644 = arith.constant 8 : i32
      %add3A_2645 = vector.broadcast %add3A_2644 : i32 to vector<16xi32>
      %add3A_2646 = arith.addi %iota3A, %add3A_2645 : vector<16xi32>
      %sub3A_2647 = arith.constant 24 : i32
      %sub3A_2648 = vector.broadcast %sub3A_2647 : i32 to vector<16xi32>
      %sub3A_2649 = arith.subi %add3A_2646, %sub3A_2648 : vector<16xi32>
      %shift_right_arithmetic3A_2650 = arith.constant 31 : i32
      %shift_right_arithmetic3A_2651 = vector.broadcast %shift_right_arithmetic3A_2650 : i32 to vector<16xi32>
      %shift_right_arithmetic3A_2652 = arith.shrsi %sub3A_2649, %shift_right_arithmetic3A_2651 : vector<16xi32>
      %add3A_2653 = arith.constant 1 : i32
      %add3A_2654 = vector.broadcast %add3A_2653 : i32 to vector<16xi32>
      %add3A_2655 = arith.addi %add3A_2654, %shift_right_arithmetic3A_2652 : vector<16xi32>
      %mul3A_2656 = arith.constant 16 : i32
      %mul3A_2657 = arith.muli %add3A_2099, %mul3A_2656 : i32
      %add3A_2658 = arith.constant 11 : i32
      %add3A_2659 = arith.addi %mul3A_2657, %add3A_2658 : i32
      %add3A_2660 = vector.broadcast %add3A_2659 : i32 to vector<16xi32>
      %add3A_2661 = arith.addi %add3A_2660, %add3A_2655 : vector<16xi32>
      %gather3A_2662 = tpu.vector_load_idx %arg5[%add3A_2661] : memref<512xi32, #tpu.memory_space<vmem>>[vector<16xi32>], vector<16xi32>,
      %and3A_2663 = arith.constant 127 : i32
      %and3A_2664 = vector.broadcast %and3A_2663 : i32 to vector<16xi32>
      %and3A_2665 = arith.andi %gather3A_2662, %and3A_2664 : vector<16xi32>
      %add3A_2666 = arith.constant 272 : i32
      %add3A_2667 = vector.broadcast %add3A_2666 : i32 to vector<16xi32>
      %add3A_2668 = arith.addi %add3A_2667, %iota3A : vector<16xi32>
      %gather3A_2669 = tpu.vector_load_idx %arg7[%add3A_2668, %and3A_2665] : memref<384x128xf32, #tpu.memory_space<vmem>>[vector<16xi32>, vector<16xi32>], vector<16xf32>,
      %mul3A_2670 = arith.constant 384 : i32
      %mul3A_2671 = arith.muli %add3A_2099, %mul3A_2670 : i32
      %add3A_2672 = arith.constant 272 : i32
      %add3A_2673 = arith.addi %mul3A_2671, %add3A_2672 : i32
      %swap3A_2674 = arith.index_cast %add3A_2673 : i32 to index
      %swap3A_2675 = tpu.vector_load %arg8[%swap3A_2674] {strides = array<i32>} : memref<12288xf32, #tpu.memory_space<vmem>>, vector<16xf32>,
      tpu.vector_store %arg8[%swap3A_2674], %gather3A_2669 {strides = array<i32>} : memref<12288xf32, #tpu.memory_space<vmem>>, vector<16xf32>,
      %add3A_2676 = arith.constant 0 : i32
      %add3A_2677 = vector.broadcast %add3A_2676 : i32 to vector<16xi32>
      %add3A_2678 = arith.addi %iota3A, %add3A_2677 : vector<16xi32>
      %sub3A_2679 = arith.constant 24 : i32
      %sub3A_2680 = vector.broadcast %sub3A_2679 : i32 to vector<16xi32>
      %sub3A_2681 = arith.subi %add3A_2678, %sub3A_2680 : vector<16xi32>
      %shift_right_arithmetic3A_2682 = arith.constant 31 : i32
      %shift_right_arithmetic3A_2683 = vector.broadcast %shift_right_arithmetic3A_2682 : i32 to vector<16xi32>
      %shift_right_arithmetic3A_2684 = arith.shrsi %sub3A_2681, %shift_right_arithmetic3A_2683 : vector<16xi32>
      %add3A_2685 = arith.constant 1 : i32
      %add3A_2686 = vector.broadcast %add3A_2685 : i32 to vector<16xi32>
      %add3A_2687 = arith.addi %add3A_2686, %shift_right_arithmetic3A_2684 : vector<16xi32>
      %mul3A_2688 = arith.constant 16 : i32
      %mul3A_2689 = arith.muli %add3A_2099, %mul3A_2688 : i32
      %add3A_2690 = arith.constant 12 : i32
      %add3A_2691 = arith.addi %mul3A_2689, %add3A_2690 : i32
      %add3A_2692 = vector.broadcast %add3A_2691 : i32 to vector<16xi32>
      %add3A_2693 = arith.addi %add3A_2692, %add3A_2687 : vector<16xi32>
      %gather3A_2694 = tpu.vector_load_idx %arg5[%add3A_2693] : memref<512xi32, #tpu.memory_space<vmem>>[vector<16xi32>], vector<16xi32>,
      %and3A_2695 = arith.constant 127 : i32
      %and3A_2696 = vector.broadcast %and3A_2695 : i32 to vector<16xi32>
      %and3A_2697 = arith.andi %gather3A_2694, %and3A_2696 : vector<16xi32>
      %add3A_2698 = arith.constant 288 : i32
      %add3A_2699 = vector.broadcast %add3A_2698 : i32 to vector<16xi32>
      %add3A_2700 = arith.addi %add3A_2699, %iota3A : vector<16xi32>
      %gather3A_2701 = tpu.vector_load_idx %arg7[%add3A_2700, %and3A_2697] : memref<384x128xf32, #tpu.memory_space<vmem>>[vector<16xi32>, vector<16xi32>], vector<16xf32>,
      %mul3A_2702 = arith.constant 384 : i32
      %mul3A_2703 = arith.muli %add3A_2099, %mul3A_2702 : i32
      %add3A_2704 = arith.constant 288 : i32
      %add3A_2705 = arith.addi %mul3A_2703, %add3A_2704 : i32
      %swap3A_2706 = arith.index_cast %add3A_2705 : i32 to index
      %swap3A_2707 = tpu.vector_load %arg8[%swap3A_2706] {strides = array<i32>} : memref<12288xf32, #tpu.memory_space<vmem>>, vector<16xf32>,
      tpu.vector_store %arg8[%swap3A_2706], %gather3A_2701 {strides = array<i32>} : memref<12288xf32, #tpu.memory_space<vmem>>, vector<16xf32>,
      %add3A_2708 = arith.constant 16 : i32
      %add3A_2709 = vector.broadcast %add3A_2708 : i32 to vector<16xi32>
      %add3A_2710 = arith.addi %iota3A, %add3A_2709 : vector<16xi32>
      %sub3A_2711 = arith.constant 24 : i32
      %sub3A_2712 = vector.broadcast %sub3A_2711 : i32 to vector<16xi32>
      %sub3A_2713 = arith.subi %add3A_2710, %sub3A_2712 : vector<16xi32>
      %shift_right_arithmetic3A_2714 = arith.constant 31 : i32
      %shift_right_arithmetic3A_2715 = vector.broadcast %shift_right_arithmetic3A_2714 : i32 to vector<16xi32>
      %shift_right_arithmetic3A_2716 = arith.shrsi %sub3A_2713, %shift_right_arithmetic3A_2715 : vector<16xi32>
      %add3A_2717 = arith.constant 1 : i32
      %add3A_2718 = vector.broadcast %add3A_2717 : i32 to vector<16xi32>
      %add3A_2719 = arith.addi %add3A_2718, %shift_right_arithmetic3A_2716 : vector<16xi32>
      %mul3A_2720 = arith.constant 16 : i32
      %mul3A_2721 = arith.muli %add3A_2099, %mul3A_2720 : i32
      %add3A_2722 = arith.constant 12 : i32
      %add3A_2723 = arith.addi %mul3A_2721, %add3A_2722 : i32
      %add3A_2724 = vector.broadcast %add3A_2723 : i32 to vector<16xi32>
      %add3A_2725 = arith.addi %add3A_2724, %add3A_2719 : vector<16xi32>
      %gather3A_2726 = tpu.vector_load_idx %arg5[%add3A_2725] : memref<512xi32, #tpu.memory_space<vmem>>[vector<16xi32>], vector<16xi32>,
      %and3A_2727 = arith.constant 127 : i32
      %and3A_2728 = vector.broadcast %and3A_2727 : i32 to vector<16xi32>
      %and3A_2729 = arith.andi %gather3A_2726, %and3A_2728 : vector<16xi32>
      %add3A_2730 = arith.constant 304 : i32
      %add3A_2731 = vector.broadcast %add3A_2730 : i32 to vector<16xi32>
      %add3A_2732 = arith.addi %add3A_2731, %iota3A : vector<16xi32>
      %gather3A_2733 = tpu.vector_load_idx %arg7[%add3A_2732, %and3A_2729] : memref<384x128xf32, #tpu.memory_space<vmem>>[vector<16xi32>, vector<16xi32>], vector<16xf32>,
      %mul3A_2734 = arith.constant 384 : i32
      %mul3A_2735 = arith.muli %add3A_2099, %mul3A_2734 : i32
      %add3A_2736 = arith.constant 304 : i32
      %add3A_2737 = arith.addi %mul3A_2735, %add3A_2736 : i32
      %swap3A_2738 = arith.index_cast %add3A_2737 : i32 to index
      %swap3A_2739 = tpu.vector_load %arg8[%swap3A_2738] {strides = array<i32>} : memref<12288xf32, #tpu.memory_space<vmem>>, vector<16xf32>,
      tpu.vector_store %arg8[%swap3A_2738], %gather3A_2733 {strides = array<i32>} : memref<12288xf32, #tpu.memory_space<vmem>>, vector<16xf32>,
      %add3A_2740 = arith.constant 8 : i32
      %add3A_2741 = vector.broadcast %add3A_2740 : i32 to vector<16xi32>
      %add3A_2742 = arith.addi %iota3A, %add3A_2741 : vector<16xi32>
      %sub3A_2743 = arith.constant 24 : i32
      %sub3A_2744 = vector.broadcast %sub3A_2743 : i32 to vector<16xi32>
      %sub3A_2745 = arith.subi %add3A_2742, %sub3A_2744 : vector<16xi32>
      %shift_right_arithmetic3A_2746 = arith.constant 31 : i32
      %shift_right_arithmetic3A_2747 = vector.broadcast %shift_right_arithmetic3A_2746 : i32 to vector<16xi32>
      %shift_right_arithmetic3A_2748 = arith.shrsi %sub3A_2745, %shift_right_arithmetic3A_2747 : vector<16xi32>
      %add3A_2749 = arith.constant 1 : i32
      %add3A_2750 = vector.broadcast %add3A_2749 : i32 to vector<16xi32>
      %add3A_2751 = arith.addi %add3A_2750, %shift_right_arithmetic3A_2748 : vector<16xi32>
      %mul3A_2752 = arith.constant 16 : i32
      %mul3A_2753 = arith.muli %add3A_2099, %mul3A_2752 : i32
      %add3A_2754 = arith.constant 13 : i32
      %add3A_2755 = arith.addi %mul3A_2753, %add3A_2754 : i32
      %add3A_2756 = vector.broadcast %add3A_2755 : i32 to vector<16xi32>
      %add3A_2757 = arith.addi %add3A_2756, %add3A_2751 : vector<16xi32>
      %gather3A_2758 = tpu.vector_load_idx %arg5[%add3A_2757] : memref<512xi32, #tpu.memory_space<vmem>>[vector<16xi32>], vector<16xi32>,
      %and3A_2759 = arith.constant 127 : i32
      %and3A_2760 = vector.broadcast %and3A_2759 : i32 to vector<16xi32>
      %and3A_2761 = arith.andi %gather3A_2758, %and3A_2760 : vector<16xi32>
      %add3A_2762 = arith.constant 320 : i32
      %add3A_2763 = vector.broadcast %add3A_2762 : i32 to vector<16xi32>
      %add3A_2764 = arith.addi %add3A_2763, %iota3A : vector<16xi32>
      %gather3A_2765 = tpu.vector_load_idx %arg7[%add3A_2764, %and3A_2761] : memref<384x128xf32, #tpu.memory_space<vmem>>[vector<16xi32>, vector<16xi32>], vector<16xf32>,
      %mul3A_2766 = arith.constant 384 : i32
      %mul3A_2767 = arith.muli %add3A_2099, %mul3A_2766 : i32
      %add3A_2768 = arith.constant 320 : i32
      %add3A_2769 = arith.addi %mul3A_2767, %add3A_2768 : i32
      %swap3A_2770 = arith.index_cast %add3A_2769 : i32 to index
      %swap3A_2771 = tpu.vector_load %arg8[%swap3A_2770] {strides = array<i32>} : memref<12288xf32, #tpu.memory_space<vmem>>, vector<16xf32>,
      tpu.vector_store %arg8[%swap3A_2770], %gather3A_2765 {strides = array<i32>} : memref<12288xf32, #tpu.memory_space<vmem>>, vector<16xf32>,
      %add3A_2772 = arith.constant 0 : i32
      %add3A_2773 = vector.broadcast %add3A_2772 : i32 to vector<16xi32>
      %add3A_2774 = arith.addi %iota3A, %add3A_2773 : vector<16xi32>
      %sub3A_2775 = arith.constant 24 : i32
      %sub3A_2776 = vector.broadcast %sub3A_2775 : i32 to vector<16xi32>
      %sub3A_2777 = arith.subi %add3A_2774, %sub3A_2776 : vector<16xi32>
      %shift_right_arithmetic3A_2778 = arith.constant 31 : i32
      %shift_right_arithmetic3A_2779 = vector.broadcast %shift_right_arithmetic3A_2778 : i32 to vector<16xi32>
      %shift_right_arithmetic3A_2780 = arith.shrsi %sub3A_2777, %shift_right_arithmetic3A_2779 : vector<16xi32>
      %add3A_2781 = arith.constant 1 : i32
      %add3A_2782 = vector.broadcast %add3A_2781 : i32 to vector<16xi32>
      %add3A_2783 = arith.addi %add3A_2782, %shift_right_arithmetic3A_2780 : vector<16xi32>
      %mul3A_2784 = arith.constant 16 : i32
      %mul3A_2785 = arith.muli %add3A_2099, %mul3A_2784 : i32
      %add3A_2786 = arith.constant 14 : i32
      %add3A_2787 = arith.addi %mul3A_2785, %add3A_2786 : i32
      %add3A_2788 = vector.broadcast %add3A_2787 : i32 to vector<16xi32>
      %add3A_2789 = arith.addi %add3A_2788, %add3A_2783 : vector<16xi32>
      %gather3A_2790 = tpu.vector_load_idx %arg5[%add3A_2789] : memref<512xi32, #tpu.memory_space<vmem>>[vector<16xi32>], vector<16xi32>,
      %and3A_2791 = arith.constant 127 : i32
      %and3A_2792 = vector.broadcast %and3A_2791 : i32 to vector<16xi32>
      %and3A_2793 = arith.andi %gather3A_2790, %and3A_2792 : vector<16xi32>
      %add3A_2794 = arith.constant 336 : i32
      %add3A_2795 = vector.broadcast %add3A_2794 : i32 to vector<16xi32>
      %add3A_2796 = arith.addi %add3A_2795, %iota3A : vector<16xi32>
      %gather3A_2797 = tpu.vector_load_idx %arg7[%add3A_2796, %and3A_2793] : memref<384x128xf32, #tpu.memory_space<vmem>>[vector<16xi32>, vector<16xi32>], vector<16xf32>,
      %mul3A_2798 = arith.constant 384 : i32
      %mul3A_2799 = arith.muli %add3A_2099, %mul3A_2798 : i32
      %add3A_2800 = arith.constant 336 : i32
      %add3A_2801 = arith.addi %mul3A_2799, %add3A_2800 : i32
      %swap3A_2802 = arith.index_cast %add3A_2801 : i32 to index
      %swap3A_2803 = tpu.vector_load %arg8[%swap3A_2802] {strides = array<i32>} : memref<12288xf32, #tpu.memory_space<vmem>>, vector<16xf32>,
      tpu.vector_store %arg8[%swap3A_2802], %gather3A_2797 {strides = array<i32>} : memref<12288xf32, #tpu.memory_space<vmem>>, vector<16xf32>,
      %add3A_2804 = arith.constant 16 : i32
      %add3A_2805 = vector.broadcast %add3A_2804 : i32 to vector<16xi32>
      %add3A_2806 = arith.addi %iota3A, %add3A_2805 : vector<16xi32>
      %sub3A_2807 = arith.constant 24 : i32
      %sub3A_2808 = vector.broadcast %sub3A_2807 : i32 to vector<16xi32>
      %sub3A_2809 = arith.subi %add3A_2806, %sub3A_2808 : vector<16xi32>
      %shift_right_arithmetic3A_2810 = arith.constant 31 : i32
      %shift_right_arithmetic3A_2811 = vector.broadcast %shift_right_arithmetic3A_2810 : i32 to vector<16xi32>
      %shift_right_arithmetic3A_2812 = arith.shrsi %sub3A_2809, %shift_right_arithmetic3A_2811 : vector<16xi32>
      %add3A_2813 = arith.constant 1 : i32
      %add3A_2814 = vector.broadcast %add3A_2813 : i32 to vector<16xi32>
      %add3A_2815 = arith.addi %add3A_2814, %shift_right_arithmetic3A_2812 : vector<16xi32>
      %mul3A_2816 = arith.constant 16 : i32
      %mul3A_2817 = arith.muli %add3A_2099, %mul3A_2816 : i32
      %add3A_2818 = arith.constant 14 : i32
      %add3A_2819 = arith.addi %mul3A_2817, %add3A_2818 : i32
      %add3A_2820 = vector.broadcast %add3A_2819 : i32 to vector<16xi32>
      %add3A_2821 = arith.addi %add3A_2820, %add3A_2815 : vector<16xi32>
      %gather3A_2822 = tpu.vector_load_idx %arg5[%add3A_2821] : memref<512xi32, #tpu.memory_space<vmem>>[vector<16xi32>], vector<16xi32>,
      %and3A_2823 = arith.constant 127 : i32
      %and3A_2824 = vector.broadcast %and3A_2823 : i32 to vector<16xi32>
      %and3A_2825 = arith.andi %gather3A_2822, %and3A_2824 : vector<16xi32>
      %add3A_2826 = arith.constant 352 : i32
      %add3A_2827 = vector.broadcast %add3A_2826 : i32 to vector<16xi32>
      %add3A_2828 = arith.addi %add3A_2827, %iota3A : vector<16xi32>
      %gather3A_2829 = tpu.vector_load_idx %arg7[%add3A_2828, %and3A_2825] : memref<384x128xf32, #tpu.memory_space<vmem>>[vector<16xi32>, vector<16xi32>], vector<16xf32>,
      %mul3A_2830 = arith.constant 384 : i32
      %mul3A_2831 = arith.muli %add3A_2099, %mul3A_2830 : i32
      %add3A_2832 = arith.constant 352 : i32
      %add3A_2833 = arith.addi %mul3A_2831, %add3A_2832 : i32
      %swap3A_2834 = arith.index_cast %add3A_2833 : i32 to index
      %swap3A_2835 = tpu.vector_load %arg8[%swap3A_2834] {strides = array<i32>} : memref<12288xf32, #tpu.memory_space<vmem>>, vector<16xf32>,
      tpu.vector_store %arg8[%swap3A_2834], %gather3A_2829 {strides = array<i32>} : memref<12288xf32, #tpu.memory_space<vmem>>, vector<16xf32>,
      %add3A_2836 = arith.constant 8 : i32
      %add3A_2837 = vector.broadcast %add3A_2836 : i32 to vector<16xi32>
      %add3A_2838 = arith.addi %iota3A, %add3A_2837 : vector<16xi32>
      %sub3A_2839 = arith.constant 24 : i32
      %sub3A_2840 = vector.broadcast %sub3A_2839 : i32 to vector<16xi32>
      %sub3A_2841 = arith.subi %add3A_2838, %sub3A_2840 : vector<16xi32>
      %shift_right_arithmetic3A_2842 = arith.constant 31 : i32
      %shift_right_arithmetic3A_2843 = vector.broadcast %shift_right_arithmetic3A_2842 : i32 to vector<16xi32>
      %shift_right_arithmetic3A_2844 = arith.shrsi %sub3A_2841, %shift_right_arithmetic3A_2843 : vector<16xi32>
      %add3A_2845 = arith.constant 1 : i32
      %add3A_2846 = vector.broadcast %add3A_2845 : i32 to vector<16xi32>
      %add3A_2847 = arith.addi %add3A_2846, %shift_right_arithmetic3A_2844 : vector<16xi32>
      %mul3A_2848 = arith.constant 16 : i32
      %mul3A_2849 = arith.muli %add3A_2099, %mul3A_2848 : i32
      %add3A_2850 = arith.constant 15 : i32
      %add3A_2851 = arith.addi %mul3A_2849, %add3A_2850 : i32
      %add3A_2852 = vector.broadcast %add3A_2851 : i32 to vector<16xi32>
      %add3A_2853 = arith.addi %add3A_2852, %add3A_2847 : vector<16xi32>
      %gather3A_2854 = tpu.vector_load_idx %arg5[%add3A_2853] : memref<512xi32, #tpu.memory_space<vmem>>[vector<16xi32>], vector<16xi32>,
      %and3A_2855 = arith.constant 127 : i32
      %and3A_2856 = vector.broadcast %and3A_2855 : i32 to vector<16xi32>
      %and3A_2857 = arith.andi %gather3A_2854, %and3A_2856 : vector<16xi32>
      %add3A_2858 = arith.constant 368 : i32
      %add3A_2859 = vector.broadcast %add3A_2858 : i32 to vector<16xi32>
      %add3A_2860 = arith.addi %add3A_2859, %iota3A : vector<16xi32>
      %gather3A_2861 = tpu.vector_load_idx %arg7[%add3A_2860, %and3A_2857] : memref<384x128xf32, #tpu.memory_space<vmem>>[vector<16xi32>, vector<16xi32>], vector<16xf32>,
      %mul3A_2862 = arith.constant 384 : i32
      %mul3A_2863 = arith.muli %add3A_2099, %mul3A_2862 : i32
      %add3A_2864 = arith.constant 368 : i32
      %add3A_2865 = arith.addi %mul3A_2863, %add3A_2864 : i32
      %swap3A_2866 = arith.index_cast %add3A_2865 : i32 to index
      %swap3A_2867 = tpu.vector_load %arg8[%swap3A_2866] {strides = array<i32>} : memref<12288xf32, #tpu.memory_space<vmem>>, vector<16xf32>,
      tpu.vector_store %arg8[%swap3A_2866], %gather3A_2861 {strides = array<i32>} : memref<12288xf32, #tpu.memory_space<vmem>>, vector<16xf32>,
      %scan3A_2868 = arith.constant 0 : i32
      scf.yield %scan3A_2868 : i32
    }
    %scan3A_244 = arith.constant 16 : i32
    %dma_wait3A = arith.constant 0 : i32
    %dma_wait3A_245 = arith.constant 0 : i32
    %dma_wait3A_246 = tpu.memref_slice %arg6[%dma_wait3A, %dma_wait3A_245] : memref<384x128xf32, #tpu.memory_space<vmem>> -> memref<24x128xf32, #tpu.memory_space<vmem>>
    %dma_wait3A_247 = arith.constant 0 : i32
    %dma_wait3A_248 = arith.constant 0 : i32
    %dma_wait3A_249 = tpu.memref_slice %arg3[%dma_wait3A_247, %dma_wait3A_248] : memref<24x1000002xf32, #tpu.memory_space<hbm>> -> memref<24x128xf32, #tpu.memory_space<hbm>>
    %dma_wait3A_250 = arith.constant 0 : i32
    %dma_wait3A_251 = arith.constant 0 : i32
    %dma_wait3A_252 = tpu.memref_slice %arg6[%dma_wait3A_250, %dma_wait3A_251] : memref<384x128xf32, #tpu.memory_space<vmem>> -> memref<24x128xf32, #tpu.memory_space<vmem>>
    %dma_wait3A_253 = arith.constant 0 : i32
    %dma_wait3A_254 = arith.constant 0 : i32
    %dma_wait3A_255 = tpu.memref_slice %arg3[%dma_wait3A_253, %dma_wait3A_254] : memref<24x1000002xf32, #tpu.memory_space<hbm>> -> memref<24x128xf32, #tpu.memory_space<hbm>>
    tpu.wait_dma2 semaphore(%arg9 : memref<!tpu.dma_semaphore, #tpu.memory_space<semaphore_mem>>) src(%dma_wait3A_255 : memref<24x128xf32, #tpu.memory_space<hbm>>) dst(%dma_wait3A_252 : memref<24x128xf32, #tpu.memory_space<vmem>>)
    %dma_wait3A_256 = arith.constant 24 : i32
    %dma_wait3A_257 = arith.constant 0 : i32
    %dma_wait3A_258 = tpu.memref_slice %arg6[%dma_wait3A_256, %dma_wait3A_257] : memref<384x128xf32, #tpu.memory_space<vmem>> -> memref<24x128xf32, #tpu.memory_space<vmem>>
    %dma_wait3A_259 = arith.constant 0 : i32
    %dma_wait3A_260 = arith.constant 0 : i32
    %dma_wait3A_261 = tpu.memref_slice %arg3[%dma_wait3A_259, %dma_wait3A_260] : memref<24x1000002xf32, #tpu.memory_space<hbm>> -> memref<24x128xf32, #tpu.memory_space<hbm>>
    %dma_wait3A_262 = arith.constant 24 : i32
    %dma_wait3A_263 = arith.constant 0 : i32
    %dma_wait3A_264 = tpu.memref_slice %arg6[%dma_wait3A_262, %dma_wait3A_263] : memref<384x128xf32, #tpu.memory_space<vmem>> -> memref<24x128xf32, #tpu.memory_space<vmem>>
    %dma_wait3A_265 = arith.constant 0 : i32
    %dma_wait3A_266 = arith.constant 0 : i32
    %dma_wait3A_267 = tpu.memref_slice %arg3[%dma_wait3A_265, %dma_wait3A_266] : memref<24x1000002xf32, #tpu.memory_space<hbm>> -> memref<24x128xf32, #tpu.memory_space<hbm>>
    tpu.wait_dma2 semaphore(%arg9 : memref<!tpu.dma_semaphore, #tpu.memory_space<semaphore_mem>>) src(%dma_wait3A_267 : memref<24x128xf32, #tpu.memory_space<hbm>>) dst(%dma_wait3A_264 : memref<24x128xf32, #tpu.memory_space<vmem>>)
    %dma_wait3A_268 = arith.constant 48 : i32
    %dma_wait3A_269 = arith.constant 0 : i32
    %dma_wait3A_270 = tpu.memref_slice %arg6[%dma_wait3A_268, %dma_wait3A_269] : memref<384x128xf32, #tpu.memory_space<vmem>> -> memref<24x128xf32, #tpu.memory_space<vmem>>
    %dma_wait3A_271 = arith.constant 0 : i32
    %dma_wait3A_272 = arith.constant 0 : i32
    %dma_wait3A_273 = tpu.memref_slice %arg3[%dma_wait3A_271, %dma_wait3A_272] : memref<24x1000002xf32, #tpu.memory_space<hbm>> -> memref<24x128xf32, #tpu.memory_space<hbm>>
    %dma_wait3A_274 = arith.constant 48 : i32
    %dma_wait3A_275 = arith.constant 0 : i32
    %dma_wait3A_276 = tpu.memref_slice %arg6[%dma_wait3A_274, %dma_wait3A_275] : memref<384x128xf32, #tpu.memory_space<vmem>> -> memref<24x128xf32, #tpu.memory_space<vmem>>
    %dma_wait3A_277 = arith.constant 0 : i32
    %dma_wait3A_278 = arith.constant 0 : i32
    %dma_wait3A_279 = tpu.memref_slice %arg3[%dma_wait3A_277, %dma_wait3A_278] : memref<24x1000002xf32, #tpu.memory_space<hbm>> -> memref<24x128xf32, #tpu.memory_space<hbm>>
    tpu.wait_dma2 semaphore(%arg9 : memref<!tpu.dma_semaphore, #tpu.memory_space<semaphore_mem>>) src(%dma_wait3A_279 : memref<24x128xf32, #tpu.memory_space<hbm>>) dst(%dma_wait3A_276 : memref<24x128xf32, #tpu.memory_space<vmem>>)
    %dma_wait3A_280 = arith.constant 72 : i32
    %dma_wait3A_281 = arith.constant 0 : i32
    %dma_wait3A_282 = tpu.memref_slice %arg6[%dma_wait3A_280, %dma_wait3A_281] : memref<384x128xf32, #tpu.memory_space<vmem>> -> memref<24x128xf32, #tpu.memory_space<vmem>>
    %dma_wait3A_283 = arith.constant 0 : i32
    %dma_wait3A_284 = arith.constant 0 : i32
    %dma_wait3A_285 = tpu.memref_slice %arg3[%dma_wait3A_283, %dma_wait3A_284] : memref<24x1000002xf32, #tpu.memory_space<hbm>> -> memref<24x128xf32, #tpu.memory_space<hbm>>
    %dma_wait3A_286 = arith.constant 72 : i32
    %dma_wait3A_287 = arith.constant 0 : i32
    %dma_wait3A_288 = tpu.memref_slice %arg6[%dma_wait3A_286, %dma_wait3A_287] : memref<384x128xf32, #tpu.memory_space<vmem>> -> memref<24x128xf32, #tpu.memory_space<vmem>>
    %dma_wait3A_289 = arith.constant 0 : i32
    %dma_wait3A_290 = arith.constant 0 : i32
    %dma_wait3A_291 = tpu.memref_slice %arg3[%dma_wait3A_289, %dma_wait3A_290] : memref<24x1000002xf32, #tpu.memory_space<hbm>> -> memref<24x128xf32, #tpu.memory_space<hbm>>
    tpu.wait_dma2 semaphore(%arg9 : memref<!tpu.dma_semaphore, #tpu.memory_space<semaphore_mem>>) src(%dma_wait3A_291 : memref<24x128xf32, #tpu.memory_space<hbm>>) dst(%dma_wait3A_288 : memref<24x128xf32, #tpu.memory_space<vmem>>)
    %dma_wait3A_292 = arith.constant 96 : i32
    %dma_wait3A_293 = arith.constant 0 : i32
    %dma_wait3A_294 = tpu.memref_slice %arg6[%dma_wait3A_292, %dma_wait3A_293] : memref<384x128xf32, #tpu.memory_space<vmem>> -> memref<24x128xf32, #tpu.memory_space<vmem>>
    %dma_wait3A_295 = arith.constant 0 : i32
    %dma_wait3A_296 = arith.constant 0 : i32
    %dma_wait3A_297 = tpu.memref_slice %arg3[%dma_wait3A_295, %dma_wait3A_296] : memref<24x1000002xf32, #tpu.memory_space<hbm>> -> memref<24x128xf32, #tpu.memory_space<hbm>>
    %dma_wait3A_298 = arith.constant 96 : i32
    %dma_wait3A_299 = arith.constant 0 : i32
    %dma_wait3A_300 = tpu.memref_slice %arg6[%dma_wait3A_298, %dma_wait3A_299] : memref<384x128xf32, #tpu.memory_space<vmem>> -> memref<24x128xf32, #tpu.memory_space<vmem>>
    %dma_wait3A_301 = arith.constant 0 : i32
    %dma_wait3A_302 = arith.constant 0 : i32
    %dma_wait3A_303 = tpu.memref_slice %arg3[%dma_wait3A_301, %dma_wait3A_302] : memref<24x1000002xf32, #tpu.memory_space<hbm>> -> memref<24x128xf32, #tpu.memory_space<hbm>>
    tpu.wait_dma2 semaphore(%arg9 : memref<!tpu.dma_semaphore, #tpu.memory_space<semaphore_mem>>) src(%dma_wait3A_303 : memref<24x128xf32, #tpu.memory_space<hbm>>) dst(%dma_wait3A_300 : memref<24x128xf32, #tpu.memory_space<vmem>>)
    %dma_wait3A_304 = arith.constant 120 : i32
    %dma_wait3A_305 = arith.constant 0 : i32
    %dma_wait3A_306 = tpu.memref_slice %arg6[%dma_wait3A_304, %dma_wait3A_305] : memref<384x128xf32, #tpu.memory_space<vmem>> -> memref<24x128xf32, #tpu.memory_space<vmem>>
    %dma_wait3A_307 = arith.constant 0 : i32
    %dma_wait3A_308 = arith.constant 0 : i32
    %dma_wait3A_309 = tpu.memref_slice %arg3[%dma_wait3A_307, %dma_wait3A_308] : memref<24x1000002xf32, #tpu.memory_space<hbm>> -> memref<24x128xf32, #tpu.memory_space<hbm>>
    %dma_wait3A_310 = arith.constant 120 : i32
    %dma_wait3A_311 = arith.constant 0 : i32
    %dma_wait3A_312 = tpu.memref_slice %arg6[%dma_wait3A_310, %dma_wait3A_311] : memref<384x128xf32, #tpu.memory_space<vmem>> -> memref<24x128xf32, #tpu.memory_space<vmem>>
    %dma_wait3A_313 = arith.constant 0 : i32
    %dma_wait3A_314 = arith.constant 0 : i32
    %dma_wait3A_315 = tpu.memref_slice %arg3[%dma_wait3A_313, %dma_wait3A_314] : memref<24x1000002xf32, #tpu.memory_space<hbm>> -> memref<24x128xf32, #tpu.memory_space<hbm>>
    tpu.wait_dma2 semaphore(%arg9 : memref<!tpu.dma_semaphore, #tpu.memory_space<semaphore_mem>>) src(%dma_wait3A_315 : memref<24x128xf32, #tpu.memory_space<hbm>>) dst(%dma_wait3A_312 : memref<24x128xf32, #tpu.memory_space<vmem>>)
    %dma_wait3A_316 = arith.constant 144 : i32
    %dma_wait3A_317 = arith.constant 0 : i32
    %dma_wait3A_318 = tpu.memref_slice %arg6[%dma_wait3A_316, %dma_wait3A_317] : memref<384x128xf32, #tpu.memory_space<vmem>> -> memref<24x128xf32, #tpu.memory_space<vmem>>
    %dma_wait3A_319 = arith.constant 0 : i32
    %dma_wait3A_320 = arith.constant 0 : i32
    %dma_wait3A_321 = tpu.memref_slice %arg3[%dma_wait3A_319, %dma_wait3A_320] : memref<24x1000002xf32, #tpu.memory_space<hbm>> -> memref<24x128xf32, #tpu.memory_space<hbm>>
    %dma_wait3A_322 = arith.constant 144 : i32
    %dma_wait3A_323 = arith.constant 0 : i32
    %dma_wait3A_324 = tpu.memref_slice %arg6[%dma_wait3A_322, %dma_wait3A_323] : memref<384x128xf32, #tpu.memory_space<vmem>> -> memref<24x128xf32, #tpu.memory_space<vmem>>
    %dma_wait3A_325 = arith.constant 0 : i32
    %dma_wait3A_326 = arith.constant 0 : i32
    %dma_wait3A_327 = tpu.memref_slice %arg3[%dma_wait3A_325, %dma_wait3A_326] : memref<24x1000002xf32, #tpu.memory_space<hbm>> -> memref<24x128xf32, #tpu.memory_space<hbm>>
    tpu.wait_dma2 semaphore(%arg9 : memref<!tpu.dma_semaphore, #tpu.memory_space<semaphore_mem>>) src(%dma_wait3A_327 : memref<24x128xf32, #tpu.memory_space<hbm>>) dst(%dma_wait3A_324 : memref<24x128xf32, #tpu.memory_space<vmem>>)
    %dma_wait3A_328 = arith.constant 168 : i32
    %dma_wait3A_329 = arith.constant 0 : i32
    %dma_wait3A_330 = tpu.memref_slice %arg6[%dma_wait3A_328, %dma_wait3A_329] : memref<384x128xf32, #tpu.memory_space<vmem>> -> memref<24x128xf32, #tpu.memory_space<vmem>>
    %dma_wait3A_331 = arith.constant 0 : i32
    %dma_wait3A_332 = arith.constant 0 : i32
    %dma_wait3A_333 = tpu.memref_slice %arg3[%dma_wait3A_331, %dma_wait3A_332] : memref<24x1000002xf32, #tpu.memory_space<hbm>> -> memref<24x128xf32, #tpu.memory_space<hbm>>
    %dma_wait3A_334 = arith.constant 168 : i32
    %dma_wait3A_335 = arith.constant 0 : i32
    %dma_wait3A_336 = tpu.memref_slice %arg6[%dma_wait3A_334, %dma_wait3A_335] : memref<384x128xf32, #tpu.memory_space<vmem>> -> memref<24x128xf32, #tpu.memory_space<vmem>>
    %dma_wait3A_337 = arith.constant 0 : i32
    %dma_wait3A_338 = arith.constant 0 : i32
    %dma_wait3A_339 = tpu.memref_slice %arg3[%dma_wait3A_337, %dma_wait3A_338] : memref<24x1000002xf32, #tpu.memory_space<hbm>> -> memref<24x128xf32, #tpu.memory_space<hbm>>
    tpu.wait_dma2 semaphore(%arg9 : memref<!tpu.dma_semaphore, #tpu.memory_space<semaphore_mem>>) src(%dma_wait3A_339 : memref<24x128xf32, #tpu.memory_space<hbm>>) dst(%dma_wait3A_336 : memref<24x128xf32, #tpu.memory_space<vmem>>)
    %dma_wait3A_340 = arith.constant 192 : i32
    %dma_wait3A_341 = arith.constant 0 : i32
    %dma_wait3A_342 = tpu.memref_slice %arg6[%dma_wait3A_340, %dma_wait3A_341] : memref<384x128xf32, #tpu.memory_space<vmem>> -> memref<24x128xf32, #tpu.memory_space<vmem>>
    %dma_wait3A_343 = arith.constant 0 : i32
    %dma_wait3A_344 = arith.constant 0 : i32
    %dma_wait3A_345 = tpu.memref_slice %arg3[%dma_wait3A_343, %dma_wait3A_344] : memref<24x1000002xf32, #tpu.memory_space<hbm>> -> memref<24x128xf32, #tpu.memory_space<hbm>>
    %dma_wait3A_346 = arith.constant 192 : i32
    %dma_wait3A_347 = arith.constant 0 : i32
    %dma_wait3A_348 = tpu.memref_slice %arg6[%dma_wait3A_346, %dma_wait3A_347] : memref<384x128xf32, #tpu.memory_space<vmem>> -> memref<24x128xf32, #tpu.memory_space<vmem>>
    %dma_wait3A_349 = arith.constant 0 : i32
    %dma_wait3A_350 = arith.constant 0 : i32
    %dma_wait3A_351 = tpu.memref_slice %arg3[%dma_wait3A_349, %dma_wait3A_350] : memref<24x1000002xf32, #tpu.memory_space<hbm>> -> memref<24x128xf32, #tpu.memory_space<hbm>>
    tpu.wait_dma2 semaphore(%arg9 : memref<!tpu.dma_semaphore, #tpu.memory_space<semaphore_mem>>) src(%dma_wait3A_351 : memref<24x128xf32, #tpu.memory_space<hbm>>) dst(%dma_wait3A_348 : memref<24x128xf32, #tpu.memory_space<vmem>>)
    %dma_wait3A_352 = arith.constant 216 : i32
    %dma_wait3A_353 = arith.constant 0 : i32
    %dma_wait3A_354 = tpu.memref_slice %arg6[%dma_wait3A_352, %dma_wait3A_353] : memref<384x128xf32, #tpu.memory_space<vmem>> -> memref<24x128xf32, #tpu.memory_space<vmem>>
    %dma_wait3A_355 = arith.constant 0 : i32
    %dma_wait3A_356 = arith.constant 0 : i32
    %dma_wait3A_357 = tpu.memref_slice %arg3[%dma_wait3A_355, %dma_wait3A_356] : memref<24x1000002xf32, #tpu.memory_space<hbm>> -> memref<24x128xf32, #tpu.memory_space<hbm>>
    %dma_wait3A_358 = arith.constant 216 : i32
    %dma_wait3A_359 = arith.constant 0 : i32
    %dma_wait3A_360 = tpu.memref_slice %arg6[%dma_wait3A_358, %dma_wait3A_359] : memref<384x128xf32, #tpu.memory_space<vmem>> -> memref<24x128xf32, #tpu.memory_space<vmem>>
    %dma_wait3A_361 = arith.constant 0 : i32
    %dma_wait3A_362 = arith.constant 0 : i32
    %dma_wait3A_363 = tpu.memref_slice %arg3[%dma_wait3A_361, %dma_wait3A_362] : memref<24x1000002xf32, #tpu.memory_space<hbm>> -> memref<24x128xf32, #tpu.memory_space<hbm>>
    tpu.wait_dma2 semaphore(%arg9 : memref<!tpu.dma_semaphore, #tpu.memory_space<semaphore_mem>>) src(%dma_wait3A_363 : memref<24x128xf32, #tpu.memory_space<hbm>>) dst(%dma_wait3A_360 : memref<24x128xf32, #tpu.memory_space<vmem>>)
    %dma_wait3A_364 = arith.constant 240 : i32
    %dma_wait3A_365 = arith.constant 0 : i32
    %dma_wait3A_366 = tpu.memref_slice %arg6[%dma_wait3A_364, %dma_wait3A_365] : memref<384x128xf32, #tpu.memory_space<vmem>> -> memref<24x128xf32, #tpu.memory_space<vmem>>
    %dma_wait3A_367 = arith.constant 0 : i32
    %dma_wait3A_368 = arith.constant 0 : i32
    %dma_wait3A_369 = tpu.memref_slice %arg3[%dma_wait3A_367, %dma_wait3A_368] : memref<24x1000002xf32, #tpu.memory_space<hbm>> -> memref<24x128xf32, #tpu.memory_space<hbm>>
    %dma_wait3A_370 = arith.constant 240 : i32
    %dma_wait3A_371 = arith.constant 0 : i32
    %dma_wait3A_372 = tpu.memref_slice %arg6[%dma_wait3A_370, %dma_wait3A_371] : memref<384x128xf32, #tpu.memory_space<vmem>> -> memref<24x128xf32, #tpu.memory_space<vmem>>
    %dma_wait3A_373 = arith.constant 0 : i32
    %dma_wait3A_374 = arith.constant 0 : i32
    %dma_wait3A_375 = tpu.memref_slice %arg3[%dma_wait3A_373, %dma_wait3A_374] : memref<24x1000002xf32, #tpu.memory_space<hbm>> -> memref<24x128xf32, #tpu.memory_space<hbm>>
    tpu.wait_dma2 semaphore(%arg9 : memref<!tpu.dma_semaphore, #tpu.memory_space<semaphore_mem>>) src(%dma_wait3A_375 : memref<24x128xf32, #tpu.memory_space<hbm>>) dst(%dma_wait3A_372 : memref<24x128xf32, #tpu.memory_space<vmem>>)
    %dma_wait3A_376 = arith.constant 264 : i32
    %dma_wait3A_377 = arith.constant 0 : i32
    %dma_wait3A_378 = tpu.memref_slice %arg6[%dma_wait3A_376, %dma_wait3A_377] : memref<384x128xf32, #tpu.memory_space<vmem>> -> memref<24x128xf32, #tpu.memory_space<vmem>>
    %dma_wait3A_379 = arith.constant 0 : i32
    %dma_wait3A_380 = arith.constant 0 : i32
    %dma_wait3A_381 = tpu.memref_slice %arg3[%dma_wait3A_379, %dma_wait3A_380] : memref<24x1000002xf32, #tpu.memory_space<hbm>> -> memref<24x128xf32, #tpu.memory_space<hbm>>
    %dma_wait3A_382 = arith.constant 264 : i32
    %dma_wait3A_383 = arith.constant 0 : i32
    %dma_wait3A_384 = tpu.memref_slice %arg6[%dma_wait3A_382, %dma_wait3A_383] : memref<384x128xf32, #tpu.memory_space<vmem>> -> memref<24x128xf32, #tpu.memory_space<vmem>>
    %dma_wait3A_385 = arith.constant 0 : i32
    %dma_wait3A_386 = arith.constant 0 : i32
    %dma_wait3A_387 = tpu.memref_slice %arg3[%dma_wait3A_385, %dma_wait3A_386] : memref<24x1000002xf32, #tpu.memory_space<hbm>> -> memref<24x128xf32, #tpu.memory_space<hbm>>
    tpu.wait_dma2 semaphore(%arg9 : memref<!tpu.dma_semaphore, #tpu.memory_space<semaphore_mem>>) src(%dma_wait3A_387 : memref<24x128xf32, #tpu.memory_space<hbm>>) dst(%dma_wait3A_384 : memref<24x128xf32, #tpu.memory_space<vmem>>)
    %dma_wait3A_388 = arith.constant 288 : i32
    %dma_wait3A_389 = arith.constant 0 : i32
    %dma_wait3A_390 = tpu.memref_slice %arg6[%dma_wait3A_388, %dma_wait3A_389] : memref<384x128xf32, #tpu.memory_space<vmem>> -> memref<24x128xf32, #tpu.memory_space<vmem>>
    %dma_wait3A_391 = arith.constant 0 : i32
    %dma_wait3A_392 = arith.constant 0 : i32
    %dma_wait3A_393 = tpu.memref_slice %arg3[%dma_wait3A_391, %dma_wait3A_392] : memref<24x1000002xf32, #tpu.memory_space<hbm>> -> memref<24x128xf32, #tpu.memory_space<hbm>>
    %dma_wait3A_394 = arith.constant 288 : i32
    %dma_wait3A_395 = arith.constant 0 : i32
    %dma_wait3A_396 = tpu.memref_slice %arg6[%dma_wait3A_394, %dma_wait3A_395] : memref<384x128xf32, #tpu.memory_space<vmem>> -> memref<24x128xf32, #tpu.memory_space<vmem>>
    %dma_wait3A_397 = arith.constant 0 : i32
    %dma_wait3A_398 = arith.constant 0 : i32
    %dma_wait3A_399 = tpu.memref_slice %arg3[%dma_wait3A_397, %dma_wait3A_398] : memref<24x1000002xf32, #tpu.memory_space<hbm>> -> memref<24x128xf32, #tpu.memory_space<hbm>>
    tpu.wait_dma2 semaphore(%arg9 : memref<!tpu.dma_semaphore, #tpu.memory_space<semaphore_mem>>) src(%dma_wait3A_399 : memref<24x128xf32, #tpu.memory_space<hbm>>) dst(%dma_wait3A_396 : memref<24x128xf32, #tpu.memory_space<vmem>>)
    %dma_wait3A_400 = arith.constant 312 : i32
    %dma_wait3A_401 = arith.constant 0 : i32
    %dma_wait3A_402 = tpu.memref_slice %arg6[%dma_wait3A_400, %dma_wait3A_401] : memref<384x128xf32, #tpu.memory_space<vmem>> -> memref<24x128xf32, #tpu.memory_space<vmem>>
    %dma_wait3A_403 = arith.constant 0 : i32
    %dma_wait3A_404 = arith.constant 0 : i32
    %dma_wait3A_405 = tpu.memref_slice %arg3[%dma_wait3A_403, %dma_wait3A_404] : memref<24x1000002xf32, #tpu.memory_space<hbm>> -> memref<24x128xf32, #tpu.memory_space<hbm>>
    %dma_wait3A_406 = arith.constant 312 : i32
    %dma_wait3A_407 = arith.constant 0 : i32
    %dma_wait3A_408 = tpu.memref_slice %arg6[%dma_wait3A_406, %dma_wait3A_407] : memref<384x128xf32, #tpu.memory_space<vmem>> -> memref<24x128xf32, #tpu.memory_space<vmem>>
    %dma_wait3A_409 = arith.constant 0 : i32
    %dma_wait3A_410 = arith.constant 0 : i32
    %dma_wait3A_411 = tpu.memref_slice %arg3[%dma_wait3A_409, %dma_wait3A_410] : memref<24x1000002xf32, #tpu.memory_space<hbm>> -> memref<24x128xf32, #tpu.memory_space<hbm>>
    tpu.wait_dma2 semaphore(%arg9 : memref<!tpu.dma_semaphore, #tpu.memory_space<semaphore_mem>>) src(%dma_wait3A_411 : memref<24x128xf32, #tpu.memory_space<hbm>>) dst(%dma_wait3A_408 : memref<24x128xf32, #tpu.memory_space<vmem>>)
    %dma_wait3A_412 = arith.constant 336 : i32
    %dma_wait3A_413 = arith.constant 0 : i32
    %dma_wait3A_414 = tpu.memref_slice %arg6[%dma_wait3A_412, %dma_wait3A_413] : memref<384x128xf32, #tpu.memory_space<vmem>> -> memref<24x128xf32, #tpu.memory_space<vmem>>
    %dma_wait3A_415 = arith.constant 0 : i32
    %dma_wait3A_416 = arith.constant 0 : i32
    %dma_wait3A_417 = tpu.memref_slice %arg3[%dma_wait3A_415, %dma_wait3A_416] : memref<24x1000002xf32, #tpu.memory_space<hbm>> -> memref<24x128xf32, #tpu.memory_space<hbm>>
    %dma_wait3A_418 = arith.constant 336 : i32
    %dma_wait3A_419 = arith.constant 0 : i32
    %dma_wait3A_420 = tpu.memref_slice %arg6[%dma_wait3A_418, %dma_wait3A_419] : memref<384x128xf32, #tpu.memory_space<vmem>> -> memref<24x128xf32, #tpu.memory_space<vmem>>
    %dma_wait3A_421 = arith.constant 0 : i32
    %dma_wait3A_422 = arith.constant 0 : i32
    %dma_wait3A_423 = tpu.memref_slice %arg3[%dma_wait3A_421, %dma_wait3A_422] : memref<24x1000002xf32, #tpu.memory_space<hbm>> -> memref<24x128xf32, #tpu.memory_space<hbm>>
    tpu.wait_dma2 semaphore(%arg9 : memref<!tpu.dma_semaphore, #tpu.memory_space<semaphore_mem>>) src(%dma_wait3A_423 : memref<24x128xf32, #tpu.memory_space<hbm>>) dst(%dma_wait3A_420 : memref<24x128xf32, #tpu.memory_space<vmem>>)
    %dma_wait3A_424 = arith.constant 360 : i32
    %dma_wait3A_425 = arith.constant 0 : i32
    %dma_wait3A_426 = tpu.memref_slice %arg6[%dma_wait3A_424, %dma_wait3A_425] : memref<384x128xf32, #tpu.memory_space<vmem>> -> memref<24x128xf32, #tpu.memory_space<vmem>>
    %dma_wait3A_427 = arith.constant 0 : i32
    %dma_wait3A_428 = arith.constant 0 : i32
    %dma_wait3A_429 = tpu.memref_slice %arg3[%dma_wait3A_427, %dma_wait3A_428] : memref<24x1000002xf32, #tpu.memory_space<hbm>> -> memref<24x128xf32, #tpu.memory_space<hbm>>
    %dma_wait3A_430 = arith.constant 360 : i32
    %dma_wait3A_431 = arith.constant 0 : i32
    %dma_wait3A_432 = tpu.memref_slice %arg6[%dma_wait3A_430, %dma_wait3A_431] : memref<384x128xf32, #tpu.memory_space<vmem>> -> memref<24x128xf32, #tpu.memory_space<vmem>>
    %dma_wait3A_433 = arith.constant 0 : i32
    %dma_wait3A_434 = arith.constant 0 : i32
    %dma_wait3A_435 = tpu.memref_slice %arg3[%dma_wait3A_433, %dma_wait3A_434] : memref<24x1000002xf32, #tpu.memory_space<hbm>> -> memref<24x128xf32, #tpu.memory_space<hbm>>
    tpu.wait_dma2 semaphore(%arg9 : memref<!tpu.dma_semaphore, #tpu.memory_space<semaphore_mem>>) src(%dma_wait3A_435 : memref<24x128xf32, #tpu.memory_space<hbm>>) dst(%dma_wait3A_432 : memref<24x128xf32, #tpu.memory_space<vmem>>)
    %mul3A_436 = arith.constant 24 : i32
    %mul3A_437 = arith.muli %mul3A_2, %mul3A_436 : i32
    "tpu.region"() ({
      %run_scoped3A = tpu.sem_alloc : memref<!tpu.dma_semaphore, #tpu.memory_space<semaphore_mem>>
      %dma_start3A_438 = tpu.memref_slice %arg4[%mul3A_437] : memref<393216xf32, #tpu.memory_space<hbm>> -> memref<12288xf32, #tpu.memory_space<hbm>>
      %dma_start3A_439 = tpu.memref_slice %arg4[%mul3A_437] : memref<393216xf32, #tpu.memory_space<hbm>> -> memref<12288xf32, #tpu.memory_space<hbm>>
      tpu.enqueue_dma source(%arg8 : memref<12288xf32, #tpu.memory_space<vmem>>) target(%dma_start3A_439 : memref<12288xf32, #tpu.memory_space<hbm>>) target_semaphore(%run_scoped3A : memref<!tpu.dma_semaphore, #tpu.memory_space<semaphore_mem>>)
      %dma_wait3A_440 = tpu.memref_slice %arg4[%mul3A_437] : memref<393216xf32, #tpu.memory_space<hbm>> -> memref<12288xf32, #tpu.memory_space<hbm>>
      %dma_wait3A_441 = tpu.memref_slice %arg4[%mul3A_437] : memref<393216xf32, #tpu.memory_space<hbm>> -> memref<12288xf32, #tpu.memory_space<hbm>>
      tpu.wait_dma2 semaphore(%run_scoped3A : memref<!tpu.dma_semaphore, #tpu.memory_space<semaphore_mem>>) src(%arg8 : memref<12288xf32, #tpu.memory_space<vmem>>) dst(%dma_wait3A_441 : memref<12288xf32, #tpu.memory_space<hbm>>)
      tpu.yield
    }) : () -> ()
    return
  }
}

</mosaic_0001>

<sc_bundles>
// kernel: _sc_gather_winery.3.cloned.1.call-start
scs
__scs_entry_jumppad:
0x0: {  	(pc) =	sbr.rel $0x88, $3  }
0x1: {  	(tag) =	ssettag $0x0;
	lr =	simm.s32 $0x1  }
0x2: {  	[smem:$0x3F9F] =	sst lr;
	_ =	strace $0xD0000000  }
0x3: {  	_ = 	snop  }
0x4: {  	_ = 	snop  }
0x5: {  	_ = 	snop  }
0x6: {  	_ = 	snop  }
0x7: {  	_ = 	snop  }
__scs_overlays_trampoline_lowered:
0x8: {  	[smem:$0x3FAE] =	sst s0  }
0x9: {  	[smem:$0x3FAF] =	sst s1  }
0xa: {  	[smem:$0x3FB0] =	sst s2  }
0xb: {  	[smem:$0x3FB1] =	sst s3  }
0xc: {  	[smem:$0x3FB2] =	sst s4  }
0xd: {  	[smem:$0x3FB3] =	sst s5  }
0xe: {  	[smem:$0x3FB4] =	sst s6  }
0xf: {  	[smem:$0x3FB5] =	sst s7  }
0x10: {  	[smem:$0x3FB6] =	sst s8  }
0x11: {  	[smem:$0x3FB7] =	sst s9;
	s0 =	simm.s32 @!p0 $0x0  }
0x12: {  	s1 =	sld [smem:$0x3F9D];
	s0 =	simm.s32 @p0 $0x1  }
0x13: {  	[smem:$0x3FB8] =	sst s0;
	s0 =	simm.s32 @!p1 $0x0  }
0x14: {  	s2 =	sld [smem:$0x3F9C];
	s0 =	simm.s32 @p1 $0x1  }
0x15: {  	[smem:$0x3FB9] =	sst s0;
	s0 =	simm.s32 @!p2 $0x0  }
0x16: {  	s3 =	sld [smem:$0x3FDB];
	s0 =	simm.s32 @p2 $0x1  }
0x17: {  	s4 =	simm.s32 $0x1BF5;
	[smem:$0x3FBB] =	sst s0  }
0x18: {  	s0 =	sld [smem:$0x3F9E];
	_ =	swait.ge [sflag:s4], $0x0  }
0x19: {  	s7 =	sld [smem:$0x3F9F]  }
0x1a: {  	s8 =	sadd.s32 $0xFFFFE003, lr  }
0x1b: {  	s9 =	sadd.s32 $0xFFFFFEF7, lr;
	s5 =	simm.s32 $0xFFFFFFFF;
	p2 =	slt.u32 s8, $0xFFFFF086  }
0x1c: {  	p1 =	slt.u32 s9, $0xF7A;
	s5 =	simm.s32 @!p2 $0x0  }
0x1d: {  	s5 =	simm.s32 @p1 $0x1;
	p0 =	seq.s32 s7, s2  }
0x1e: {  	s7 =	smul.u32 @!p0 $0xF7A, s2;
	p2 =	seq.s32 @!p0 s5, $0x0  }
0x1f: {  	s9 =	smul.u32 $0xF7A, s1;
	s8 =	simm.s32 @!p0 $0x1BF5;
	p2 =	por !p2, p0  }
0x20: {  	[sflag:s8] =	ssyncset.s32 @!p0 $0xFFFFF086;
	s6 =	sadd.s32 @!p0 s3, s7;
	s7 =	simm.s32 @!p0 $0x108  }
0x21: {  	s3 =	sadd.s32 s3, s9;
	s6 =	sadd.s32 @!p0 $0x88, s6;
	s7 =	simm.s32 @p2 $0x1082  }
0x22: {  	[simem:s7], [sflag:s8] =	dma.local @!p0 [hbm:s6], $0xF7A  }
0x23: {  	s9 =	sor.u32 $0xD0000000, s2;
	s6 =	simm.s32 $0x108;
	_ =	swait.ge @!p0 [sflag:s8], $0x0  }
0x24: {  	s3 =	sadd.s32 $0x88, s3;
	s6 =	simm.s32 @!p1 $0x1082;
	[sflag:s4] =	ssyncset.s32 $0xFFFFF086  }
0x25: {  	[simem:s6], [sflag:s4] =	dma.local [hbm:s3], $0xF7A  }
0x26: {  	[smem:$0x3F9F] =	sst s1;
	(tag) =	ssettag s2;
	_ =	strace s9  }
0x27: {  	s1 =	sld [smem:$0x3FAF]  }
0x28: {  	s2 =	sld [smem:$0x3FB0]  }
0x29: {  	s4 =	sld [smem:$0x3FB2]  }
0x2a: {  	p0 =	seq.s32 s5, $0x0;
	s5 =	sld [smem:$0x3FB3]  }
0x2b: {  	s6 =	sld [smem:$0x3FB4]  }
0x2c: {  	s7 =	sld [smem:$0x3FB5]  }
0x2d: {  	s3 =	simm.s32 $0x108;
	s8 =	sld [smem:$0x3FB6]  }
0x2e: {  	s3 =	simm.s32 @!p0 $0x1082;
	s9 =	sld [smem:$0x3FB7]  }
0x2f: {  	lr =	sadd.s32 s0, s3;
	s0 =	sld [smem:$0x3FAE]  }
0x30: {  	s3 =	sld [smem:$0x3FB1]  }
0x31: {  	[smem:$0x3FBA] =	sst s10  }
0x32: {  	s10 =	sld [smem:$0x3FB8];
	_ =	sdelay $0x3  }
0x33: {  	p0 =	seq.s32 s10, $0x1;
	s10 =	sld [smem:$0x3FBA];
	_ =	sdelay $0x3  }
0x34: {  	[smem:$0x3FBA] =	sst s10  }
0x35: {  	s10 =	sld [smem:$0x3FB9];
	_ =	sdelay $0x3  }
0x36: {  	p1 =	seq.s32 s10, $0x1;
	s10 =	sld [smem:$0x3FBA];
	_ =	sdelay $0x3  }
0x37: {  	[smem:$0x3FBA] =	sst s10  }
0x38: {  	s10 =	sld [smem:$0x3FBB]  }
0x39: {  	_ = 	snop;
	(pc) =	sbr.ind lr, $3  }
0x3a: {  	_ = 	snop  }
0x3b: {  	_ = 	snop  }
0x3c: {  	p2 =	seq.s32 s10, $0x1;
	s10 =	sld [smem:$0x3FBA]  }
0x3d: {  	_ =	shalt  }
0x3e: {  	_ =	shalt  }
0x3f: {  	_ =	shalt  }
0x40: {  	_ =	shalt  }
0x41: {  	_ =	shalt  }
0x42: {  	_ =	shalt  }
0x43: {  	_ =	shalt  }
0x44: {  	_ =	shalt  }
0x45: {  	_ =	shalt  }
0x46: {  	_ =	shalt  }
0x47: {  	_ =	shalt  }
0x48: {  	_ =	shalt  }
0x49: {  	_ =	shalt  }
0x4a: {  	_ =	shalt  }
0x4b: {  	_ =	shalt  }
0x4c: {  	_ =	shalt  }
0x4d: {  	_ =	shalt  }
0x4e: {  	_ =	shalt  }
0x4f: {  	_ =	shalt  }
0x50: {  	_ =	shalt  }
0x51: {  	_ =	shalt  }
0x52: {  	_ =	shalt  }
0x53: {  	_ =	shalt  }
0x54: {  	_ =	shalt  }
0x55: {  	_ =	shalt  }
0x56: {  	_ =	shalt  }
0x57: {  	_ =	shalt  }
0x58: {  	_ =	shalt  }
0x59: {  	_ =	shalt  }
0x5a: {  	_ =	shalt  }
0x5b: {  	_ =	shalt  }
0x5c: {  	_ =	shalt  }
0x5d: {  	_ =	shalt  }
0x5e: {  	_ =	shalt  }
0x5f: {  	_ =	shalt  }
0x60: {  	_ =	shalt  }
0x61: {  	_ =	shalt  }
0x62: {  	_ =	shalt  }
0x63: {  	_ =	shalt  }
0x64: {  	_ =	shalt  }
0x65: {  	_ =	shalt  }
0x66: {  	_ =	shalt  }
0x67: {  	_ =	shalt  }
0x68: {  	_ =	shalt  }
0x69: {  	_ =	shalt  }
0x6a: {  	_ =	shalt  }
0x6b: {  	_ =	shalt  }
0x6c: {  	_ =	shalt  }
0x6d: {  	_ =	shalt  }
0x6e: {  	_ =	shalt  }
0x6f: {  	_ =	shalt  }
0x70: {  	_ =	shalt  }
0x71: {  	_ =	shalt  }
0x72: {  	_ =	shalt  }
0x73: {  	_ =	shalt  }
0x74: {  	_ =	shalt  }
0x75: {  	_ =	shalt  }
0x76: {  	_ =	shalt  }
0x77: {  	_ =	shalt  }
0x78: {  	_ =	shalt  }
0x79: {  	_ =	shalt  }
0x7a: {  	_ =	shalt  }
0x7b: {  	_ =	shalt  }
0x7c: {  	_ =	shalt  }
0x7d: {  	_ =	shalt  }
0x7e: {  	_ =	shalt  }
0x7f: {  	_ =	shalt  }
0x80: {  	_ =	shalt  }
0x81: {  	_ =	shalt  }
0x82: {  	_ =	shalt  }
0x83: {  	_ =	shalt  }
0x84: {  	_ =	shalt  }
0x85: {  	_ =	shalt  }
0x86: {  	_ =	shalt  }
0x87: {  	_ =	shalt  }
.Lfunc_end0:
.L_simem_size_0:
called_computation_lowered:
.L_overlay_start_0:
0x88: {  	s2 =	sld [smem:$0x3FD9]  }
0x89: {  	s3 =	sld [smem:$0x3FFE];
	_ =	sdelay $0x1  }
0x8a: {  	s1 =	srdreg.scid  }
0x8b: {  	s0 =	sand.u32 $0x1, s1  }
0x8c: {  	s18 =	sshll.u32 s0, $0xA;
	s2 =	sadd.s32 s3, s2  }
0x8d: {  	s2 =	sadd.s32 s2, s18  }
0x8e: {  	[smem:$0x3FC6] =	sst s2  }
0x8f: {  	_ = 	snop  }
0x90: {  	s2 =	sld [smem:$0x3FC9]  }
0x91: {  	s19 =	sld [smem:$0x3FC8]  }
0x92: {  	s4 =	sld [smem:$0x3FD0];
	(tm) =	ssettm $0x1  }
0x93: {  	s5 =	sld [smem:$0x3FFB];
	_ =	sdelay $0x3  }
0x94: {  	_ =	strace s5  }
0x95: {  	s5 =	sld [smem:$0x3FFC];
	_ =	sdelay $0x3  }
0x96: {  	_ =	strace s5  }
0x97: {  	s5 =	sld [smem:$0x3FFD];
	_ =	sdelay $0x3  }
0x98: {  	_ =	strace s5  }
0x99: {  	_ =	strace $0x8FFFFFFF  }
0x9a: {  	s20 =	sld [smem:$0x3FDB];
	_ =	sdelay $0x1  }
0x9b: {  	s6 =	simm.s32 $_scs_section_size  }
0x9c: {  	s7 =	simm.s32 $_size__tile_overlayer_lowered;
	s8 =	simm.s32 $_tile_overlayer_lowered  }
0x9d: {  	s23 =	simm.s32 $0x1BFF;
	s22 =	sshll.u32 s8, $0x1;
	s5 =	sadd.s32 s6, s20  }
0x9e: {  	s9 =	simm.s32 $0x0;
	s21 =	sshll.u32 s7, $0x1;
	s7 =	sadd.s32 s22, s5  }
0x9f: {  	[timem:s9], [sflag:s23] =	dma.local [hbm:s7], s21  }
0xa0: {  	_ =	swait.ge [sflag:s23], s21  }
0xa1: {  	s6 =	ssub.s32 $0x0, s21;
	[sflag:s23] =	ssyncset.done $0x0  }
0xa2: {  	[sflag:s23] =	ssyncadd.s32 s6;
	_ =	sdelay $0x1  }
0xa3: {  	s24 =	simm.s32 $0x1B8B  }
0xa4: {  	_ =	swait.ge [sflag:s24], $0x1  }
0xa5: {  	[sflag:s24] =	ssyncset.done $0x0  }
0xa6: {  	s25 =	simm.s32 $0x1B8E;
	[sflag:s24] =	ssyncadd.s32 $0xFFFFFFFF  }
0xa7: {  	s26 =	simm.s32 $execute0_lowered;
	[smem:$0x3FD2] =	sst s25  }
0xa8: {  	s6 =	sshll.u32 s26, $0x1;
	_ =	strace $0x80000046;
	[dreg:$0x1] =	wrdreg $0xFFFFFFFF  }
0xa9: {  	s28 =	simm.s32 $_size_execute0_lowered;
	s5 =	sadd.s32 s5, s6;
	[dreg:$0x0] =	wrdreg $0x0  }
0xaa: {  	s6 =	sshll.u32 s28, $0x1;
	[dreg:$0x2] =	wrdreg s5  }
0xab: {  	[dreg:$0x3] =	wrdreg s6  }
0xac: {  	[dreg:$0x4] =	wrdreg $0xC0  }
0xad: {  	_ =	task [dreg:s9], $0x5FFFF  }
0xae: {  	[dreg:$0x1] =	wrdreg $0xFFFFFFFF  }
0xaf: {  	[dreg:$0x0] =	wrdreg $0x60  }
0xb0: {  	[dreg:$0x2] =	wrdreg s2  }
0xb1: {  	[dreg:$0x3] =	wrdreg s19  }
0xb2: {  	[dreg:$0x4] =	wrdreg s4  }
0xb3: {  	[dreg:$0x5] =	wrdreg $0x9  }
0xb4: {  	_ =	task.clear_ibuf [dreg:s9], $0x6FFFF;
	_ =	strace $0x90000046  }
0xb5: {  	s29 =	simm.s32 $0x9;
	_ =	strace $0x80000048  }
0xb6: {  	_ =	swait.ge [sflag:s29], $0x1  }
0xb7: {  	[sflag:s29] =	ssyncadd.s32 $0xFFFFFFFF  }
0xb8: {  	_ =	strace $0x90000048  }
0xb9: {  	_ =	sfence  }
0xba: {  	s30 =	sld [smem:$0x0];
	_ =	sdelay $0x2  }
0xbb: {  	s31 =	sshll.u32 s1, $0xD;
	s1 =	sshrl.u32 s1, $0x2  }
0xbc: {  	s3 =	sand.u32 $0x4000, s31;
	s1 =	sadd.s32 s1, s30  }
0xbd: {  	s0 =	sor.u32 s3, s0;
	s1 =	sshll.u32 s1, $0x11  }
0xbe: {  	s0 =	sor.u32 s1, s0  }
0xbf: {  	s0 =	sadd.s32 $0x8F2B, s0  }
0xc0: {  	[sflag:s0] =	ssyncadd.remote.s32 $0x1  }
0xc1: {  	_ =	sfence.sel $0xFFFF  }
0xc2: {  	[dreg:$0x0] =	wrdreg $0xFFFFFFFF;
	(pc) =	sbr.abs _section_cstart, $3  }
0xc3: {  	[dreg:$0x1] =	wrdreg $0xFFFFFFFF  }
0xc4: {  	_ =	task.clear_ibuf [dreg:s9], $0x2FFFF;
	_ =	strace $0x9FFFFFFF  }
0xc5: {  	(tm) =	ssettm $0x7FFFFFFF  }
tec
execute0_lowered:
.L_overlay_start_1:
0x0: {  	(tag) =	ssettag $0x1  }
0x1: {  	s0 =	rddreg [dreg:$0x0]  }
0x2: {  	s2 =	rddreg [dreg:$0x1]  }
0x3: {  	s1 =	rddreg [dreg:$0x2]  }
0x4: {  	s3 =	srdreg.scid;
	s5 =	stileid.u32  }
0x5: {  	s8 =	simm.s32 $0x400;
	s13 =	simm.s32 $0xCE00;
	s9 =	simm.s32 $0x7A1400  }
0x6: {  	s14 =	simm.s32 $0xDA00;
	s10 =	simm.s32 $0x200;
	s15 =	simm.s32 $0xE600  }
0x7: {  	s16 =	simm.s32 $0xF200;
	s17 =	simm.s32 $0xFE00;
	s18 =	simm.s32 $0x10A00  }
0x8: {  	s19 =	simm.s32 $0x11600;
	s4 =	sand.u32 $0x1, s3;
	s3 =	simm.s32 $0x0  }
0x9: {  	s20 =	simm.s32 $0x12200;
	s21 =	simm.s32 $0x12E00;
	[smem:$0x7FF] =	sst s3  }
0xa: {  	s22 =	simm.s32 $0x13A00;
	_ =	strace $0x80000047;
	[dreg:$0x4] =	wrdreg s13  }
0xb: {  	s23 =	simm.s32 $0x14600;
	s24 =	simm.s32 $0x15200;
	[dreg:$0x5] =	wrdreg s14  }
0xc: {  	s25 =	simm.s32 $0x15E00;
	s26 =	simm.s32 $0x16A00;
	[dreg:$0x6] =	wrdreg s15  }
0xd: {  	s30 =	simm.s32 $0x17600;
	s28 =	simm.s32 $0x1;
	[dreg:$0x7] =	wrdreg s16  }
0xe: {  	s29 =	simm.s32 $0x2;
	s31 =	simm.s32 $0x0;
	[dreg:$0x8] =	wrdreg s17  }
0xf: {  	s5 =	sshll.u32 s5, $0x1;
	s6 =	ssub.s32 $0x2, s4;
	[dreg:$0x9] =	wrdreg s18  }
0x10: {  	s4 =	sor.u32 s4, s5;
	s11 =	sshrl.u32 s6, $0x1;
	[dreg:$0xa] =	wrdreg s19  }
0x11: {  	v1 =	vlaneseq.u32;
	s7 =	smul.u32 $0x600, s4;
	s4 =	sshll.u32 s4, $0x6;
	[dreg:$0xb] =	wrdreg s20  }
0x12: {  	v0 =	vmul.u32 $0x80, v1;
	s13 =	simm.s32 $0x2600;
	s14 =	simm.s32 $0x3200;
	[dreg:$0xc] =	wrdreg s21  }
0x13: {  	s15 =	simm.s32 $0x3E00;
	s16 =	simm.s32 $0x4A00;
	[dreg:$0xd] =	wrdreg s22  }
0x14: {  	v1 =	vshrl.u32 v1, $0x3;
	s17 =	simm.s32 $0x5600;
	s18 =	simm.s32 $0x6200;
	v2 =	vor.u32 $0x800, v0;
	v3 =	vor.u32 $0x1000, v0;
	[dreg:$0xe] =	wrdreg s23  }
0x15: {  	s19 =	simm.s32 $0x6E00;
	v4 =	vor.u32 $0x1800, v0;
	v5 =	vor.u32 $0x2000, v0;
	v6 =	vor.u32 $0x2800, v0;
	s20 =	simm.s32 $0x7A00;
	[dreg:$0xf] =	wrdreg s24  }
0x16: {  	v7 =	vor.u32 $0x3000, v0;
	v8 =	vor.u32 $0x3800, v0;
	v9 =	vor.u32 $0x4000, v0;
	s21 =	simm.s32 $0x8600;
	[dreg:$0x10] =	wrdreg s25;
	s22 =	simm.s32 $0x9200  }
0x17: {  	v10 =	vor.u32 $0x4800, v0;
	v11 =	vor.u32 $0x5000, v0;
	v12 =	vor.u32 $0x5800, v0;
	[dreg:$0x11] =	wrdreg s26;
	s23 =	simm.s32 $0x9E00;
	s24 =	simm.s32 $0xAA00  }
0x18: {  	v13 =	vor.u32 $0x6000, v0;
	v14 =	vor.u32 $0x6800, v0;
	v15 =	vor.u32 $0x7000, v0;
	[dreg:$0x12] =	wrdreg s30;
	s25 =	simm.s32 $0xB600;
	s26 =	simm.s32 $0xC200  }
0x19: {  	v16 =	vor.u32 $0x7800, v0;
	v17 =	vor.u32 $0x8000, v0;
	v18 =	vor.u32 $0x8800, v0;
	s6 =	ssub.s32 s6, s11;
	s0 =	sadd.s32 s0, s4;
	s11 =	simm.s32 $0xE00  }
0x1a: {  	v19 =	vor.u32 $0x9000, v0;
	v20 =	vor.u32 $0x9800, v0;
	v21 =	vor.u32 $0xA000, v0;
	[dreg:$0x13] =	wrdreg s0;
	s12 =	sadd.s32 s1, s7;
	s6 =	smax.u32 s6, $0x1  }
0x1b: {  	v22 =	vor.u32 $0xA800, v0;
	v23 =	vor.u32 $0xB000, v0;
	v24 =	vor.u32 $0xB800, v0;
	s7 =	simm.s32 $0x3;
	[dreg:$0x14] =	wrdreg s12;
	s12 =	simm.s32 $0x1A00  }
.LBB2_1:
0x1c: {  	s0 =	rddreg [dreg:$0x13]  }
0x1d: {  	[tilespmem:s3], [sflag:$0x3] =	stream.linear.gather [hbm4b:s0+s3], $0x200, $0x38;
	[tilespmem:$0x1B200] =	vst v63  }
0x1e: {  	_ =	swait.ge [sflag:s7], $0x200  }
0x1f: {  	[sflag:s7] =	ssyncset.done $0x0  }
0x20: {  	[sflag:s7] =	ssyncadd.s32 $0xFFFFFE00  }
0x21: {  	v25 =	vld [tilespmem:$0x0];
	_ =	sdelay $0x4  }
0x22: {  	(v2sf) =	vpush v25, $0x0  }
0x23: {  	(v2sf) =	vpush v25, $0x1;
	_ =	sdelay $0x5  }
0x24: {  	(v2sf) =	vpush v25, $0x2;
	_ =	sdelay $0x1  }
0x25: {  	(v2sf) =	vpush v25, $0x3;
	_ =	sdelay $0x5  }
0x26: {  	s5 =	spop (v2sf);
	(v2sf) =	vpush v25, $0x4  }
0x27: {  	s1 =	spop (v2sf);
	(v2sf) =	vpush v25, $0x5;
	_ =	sdelay $0x4  }
0x28: {  	s0 =	sand.u32 $0xFFFFF80, s5  }
0x29: {  	s0 =	sadd.s32 s2, s0;
	s4 =	spop (v2sf);
	(v2sf) =	vpush v25, $0x6  }
0x2a: {  	[tilespmem:s10], [sflag:$0x1] =	stream.strided.gather [hbm4b:s0+s8], $0xC00, s9, s8, $0x38;
	[tilespmem:$0x1B200] =	vst v63  }
0x2b: {  	s0 =	sand.u32 $0xFFFFF80, s1;
	s5 =	spop (v2sf);
	(v2sf) =	vpush v25, $0x7  }
0x2c: {  	s0 =	sadd.s32 s2, s0  }
0x2d: {  	[tilespmem:s11], [sflag:$0x1] =	stream.strided.gather [hbm4b:s0+s8], $0xC00, s9, s8, $0x38;
	[tilespmem:$0x1B200] =	vst v63  }
0x2e: {  	s0 =	sand.u32 $0xFFFFF80, s4  }
0x2f: {  	s0 =	sadd.s32 s2, s0  }
0x30: {  	[tilespmem:s12], [sflag:$0x1] =	stream.strided.gather [hbm4b:s0+s8], $0xC00, s9, s8, $0x38;
	[tilespmem:$0x1B200] =	vst v63  }
0x31: {  	s0 =	sand.u32 $0xFFFFF80, s5;
	s1 =	spop (v2sf);
	(v2sf) =	vpush v25, $0x8  }
0x32: {  	s0 =	sadd.s32 s2, s0;
	s4 =	spop (v2sf);
	(v2sf) =	vpush v25, $0x9  }
0x33: {  	[tilespmem:s13], [sflag:$0x1] =	stream.strided.gather [hbm4b:s0+s8], $0xC00, s9, s8, $0x38;
	[tilespmem:$0x1B200] =	vst v63  }
0x34: {  	s0 =	sand.u32 $0xFFFFF80, s1;
	(v2sf) =	vpush v25, $0xA  }
0x35: {  	s0 =	sadd.s32 s2, s0  }
0x36: {  	[tilespmem:s14], [sflag:$0x1] =	stream.strided.gather [hbm4b:s0+s8], $0xC00, s9, s8, $0x38;
	[tilespmem:$0x1B200] =	vst v63  }
0x37: {  	s0 =	sand.u32 $0xFFFFF80, s4  }
0x38: {  	s5 =	spop (v2sf);
	s0 =	sadd.s32 s2, s0  }
0x39: {  	(v2sf) =	vpush v25, $0xB;
	[tilespmem:s15], [sflag:$0x1] =	stream.strided.gather [hbm4b:s0+s8], $0xC00, s9, s8, $0x38;
	[tilespmem:$0x1B200] =	vst v63  }
0x3a: {  	s1 =	spop (v2sf);
	(v2sf) =	vpush v25, $0xC;
	s0 =	sand.u32 $0xFFFFF80, s5  }
0x3b: {  	s0 =	sadd.s32 s2, s0  }
0x3c: {  	[tilespmem:s16], [sflag:$0x1] =	stream.strided.gather [hbm4b:s0+s8], $0xC00, s9, s8, $0x38;
	[tilespmem:$0x1B200] =	vst v63  }
0x3d: {  	s0 =	sand.u32 $0xFFFFF80, s1  }
0x3e: {  	s0 =	sadd.s32 s2, s0  }
0x3f: {  	[tilespmem:s17], [sflag:$0x1] =	stream.strided.gather [hbm4b:s0+s8], $0xC00, s9, s8, $0x38;
	[tilespmem:$0x1B200] =	vst v63  }
0x40: {  	s4 =	spop (v2sf);
	(v2sf) =	vpush v25, $0xD  }
0x41: {  	s5 =	spop (v2sf);
	(v2sf) =	vpush v25, $0xE  }
0x42: {  	s0 =	sand.u32 $0xFFFFF80, s4  }
0x43: {  	s0 =	sadd.s32 s2, s0;
	s1 =	spop (v2sf)  }
0x44: {  	(v2sf) =	vpush v25, $0xF;
	[tilespmem:s18], [sflag:$0x1] =	stream.strided.gather [hbm4b:s0+s8], $0xC00, s9, s8, $0x38;
	[tilespmem:$0x1B200] =	vst v63  }
0x45: {  	s0 =	sand.u32 $0xFFFFF80, s5  }
0x46: {  	s0 =	sadd.s32 s2, s0  }
0x47: {  	[tilespmem:s19], [sflag:$0x1] =	stream.strided.gather [hbm4b:s0+s8], $0xC00, s9, s8, $0x38;
	[tilespmem:$0x1B200] =	vst v63  }
0x48: {  	s0 =	sand.u32 $0xFFFFF80, s1;
	s1 =	spop (v2sf)  }
0x49: {  	s0 =	sadd.s32 s2, s0;
	s4 =	sand.u32 $0xFFFFF80, s1;
	s5 =	spop (v2sf)  }
0x4a: {  	[tilespmem:s20], [sflag:$0x1] =	stream.strided.gather [hbm4b:s0+s8], $0xC00, s9, s8, $0x38;
	[tilespmem:$0x1B200] =	vst v63  }
0x4b: {  	s0 =	sadd.s32 s2, s4;
	s4 =	sand.u32 $0xFFFFF80, s5  }
0x4c: {  	[tilespmem:s21], [sflag:$0x1] =	stream.strided.gather [hbm4b:s0+s8], $0xC00, s9, s8, $0x38;
	[tilespmem:$0x1B200] =	vst v63  }
0x4d: {  	s0 =	sadd.s32 s2, s4  }
0x4e: {  	[tilespmem:s22], [sflag:$0x1] =	stream.strided.gather [hbm4b:s0+s8], $0xC00, s9, s8, $0x38;
	[tilespmem:$0x1B200] =	vst v63  }
0x4f: {  	s5 =	spop (v2sf)  }
0x50: {  	s4 =	sand.u32 $0xFFFFF80, s5;
	s5 =	spop (v2sf)  }
0x51: {  	s0 =	sadd.s32 s2, s4;
	s4 =	sand.u32 $0xFFFFF80, s5  }
0x52: {  	[tilespmem:s23], [sflag:$0x1] =	stream.strided.gather [hbm4b:s0+s8], $0xC00, s9, s8, $0x38;
	[tilespmem:$0x1B200] =	vst v63  }
0x53: {  	s5 =	spop (v2sf);
	s0 =	sadd.s32 s2, s4  }
0x54: {  	[tilespmem:s24], [sflag:$0x1] =	stream.strided.gather [hbm4b:s0+s8], $0xC00, s9, s8, $0x38;
	[tilespmem:$0x1B200] =	vst v63  }
0x55: {  	s0 =	sand.u32 $0xFFFFF80, s5  }
0x56: {  	s0 =	sadd.s32 s2, s0  }
0x57: {  	[tilespmem:s25], [sflag:$0x1] =	stream.strided.gather [hbm4b:s0+s8], $0xC00, s9, s8, $0x38;
	[tilespmem:$0x1B200] =	vst v63  }
0x58: {  	s30 =	simm.s32 $0x18380;
	s1 =	simm.s32 $0x10;
	s0 =	simm.s32 $0x20  }
.LBB2_2:
0x59: {  	v25 =	vld [tilespmem:s1+$0x0];
	_ =	sdelay $0x4  }
0x5a: {  	(v2sf) =	vpush v25, $0x0;
	_ =	sdelay $0x3  }
0x5b: {  	(v2sf) =	vpush v25, $0x1;
	_ =	sdelay $0x3  }
0x5c: {  	(v2sf) =	vpush v25, $0x2;
	_ =	sdelay $0x3  }
0x5d: {  	(v2sf) =	vpush v25, $0x3;
	_ =	sdelay $0x2  }
0x5e: {  	s4 =	spop (v2sf)  }
0x5f: {  	(v2sf) =	vpush v25, $0x4;
	s4 =	sand.u32 $0xFFFFF80, s4  }
0x60: {  	s4 =	sadd.s32 s2, s4  }
0x61: {  	[tilespmem:s26], [sflag:$0x2] =	stream.strided.gather [hbm4b:s4+s8], $0xC00, s9, s8, $0x38;
	[tilespmem:$0x1B200] =	vst v63  }
0x62: {  	s4 =	spop (v2sf)  }
0x63: {  	(v2sf) =	vpush v25, $0x5;
	s4 =	sand.u32 $0xFFFFF80, s4  }
0x64: {  	s5 =	rddreg [dreg:$0x4];
	s4 =	sadd.s32 s2, s4  }
0x65: {  	[tilespmem:s5], [sflag:$0x2] =	stream.strided.gather [hbm4b:s4+s8], $0xC00, s9, s8, $0x38;
	[tilespmem:$0x1B200] =	vst v63  }
0x66: {  	s4 =	spop (v2sf)  }
0x67: {  	(v2sf) =	vpush v25, $0x6;
	s4 =	sand.u32 $0xFFFFF80, s4  }
0x68: {  	s5 =	rddreg [dreg:$0x5];
	s4 =	sadd.s32 s2, s4  }
0x69: {  	[tilespmem:s5], [sflag:$0x2] =	stream.strided.gather [hbm4b:s4+s8], $0xC00, s9, s8, $0x38;
	[tilespmem:$0x1B200] =	vst v63  }
0x6a: {  	s4 =	spop (v2sf)  }
0x6b: {  	(v2sf) =	vpush v25, $0x7;
	s4 =	sand.u32 $0xFFFFF80, s4  }
0x6c: {  	s5 =	rddreg [dreg:$0x6];
	s4 =	sadd.s32 s2, s4  }
0x6d: {  	[tilespmem:s5], [sflag:$0x2] =	stream.strided.gather [hbm4b:s4+s8], $0xC00, s9, s8, $0x38;
	[tilespmem:$0x1B200] =	vst v63  }
0x6e: {  	s4 =	spop (v2sf)  }
0x6f: {  	(v2sf) =	vpush v25, $0x8;
	s4 =	sand.u32 $0xFFFFF80, s4  }
0x70: {  	s5 =	rddreg [dreg:$0x7];
	s4 =	sadd.s32 s2, s4  }
0x71: {  	[tilespmem:s5], [sflag:$0x2] =	stream.strided.gather [hbm4b:s4+s8], $0xC00, s9, s8, $0x38;
	[tilespmem:$0x1B200] =	vst v63  }
0x72: {  	s4 =	spop (v2sf)  }
0x73: {  	(v2sf) =	vpush v25, $0x9;
	s4 =	sand.u32 $0xFFFFF80, s4  }
0x74: {  	s5 =	rddreg [dreg:$0x8];
	s4 =	sadd.s32 s2, s4  }
0x75: {  	[tilespmem:s5], [sflag:$0x2] =	stream.strided.gather [hbm4b:s4+s8], $0xC00, s9, s8, $0x38;
	[tilespmem:$0x1B200] =	vst v63  }
0x76: {  	s4 =	spop (v2sf)  }
0x77: {  	(v2sf) =	vpush v25, $0xA;
	s4 =	sand.u32 $0xFFFFF80, s4  }
0x78: {  	s5 =	rddreg [dreg:$0x9];
	s4 =	sadd.s32 s2, s4  }
0x79: {  	[tilespmem:s5], [sflag:$0x2] =	stream.strided.gather [hbm4b:s4+s8], $0xC00, s9, s8, $0x38;
	[tilespmem:$0x1B200] =	vst v63  }
0x7a: {  	s4 =	spop (v2sf)  }
0x7b: {  	(v2sf) =	vpush v25, $0xB;
	s4 =	sand.u32 $0xFFFFF80, s4  }
0x7c: {  	s5 =	rddreg [dreg:$0xa];
	s4 =	sadd.s32 s2, s4  }
0x7d: {  	[tilespmem:s5], [sflag:$0x2] =	stream.strided.gather [hbm4b:s4+s8], $0xC00, s9, s8, $0x38;
	[tilespmem:$0x1B200] =	vst v63  }
0x7e: {  	s4 =	spop (v2sf)  }
0x7f: {  	(v2sf) =	vpush v25, $0xC;
	s4 =	sand.u32 $0xFFFFF80, s4  }
0x80: {  	s5 =	rddreg [dreg:$0xb];
	s4 =	sadd.s32 s2, s4  }
0x81: {  	[tilespmem:s5], [sflag:$0x2] =	stream.strided.gather [hbm4b:s4+s8], $0xC00, s9, s8, $0x38;
	[tilespmem:$0x1B200] =	vst v63  }
0x82: {  	s4 =	spop (v2sf)  }
0x83: {  	(v2sf) =	vpush v25, $0xD;
	s4 =	sand.u32 $0xFFFFF80, s4  }
0x84: {  	s5 =	rddreg [dreg:$0xc];
	s4 =	sadd.s32 s2, s4  }
0x85: {  	[tilespmem:s5], [sflag:$0x2] =	stream.strided.gather [hbm4b:s4+s8], $0xC00, s9, s8, $0x38;
	[tilespmem:$0x1B200] =	vst v63  }
0x86: {  	s4 =	spop (v2sf)  }
0x87: {  	(v2sf) =	vpush v25, $0xE;
	s4 =	sand.u32 $0xFFFFF80, s4  }
0x88: {  	s5 =	rddreg [dreg:$0xd];
	s4 =	sadd.s32 s2, s4  }
0x89: {  	[tilespmem:s5], [sflag:$0x2] =	stream.strided.gather [hbm4b:s4+s8], $0xC00, s9, s8, $0x38;
	[tilespmem:$0x1B200] =	vst v63  }
0x8a: {  	s4 =	spop (v2sf)  }
0x8b: {  	(v2sf) =	vpush v25, $0xF;
	s4 =	sand.u32 $0xFFFFF80, s4  }
0x8c: {  	s5 =	rddreg [dreg:$0xe];
	s4 =	sadd.s32 s2, s4  }
0x8d: {  	[tilespmem:s5], [sflag:$0x2] =	stream.strided.gather [hbm4b:s4+s8], $0xC00, s9, s8, $0x38;
	[tilespmem:$0x1B200] =	vst v63  }
0x8e: {  	s4 =	spop (v2sf)  }
0x8f: {  	s4 =	sand.u32 $0xFFFFF80, s4  }
0x90: {  	s5 =	rddreg [dreg:$0xf];
	s4 =	sadd.s32 s2, s4  }
0x91: {  	[tilespmem:s5], [sflag:$0x2] =	stream.strided.gather [hbm4b:s4+s8], $0xC00, s9, s8, $0x38;
	[tilespmem:$0x1B200] =	vst v63  }
0x92: {  	s4 =	spop (v2sf)  }
0x93: {  	s4 =	sand.u32 $0xFFFFF80, s4  }
0x94: {  	s5 =	rddreg [dreg:$0x10];
	s4 =	sadd.s32 s2, s4  }
0x95: {  	[tilespmem:s5], [sflag:$0x2] =	stream.strided.gather [hbm4b:s4+s8], $0xC00, s9, s8, $0x38;
	[tilespmem:$0x1B200] =	vst v63  }
0x96: {  	s4 =	spop (v2sf)  }
0x97: {  	s4 =	sand.u32 $0xFFFFF80, s4  }
0x98: {  	s5 =	rddreg [dreg:$0x11];
	s4 =	sadd.s32 s2, s4  }
0x99: {  	[tilespmem:s5], [sflag:$0x2] =	stream.strided.gather [hbm4b:s4+s8], $0xC00, s9, s8, $0x38;
	[tilespmem:$0x1B200] =	vst v63  }
0x9a: {  	s4 =	spop (v2sf)  }
0x9b: {  	s4 =	sand.u32 $0xFFFFF80, s4  }
0x9c: {  	s5 =	rddreg [dreg:$0x12];
	s4 =	sadd.s32 s2, s4  }
0x9d: {  	[tilespmem:s5], [sflag:$0x2] =	stream.strided.gather [hbm4b:s4+s8], $0xC00, s9, s8, $0x38;
	[tilespmem:$0x1B200] =	vst v63  }
0x9e: {  	_ =	swait.ge [sflag:s28], $0xC00  }
0x9f: {  	[sflag:s28] =	ssyncset.done $0x0  }
0xa0: {  	[sflag:s28] =	ssyncadd.s32 $0xFFFFF400  }
0xa1: {  	_ =	swait.ge [sflag:s28], $0xC00  }
0xa2: {  	[sflag:s28] =	ssyncset.done $0x0  }
0xa3: {  	[sflag:s28] =	ssyncadd.s32 $0xFFFFF400  }
0xa4: {  	_ =	swait.ge [sflag:s28], $0xC00  }
0xa5: {  	[sflag:s28] =	ssyncset.done $0x0  }
0xa6: {  	[sflag:s28] =	ssyncadd.s32 $0xFFFFF400  }
0xa7: {  	_ =	swait.ge [sflag:s28], $0xC00  }
0xa8: {  	[sflag:s28] =	ssyncset.done $0x0  }
0xa9: {  	[sflag:s28] =	ssyncadd.s32 $0xFFFFF400  }
0xaa: {  	_ =	swait.ge [sflag:s28], $0xC00  }
0xab: {  	[sflag:s28] =	ssyncset.done $0x0  }
0xac: {  	[sflag:s28] =	ssyncadd.s32 $0xFFFFF400  }
0xad: {  	_ =	swait.ge [sflag:s28], $0xC00  }
0xae: {  	[sflag:s28] =	ssyncset.done $0x0  }
0xaf: {  	[sflag:s28] =	ssyncadd.s32 $0xFFFFF400  }
0xb0: {  	_ =	swait.ge [sflag:s28], $0xC00  }
0xb1: {  	[sflag:s28] =	ssyncset.done $0x0  }
0xb2: {  	[sflag:s28] =	ssyncadd.s32 $0xFFFFF400  }
0xb3: {  	_ =	swait.ge [sflag:s28], $0xC00  }
0xb4: {  	[sflag:s28] =	ssyncset.done $0x0  }
0xb5: {  	[sflag:s28] =	ssyncadd.s32 $0xFFFFF400  }
0xb6: {  	_ =	swait.ge [sflag:s28], $0xC00  }
0xb7: {  	[sflag:s28] =	ssyncset.done $0x0  }
0xb8: {  	[sflag:s28] =	ssyncadd.s32 $0xFFFFF400  }
0xb9: {  	_ =	swait.ge [sflag:s28], $0xC00  }
0xba: {  	[sflag:s28] =	ssyncset.done $0x0  }
0xbb: {  	[sflag:s28] =	ssyncadd.s32 $0xFFFFF400  }
0xbc: {  	_ =	swait.ge [sflag:s28], $0xC00  }
0xbd: {  	[sflag:s28] =	ssyncset.done $0x0  }
0xbe: {  	[sflag:s28] =	ssyncadd.s32 $0xFFFFF400  }
0xbf: {  	_ =	swait.ge [sflag:s28], $0xC00  }
0xc0: {  	[sflag:s28] =	ssyncset.done $0x0  }
0xc1: {  	[sflag:s28] =	ssyncadd.s32 $0xFFFFF400  }
0xc2: {  	_ =	swait.ge [sflag:s28], $0xC00  }
0xc3: {  	[sflag:s28] =	ssyncset.done $0x0  }
0xc4: {  	[sflag:s28] =	ssyncadd.s32 $0xFFFFF400  }
0xc5: {  	_ =	swait.ge [sflag:s28], $0xC00  }
0xc6: {  	[sflag:s28] =	ssyncset.done $0x0  }
0xc7: {  	[sflag:s28] =	ssyncadd.s32 $0xFFFFF400  }
0xc8: {  	s5 =	sadd.s32 $0xFFFFFFE0, s0;
	_ =	swait.ge [sflag:s28], $0xC00  }
0xc9: {  	v25 =	vmov s5;
	[sflag:s28] =	ssyncset.done $0x0  }
0xca: {  	[sflag:s28] =	ssyncadd.s32 $0xFFFFF400  }
0xcb: {  	_ =	swait.ge [sflag:s28], $0xC00  }
0xcc: {  	[sflag:s28] =	ssyncset.done $0x0  }
0xcd: {  	[sflag:s28] =	ssyncadd.s32 $0xFFFFF400  }
0xce: {  	v25 =	vld.idx.msk [tilespmem:v25+s3+$0x0], $0xffff;
	_ =	sdelay $0x4  }
0xcf: {  	v25 =	vand.u32 $0x7F, v25  }
0xd0: {  	v25 =	vor.u32 v0, v25;
	_ =	sdelay $0x4  }
0xd1: {  	v25 =	vld.idx.msk [tilespmem:v25+s10+$0x0], $0xffff  }
0xd2: {  	v26 =	vor.u32 s5, v1;
	_ =	sdelay $0x3  }
0xd3: {  	[tilespmem:s30+$0xFFFFFE80] =	vst v25  }
0xd4: {  	v25 =	vld.idx.msk [tilespmem:v26+s3+$0x0], $0xffff;
	_ =	sdelay $0x4  }
0xd5: {  	v25 =	vand.u32 $0x7F, v25  }
0xd6: {  	v25 =	vor.u32 v2, v25;
	_ =	sdelay $0x1  }
0xd7: {  	s5 =	sadd.s32 $0xFFFFFFE1, s0  }
0xd8: {  	v26 =	vmov s5  }
0xd9: {  	v26 =	vand.u32 $0xFFFFFFE1, v26  }
0xda: {  	v26 =	vbroadcast v26, $0x0;
	v25 =	vld.idx.msk [tilespmem:v25+s10+$0x0], $0xffff;
	_ =	sdelay $0x4  }
0xdb: {  	[tilespmem:s30+$0xFFFFFE90] =	vst v25  }
0xdc: {  	v25 =	vld.idx.msk [tilespmem:v26+s3+$0x0], $0xffff;
	_ =	sdelay $0x4  }
0xdd: {  	v25 =	vand.u32 $0x7F, v25  }
0xde: {  	v25 =	vor.u32 v3, v25;
	_ =	sdelay $0x4  }
0xdf: {  	s5 =	sadd.s32 $0xFFFFFFE2, s0;
	v25 =	vld.idx.msk [tilespmem:v25+s10+$0x0], $0xffff  }
0xe0: {  	v26 =	vmov s5;
	_ =	sdelay $0x3  }
0xe1: {  	[tilespmem:s30+$0xFFFFFEA0] =	vst v25  }
0xe2: {  	v25 =	vld.idx.msk [tilespmem:v26+s3+$0x0], $0xffff;
	_ =	sdelay $0x4  }
0xe3: {  	v25 =	vand.u32 $0x7F, v25  }
0xe4: {  	v25 =	vor.u32 v4, v25;
	_ =	sdelay $0x4  }
0xe5: {  	v25 =	vld.idx.msk [tilespmem:v25+s10+$0x0], $0xffff  }
0xe6: {  	v26 =	vor.u32 s5, v1;
	_ =	sdelay $0x3  }
0xe7: {  	[tilespmem:s30+$0xFFFFFEB0] =	vst v25  }
0xe8: {  	v25 =	vld.idx.msk [tilespmem:v26+s3+$0x0], $0xffff;
	_ =	sdelay $0x4  }
0xe9: {  	v25 =	vand.u32 $0x7F, v25  }
0xea: {  	v25 =	vor.u32 v5, v25;
	_ =	sdelay $0x1  }
0xeb: {  	s5 =	sadd.s32 $0xFFFFFFE3, s0  }
0xec: {  	v26 =	vmov s5  }
0xed: {  	v26 =	vand.u32 $0xFFFFFFE3, v26  }
0xee: {  	v26 =	vbroadcast v26, $0x0;
	v25 =	vld.idx.msk [tilespmem:v25+s10+$0x0], $0xffff;
	_ =	sdelay $0x4  }
0xef: {  	[tilespmem:s30+$0xFFFFFEC0] =	vst v25  }
0xf0: {  	v25 =	vld.idx.msk [tilespmem:v26+s3+$0x0], $0xffff;
	_ =	sdelay $0x4  }
0xf1: {  	v25 =	vand.u32 $0x7F, v25  }
0xf2: {  	v25 =	vor.u32 v6, v25;
	_ =	sdelay $0x4  }
0xf3: {  	s5 =	sadd.s32 $0xFFFFFFE4, s0;
	v25 =	vld.idx.msk [tilespmem:v25+s10+$0x0], $0xffff  }
0xf4: {  	v26 =	vmov s5;
	_ =	sdelay $0x3  }
0xf5: {  	[tilespmem:s30+$0xFFFFFED0] =	vst v25  }
0xf6: {  	v25 =	vld.idx.msk [tilespmem:v26+s3+$0x0], $0xffff;
	_ =	sdelay $0x4  }
0xf7: {  	v25 =	vand.u32 $0x7F, v25  }
0xf8: {  	v25 =	vor.u32 v7, v25;
	_ =	sdelay $0x4  }
0xf9: {  	v25 =	vld.idx.msk [tilespmem:v25+s10+$0x0], $0xffff  }
0xfa: {  	v26 =	vor.u32 s5, v1;
	_ =	sdelay $0x3  }
0xfb: {  	[tilespmem:s30+$0xFFFFFEE0] =	vst v25  }
0xfc: {  	v25 =	vld.idx.msk [tilespmem:v26+s3+$0x0], $0xffff;
	_ =	sdelay $0x4  }
0xfd: {  	v25 =	vand.u32 $0x7F, v25  }
0xfe: {  	v25 =	vor.u32 v8, v25;
	_ =	sdelay $0x1  }
0xff: {  	s5 =	sadd.s32 $0xFFFFFFE5, s0  }
0x100: {  	v26 =	vmov s5  }
0x101: {  	v26 =	vand.u32 $0xFFFFFFE5, v26  }
0x102: {  	v26 =	vbroadcast v26, $0x0;
	v25 =	vld.idx.msk [tilespmem:v25+s10+$0x0], $0xffff;
	_ =	sdelay $0x4  }
0x103: {  	[tilespmem:s30+$0xFFFFFEF0] =	vst v25  }
0x104: {  	v25 =	vld.idx.msk [tilespmem:v26+s3+$0x0], $0xffff;
	_ =	sdelay $0x4  }
0x105: {  	v25 =	vand.u32 $0x7F, v25  }
0x106: {  	v25 =	vor.u32 v9, v25;
	_ =	sdelay $0x4  }
0x107: {  	s5 =	sadd.s32 $0xFFFFFFE6, s0;
	v25 =	vld.idx.msk [tilespmem:v25+s10+$0x0], $0xffff  }
0x108: {  	v26 =	vmov s5;
	_ =	sdelay $0x3  }
0x109: {  	[tilespmem:s30+$0xFFFFFF00] =	vst v25  }
0x10a: {  	v25 =	vld.idx.msk [tilespmem:v26+s3+$0x0], $0xffff;
	_ =	sdelay $0x4  }
0x10b: {  	v25 =	vand.u32 $0x7F, v25  }
0x10c: {  	v25 =	vor.u32 v10, v25;
	_ =	sdelay $0x4  }
0x10d: {  	v25 =	vld.idx.msk [tilespmem:v25+s10+$0x0], $0xffff  }
0x10e: {  	v26 =	vor.u32 s5, v1;
	_ =	sdelay $0x3  }
0x10f: {  	[tilespmem:s30+$0xFFFFFF10] =	vst v25  }
0x110: {  	v25 =	vld.idx.msk [tilespmem:v26+s3+$0x0], $0xffff;
	_ =	sdelay $0x4  }
0x111: {  	v25 =	vand.u32 $0x7F, v25  }
0x112: {  	v25 =	vor.u32 v11, v25;
	_ =	sdelay $0x1  }
0x113: {  	s5 =	sadd.s32 $0xFFFFFFE7, s0  }
0x114: {  	v26 =	vmov s5  }
0x115: {  	v26 =	vand.u32 $0xFFFFFFE7, v26  }
0x116: {  	v26 =	vbroadcast v26, $0x0;
	v25 =	vld.idx.msk [tilespmem:v25+s10+$0x0], $0xffff;
	_ =	sdelay $0x4  }
0x117: {  	[tilespmem:s30+$0xFFFFFF20] =	vst v25  }
0x118: {  	v25 =	vld.idx.msk [tilespmem:v26+s3+$0x0], $0xffff;
	_ =	sdelay $0x4  }
0x119: {  	v25 =	vand.u32 $0x7F, v25  }
0x11a: {  	v25 =	vor.u32 v12, v25;
	_ =	sdelay $0x4  }
0x11b: {  	s5 =	sadd.s32 $0xFFFFFFE8, s0;
	v25 =	vld.idx.msk [tilespmem:v25+s10+$0x0], $0xffff  }
0x11c: {  	v26 =	vmov s5;
	_ =	sdelay $0x3  }
0x11d: {  	[tilespmem:s30+$0xFFFFFF30] =	vst v25  }
0x11e: {  	v25 =	vld.idx.msk [tilespmem:v26+s3+$0x0], $0xffff;
	_ =	sdelay $0x4  }
0x11f: {  	v25 =	vand.u32 $0x7F, v25  }
0x120: {  	v25 =	vor.u32 v13, v25;
	_ =	sdelay $0x4  }
0x121: {  	v25 =	vld.idx.msk [tilespmem:v25+s10+$0x0], $0xffff  }
0x122: {  	v26 =	vor.u32 s5, v1;
	_ =	sdelay $0x3  }
0x123: {  	[tilespmem:s30+$0xFFFFFF40] =	vst v25  }
0x124: {  	v25 =	vld.idx.msk [tilespmem:v26+s3+$0x0], $0xffff;
	_ =	sdelay $0x4  }
0x125: {  	v25 =	vand.u32 $0x7F, v25  }
0x126: {  	v25 =	vor.u32 v14, v25;
	_ =	sdelay $0x1  }
0x127: {  	s5 =	sadd.s32 $0xFFFFFFE9, s0  }
0x128: {  	v26 =	vmov s5  }
0x129: {  	v26 =	vand.u32 $0xFFFFFFE9, v26  }
0x12a: {  	v26 =	vbroadcast v26, $0x0;
	v25 =	vld.idx.msk [tilespmem:v25+s10+$0x0], $0xffff;
	_ =	sdelay $0x4  }
0x12b: {  	[tilespmem:s30+$0xFFFFFF50] =	vst v25  }
0x12c: {  	v25 =	vld.idx.msk [tilespmem:v26+s3+$0x0], $0xffff;
	_ =	sdelay $0x4  }
0x12d: {  	v25 =	vand.u32 $0x7F, v25  }
0x12e: {  	v25 =	vor.u32 v15, v25;
	_ =	sdelay $0x4  }
0x12f: {  	s5 =	sadd.s32 $0xFFFFFFEA, s0;
	v25 =	vld.idx.msk [tilespmem:v25+s10+$0x0], $0xffff  }
0x130: {  	v26 =	vmov s5;
	_ =	sdelay $0x3  }
0x131: {  	[tilespmem:s30+$0xFFFFFF60] =	vst v25  }
0x132: {  	v25 =	vld.idx.msk [tilespmem:v26+s3+$0x0], $0xffff;
	_ =	sdelay $0x4  }
0x133: {  	v25 =	vand.u32 $0x7F, v25  }
0x134: {  	v25 =	vor.u32 v16, v25;
	_ =	sdelay $0x4  }
0x135: {  	v25 =	vld.idx.msk [tilespmem:v25+s10+$0x0], $0xffff  }
0x136: {  	v26 =	vor.u32 s5, v1;
	_ =	sdelay $0x3  }
0x137: {  	[tilespmem:s30+$0xFFFFFF70] =	vst v25  }
0x138: {  	v25 =	vld.idx.msk [tilespmem:v26+s3+$0x0], $0xffff;
	_ =	sdelay $0x4  }
0x139: {  	v25 =	vand.u32 $0x7F, v25  }
0x13a: {  	v25 =	vor.u32 v17, v25;
	_ =	sdelay $0x1  }
0x13b: {  	s5 =	sadd.s32 $0xFFFFFFEB, s0  }
0x13c: {  	v26 =	vmov s5  }
0x13d: {  	v26 =	vand.u32 $0xFFFFFFEB, v26  }
0x13e: {  	v26 =	vbroadcast v26, $0x0;
	v25 =	vld.idx.msk [tilespmem:v25+s10+$0x0], $0xffff;
	_ =	sdelay $0x4  }
0x13f: {  	[tilespmem:s30+$0xFFFFFF80] =	vst v25  }
0x140: {  	v25 =	vld.idx.msk [tilespmem:v26+s3+$0x0], $0xffff;
	_ =	sdelay $0x4  }
0x141: {  	v25 =	vand.u32 $0x7F, v25  }
0x142: {  	v25 =	vor.u32 v18, v25;
	_ =	sdelay $0x4  }
0x143: {  	s5 =	sadd.s32 $0xFFFFFFEC, s0;
	v25 =	vld.idx.msk [tilespmem:v25+s10+$0x0], $0xffff  }
0x144: {  	v26 =	vmov s5;
	_ =	sdelay $0x3  }
0x145: {  	[tilespmem:s30+$0xFFFFFF90] =	vst v25  }
0x146: {  	v25 =	vld.idx.msk [tilespmem:v26+s3+$0x0], $0xffff;
	_ =	sdelay $0x4  }
0x147: {  	v25 =	vand.u32 $0x7F, v25  }
0x148: {  	v25 =	vor.u32 v19, v25;
	_ =	sdelay $0x4  }
0x149: {  	v25 =	vld.idx.msk [tilespmem:v25+s10+$0x0], $0xffff  }
0x14a: {  	v26 =	vor.u32 s5, v1;
	_ =	sdelay $0x3  }
0x14b: {  	[tilespmem:s30+$0xFFFFFFA0] =	vst v25  }
0x14c: {  	v25 =	vld.idx.msk [tilespmem:v26+s3+$0x0], $0xffff;
	_ =	sdelay $0x4  }
0x14d: {  	v25 =	vand.u32 $0x7F, v25  }
0x14e: {  	v25 =	vor.u32 v20, v25;
	_ =	sdelay $0x1  }
0x14f: {  	s5 =	sadd.s32 $0xFFFFFFED, s0  }
0x150: {  	v26 =	vmov s5  }
0x151: {  	v26 =	vand.u32 $0xFFFFFFED, v26  }
0x152: {  	v26 =	vbroadcast v26, $0x0;
	v25 =	vld.idx.msk [tilespmem:v25+s10+$0x0], $0xffff;
	_ =	sdelay $0x4  }
0x153: {  	[tilespmem:s30+$0xFFFFFFB0] =	vst v25  }
0x154: {  	v25 =	vld.idx.msk [tilespmem:v26+s3+$0x0], $0xffff;
	_ =	sdelay $0x4  }
0x155: {  	v25 =	vand.u32 $0x7F, v25  }
0x156: {  	v25 =	vor.u32 v21, v25;
	_ =	sdelay $0x4  }
0x157: {  	s5 =	sadd.s32 $0xFFFFFFEE, s0;
	v25 =	vld.idx.msk [tilespmem:v25+s10+$0x0], $0xffff  }
0x158: {  	v26 =	vmov s5;
	_ =	sdelay $0x3  }
0x159: {  	[tilespmem:s30+$0xFFFFFFC0] =	vst v25  }
0x15a: {  	v25 =	vld.idx.msk [tilespmem:v26+s3+$0x0], $0xffff;
	_ =	sdelay $0x4  }
0x15b: {  	v25 =	vand.u32 $0x7F, v25  }
0x15c: {  	v25 =	vor.u32 v22, v25;
	_ =	sdelay $0x4  }
0x15d: {  	v25 =	vld.idx.msk [tilespmem:v25+s10+$0x0], $0xffff  }
0x15e: {  	v26 =	vor.u32 s5, v1;
	_ =	sdelay $0x3  }
0x15f: {  	[tilespmem:s30+$0xFFFFFFD0] =	vst v25  }
0x160: {  	v25 =	vld.idx.msk [tilespmem:v26+s3+$0x0], $0xffff;
	_ =	sdelay $0x4  }
0x161: {  	v25 =	vand.u32 $0x7F, v25  }
0x162: {  	v25 =	vor.u32 v23, v25;
	_ =	sdelay $0x1  }
0x163: {  	s5 =	sadd.s32 $0xFFFFFFEF, s0  }
0x164: {  	v26 =	vmov s5  }
0x165: {  	v26 =	vand.u32 $0xFFFFFFEF, v26  }
0x166: {  	v26 =	vbroadcast v26, $0x0;
	v25 =	vld.idx.msk [tilespmem:v25+s10+$0x0], $0xffff;
	_ =	sdelay $0x4  }
0x167: {  	[tilespmem:s30+$0xFFFFFFE0] =	vst v25  }
0x168: {  	v25 =	vld.idx.msk [tilespmem:v26+s3+$0x0], $0xffff;
	_ =	sdelay $0x4  }
0x169: {  	v25 =	vand.u32 $0x7F, v25  }
0x16a: {  	v25 =	vor.u32 v24, v25;
	_ =	sdelay $0x4  }
0x16b: {  	v25 =	vld.idx.msk [tilespmem:v25+s10+$0x0], $0xffff;
	_ =	sdelay $0x4  }
0x16c: {  	s5 =	sand.u32 $0x1E0, s0;
	[tilespmem:s30+$0xFFFFFFF0] =	vst v25  }
0x16d: {  	v25 =	vld [tilespmem:s5+$0x0];
	_ =	sdelay $0x4  }
0x16e: {  	(v2sf) =	vpush v25, $0x0;
	_ =	sdelay $0x1  }
0x16f: {  	(v2sf) =	vpush v25, $0x1;
	_ =	sdelay $0x2  }
0x170: {  	(v2sf) =	vpush v25, $0x2;
	_ =	sdelay $0x2  }
0x171: {  	(v2sf) =	vpush v25, $0x3;
	_ =	sdelay $0x6  }
0x172: {  	s5 =	spop (v2sf);
	(v2sf) =	vpush v25, $0x4;
	_ =	sdelay $0x1  }
0x173: {  	s4 =	sand.u32 $0xFFFFF80, s5;
	s5 =	spop (v2sf);
	(v2sf) =	vpush v25, $0x5  }
0x174: {  	s4 =	sadd.s32 s2, s4  }
0x175: {  	[tilespmem:s10], [sflag:$0x1] =	stream.strided.gather [hbm4b:s4+s8], $0xC00, s9, s8, $0x38;
	[tilespmem:$0x1B200] =	vst v63  }
0x176: {  	s4 =	sand.u32 $0xFFFFF80, s5;
	s5 =	spop (v2sf);
	(v2sf) =	vpush v25, $0x6  }
0x177: {  	s4 =	sadd.s32 s2, s4  }
0x178: {  	[tilespmem:s11], [sflag:$0x1] =	stream.strided.gather [hbm4b:s4+s8], $0xC00, s9, s8, $0x38;
	[tilespmem:$0x1B200] =	vst v63  }
0x179: {  	s4 =	sand.u32 $0xFFFFF80, s5;
	s5 =	spop (v2sf);
	(v2sf) =	vpush v25, $0x7;
	_ =	sdelay $0x3  }
0x17a: {  	s4 =	sadd.s32 s2, s4  }
0x17b: {  	[tilespmem:s12], [sflag:$0x1] =	stream.strided.gather [hbm4b:s4+s8], $0xC00, s9, s8, $0x38;
	[tilespmem:$0x1B200] =	vst v63  }
0x17c: {  	s4 =	sand.u32 $0xFFFFF80, s5  }
0x17d: {  	s4 =	sadd.s32 s2, s4;
	s5 =	spop (v2sf);
	(v2sf) =	vpush v25, $0x8  }
0x17e: {  	[tilespmem:s13], [sflag:$0x1] =	stream.strided.gather [hbm4b:s4+s8], $0xC00, s9, s8, $0x38;
	[tilespmem:$0x1B200] =	vst v63  }
0x17f: {  	s4 =	sand.u32 $0xFFFFF80, s5;
	s5 =	spop (v2sf);
	(v2sf) =	vpush v25, $0x9  }
0x180: {  	s4 =	sadd.s32 s2, s4  }
0x181: {  	[tilespmem:s14], [sflag:$0x1] =	stream.strided.gather [hbm4b:s4+s8], $0xC00, s9, s8, $0x38;
	[tilespmem:$0x1B200] =	vst v63  }
0x182: {  	s4 =	sand.u32 $0xFFFFF80, s5;
	s5 =	spop (v2sf);
	(v2sf) =	vpush v25, $0xA  }
0x183: {  	s4 =	sadd.s32 s2, s4  }
0x184: {  	[tilespmem:s15], [sflag:$0x1] =	stream.strided.gather [hbm4b:s4+s8], $0xC00, s9, s8, $0x38;
	[tilespmem:$0x1B200] =	vst v63  }
0x185: {  	s4 =	sand.u32 $0xFFFFF80, s5;
	s5 =	spop (v2sf);
	(v2sf) =	vpush v25, $0xB;
	_ =	sdelay $0x3  }
0x186: {  	s4 =	sadd.s32 s2, s4  }
0x187: {  	[tilespmem:s16], [sflag:$0x1] =	stream.strided.gather [hbm4b:s4+s8], $0xC00, s9, s8, $0x38;
	[tilespmem:$0x1B200] =	vst v63  }
0x188: {  	s4 =	sand.u32 $0xFFFFF80, s5  }
0x189: {  	s4 =	sadd.s32 s2, s4;
	s5 =	spop (v2sf);
	(v2sf) =	vpush v25, $0xC  }
0x18a: {  	[tilespmem:s17], [sflag:$0x1] =	stream.strided.gather [hbm4b:s4+s8], $0xC00, s9, s8, $0x38;
	[tilespmem:$0x1B200] =	vst v63  }
0x18b: {  	s4 =	sand.u32 $0xFFFFF80, s5;
	s5 =	spop (v2sf);
	(v2sf) =	vpush v25, $0xD  }
0x18c: {  	s4 =	sadd.s32 s2, s4  }
0x18d: {  	[tilespmem:s18], [sflag:$0x1] =	stream.strided.gather [hbm4b:s4+s8], $0xC00, s9, s8, $0x38;
	[tilespmem:$0x1B200] =	vst v63  }
0x18e: {  	s4 =	sand.u32 $0xFFFFF80, s5;
	s5 =	spop (v2sf);
	(v2sf) =	vpush v25, $0xE  }
0x18f: {  	s4 =	sadd.s32 s2, s4  }
0x190: {  	[tilespmem:s19], [sflag:$0x1] =	stream.strided.gather [hbm4b:s4+s8], $0xC00, s9, s8, $0x38;
	[tilespmem:$0x1B200] =	vst v63  }
0x191: {  	s4 =	sand.u32 $0xFFFFF80, s5;
	s5 =	spop (v2sf);
	(v2sf) =	vpush v25, $0xF;
	_ =	sdelay $0x1  }
0x192: {  	s4 =	sadd.s32 s2, s4  }
0x193: {  	[tilespmem:s20], [sflag:$0x1] =	stream.strided.gather [hbm4b:s4+s8], $0xC00, s9, s8, $0x38;
	[tilespmem:$0x1B200] =	vst v63  }
0x194: {  	s4 =	sand.u32 $0xFFFFF80, s5  }
0x195: {  	s4 =	sadd.s32 s2, s4  }
0x196: {  	[tilespmem:s21], [sflag:$0x1] =	stream.strided.gather [hbm4b:s4+s8], $0xC00, s9, s8, $0x38;
	[tilespmem:$0x1B200] =	vst v63  }
0x197: {  	s5 =	spop (v2sf)  }
0x198: {  	s4 =	sand.u32 $0xFFFFF80, s5  }
0x199: {  	s5 =	spop (v2sf);
	s4 =	sadd.s32 s2, s4  }
0x19a: {  	[tilespmem:s22], [sflag:$0x1] =	stream.strided.gather [hbm4b:s4+s8], $0xC00, s9, s8, $0x38;
	[tilespmem:$0x1B200] =	vst v63  }
0x19b: {  	s4 =	sand.u32 $0xFFFFF80, s5  }
0x19c: {  	s5 =	spop (v2sf);
	s4 =	sadd.s32 s2, s4  }
0x19d: {  	[tilespmem:s23], [sflag:$0x1] =	stream.strided.gather [hbm4b:s4+s8], $0xC00, s9, s8, $0x38;
	[tilespmem:$0x1B200] =	vst v63  }
0x19e: {  	s4 =	sand.u32 $0xFFFFF80, s5  }
0x19f: {  	s5 =	spop (v2sf);
	s4 =	sadd.s32 s2, s4  }
0x1a0: {  	[tilespmem:s24], [sflag:$0x1] =	stream.strided.gather [hbm4b:s4+s8], $0xC00, s9, s8, $0x38;
	[tilespmem:$0x1B200] =	vst v63  }
0x1a1: {  	s4 =	sand.u32 $0xFFFFF80, s5  }
0x1a2: {  	s4 =	sadd.s32 s2, s4  }
0x1a3: {  	[tilespmem:s25], [sflag:$0x1] =	stream.strided.gather [hbm4b:s4+s8], $0xC00, s9, s8, $0x38;
	[tilespmem:$0x1B200] =	vst v63  }
0x1a4: {  	_ =	swait.ge [sflag:s29], $0xC00  }
0x1a5: {  	[sflag:s29] =	ssyncset.done $0x0  }
0x1a6: {  	[sflag:s29] =	ssyncadd.s32 $0xFFFFF400  }
0x1a7: {  	_ =	swait.ge [sflag:s29], $0xC00  }
0x1a8: {  	[sflag:s29] =	ssyncset.done $0x0  }
0x1a9: {  	[sflag:s29] =	ssyncadd.s32 $0xFFFFF400  }
0x1aa: {  	_ =	swait.ge [sflag:s29], $0xC00  }
0x1ab: {  	[sflag:s29] =	ssyncset.done $0x0  }
0x1ac: {  	[sflag:s29] =	ssyncadd.s32 $0xFFFFF400  }
0x1ad: {  	_ =	swait.ge [sflag:s29], $0xC00  }
0x1ae: {  	[sflag:s29] =	ssyncset.done $0x0  }
0x1af: {  	[sflag:s29] =	ssyncadd.s32 $0xFFFFF400  }
0x1b0: {  	_ =	swait.ge [sflag:s29], $0xC00  }
0x1b1: {  	[sflag:s29] =	ssyncset.done $0x0  }
0x1b2: {  	[sflag:s29] =	ssyncadd.s32 $0xFFFFF400  }
0x1b3: {  	_ =	swait.ge [sflag:s29], $0xC00  }
0x1b4: {  	[sflag:s29] =	ssyncset.done $0x0  }
0x1b5: {  	[sflag:s29] =	ssyncadd.s32 $0xFFFFF400  }
0x1b6: {  	_ =	swait.ge [sflag:s29], $0xC00  }
0x1b7: {  	[sflag:s29] =	ssyncset.done $0x0  }
0x1b8: {  	[sflag:s29] =	ssyncadd.s32 $0xFFFFF400  }
0x1b9: {  	_ =	swait.ge [sflag:s29], $0xC00  }
0x1ba: {  	[sflag:s29] =	ssyncset.done $0x0  }
0x1bb: {  	[sflag:s29] =	ssyncadd.s32 $0xFFFFF400  }
0x1bc: {  	_ =	swait.ge [sflag:s29], $0xC00  }
0x1bd: {  	[sflag:s29] =	ssyncset.done $0x0  }
0x1be: {  	[sflag:s29] =	ssyncadd.s32 $0xFFFFF400  }
0x1bf: {  	_ =	swait.ge [sflag:s29], $0xC00  }
0x1c0: {  	[sflag:s29] =	ssyncset.done $0x0  }
0x1c1: {  	[sflag:s29] =	ssyncadd.s32 $0xFFFFF400  }
0x1c2: {  	_ =	swait.ge [sflag:s29], $0xC00  }
0x1c3: {  	[sflag:s29] =	ssyncset.done $0x0  }
0x1c4: {  	[sflag:s29] =	ssyncadd.s32 $0xFFFFF400  }
0x1c5: {  	_ =	swait.ge [sflag:s29], $0xC00  }
0x1c6: {  	[sflag:s29] =	ssyncset.done $0x0  }
0x1c7: {  	[sflag:s29] =	ssyncadd.s32 $0xFFFFF400  }
0x1c8: {  	_ =	swait.ge [sflag:s29], $0xC00  }
0x1c9: {  	[sflag:s29] =	ssyncset.done $0x0  }
0x1ca: {  	[sflag:s29] =	ssyncadd.s32 $0xFFFFF400  }
0x1cb: {  	_ =	swait.ge [sflag:s29], $0xC00  }
0x1cc: {  	[sflag:s29] =	ssyncset.done $0x0  }
0x1cd: {  	[sflag:s29] =	ssyncadd.s32 $0xFFFFF400  }
0x1ce: {  	s5 =	sadd.s32 $0xFFFFFFF0, s0;
	_ =	swait.ge [sflag:s29], $0xC00  }
0x1cf: {  	v25 =	vmov s5;
	[sflag:s29] =	ssyncset.done $0x0  }
0x1d0: {  	[sflag:s29] =	ssyncadd.s32 $0xFFFFF400  }
0x1d1: {  	_ =	swait.ge [sflag:s29], $0xC00  }
0x1d2: {  	[sflag:s29] =	ssyncset.done $0x0  }
0x1d3: {  	[sflag:s29] =	ssyncadd.s32 $0xFFFFF400  }
0x1d4: {  	v25 =	vld.idx.msk [tilespmem:v25+s3+$0x0], $0xffff;
	_ =	sdelay $0x4  }
0x1d5: {  	v25 =	vand.u32 $0x7F, v25  }
0x1d6: {  	v25 =	vor.u32 v0, v25;
	_ =	sdelay $0x4  }
0x1d7: {  	v25 =	vld.idx.msk [tilespmem:v25+s26+$0x0], $0xffff  }
0x1d8: {  	v26 =	vor.u32 s5, v1;
	_ =	sdelay $0x3  }
0x1d9: {  	[tilespmem:s30+$0x0] =	vst v25  }
0x1da: {  	v25 =	vld.idx.msk [tilespmem:v26+s3+$0x0], $0xffff;
	_ =	sdelay $0x4  }
0x1db: {  	v25 =	vand.u32 $0x7F, v25  }
0x1dc: {  	v25 =	vor.u32 v2, v25;
	_ =	sdelay $0x1  }
0x1dd: {  	s5 =	sadd.s32 $0xFFFFFFF1, s0  }
0x1de: {  	v26 =	vmov s5  }
0x1df: {  	v26 =	vand.u32 $0xFFFFFFF1, v26  }
0x1e0: {  	v26 =	vbroadcast v26, $0x0;
	v25 =	vld.idx.msk [tilespmem:v25+s26+$0x0], $0xffff;
	_ =	sdelay $0x4  }
0x1e1: {  	[tilespmem:s30+$0x10] =	vst v25  }
0x1e2: {  	v25 =	vld.idx.msk [tilespmem:v26+s3+$0x0], $0xffff;
	_ =	sdelay $0x4  }
0x1e3: {  	v25 =	vand.u32 $0x7F, v25  }
0x1e4: {  	v25 =	vor.u32 v3, v25;
	_ =	sdelay $0x4  }
0x1e5: {  	s5 =	sadd.s32 $0xFFFFFFF2, s0;
	v25 =	vld.idx.msk [tilespmem:v25+s26+$0x0], $0xffff  }
0x1e6: {  	v26 =	vmov s5;
	_ =	sdelay $0x3  }
0x1e7: {  	[tilespmem:s30+$0x20] =	vst v25  }
0x1e8: {  	v25 =	vld.idx.msk [tilespmem:v26+s3+$0x0], $0xffff;
	_ =	sdelay $0x4  }
0x1e9: {  	v25 =	vand.u32 $0x7F, v25  }
0x1ea: {  	v25 =	vor.u32 v4, v25;
	_ =	sdelay $0x4  }
0x1eb: {  	v25 =	vld.idx.msk [tilespmem:v25+s26+$0x0], $0xffff  }
0x1ec: {  	v26 =	vor.u32 s5, v1;
	_ =	sdelay $0x3  }
0x1ed: {  	[tilespmem:s30+$0x30] =	vst v25  }
0x1ee: {  	v25 =	vld.idx.msk [tilespmem:v26+s3+$0x0], $0xffff;
	_ =	sdelay $0x4  }
0x1ef: {  	v25 =	vand.u32 $0x7F, v25  }
0x1f0: {  	v25 =	vor.u32 v5, v25;
	_ =	sdelay $0x1  }
0x1f1: {  	s5 =	sadd.s32 $0xFFFFFFF3, s0  }
0x1f2: {  	v26 =	vmov s5  }
0x1f3: {  	v26 =	vand.u32 $0xFFFFFFF3, v26  }
0x1f4: {  	v26 =	vbroadcast v26, $0x0;
	v25 =	vld.idx.msk [tilespmem:v25+s26+$0x0], $0xffff;
	_ =	sdelay $0x4  }
0x1f5: {  	[tilespmem:s30+$0x40] =	vst v25  }
0x1f6: {  	v25 =	vld.idx.msk [tilespmem:v26+s3+$0x0], $0xffff;
	_ =	sdelay $0x4  }
0x1f7: {  	v25 =	vand.u32 $0x7F, v25  }
0x1f8: {  	v25 =	vor.u32 v6, v25;
	_ =	sdelay $0x4  }
0x1f9: {  	s5 =	sadd.s32 $0xFFFFFFF4, s0;
	v25 =	vld.idx.msk [tilespmem:v25+s26+$0x0], $0xffff  }
0x1fa: {  	v26 =	vmov s5;
	_ =	sdelay $0x3  }
0x1fb: {  	[tilespmem:s30+$0x50] =	vst v25  }
0x1fc: {  	v25 =	vld.idx.msk [tilespmem:v26+s3+$0x0], $0xffff;
	_ =	sdelay $0x4  }
0x1fd: {  	v25 =	vand.u32 $0x7F, v25  }
0x1fe: {  	v25 =	vor.u32 v7, v25;
	_ =	sdelay $0x4  }
0x1ff: {  	v25 =	vld.idx.msk [tilespmem:v25+s26+$0x0], $0xffff  }
0x200: {  	v26 =	vor.u32 s5, v1;
	_ =	sdelay $0x3  }
0x201: {  	[tilespmem:s30+$0x60] =	vst v25  }
0x202: {  	v25 =	vld.idx.msk [tilespmem:v26+s3+$0x0], $0xffff;
	_ =	sdelay $0x4  }
0x203: {  	v25 =	vand.u32 $0x7F, v25  }
0x204: {  	v25 =	vor.u32 v8, v25;
	_ =	sdelay $0x1  }
0x205: {  	s5 =	sadd.s32 $0xFFFFFFF5, s0  }
0x206: {  	v26 =	vmov s5  }
0x207: {  	v26 =	vand.u32 $0xFFFFFFF5, v26  }
0x208: {  	v26 =	vbroadcast v26, $0x0;
	v25 =	vld.idx.msk [tilespmem:v25+s26+$0x0], $0xffff;
	_ =	sdelay $0x4  }
0x209: {  	[tilespmem:s30+$0x70] =	vst v25  }
0x20a: {  	v25 =	vld.idx.msk [tilespmem:v26+s3+$0x0], $0xffff;
	_ =	sdelay $0x4  }
0x20b: {  	v25 =	vand.u32 $0x7F, v25  }
0x20c: {  	v25 =	vor.u32 v9, v25;
	_ =	sdelay $0x4  }
0x20d: {  	s5 =	sadd.s32 $0xFFFFFFF6, s0;
	v25 =	vld.idx.msk [tilespmem:v25+s26+$0x0], $0xffff  }
0x20e: {  	v26 =	vmov s5;
	_ =	sdelay $0x3  }
0x20f: {  	[tilespmem:s30+$0x80] =	vst v25  }
0x210: {  	v25 =	vld.idx.msk [tilespmem:v26+s3+$0x0], $0xffff;
	_ =	sdelay $0x4  }
0x211: {  	v25 =	vand.u32 $0x7F, v25  }
0x212: {  	v25 =	vor.u32 v10, v25;
	_ =	sdelay $0x4  }
0x213: {  	v25 =	vld.idx.msk [tilespmem:v25+s26+$0x0], $0xffff  }
0x214: {  	v26 =	vor.u32 s5, v1;
	_ =	sdelay $0x3  }
0x215: {  	[tilespmem:s30+$0x90] =	vst v25  }
0x216: {  	v25 =	vld.idx.msk [tilespmem:v26+s3+$0x0], $0xffff;
	_ =	sdelay $0x4  }
0x217: {  	v25 =	vand.u32 $0x7F, v25  }
0x218: {  	v25 =	vor.u32 v11, v25;
	_ =	sdelay $0x1  }
0x219: {  	s5 =	sadd.s32 $0xFFFFFFF7, s0  }
0x21a: {  	v26 =	vmov s5  }
0x21b: {  	v26 =	vand.u32 $0xFFFFFFF7, v26  }
0x21c: {  	v26 =	vbroadcast v26, $0x0;
	v25 =	vld.idx.msk [tilespmem:v25+s26+$0x0], $0xffff;
	_ =	sdelay $0x4  }
0x21d: {  	[tilespmem:s30+$0xA0] =	vst v25  }
0x21e: {  	v25 =	vld.idx.msk [tilespmem:v26+s3+$0x0], $0xffff;
	_ =	sdelay $0x4  }
0x21f: {  	v25 =	vand.u32 $0x7F, v25  }
0x220: {  	v25 =	vor.u32 v12, v25;
	_ =	sdelay $0x4  }
0x221: {  	s5 =	sadd.s32 $0xFFFFFFF8, s0;
	v25 =	vld.idx.msk [tilespmem:v25+s26+$0x0], $0xffff  }
0x222: {  	v26 =	vmov s5;
	_ =	sdelay $0x3  }
0x223: {  	[tilespmem:s30+$0xB0] =	vst v25  }
0x224: {  	v25 =	vld.idx.msk [tilespmem:v26+s3+$0x0], $0xffff;
	_ =	sdelay $0x4  }
0x225: {  	v25 =	vand.u32 $0x7F, v25  }
0x226: {  	v25 =	vor.u32 v13, v25;
	_ =	sdelay $0x4  }
0x227: {  	v25 =	vld.idx.msk [tilespmem:v25+s26+$0x0], $0xffff  }
0x228: {  	v26 =	vor.u32 s5, v1;
	_ =	sdelay $0x3  }
0x229: {  	[tilespmem:s30+$0xC0] =	vst v25  }
0x22a: {  	v25 =	vld.idx.msk [tilespmem:v26+s3+$0x0], $0xffff;
	_ =	sdelay $0x4  }
0x22b: {  	v25 =	vand.u32 $0x7F, v25  }
0x22c: {  	v25 =	vor.u32 v14, v25;
	_ =	sdelay $0x1  }
0x22d: {  	s5 =	sadd.s32 $0xFFFFFFF9, s0  }
0x22e: {  	v26 =	vmov s5  }
0x22f: {  	v26 =	vand.u32 $0xFFFFFFF9, v26  }
0x230: {  	v26 =	vbroadcast v26, $0x0;
	v25 =	vld.idx.msk [tilespmem:v25+s26+$0x0], $0xffff;
	_ =	sdelay $0x4  }
0x231: {  	[tilespmem:s30+$0xD0] =	vst v25  }
0x232: {  	v25 =	vld.idx.msk [tilespmem:v26+s3+$0x0], $0xffff;
	_ =	sdelay $0x4  }
0x233: {  	v25 =	vand.u32 $0x7F, v25  }
0x234: {  	v25 =	vor.u32 v15, v25;
	_ =	sdelay $0x4  }
0x235: {  	s5 =	sadd.s32 $0xFFFFFFFA, s0;
	v25 =	vld.idx.msk [tilespmem:v25+s26+$0x0], $0xffff  }
0x236: {  	v26 =	vmov s5;
	_ =	sdelay $0x3  }
0x237: {  	[tilespmem:s30+$0xE0] =	vst v25  }
0x238: {  	v25 =	vld.idx.msk [tilespmem:v26+s3+$0x0], $0xffff;
	_ =	sdelay $0x4  }
0x239: {  	v25 =	vand.u32 $0x7F, v25  }
0x23a: {  	v25 =	vor.u32 v16, v25;
	_ =	sdelay $0x4  }
0x23b: {  	v25 =	vld.idx.msk [tilespmem:v25+s26+$0x0], $0xffff  }
0x23c: {  	v26 =	vor.u32 s5, v1;
	_ =	sdelay $0x3  }
0x23d: {  	[tilespmem:s30+$0xF0] =	vst v25  }
0x23e: {  	v25 =	vld.idx.msk [tilespmem:v26+s3+$0x0], $0xffff;
	_ =	sdelay $0x4  }
0x23f: {  	v25 =	vand.u32 $0x7F, v25  }
0x240: {  	v25 =	vor.u32 v17, v25;
	_ =	sdelay $0x1  }
0x241: {  	s5 =	sadd.s32 $0xFFFFFFFB, s0  }
0x242: {  	v26 =	vmov s5  }
0x243: {  	v26 =	vand.u32 $0xFFFFFFFB, v26  }
0x244: {  	v26 =	vbroadcast v26, $0x0;
	v25 =	vld.idx.msk [tilespmem:v25+s26+$0x0], $0xffff;
	_ =	sdelay $0x4  }
0x245: {  	[tilespmem:s30+$0x100] =	vst v25  }
0x246: {  	v25 =	vld.idx.msk [tilespmem:v26+s3+$0x0], $0xffff;
	_ =	sdelay $0x4  }
0x247: {  	v25 =	vand.u32 $0x7F, v25  }
0x248: {  	v25 =	vor.u32 v18, v25;
	_ =	sdelay $0x4  }
0x249: {  	s5 =	sadd.s32 $0xFFFFFFFC, s0;
	v25 =	vld.idx.msk [tilespmem:v25+s26+$0x0], $0xffff  }
0x24a: {  	v26 =	vmov s5;
	_ =	sdelay $0x3  }
0x24b: {  	[tilespmem:s30+$0x110] =	vst v25  }
0x24c: {  	v25 =	vld.idx.msk [tilespmem:v26+s3+$0x0], $0xffff;
	_ =	sdelay $0x4  }
0x24d: {  	v25 =	vand.u32 $0x7F, v25  }
0x24e: {  	v25 =	vor.u32 v19, v25;
	_ =	sdelay $0x4  }
0x24f: {  	v25 =	vld.idx.msk [tilespmem:v25+s26+$0x0], $0xffff  }
0x250: {  	v26 =	vor.u32 s5, v1;
	_ =	sdelay $0x3  }
0x251: {  	[tilespmem:s30+$0x120] =	vst v25  }
0x252: {  	v25 =	vld.idx.msk [tilespmem:v26+s3+$0x0], $0xffff;
	_ =	sdelay $0x4  }
0x253: {  	v25 =	vand.u32 $0x7F, v25  }
0x254: {  	v25 =	vor.u32 v20, v25;
	_ =	sdelay $0x1  }
0x255: {  	s5 =	sadd.s32 $0xFFFFFFFD, s0  }
0x256: {  	v26 =	vmov s5  }
0x257: {  	v26 =	vand.u32 $0xFFFFFFFD, v26  }
0x258: {  	v26 =	vbroadcast v26, $0x0;
	v25 =	vld.idx.msk [tilespmem:v25+s26+$0x0], $0xffff;
	_ =	sdelay $0x4  }
0x259: {  	[tilespmem:s30+$0x130] =	vst v25  }
0x25a: {  	v25 =	vld.idx.msk [tilespmem:v26+s3+$0x0], $0xffff;
	_ =	sdelay $0x4  }
0x25b: {  	v25 =	vand.u32 $0x7F, v25  }
0x25c: {  	v25 =	vor.u32 v21, v25;
	_ =	sdelay $0x4  }
0x25d: {  	s5 =	sadd.s32 $0xFFFFFFFE, s0;
	v25 =	vld.idx.msk [tilespmem:v25+s26+$0x0], $0xffff  }
0x25e: {  	v26 =	vmov s5;
	_ =	sdelay $0x3  }
0x25f: {  	[tilespmem:s30+$0x140] =	vst v25  }
0x260: {  	v25 =	vld.idx.msk [tilespmem:v26+s3+$0x0], $0xffff;
	_ =	sdelay $0x4  }
0x261: {  	v25 =	vand.u32 $0x7F, v25  }
0x262: {  	v25 =	vor.u32 v22, v25;
	_ =	sdelay $0x4  }
0x263: {  	v25 =	vld.idx.msk [tilespmem:v25+s26+$0x0], $0xffff  }
0x264: {  	v26 =	vor.u32 s5, v1;
	_ =	sdelay $0x3  }
0x265: {  	[tilespmem:s30+$0x150] =	vst v25  }
0x266: {  	v25 =	vld.idx.msk [tilespmem:v26+s3+$0x0], $0xffff;
	_ =	sdelay $0x4  }
0x267: {  	v25 =	vand.u32 $0x7F, v25  }
0x268: {  	v25 =	vor.u32 v23, v25;
	_ =	sdelay $0x4  }
0x269: {  	s5 =	sadd.s32 $0xFFFFFFFF, s0;
	v25 =	vld.idx.msk [tilespmem:v25+s26+$0x0], $0xffff  }
0x26a: {  	v26 =	vmov s5;
	_ =	sdelay $0x3  }
0x26b: {  	[tilespmem:s30+$0x160] =	vst v25  }
0x26c: {  	v25 =	vld.idx.msk [tilespmem:v26+s3+$0x0], $0xffff;
	_ =	sdelay $0x4  }
0x26d: {  	v25 =	vand.u32 $0x7F, v25  }
0x26e: {  	v25 =	vor.u32 v24, v25;
	_ =	sdelay $0x4  }
0x26f: {  	p0 =	sne.s32 s0, $0x200;
	v25 =	vld.idx.msk [tilespmem:v25+s26+$0x0], $0xffff  }
.Ltmp0:
0x270: {  	_ = 	snop;
	(pc) =	sbr.rel @p0 .LBB2_2-.Ltmp0, $2  }
0x271: {  	_ =	sdelay $0x2  }
0x272: {  	s1 =	sadd.s32 $0x20, s1;
	s0 =	sadd.s32 $0x20, s0;
	[tilespmem:s30+$0x170] =	vst v25;
	s30 =	sadd.s32 $0x300, s30  }
0x273: {  	_ =	swait.ge [sflag:s28], $0xC00  }
0x274: {  	[sflag:s28] =	ssyncset.done $0x0  }
0x275: {  	[sflag:s28] =	ssyncadd.s32 $0xFFFFF400  }
0x276: {  	_ =	swait.ge [sflag:s28], $0xC00  }
0x277: {  	[sflag:s28] =	ssyncset.done $0x0  }
0x278: {  	[sflag:s28] =	ssyncadd.s32 $0xFFFFF400  }
0x279: {  	_ =	swait.ge [sflag:s28], $0xC00  }
0x27a: {  	[sflag:s28] =	ssyncset.done $0x0  }
0x27b: {  	[sflag:s28] =	ssyncadd.s32 $0xFFFFF400  }
0x27c: {  	_ =	swait.ge [sflag:s28], $0xC00  }
0x27d: {  	[sflag:s28] =	ssyncset.done $0x0  }
0x27e: {  	[sflag:s28] =	ssyncadd.s32 $0xFFFFF400  }
0x27f: {  	_ =	swait.ge [sflag:s28], $0xC00  }
0x280: {  	[sflag:s28] =	ssyncset.done $0x0  }
0x281: {  	[sflag:s28] =	ssyncadd.s32 $0xFFFFF400  }
0x282: {  	_ =	swait.ge [sflag:s28], $0xC00  }
0x283: {  	[sflag:s28] =	ssyncset.done $0x0  }
0x284: {  	[sflag:s28] =	ssyncadd.s32 $0xFFFFF400  }
0x285: {  	_ =	swait.ge [sflag:s28], $0xC00  }
0x286: {  	[sflag:s28] =	ssyncset.done $0x0  }
0x287: {  	[sflag:s28] =	ssyncadd.s32 $0xFFFFF400  }
0x288: {  	_ =	swait.ge [sflag:s28], $0xC00  }
0x289: {  	[sflag:s28] =	ssyncset.done $0x0  }
0x28a: {  	[sflag:s28] =	ssyncadd.s32 $0xFFFFF400  }
0x28b: {  	_ =	swait.ge [sflag:s28], $0xC00  }
0x28c: {  	[sflag:s28] =	ssyncset.done $0x0  }
0x28d: {  	[sflag:s28] =	ssyncadd.s32 $0xFFFFF400  }
0x28e: {  	_ =	swait.ge [sflag:s28], $0xC00  }
0x28f: {  	[sflag:s28] =	ssyncset.done $0x0  }
0x290: {  	[sflag:s28] =	ssyncadd.s32 $0xFFFFF400  }
0x291: {  	_ =	swait.ge [sflag:s28], $0xC00  }
0x292: {  	[sflag:s28] =	ssyncset.done $0x0  }
0x293: {  	[sflag:s28] =	ssyncadd.s32 $0xFFFFF400  }
0x294: {  	_ =	swait.ge [sflag:s28], $0xC00  }
0x295: {  	[sflag:s28] =	ssyncset.done $0x0  }
0x296: {  	[sflag:s28] =	ssyncadd.s32 $0xFFFFF400  }
0x297: {  	_ =	swait.ge [sflag:s28], $0xC00  }
0x298: {  	[sflag:s28] =	ssyncset.done $0x0  }
0x299: {  	[sflag:s28] =	ssyncadd.s32 $0xFFFFF400  }
0x29a: {  	_ =	swait.ge [sflag:s28], $0xC00  }
0x29b: {  	[sflag:s28] =	ssyncset.done $0x0  }
0x29c: {  	[sflag:s28] =	ssyncadd.s32 $0xFFFFF400  }
0x29d: {  	_ =	swait.ge [sflag:s28], $0xC00  }
0x29e: {  	[sflag:s28] =	ssyncset.done $0x0  }
0x29f: {  	[sflag:s28] =	ssyncadd.s32 $0xFFFFF400  }
0x2a0: {  	s31 =	sadd.s32 $0x1, s31;
	_ =	swait.ge [sflag:s28], $0xC00  }
0x2a1: {  	s1 =	simm.s32 $0x18200;
	p0 =	sne.s32 s31, s6;
	[sflag:s28] =	ssyncset.done $0x0  }
.Ltmp1:
0x2a2: {  	s0 =	rddreg [dreg:$0x14];
	[sflag:s28] =	ssyncadd.s32 $0xFFFFF400;
	(pc) =	sbr.rel @p0 .LBB2_1-.Ltmp1, $4  }
0x2a3: {  	[hbm4b:s0+s3] =	stream.linear.scatter [tilespmem:s1], [sflag:$0x3], $0x3000, $0x38;
	[tilespmem:$0x1B200] =	vst v63  }
0x2a4: {  	_ =	swait.ge [sflag:s7], $0x3000  }
0x2a5: {  	[sflag:s7] =	ssyncset.done $0x0  }
0x2a6: {  	[sflag:s7] =	ssyncadd.s32 $0xFFFFD000  }
0x2a7: {  	_ =	sfence.sel $0x180000  }
0x2a8: {  	[bflag:$0x0] =	sbarrier.arrive $0xFFFF  }
0x2a9: {  	_ =	strace $0x90000047  }
0x2aa: {  	s0 =	stileid.u32;
	[bflag:$0x2] =	sbarrier.arrive $0xFFFF  }
0x2ab: {  	p0 =	sne.s32 s0, $0x0;
	s0 =	rddreg [dreg:$0x3]  }
0x2ac: {  	s0 =	sadd.s32 @!p0 $0x100000, s0  }
0x2ad: {  	[sflag:s0] =	ssyncadd.tile.s32 @!p0 $0x1;
	_ =	shalt  }
.Lfunc_end2:
_tile_overlayer_lowered:
.L_overlay_start_2:
0x2ae: {  	(tag) =	ssettag $0x2  }
0x2af: {  	s0 =	rddreg [dreg:$0x0];
	s2 =	stileid.u32  }
0x2b0: {  	s1 =	rddreg [dreg:$0x1];
	p0 =	sne.s32 s2, $0x0  }
0x2b1: {  	s3 =	rddreg [dreg:$0x2];
	[bflag:$0x3] =	sbarrier.arrive $0xFFFF;
	s2 =	simm.s32 @!p0 $0x1C03  }
0x2b2: {  	[timem:s3], [sflag:s2] =	dma.local @!p0 [hbm:s0], s1  }
0x2b3: {  	s0 =	simm.s32 @!p0 $0x3  }
0x2b4: {  	_ =	swait.ge @!p0 [sflag:s0], s1  }
0x2b5: {  	s1 =	ssub.s32 @!p0 $0x0, s1;
	[sflag:s0] =	ssyncset.done @!p0 $0x0  }
0x2b6: {  	[sflag:s0] =	ssyncadd.s32 @!p0 s1  }
0x2b7: {  	[bflag:$0x3] =	sbarrier.arrive $0xFFFF  }
0x2b8: {  	_ =	shalt  }

</sc_bundles>
